<compile_context>
chip_gen: v7x
topology: tpu7x:2x2x1
jax: 0.10.2.dev20260603
libtpu: 0.0.44.dev20260713+nightly
codegen_flags: <defaults>
</compile_context>

<pallas_src>
import functools

import jax
import jax.numpy as jnp
from jax import lax
from jax.experimental import pallas as pl
from jax.experimental.pallas import tpu as pltpu
from jax.experimental.pallas import tpu_sc as plsc

DIM = 128
ITERS = 4
NC = 2
NS = 16
CH = 128


def _mlp4_body(nblk, embs, W1, b1, W2, b2, out):
    j = pl.program_id(0)
    del nblk
    x = embs[0]
    h = jnp.maximum(jnp.dot(x, W1[0], preferred_element_type=jnp.float32) + b1[0], 0.0)
    out[...] = jnp.dot(h, W2[0], preferred_element_type=jnp.float32) + b2[0]


def _mlp4(embs, W1s, b1s, W2s, b2s, blk):
    n = embs.shape[1]
    nblk = n // blk
    return pl.pallas_call(
        functools.partial(_mlp4_body, nblk),
        grid=(4, nblk),
        in_specs=[
            pl.BlockSpec((1, blk, DIM), lambda j, i: (1 - j // 2, i, 0)),
            pl.BlockSpec((1, DIM, DIM), lambda j, i: (j, 0, 0)),
            pl.BlockSpec((1, 1, DIM), lambda j, i: (j, 0, 0)),
            pl.BlockSpec((1, DIM, DIM), lambda j, i: (j, 0, 0)),
            pl.BlockSpec((1, 1, DIM), lambda j, i: (j, 0, 0)),
        ],
        out_specs=pl.BlockSpec((blk, DIM), lambda j, i: (j * nblk + i, 0)),
        out_shape=jax.ShapeDtypeStruct((4 * n, DIM), jnp.float32),
    )(embs, W1s, b1s, W2s, b2s)


def _gru_body(ap, an, embs, WihT, WhhT, bih, bhh, out):
    x_p = ap[...]
    x_n = an[...]
    h = embs[0]
    gi = (jnp.dot(x_p, WihT[0, :DIM], preferred_element_type=jnp.float32)
          + jnp.dot(x_n, WihT[0, DIM:], preferred_element_type=jnp.float32)
          + bih[0])
    gh = jnp.dot(h, WhhT[0], preferred_element_type=jnp.float32) + bhh[0]
    r = jax.nn.sigmoid(gi[:, :DIM] + gh[:, :DIM])
    z = jax.nn.sigmoid(gi[:, DIM:2 * DIM] + gh[:, DIM:2 * DIM])
    nn = jnp.tanh(gi[:, 2 * DIM:] + r * gh[:, 2 * DIM:])
    out[0] = (1.0 - z) * nn + z * h


def _gru2(msgs, embs, WihT_s, WhhT_s, bih_s, bhh_s, blk):
    n = embs.shape[1]
    nblk = n // blk
    return pl.pallas_call(
        _gru_body,
        grid=(2, nblk),
        in_specs=[
            pl.BlockSpec((blk, DIM), lambda s, i: (2 * s * nblk + i, 0)),
            pl.BlockSpec((blk, DIM), lambda s, i: ((2 * s + 1) * nblk + i, 0)),
            pl.BlockSpec((1, blk, DIM), lambda s, i: (s, i, 0)),
            pl.BlockSpec((1, 2 * DIM, 3 * DIM), lambda s, i: (s, 0, 0)),
            pl.BlockSpec((1, DIM, 3 * DIM), lambda s, i: (s, 0, 0)),
            pl.BlockSpec((1, 1, 3 * DIM), lambda s, i: (s, 0, 0)),
            pl.BlockSpec((1, 1, 3 * DIM), lambda s, i: (s, 0, 0)),
        ],
        out_specs=pl.BlockSpec((1, blk, DIM), lambda s, i: (s, i, 0)),
        out_shape=jax.ShapeDtypeStruct((2, n, DIM), jnp.float32),
    )(msgs, msgs, embs, WihT_s, WhhT_s, bih_s, bhh_s)


def _make_sc_seg(n, ep):
    eptile = ep // NS
    nful, tail = divmod(eptile, CH)
    rows_per = (n // NS) // 8 * 8
    rem = n - NS * rows_per
    zb = rows_per // 3
    assert zb * 3 == rows_per and zb % 8 == 0 and rem % 8 == 0 and rem <= zb
    assert ep % NS == 0 and eptile % 8 == 0 and tail % 8 == 0
    mesh = plsc.VectorSubcoreMesh(core_axis_name="c", subcore_axis_name="s",
                                  num_cores=NC, num_subcores=NS)

    @functools.partial(
        pl.kernel,
        out_type=jax.ShapeDtypeStruct((4 * n, DIM), jnp.float32),
        mesh=mesh,
        scratch_types=[
            pltpu.VMEM_SHARED((n + 8, DIM), jnp.float32),
            pltpu.VMEM((CH,), jnp.int32),
            pltpu.VMEM((CH,), jnp.int32),
            pltpu.VMEM((CH, DIM), jnp.float32),
            pltpu.VMEM((max(tail, 8),), jnp.int32),
            pltpu.VMEM((max(tail, 8),), jnp.int32),
            pltpu.VMEM((max(tail, 8), DIM), jnp.float32),
            pltpu.VMEM((zb, DIM), jnp.float32),
            pltpu.SemaphoreType.DMA,
        ],
    )
    def sc_seg(tables, srcs, dsts, zrows, out, acc, sbuf, dbuf, rows,
               sbuf_t, dbuf_t, trows, zbuf, gsem):
        cid = lax.axis_index("c")
        sid = lax.axis_index("s")
        pltpu.sync_copy(zrows, zbuf)
        for step in range(2):
            j = cid * 2 + step
            for z in range(3):
                pltpu.sync_copy(zbuf, acc.at[pl.ds(sid * rows_per + z * zb, zb)])

            @pl.when(sid == NS - 1)
            def _():
                pltpu.sync_copy(zbuf.at[pl.ds(0, rem)],
                                acc.at[pl.ds(NS * rows_per, rem)])
            plsc.subcore_barrier()

            base = j * ep + sid * eptile

            def sc_body(k, carry):
                r = base + k * CH
                pltpu.sync_copy(srcs.at[pl.ds(r, CH)], sbuf)
                pltpu.sync_copy(dsts.at[pl.ds(r, CH)], dbuf)
                pltpu.async_copy(tables.at[sbuf], rows, gsem).wait()
                pltpu.sync_copy(rows, acc.at[dbuf], add=True)
                return carry

            lax.fori_loop(0, nful, sc_body, 0)
            if tail:
                r = base + nful * CH
                pltpu.sync_copy(srcs.at[pl.ds(r, tail)], sbuf_t)
                pltpu.sync_copy(dsts.at[pl.ds(r, tail)], dbuf_t)
                pltpu.async_copy(tables.at[sbuf_t], trows, gsem).wait()
                pltpu.sync_copy(trows, acc.at[dbuf_t], add=True)
            plsc.subcore_barrier()
            pltpu.sync_copy(acc.at[pl.ds(sid * rows_per, rows_per)],
                            out.at[pl.ds(j * n + sid * rows_per, rows_per)])

            @pl.when(sid == NS - 1)
            def _():
                pltpu.sync_copy(acc.at[pl.ds(NS * rows_per, rem)],
                                out.at[pl.ds(j * n + NS * rows_per, rem)])

    return sc_seg


def kernel(v_size, c_size, v_edge_index, c_edge_index, p_edge_index,
           n_edge_index, v_emb, c_emb, params):
    del v_size, c_size
    n = v_emb.shape[0]
    ep = p_edge_index.shape[0]
    blk = 2000 if n % 2000 == 0 else n // 5

    vp = jnp.take(v_edge_index, p_edge_index).astype(jnp.int32)
    vn = jnp.take(v_edge_index, n_edge_index).astype(jnp.int32)
    cp = jnp.take(c_edge_index, p_edge_index).astype(jnp.int32)
    cn = jnp.take(c_edge_index, n_edge_index).astype(jnp.int32)
    srcs = jnp.concatenate([vp, vn + n, cp + 2 * n, cn + 3 * n])
    dsts = jnp.concatenate([cp, cn, vp, vn])
    zrows = jnp.zeros(((n // NS) // 8 * 8 // 3, DIM), jnp.float32)

    W1s = jnp.stack([params[k][0] for k in
                     ('aggl_pos', 'aggl_neg', 'aggc_pos', 'aggc_neg')])
    b1s = jnp.stack([params[k][1] for k in
                     ('aggl_pos', 'aggl_neg', 'aggc_pos', 'aggc_neg')])[:, None, :]
    W2s = jnp.stack([params[k][2] for k in
                     ('aggl_pos', 'aggl_neg', 'aggc_pos', 'aggc_neg')])
    b2s = jnp.stack([params[k][3] for k in
                     ('aggl_pos', 'aggl_neg', 'aggc_pos', 'aggc_neg')])[:, None, :]
    WihT_s = jnp.stack([params['clause_upd'][0].T, params['variable_upd'][0].T])
    WhhT_s = jnp.stack([params['clause_upd'][1].T, params['variable_upd'][1].T])
    bih_s = jnp.stack([params['clause_upd'][2], params['variable_upd'][2]])[:, None, :]
    bhh_s = jnp.stack([params['clause_upd'][3], params['variable_upd'][3]])[:, None, :]

    sc_seg = _make_sc_seg(n, ep)

    embs = jnp.stack([c_emb, v_emb])
    v_list, c_list = [v_emb], [c_emb]
    for _ in range(ITERS):
        tables = _mlp4(embs, W1s, b1s, W2s, b2s, blk)
        msgs = sc_seg(tables, srcs, dsts, zrows)
        embs = _gru2(msgs, embs, WihT_s, WhhT_s, bih_s, bhh_s, blk)
        c_list.append(embs[0])
        v_list.append(embs[1])
    return (jnp.stack(v_list), jnp.stack(c_list))

# --- scband reference (transcript-rebuilt; emitter-appended) ---
"""Pipeline reference for scband-ms-esfg-63050119905938 (READ-ONLY COPY).

The authoritative reference and input builder live on the scoring server;
editing this copy changes nothing except your own understanding.
"""

import jax, jax.numpy as jnp
import numpy as np

DIM = 128
V = 10000
C = 10000
E = 320000
EP = 160000
ITERS = 4


def setup_inputs(seed: int = 0) -> dict:
    key = jax.random.key(seed)
    ks = jax.random.split(key, 16)
    s = 1.0 / np.sqrt(DIM)

    def mlp_params(k):
        k1, k2 = jax.random.split(k)
        return (jax.random.normal(k1, (DIM, DIM), dtype=jnp.float32) * s,
                jnp.zeros((DIM,), dtype=jnp.float32),
                jax.random.normal(k2, (DIM, DIM), dtype=jnp.float32) * s,
                jnp.zeros((DIM,), dtype=jnp.float32))

    def gru_params(k):
        k1, k2 = jax.random.split(k)
        return (jax.random.normal(k1, (3 * DIM, 2 * DIM), dtype=jnp.float32) * s,
                jax.random.normal(k2, (3 * DIM, DIM), dtype=jnp.float32) * s,
                jnp.zeros((3 * DIM,), dtype=jnp.float32),
                jnp.zeros((3 * DIM,), dtype=jnp.float32))

    params = {
        'aggl_pos': mlp_params(ks[0]),
        'aggl_neg': mlp_params(ks[1]),
        'aggc_pos': mlp_params(ks[2]),
        'aggc_neg': mlp_params(ks[3]),
        'clause_upd': gru_params(ks[4]),
        'variable_upd': gru_params(ks[5]),
    }
    return {
        'v_size': V,
        'c_size': C,
        'v_edge_index': jax.random.randint(ks[6], (E,), 0, V, dtype=jnp.int64) if jax.config.jax_enable_x64 else jax.random.randint(ks[6], (E,), 0, V).astype(jnp.int32),
        'c_edge_index': jax.random.randint(ks[7], (E,), 0, C).astype(jnp.int32),
        'p_edge_index': jax.random.randint(ks[8], (EP,), 0, E).astype(jnp.int32),
        'n_edge_index': jax.random.randint(ks[9], (EP,), 0, E).astype(jnp.int32),
        'v_emb': jax.random.normal(ks[10], (V, DIM), dtype=jnp.float32),
        'c_emb': jax.random.normal(ks[11], (C, DIM), dtype=jnp.float32),
        'params': params,
    }


def _mlp(x, p):
    W1, b1, W2, b2 = p
    return jax.nn.relu(x @ W1 + b1) @ W2 + b2


def _gru(x, h, p):
    Wih, Whh, bih, bhh = p
    gi = x @ Wih.T + bih
    gh = h @ Whh.T + bhh
    i_r, i_z, i_n = jnp.split(gi, 3, axis=1)
    h_r, h_z, h_n = jnp.split(gh, 3, axis=1)
    r = jax.nn.sigmoid(i_r + h_r)
    z = jax.nn.sigmoid(i_z + h_z)
    n = jnp.tanh(i_n + r * h_n)
    return (1.0 - z) * n + z * h


def reference(v_size, c_size, v_edge_index, c_edge_index, p_edge_index, n_edge_index, v_emb, c_emb, params):
    v_size_static = v_emb.shape[0]
    c_size_static = c_emb.shape[0]
    zero = (jnp.asarray(v_size) - jnp.asarray(v_size)
            + jnp.asarray(c_size) - jnp.asarray(c_size)).astype(v_edge_index.dtype)
    v_edge_index = v_edge_index + zero
    vp = v_edge_index[p_edge_index]
    vn = v_edge_index[n_edge_index]
    cp = c_edge_index[p_edge_index]
    cn = c_edge_index[n_edge_index]
    v_embs, c_embs = [v_emb], [c_emb]
    for _ in range(ITERS):
        v_msg_pos = _mlp(v_emb, params['aggl_pos'])[vp]
        v_msg_neg = _mlp(v_emb, params['aggl_neg'])[vn]
        v2c_pos = jax.ops.segment_sum(v_msg_pos, cp, num_segments=c_size_static)
        v2c_neg = jax.ops.segment_sum(v_msg_neg, cn, num_segments=c_size_static)
        v2c = jnp.concatenate([v2c_pos, v2c_neg], axis=1)
        c_msg_pos = _mlp(c_emb, params['aggc_pos'])[cp]
        c_msg_neg = _mlp(c_emb, params['aggc_neg'])[cn]
        c2v_pos = jax.ops.segment_sum(c_msg_pos, vp, num_segments=v_size_static)
        c2v_neg = jax.ops.segment_sum(c_msg_neg, vn, num_segments=v_size_static)
        c2v = jnp.concatenate([c2v_pos, c2v_neg], axis=1)
        c_emb = _gru(v2c, c_emb, params['clause_upd'])
        c_embs.append(c_emb)
        v_emb = _gru(c2v, v_emb, params['variable_upd'])
        v_embs.append(v_emb)
    return (jnp.stack(v_embs), jnp.stack(c_embs))

if __name__ == "__main__":
    import jax
    _d = setup_inputs()
    print(jax.jit(kernel)(*tuple(_d.values())))

</pallas_src>

<mosaic_0001>
#map = affine_map<(d0, d1) -> (0, 0)>
#map1 = affine_map<(d0, d1) -> (0)>
module attributes {stable_mosaic.version = 14 : i64} {
  func.func @sc_seg(%arg0: i32, %arg1: i32, %arg2: memref<40000x128xf32, #tpu.memory_space<hbm>>, %arg3: memref<640000xi32, #tpu.memory_space<hbm>>, %arg4: memref<640000xi32, #tpu.memory_space<hbm>>, %arg5: memref<208x128xf32, #tpu.memory_space<hbm>>, %arg6: memref<40000x128xf32, #tpu.memory_space<hbm>>, %arg7: memref<10008x128xf32, #tpu.memory_space<vmem_shared>>, %arg8: memref<128xi32, #tpu.memory_space<vmem>>, %arg9: memref<128xi32, #tpu.memory_space<vmem>>, %arg10: memref<128x128xf32, #tpu.memory_space<vmem>>, %arg11: memref<16xi32, #tpu.memory_space<vmem>>, %arg12: memref<16xi32, #tpu.memory_space<vmem>>, %arg13: memref<16x128xf32, #tpu.memory_space<vmem>>, %arg14: memref<208x128xf32, #tpu.memory_space<vmem>>, %arg15: memref<!tpu.dma_semaphore, #tpu.memory_space<semaphore_mem>>) attributes {dimension_semantics = [#tpu.dimension_semantics<core_parallel>, #tpu.dimension_semantics<subcore_parallel>], iteration_bounds = array<i64: 2, 16>, scalar_prefetch = 0 : i64, scratch_operands = 9 : i64, tpu.core_type = #tpu.core_type<sc_vector_subcore>, window_params = [{transform_indices = #map}, {transform_indices = #map1}, {transform_indices = #map1}, {transform_indices = #map}, {transform_indices = #map}]} {
    "tpu.region"() ({
      %run_scoped3A = tpu.sem_alloc : memref<!tpu.dma_semaphore, #tpu.memory_space<semaphore_mem>>
      tpu.enqueue_dma source(%arg5 : memref<208x128xf32, #tpu.memory_space<hbm>>) target(%arg14 : memref<208x128xf32, #tpu.memory_space<vmem>>) target_semaphore(%run_scoped3A : memref<!tpu.dma_semaphore, #tpu.memory_space<semaphore_mem>>)
      tpu.wait_dma2 semaphore(%run_scoped3A : memref<!tpu.dma_semaphore, #tpu.memory_space<semaphore_mem>>) src(%arg5 : memref<208x128xf32, #tpu.memory_space<hbm>>) dst(%arg14 : memref<208x128xf32, #tpu.memory_space<vmem>>)
      tpu.yield
    }) : () -> ()
    %mul3A = arith.constant 2 : i32
    %mul3A_0 = arith.muli %arg0, %mul3A : i32
    %add3A = arith.constant 0 : i32
    %add3A_1 = arith.addi %mul3A_0, %add3A : i32
    %mul3A_2 = arith.constant 624 : i32
    %mul3A_3 = arith.muli %arg1, %mul3A_2 : i32
    %add3A_4 = arith.constant 0 : i32
    %add3A_5 = arith.addi %mul3A_3, %add3A_4 : i32
    "tpu.region"() ({
      %run_scoped3A = tpu.sem_alloc : memref<!tpu.dma_semaphore, #tpu.memory_space<semaphore_mem>>
      %dma_start3A_99 = arith.constant 0 : i32
      %dma_start3A_100 = tpu.memref_slice %arg7[%add3A_5, %dma_start3A_99] : memref<10008x128xf32, #tpu.memory_space<vmem_shared>> -> memref<208x128xf32, #tpu.memory_space<vmem_shared>>
      %dma_start3A_101 = arith.constant 0 : i32
      %dma_start3A_102 = tpu.memref_slice %arg7[%add3A_5, %dma_start3A_101] : memref<10008x128xf32, #tpu.memory_space<vmem_shared>> -> memref<208x128xf32, #tpu.memory_space<vmem_shared>>
      tpu.enqueue_dma source(%arg14 : memref<208x128xf32, #tpu.memory_space<vmem>>) target(%dma_start3A_102 : memref<208x128xf32, #tpu.memory_space<vmem_shared>>) target_semaphore(%run_scoped3A : memref<!tpu.dma_semaphore, #tpu.memory_space<semaphore_mem>>)
      %dma_wait3A_103 = arith.constant 0 : i32
      %dma_wait3A_104 = tpu.memref_slice %arg7[%add3A_5, %dma_wait3A_103] : memref<10008x128xf32, #tpu.memory_space<vmem_shared>> -> memref<208x128xf32, #tpu.memory_space<vmem_shared>>
      %dma_wait3A_105 = arith.constant 0 : i32
      %dma_wait3A_106 = tpu.memref_slice %arg7[%add3A_5, %dma_wait3A_105] : memref<10008x128xf32, #tpu.memory_space<vmem_shared>> -> memref<208x128xf32, #tpu.memory_space<vmem_shared>>
      tpu.wait_dma2 semaphore(%run_scoped3A : memref<!tpu.dma_semaphore, #tpu.memory_space<semaphore_mem>>) src(%arg14 : memref<208x128xf32, #tpu.memory_space<vmem>>) dst(%dma_wait3A_106 : memref<208x128xf32, #tpu.memory_space<vmem_shared>>)
      tpu.yield
    }) : () -> ()
    %mul3A_6 = arith.constant 624 : i32
    %mul3A_7 = arith.muli %arg1, %mul3A_6 : i32
    %add3A_8 = arith.constant 208 : i32
    %add3A_9 = arith.addi %mul3A_7, %add3A_8 : i32
    "tpu.region"() ({
      %run_scoped3A = tpu.sem_alloc : memref<!tpu.dma_semaphore, #tpu.memory_space<semaphore_mem>>
      %dma_start3A_99 = arith.constant 0 : i32
      %dma_start3A_100 = tpu.memref_slice %arg7[%add3A_9, %dma_start3A_99] : memref<10008x128xf32, #tpu.memory_space<vmem_shared>> -> memref<208x128xf32, #tpu.memory_space<vmem_shared>>
      %dma_start3A_101 = arith.constant 0 : i32
      %dma_start3A_102 = tpu.memref_slice %arg7[%add3A_9, %dma_start3A_101] : memref<10008x128xf32, #tpu.memory_space<vmem_shared>> -> memref<208x128xf32, #tpu.memory_space<vmem_shared>>
      tpu.enqueue_dma source(%arg14 : memref<208x128xf32, #tpu.memory_space<vmem>>) target(%dma_start3A_102 : memref<208x128xf32, #tpu.memory_space<vmem_shared>>) target_semaphore(%run_scoped3A : memref<!tpu.dma_semaphore, #tpu.memory_space<semaphore_mem>>)
      %dma_wait3A_103 = arith.constant 0 : i32
      %dma_wait3A_104 = tpu.memref_slice %arg7[%add3A_9, %dma_wait3A_103] : memref<10008x128xf32, #tpu.memory_space<vmem_shared>> -> memref<208x128xf32, #tpu.memory_space<vmem_shared>>
      %dma_wait3A_105 = arith.constant 0 : i32
      %dma_wait3A_106 = tpu.memref_slice %arg7[%add3A_9, %dma_wait3A_105] : memref<10008x128xf32, #tpu.memory_space<vmem_shared>> -> memref<208x128xf32, #tpu.memory_space<vmem_shared>>
      tpu.wait_dma2 semaphore(%run_scoped3A : memref<!tpu.dma_semaphore, #tpu.memory_space<semaphore_mem>>) src(%arg14 : memref<208x128xf32, #tpu.memory_space<vmem>>) dst(%dma_wait3A_106 : memref<208x128xf32, #tpu.memory_space<vmem_shared>>)
      tpu.yield
    }) : () -> ()
    %mul3A_10 = arith.constant 624 : i32
    %mul3A_11 = arith.muli %arg1, %mul3A_10 : i32
    %add3A_12 = arith.constant 416 : i32
    %add3A_13 = arith.addi %mul3A_11, %add3A_12 : i32
    "tpu.region"() ({
      %run_scoped3A = tpu.sem_alloc : memref<!tpu.dma_semaphore, #tpu.memory_space<semaphore_mem>>
      %dma_start3A_99 = arith.constant 0 : i32
      %dma_start3A_100 = tpu.memref_slice %arg7[%add3A_13, %dma_start3A_99] : memref<10008x128xf32, #tpu.memory_space<vmem_shared>> -> memref<208x128xf32, #tpu.memory_space<vmem_shared>>
      %dma_start3A_101 = arith.constant 0 : i32
      %dma_start3A_102 = tpu.memref_slice %arg7[%add3A_13, %dma_start3A_101] : memref<10008x128xf32, #tpu.memory_space<vmem_shared>> -> memref<208x128xf32, #tpu.memory_space<vmem_shared>>
      tpu.enqueue_dma source(%arg14 : memref<208x128xf32, #tpu.memory_space<vmem>>) target(%dma_start3A_102 : memref<208x128xf32, #tpu.memory_space<vmem_shared>>) target_semaphore(%run_scoped3A : memref<!tpu.dma_semaphore, #tpu.memory_space<semaphore_mem>>)
      %dma_wait3A_103 = arith.constant 0 : i32
      %dma_wait3A_104 = tpu.memref_slice %arg7[%add3A_13, %dma_wait3A_103] : memref<10008x128xf32, #tpu.memory_space<vmem_shared>> -> memref<208x128xf32, #tpu.memory_space<vmem_shared>>
      %dma_wait3A_105 = arith.constant 0 : i32
      %dma_wait3A_106 = tpu.memref_slice %arg7[%add3A_13, %dma_wait3A_105] : memref<10008x128xf32, #tpu.memory_space<vmem_shared>> -> memref<208x128xf32, #tpu.memory_space<vmem_shared>>
      tpu.wait_dma2 semaphore(%run_scoped3A : memref<!tpu.dma_semaphore, #tpu.memory_space<semaphore_mem>>) src(%arg14 : memref<208x128xf32, #tpu.memory_space<vmem>>) dst(%dma_wait3A_106 : memref<208x128xf32, #tpu.memory_space<vmem_shared>>)
      tpu.yield
    }) : () -> ()
    %eq3A = arith.constant 15 : i32
    %eq3A_14 = arith.cmpi eq, %arg1, %eq3A : i32
    %convert_element_type3A = arith.extui %eq3A_14 : i1 to i32
    %cond3A = arith.constant 0 : i32
    %cond3A_15 = arith.cmpi ne, %convert_element_type3A, %cond3A : i32
    scf.if %cond3A_15 {
      "tpu.region"() ({
        %run_scoped3A = tpu.sem_alloc : memref<!tpu.dma_semaphore, #tpu.memory_space<semaphore_mem>>
        %dma_start3A_99 = arith.constant 0 : i32
        %dma_start3A_100 = arith.constant 0 : i32
        %dma_start3A_101 = tpu.memref_slice %arg14[%dma_start3A_99, %dma_start3A_100] : memref<208x128xf32, #tpu.memory_space<vmem>> -> memref<16x128xf32, #tpu.memory_space<vmem>>
        %dma_start3A_102 = arith.constant 9984 : i32
        %dma_start3A_103 = arith.constant 0 : i32
        %dma_start3A_104 = tpu.memref_slice %arg7[%dma_start3A_102, %dma_start3A_103] : memref<10008x128xf32, #tpu.memory_space<vmem_shared>> -> memref<16x128xf32, #tpu.memory_space<vmem_shared>>
        %dma_start3A_105 = arith.constant 9984 : i32
        %dma_start3A_106 = arith.constant 0 : i32
        %dma_start3A_107 = tpu.memref_slice %arg7[%dma_start3A_105, %dma_start3A_106] : memref<10008x128xf32, #tpu.memory_space<vmem_shared>> -> memref<16x128xf32, #tpu.memory_space<vmem_shared>>
        %dma_start3A_108 = arith.constant 0 : i32
        %dma_start3A_109 = arith.constant 0 : i32
        %dma_start3A_110 = tpu.memref_slice %arg14[%dma_start3A_108, %dma_start3A_109] : memref<208x128xf32, #tpu.memory_space<vmem>> -> memref<16x128xf32, #tpu.memory_space<vmem>>
        tpu.enqueue_dma source(%dma_start3A_110 : memref<16x128xf32, #tpu.memory_space<vmem>>) target(%dma_start3A_107 : memref<16x128xf32, #tpu.memory_space<vmem_shared>>) target_semaphore(%run_scoped3A : memref<!tpu.dma_semaphore, #tpu.memory_space<semaphore_mem>>)
        %dma_wait3A_111 = arith.constant 0 : i32
        %dma_wait3A_112 = arith.constant 0 : i32
        %dma_wait3A_113 = tpu.memref_slice %arg14[%dma_wait3A_111, %dma_wait3A_112] : memref<208x128xf32, #tpu.memory_space<vmem>> -> memref<16x128xf32, #tpu.memory_space<vmem>>
        %dma_wait3A_114 = arith.constant 9984 : i32
        %dma_wait3A_115 = arith.constant 0 : i32
        %dma_wait3A_116 = tpu.memref_slice %arg7[%dma_wait3A_114, %dma_wait3A_115] : memref<10008x128xf32, #tpu.memory_space<vmem_shared>> -> memref<16x128xf32, #tpu.memory_space<vmem_shared>>
        %dma_wait3A_117 = arith.constant 9984 : i32
        %dma_wait3A_118 = arith.constant 0 : i32
        %dma_wait3A_119 = tpu.memref_slice %arg7[%dma_wait3A_117, %dma_wait3A_118] : memref<10008x128xf32, #tpu.memory_space<vmem_shared>> -> memref<16x128xf32, #tpu.memory_space<vmem_shared>>
        %dma_wait3A_120 = arith.constant 0 : i32
        %dma_wait3A_121 = arith.constant 0 : i32
        %dma_wait3A_122 = tpu.memref_slice %arg14[%dma_wait3A_120, %dma_wait3A_121] : memref<208x128xf32, #tpu.memory_space<vmem>> -> memref<16x128xf32, #tpu.memory_space<vmem>>
        tpu.wait_dma2 semaphore(%run_scoped3A : memref<!tpu.dma_semaphore, #tpu.memory_space<semaphore_mem>>) src(%dma_wait3A_122 : memref<16x128xf32, #tpu.memory_space<vmem>>) dst(%dma_wait3A_119 : memref<16x128xf32, #tpu.memory_space<vmem_shared>>)
        tpu.yield
      }) : () -> ()
    } else {
    }
    %barrier3A = arith.constant 0 : index
    tpu.barrier barrier_id(%barrier3A)
    %mul3A_16 = arith.constant 160000 : i32
    %mul3A_17 = arith.muli %add3A_1, %mul3A_16 : i32
    %mul3A_18 = arith.constant 10000 : i32
    %mul3A_19 = arith.muli %arg1, %mul3A_18 : i32
    %add3A_20 = arith.addi %mul3A_17, %mul3A_19 : i32
    %scan3A = arith.constant 0 : i32
    %scan3A_21 = arith.constant 0 : i32
    %scan3A_22 = arith.constant 78 : i32
    %scan3A_23 = arith.addi %scan3A_21, %scan3A_22 : i32
    %scan3A_24 = arith.constant 1 : i32
    scf.for %scan3A_99 = %scan3A_21 to %scan3A_23 step %scan3A_24  : i32 {
      %mul3A_100 = arith.constant 128 : i32
      %mul3A_101 = arith.muli %scan3A_99, %mul3A_100 : i32
      %add3A_102 = arith.addi %add3A_20, %mul3A_101 : i32
      "tpu.region"() ({
        %run_scoped3A = tpu.sem_alloc : memref<!tpu.dma_semaphore, #tpu.memory_space<semaphore_mem>>
        %dma_start3A_109 = tpu.memref_slice %arg3[%add3A_102] : memref<640000xi32, #tpu.memory_space<hbm>> -> memref<128xi32, #tpu.memory_space<hbm>>
        %dma_start3A_110 = tpu.memref_slice %arg3[%add3A_102] : memref<640000xi32, #tpu.memory_space<hbm>> -> memref<128xi32, #tpu.memory_space<hbm>>
        tpu.enqueue_dma source(%dma_start3A_110 : memref<128xi32, #tpu.memory_space<hbm>>) target(%arg8 : memref<128xi32, #tpu.memory_space<vmem>>) target_semaphore(%run_scoped3A : memref<!tpu.dma_semaphore, #tpu.memory_space<semaphore_mem>>)
        %dma_wait3A_111 = tpu.memref_slice %arg3[%add3A_102] : memref<640000xi32, #tpu.memory_space<hbm>> -> memref<128xi32, #tpu.memory_space<hbm>>
        %dma_wait3A_112 = tpu.memref_slice %arg3[%add3A_102] : memref<640000xi32, #tpu.memory_space<hbm>> -> memref<128xi32, #tpu.memory_space<hbm>>
        tpu.wait_dma2 semaphore(%run_scoped3A : memref<!tpu.dma_semaphore, #tpu.memory_space<semaphore_mem>>) src(%dma_wait3A_112 : memref<128xi32, #tpu.memory_space<hbm>>) dst(%arg8 : memref<128xi32, #tpu.memory_space<vmem>>)
        tpu.yield
      }) : () -> ()
      "tpu.region"() ({
        %run_scoped3A = tpu.sem_alloc : memref<!tpu.dma_semaphore, #tpu.memory_space<semaphore_mem>>
        %dma_start3A_109 = tpu.memref_slice %arg4[%add3A_102] : memref<640000xi32, #tpu.memory_space<hbm>> -> memref<128xi32, #tpu.memory_space<hbm>>
        %dma_start3A_110 = tpu.memref_slice %arg4[%add3A_102] : memref<640000xi32, #tpu.memory_space<hbm>> -> memref<128xi32, #tpu.memory_space<hbm>>
        tpu.enqueue_dma source(%dma_start3A_110 : memref<128xi32, #tpu.memory_space<hbm>>) target(%arg9 : memref<128xi32, #tpu.memory_space<vmem>>) target_semaphore(%run_scoped3A : memref<!tpu.dma_semaphore, #tpu.memory_space<semaphore_mem>>)
        %dma_wait3A_111 = tpu.memref_slice %arg4[%add3A_102] : memref<640000xi32, #tpu.memory_space<hbm>> -> memref<128xi32, #tpu.memory_space<hbm>>
        %dma_wait3A_112 = tpu.memref_slice %arg4[%add3A_102] : memref<640000xi32, #tpu.memory_space<hbm>> -> memref<128xi32, #tpu.memory_space<hbm>>
        tpu.wait_dma2 semaphore(%run_scoped3A : memref<!tpu.dma_semaphore, #tpu.memory_space<semaphore_mem>>) src(%dma_wait3A_112 : memref<128xi32, #tpu.memory_space<hbm>>) dst(%arg9 : memref<128xi32, #tpu.memory_space<vmem>>)
        tpu.yield
      }) : () -> ()
      %dma_start3A_103 = arith.constant 0 : i32
      %dma_start3A_104 = arith.constant 0 : i32
      %dma_start3A_105 = tpu.memref_slice %arg2[%dma_start3A_103, %dma_start3A_104] : memref<40000x128xf32, #tpu.memory_space<hbm>> -> memref<40000x128xf32, #tpu.memory_space<hbm>>
      tpu.enqueue_indirect_dma source(%dma_start3A_105 : memref<40000x128xf32, #tpu.memory_space<hbm>>) target(%arg10 : memref<128x128xf32, #tpu.memory_space<vmem>>) offsets(%arg8 : memref<128xi32, #tpu.memory_space<vmem>>) semaphore(%arg15 : memref<!tpu.dma_semaphore, #tpu.memory_space<semaphore_mem>>)
      %dma_wait3A_106 = arith.constant 0 : i32
      %dma_wait3A_107 = arith.constant 0 : i32
      %dma_wait3A_108 = tpu.memref_slice %arg2[%dma_wait3A_106, %dma_wait3A_107] : memref<40000x128xf32, #tpu.memory_space<hbm>> -> memref<40000x128xf32, #tpu.memory_space<hbm>>
      tpu.wait_indirect_dma semaphore(%arg15 : memref<!tpu.dma_semaphore, #tpu.memory_space<semaphore_mem>>) src(%dma_wait3A_108 : memref<40000x128xf32, #tpu.memory_space<hbm>>) dst(%arg10 : memref<128x128xf32, #tpu.memory_space<vmem>>)
      "tpu.region"() ({
        %run_scoped3A = tpu.sem_alloc : memref<!tpu.dma_semaphore, #tpu.memory_space<semaphore_mem>>
        %dma_start3A_109 = arith.constant 0 : i32
        %dma_start3A_110 = arith.constant 0 : i32
        %dma_start3A_111 = tpu.memref_slice %arg7[%dma_start3A_109, %dma_start3A_110] : memref<10008x128xf32, #tpu.memory_space<vmem_shared>> -> memref<10008x128xf32, #tpu.memory_space<vmem_shared>>
        tpu.enqueue_indirect_dma source(%arg10 : memref<128x128xf32, #tpu.memory_space<vmem>>) target(%dma_start3A_111 : memref<10008x128xf32, #tpu.memory_space<vmem_shared>>) offsets(%arg9 : memref<128xi32, #tpu.memory_space<vmem>>) semaphore(%run_scoped3A : memref<!tpu.dma_semaphore, #tpu.memory_space<semaphore_mem>>) {add = true}
        %dma_wait3A_112 = arith.constant 0 : i32
        %dma_wait3A_113 = arith.constant 0 : i32
        %dma_wait3A_114 = tpu.memref_slice %arg7[%dma_wait3A_112, %dma_wait3A_113] : memref<10008x128xf32, #tpu.memory_space<vmem_shared>> -> memref<10008x128xf32, #tpu.memory_space<vmem_shared>>
        tpu.wait_indirect_dma semaphore(%run_scoped3A : memref<!tpu.dma_semaphore, #tpu.memory_space<semaphore_mem>>) src(%arg10 : memref<128x128xf32, #tpu.memory_space<vmem>>) dst(%dma_wait3A_114 : memref<10008x128xf32, #tpu.memory_space<vmem_shared>>)
        tpu.yield
      }) : () -> ()
    }
    %scan3A_25 = arith.constant 78 : i32
    %add3A_26 = arith.constant 9984 : i32
    %add3A_27 = arith.addi %add3A_20, %add3A_26 : i32
    "tpu.region"() ({
      %run_scoped3A = tpu.sem_alloc : memref<!tpu.dma_semaphore, #tpu.memory_space<semaphore_mem>>
      %dma_start3A_99 = tpu.memref_slice %arg3[%add3A_27] : memref<640000xi32, #tpu.memory_space<hbm>> -> memref<16xi32, #tpu.memory_space<hbm>>
      %dma_start3A_100 = tpu.memref_slice %arg3[%add3A_27] : memref<640000xi32, #tpu.memory_space<hbm>> -> memref<16xi32, #tpu.memory_space<hbm>>
      tpu.enqueue_dma source(%dma_start3A_100 : memref<16xi32, #tpu.memory_space<hbm>>) target(%arg11 : memref<16xi32, #tpu.memory_space<vmem>>) target_semaphore(%run_scoped3A : memref<!tpu.dma_semaphore, #tpu.memory_space<semaphore_mem>>)
      %dma_wait3A_101 = tpu.memref_slice %arg3[%add3A_27] : memref<640000xi32, #tpu.memory_space<hbm>> -> memref<16xi32, #tpu.memory_space<hbm>>
      %dma_wait3A_102 = tpu.memref_slice %arg3[%add3A_27] : memref<640000xi32, #tpu.memory_space<hbm>> -> memref<16xi32, #tpu.memory_space<hbm>>
      tpu.wait_dma2 semaphore(%run_scoped3A : memref<!tpu.dma_semaphore, #tpu.memory_space<semaphore_mem>>) src(%dma_wait3A_102 : memref<16xi32, #tpu.memory_space<hbm>>) dst(%arg11 : memref<16xi32, #tpu.memory_space<vmem>>)
      tpu.yield
    }) : () -> ()
    "tpu.region"() ({
      %run_scoped3A = tpu.sem_alloc : memref<!tpu.dma_semaphore, #tpu.memory_space<semaphore_mem>>
      %dma_start3A_99 = tpu.memref_slice %arg4[%add3A_27] : memref<640000xi32, #tpu.memory_space<hbm>> -> memref<16xi32, #tpu.memory_space<hbm>>
      %dma_start3A_100 = tpu.memref_slice %arg4[%add3A_27] : memref<640000xi32, #tpu.memory_space<hbm>> -> memref<16xi32, #tpu.memory_space<hbm>>
      tpu.enqueue_dma source(%dma_start3A_100 : memref<16xi32, #tpu.memory_space<hbm>>) target(%arg12 : memref<16xi32, #tpu.memory_space<vmem>>) target_semaphore(%run_scoped3A : memref<!tpu.dma_semaphore, #tpu.memory_space<semaphore_mem>>)
      %dma_wait3A_101 = tpu.memref_slice %arg4[%add3A_27] : memref<640000xi32, #tpu.memory_space<hbm>> -> memref<16xi32, #tpu.memory_space<hbm>>
      %dma_wait3A_102 = tpu.memref_slice %arg4[%add3A_27] : memref<640000xi32, #tpu.memory_space<hbm>> -> memref<16xi32, #tpu.memory_space<hbm>>
      tpu.wait_dma2 semaphore(%run_scoped3A : memref<!tpu.dma_semaphore, #tpu.memory_space<semaphore_mem>>) src(%dma_wait3A_102 : memref<16xi32, #tpu.memory_space<hbm>>) dst(%arg12 : memref<16xi32, #tpu.memory_space<vmem>>)
      tpu.yield
    }) : () -> ()
    %dma_start3A = arith.constant 0 : i32
    %dma_start3A_28 = arith.constant 0 : i32
    %dma_start3A_29 = tpu.memref_slice %arg2[%dma_start3A, %dma_start3A_28] : memref<40000x128xf32, #tpu.memory_space<hbm>> -> memref<40000x128xf32, #tpu.memory_space<hbm>>
    tpu.enqueue_indirect_dma source(%dma_start3A_29 : memref<40000x128xf32, #tpu.memory_space<hbm>>) target(%arg13 : memref<16x128xf32, #tpu.memory_space<vmem>>) offsets(%arg11 : memref<16xi32, #tpu.memory_space<vmem>>) semaphore(%arg15 : memref<!tpu.dma_semaphore, #tpu.memory_space<semaphore_mem>>)
    %dma_wait3A = arith.constant 0 : i32
    %dma_wait3A_30 = arith.constant 0 : i32
    %dma_wait3A_31 = tpu.memref_slice %arg2[%dma_wait3A, %dma_wait3A_30] : memref<40000x128xf32, #tpu.memory_space<hbm>> -> memref<40000x128xf32, #tpu.memory_space<hbm>>
    tpu.wait_indirect_dma semaphore(%arg15 : memref<!tpu.dma_semaphore, #tpu.memory_space<semaphore_mem>>) src(%dma_wait3A_31 : memref<40000x128xf32, #tpu.memory_space<hbm>>) dst(%arg13 : memref<16x128xf32, #tpu.memory_space<vmem>>)
    "tpu.region"() ({
      %run_scoped3A = tpu.sem_alloc : memref<!tpu.dma_semaphore, #tpu.memory_space<semaphore_mem>>
      %dma_start3A_99 = arith.constant 0 : i32
      %dma_start3A_100 = arith.constant 0 : i32
      %dma_start3A_101 = tpu.memref_slice %arg7[%dma_start3A_99, %dma_start3A_100] : memref<10008x128xf32, #tpu.memory_space<vmem_shared>> -> memref<10008x128xf32, #tpu.memory_space<vmem_shared>>
      tpu.enqueue_indirect_dma source(%arg13 : memref<16x128xf32, #tpu.memory_space<vmem>>) target(%dma_start3A_101 : memref<10008x128xf32, #tpu.memory_space<vmem_shared>>) offsets(%arg12 : memref<16xi32, #tpu.memory_space<vmem>>) semaphore(%run_scoped3A : memref<!tpu.dma_semaphore, #tpu.memory_space<semaphore_mem>>) {add = true}
      %dma_wait3A_102 = arith.constant 0 : i32
      %dma_wait3A_103 = arith.constant 0 : i32
      %dma_wait3A_104 = tpu.memref_slice %arg7[%dma_wait3A_102, %dma_wait3A_103] : memref<10008x128xf32, #tpu.memory_space<vmem_shared>> -> memref<10008x128xf32, #tpu.memory_space<vmem_shared>>
      tpu.wait_indirect_dma semaphore(%run_scoped3A : memref<!tpu.dma_semaphore, #tpu.memory_space<semaphore_mem>>) src(%arg13 : memref<16x128xf32, #tpu.memory_space<vmem>>) dst(%dma_wait3A_104 : memref<10008x128xf32, #tpu.memory_space<vmem_shared>>)
      tpu.yield
    }) : () -> ()
    %barrier3A_32 = arith.constant 0 : index
    tpu.barrier barrier_id(%barrier3A_32)
    %mul3A_33 = arith.constant 624 : i32
    %mul3A_34 = arith.muli %arg1, %mul3A_33 : i32
    %mul3A_35 = arith.constant 10000 : i32
    %mul3A_36 = arith.muli %add3A_1, %mul3A_35 : i32
    %mul3A_37 = arith.constant 624 : i32
    %mul3A_38 = arith.muli %arg1, %mul3A_37 : i32
    %add3A_39 = arith.addi %mul3A_36, %mul3A_38 : i32
    "tpu.region"() ({
      %run_scoped3A = tpu.sem_alloc : memref<!tpu.dma_semaphore, #tpu.memory_space<semaphore_mem>>
      %dma_start3A_99 = arith.constant 0 : i32
      %dma_start3A_100 = tpu.memref_slice %arg6[%add3A_39, %dma_start3A_99] : memref<40000x128xf32, #tpu.memory_space<hbm>> -> memref<624x128xf32, #tpu.memory_space<hbm>>
      %dma_start3A_101 = arith.constant 0 : i32
      %dma_start3A_102 = tpu.memref_slice %arg7[%mul3A_34, %dma_start3A_101] : memref<10008x128xf32, #tpu.memory_space<vmem_shared>> -> memref<624x128xf32, #tpu.memory_space<vmem_shared>>
      tpu.enqueue_dma source(%dma_start3A_102 : memref<624x128xf32, #tpu.memory_space<vmem_shared>>) target(%dma_start3A_100 : memref<624x128xf32, #tpu.memory_space<hbm>>) target_semaphore(%run_scoped3A : memref<!tpu.dma_semaphore, #tpu.memory_space<semaphore_mem>>)
      %dma_wait3A_103 = arith.constant 0 : i32
      %dma_wait3A_104 = tpu.memref_slice %arg6[%add3A_39, %dma_wait3A_103] : memref<40000x128xf32, #tpu.memory_space<hbm>> -> memref<624x128xf32, #tpu.memory_space<hbm>>
      %dma_wait3A_105 = arith.constant 0 : i32
      %dma_wait3A_106 = tpu.memref_slice %arg7[%mul3A_34, %dma_wait3A_105] : memref<10008x128xf32, #tpu.memory_space<vmem_shared>> -> memref<624x128xf32, #tpu.memory_space<vmem_shared>>
      tpu.wait_dma2 semaphore(%run_scoped3A : memref<!tpu.dma_semaphore, #tpu.memory_space<semaphore_mem>>) src(%dma_wait3A_106 : memref<624x128xf32, #tpu.memory_space<vmem_shared>>) dst(%dma_wait3A_104 : memref<624x128xf32, #tpu.memory_space<hbm>>)
      tpu.yield
    }) : () -> ()
    %eq3A_40 = arith.constant 15 : i32
    %eq3A_41 = arith.cmpi eq, %arg1, %eq3A_40 : i32
    %convert_element_type3A_42 = arith.extui %eq3A_41 : i1 to i32
    %cond3A_43 = arith.constant 0 : i32
    %cond3A_44 = arith.cmpi ne, %convert_element_type3A_42, %cond3A_43 : i32
    scf.if %cond3A_44 {
      %mul3A_99 = arith.constant 10000 : i32
      %mul3A_100 = arith.muli %add3A_1, %mul3A_99 : i32
      %add3A_101 = arith.constant 9984 : i32
      %add3A_102 = arith.addi %mul3A_100, %add3A_101 : i32
      "tpu.region"() ({
        %run_scoped3A = tpu.sem_alloc : memref<!tpu.dma_semaphore, #tpu.memory_space<semaphore_mem>>
        %dma_start3A_103 = arith.constant 0 : i32
        %dma_start3A_104 = tpu.memref_slice %arg6[%add3A_102, %dma_start3A_103] : memref<40000x128xf32, #tpu.memory_space<hbm>> -> memref<16x128xf32, #tpu.memory_space<hbm>>
        %dma_start3A_105 = arith.constant 9984 : i32
        %dma_start3A_106 = arith.constant 0 : i32
        %dma_start3A_107 = tpu.memref_slice %arg7[%dma_start3A_105, %dma_start3A_106] : memref<10008x128xf32, #tpu.memory_space<vmem_shared>> -> memref<16x128xf32, #tpu.memory_space<vmem_shared>>
        tpu.enqueue_dma source(%dma_start3A_107 : memref<16x128xf32, #tpu.memory_space<vmem_shared>>) target(%dma_start3A_104 : memref<16x128xf32, #tpu.memory_space<hbm>>) target_semaphore(%run_scoped3A : memref<!tpu.dma_semaphore, #tpu.memory_space<semaphore_mem>>)
        %dma_wait3A_108 = arith.constant 0 : i32
        %dma_wait3A_109 = tpu.memref_slice %arg6[%add3A_102, %dma_wait3A_108] : memref<40000x128xf32, #tpu.memory_space<hbm>> -> memref<16x128xf32, #tpu.memory_space<hbm>>
        %dma_wait3A_110 = arith.constant 9984 : i32
        %dma_wait3A_111 = arith.constant 0 : i32
        %dma_wait3A_112 = tpu.memref_slice %arg7[%dma_wait3A_110, %dma_wait3A_111] : memref<10008x128xf32, #tpu.memory_space<vmem_shared>> -> memref<16x128xf32, #tpu.memory_space<vmem_shared>>
        tpu.wait_dma2 semaphore(%run_scoped3A : memref<!tpu.dma_semaphore, #tpu.memory_space<semaphore_mem>>) src(%dma_wait3A_112 : memref<16x128xf32, #tpu.memory_space<vmem_shared>>) dst(%dma_wait3A_109 : memref<16x128xf32, #tpu.memory_space<hbm>>)
        tpu.yield
      }) : () -> ()
    } else {
    }
    %mul3A_45 = arith.constant 2 : i32
    %mul3A_46 = arith.muli %arg0, %mul3A_45 : i32
    %add3A_47 = arith.constant 1 : i32
    %add3A_48 = arith.addi %mul3A_46, %add3A_47 : i32
    %mul3A_49 = arith.constant 624 : i32
    %mul3A_50 = arith.muli %arg1, %mul3A_49 : i32
    %add3A_51 = arith.constant 0 : i32
    %add3A_52 = arith.addi %mul3A_50, %add3A_51 : i32
    "tpu.region"() ({
      %run_scoped3A = tpu.sem_alloc : memref<!tpu.dma_semaphore, #tpu.memory_space<semaphore_mem>>
      %dma_start3A_99 = arith.constant 0 : i32
      %dma_start3A_100 = tpu.memref_slice %arg7[%add3A_52, %dma_start3A_99] : memref<10008x128xf32, #tpu.memory_space<vmem_shared>> -> memref<208x128xf32, #tpu.memory_space<vmem_shared>>
      %dma_start3A_101 = arith.constant 0 : i32
      %dma_start3A_102 = tpu.memref_slice %arg7[%add3A_52, %dma_start3A_101] : memref<10008x128xf32, #tpu.memory_space<vmem_shared>> -> memref<208x128xf32, #tpu.memory_space<vmem_shared>>
      tpu.enqueue_dma source(%arg14 : memref<208x128xf32, #tpu.memory_space<vmem>>) target(%dma_start3A_102 : memref<208x128xf32, #tpu.memory_space<vmem_shared>>) target_semaphore(%run_scoped3A : memref<!tpu.dma_semaphore, #tpu.memory_space<semaphore_mem>>)
      %dma_wait3A_103 = arith.constant 0 : i32
      %dma_wait3A_104 = tpu.memref_slice %arg7[%add3A_52, %dma_wait3A_103] : memref<10008x128xf32, #tpu.memory_space<vmem_shared>> -> memref<208x128xf32, #tpu.memory_space<vmem_shared>>
      %dma_wait3A_105 = arith.constant 0 : i32
      %dma_wait3A_106 = tpu.memref_slice %arg7[%add3A_52, %dma_wait3A_105] : memref<10008x128xf32, #tpu.memory_space<vmem_shared>> -> memref<208x128xf32, #tpu.memory_space<vmem_shared>>
      tpu.wait_dma2 semaphore(%run_scoped3A : memref<!tpu.dma_semaphore, #tpu.memory_space<semaphore_mem>>) src(%arg14 : memref<208x128xf32, #tpu.memory_space<vmem>>) dst(%dma_wait3A_106 : memref<208x128xf32, #tpu.memory_space<vmem_shared>>)
      tpu.yield
    }) : () -> ()
    %mul3A_53 = arith.constant 624 : i32
    %mul3A_54 = arith.muli %arg1, %mul3A_53 : i32
    %add3A_55 = arith.constant 208 : i32
    %add3A_56 = arith.addi %mul3A_54, %add3A_55 : i32
    "tpu.region"() ({
      %run_scoped3A = tpu.sem_alloc : memref<!tpu.dma_semaphore, #tpu.memory_space<semaphore_mem>>
      %dma_start3A_99 = arith.constant 0 : i32
      %dma_start3A_100 = tpu.memref_slice %arg7[%add3A_56, %dma_start3A_99] : memref<10008x128xf32, #tpu.memory_space<vmem_shared>> -> memref<208x128xf32, #tpu.memory_space<vmem_shared>>
      %dma_start3A_101 = arith.constant 0 : i32
      %dma_start3A_102 = tpu.memref_slice %arg7[%add3A_56, %dma_start3A_101] : memref<10008x128xf32, #tpu.memory_space<vmem_shared>> -> memref<208x128xf32, #tpu.memory_space<vmem_shared>>
      tpu.enqueue_dma source(%arg14 : memref<208x128xf32, #tpu.memory_space<vmem>>) target(%dma_start3A_102 : memref<208x128xf32, #tpu.memory_space<vmem_shared>>) target_semaphore(%run_scoped3A : memref<!tpu.dma_semaphore, #tpu.memory_space<semaphore_mem>>)
      %dma_wait3A_103 = arith.constant 0 : i32
      %dma_wait3A_104 = tpu.memref_slice %arg7[%add3A_56, %dma_wait3A_103] : memref<10008x128xf32, #tpu.memory_space<vmem_shared>> -> memref<208x128xf32, #tpu.memory_space<vmem_shared>>
      %dma_wait3A_105 = arith.constant 0 : i32
      %dma_wait3A_106 = tpu.memref_slice %arg7[%add3A_56, %dma_wait3A_105] : memref<10008x128xf32, #tpu.memory_space<vmem_shared>> -> memref<208x128xf32, #tpu.memory_space<vmem_shared>>
      tpu.wait_dma2 semaphore(%run_scoped3A : memref<!tpu.dma_semaphore, #tpu.memory_space<semaphore_mem>>) src(%arg14 : memref<208x128xf32, #tpu.memory_space<vmem>>) dst(%dma_wait3A_106 : memref<208x128xf32, #tpu.memory_space<vmem_shared>>)
      tpu.yield
    }) : () -> ()
    %mul3A_57 = arith.constant 624 : i32
    %mul3A_58 = arith.muli %arg1, %mul3A_57 : i32
    %add3A_59 = arith.constant 416 : i32
    %add3A_60 = arith.addi %mul3A_58, %add3A_59 : i32
    "tpu.region"() ({
      %run_scoped3A = tpu.sem_alloc : memref<!tpu.dma_semaphore, #tpu.memory_space<semaphore_mem>>
      %dma_start3A_99 = arith.constant 0 : i32
      %dma_start3A_100 = tpu.memref_slice %arg7[%add3A_60, %dma_start3A_99] : memref<10008x128xf32, #tpu.memory_space<vmem_shared>> -> memref<208x128xf32, #tpu.memory_space<vmem_shared>>
      %dma_start3A_101 = arith.constant 0 : i32
      %dma_start3A_102 = tpu.memref_slice %arg7[%add3A_60, %dma_start3A_101] : memref<10008x128xf32, #tpu.memory_space<vmem_shared>> -> memref<208x128xf32, #tpu.memory_space<vmem_shared>>
      tpu.enqueue_dma source(%arg14 : memref<208x128xf32, #tpu.memory_space<vmem>>) target(%dma_start3A_102 : memref<208x128xf32, #tpu.memory_space<vmem_shared>>) target_semaphore(%run_scoped3A : memref<!tpu.dma_semaphore, #tpu.memory_space<semaphore_mem>>)
      %dma_wait3A_103 = arith.constant 0 : i32
      %dma_wait3A_104 = tpu.memref_slice %arg7[%add3A_60, %dma_wait3A_103] : memref<10008x128xf32, #tpu.memory_space<vmem_shared>> -> memref<208x128xf32, #tpu.memory_space<vmem_shared>>
      %dma_wait3A_105 = arith.constant 0 : i32
      %dma_wait3A_106 = tpu.memref_slice %arg7[%add3A_60, %dma_wait3A_105] : memref<10008x128xf32, #tpu.memory_space<vmem_shared>> -> memref<208x128xf32, #tpu.memory_space<vmem_shared>>
      tpu.wait_dma2 semaphore(%run_scoped3A : memref<!tpu.dma_semaphore, #tpu.memory_space<semaphore_mem>>) src(%arg14 : memref<208x128xf32, #tpu.memory_space<vmem>>) dst(%dma_wait3A_106 : memref<208x128xf32, #tpu.memory_space<vmem_shared>>)
      tpu.yield
    }) : () -> ()
    %eq3A_61 = arith.constant 15 : i32
    %eq3A_62 = arith.cmpi eq, %arg1, %eq3A_61 : i32
    %convert_element_type3A_63 = arith.extui %eq3A_62 : i1 to i32
    %cond3A_64 = arith.constant 0 : i32
    %cond3A_65 = arith.cmpi ne, %convert_element_type3A_63, %cond3A_64 : i32
    scf.if %cond3A_65 {
      "tpu.region"() ({
        %run_scoped3A = tpu.sem_alloc : memref<!tpu.dma_semaphore, #tpu.memory_space<semaphore_mem>>
        %dma_start3A_99 = arith.constant 0 : i32
        %dma_start3A_100 = arith.constant 0 : i32
        %dma_start3A_101 = tpu.memref_slice %arg14[%dma_start3A_99, %dma_start3A_100] : memref<208x128xf32, #tpu.memory_space<vmem>> -> memref<16x128xf32, #tpu.memory_space<vmem>>
        %dma_start3A_102 = arith.constant 9984 : i32
        %dma_start3A_103 = arith.constant 0 : i32
        %dma_start3A_104 = tpu.memref_slice %arg7[%dma_start3A_102, %dma_start3A_103] : memref<10008x128xf32, #tpu.memory_space<vmem_shared>> -> memref<16x128xf32, #tpu.memory_space<vmem_shared>>
        %dma_start3A_105 = arith.constant 9984 : i32
        %dma_start3A_106 = arith.constant 0 : i32
        %dma_start3A_107 = tpu.memref_slice %arg7[%dma_start3A_105, %dma_start3A_106] : memref<10008x128xf32, #tpu.memory_space<vmem_shared>> -> memref<16x128xf32, #tpu.memory_space<vmem_shared>>
        %dma_start3A_108 = arith.constant 0 : i32
        %dma_start3A_109 = arith.constant 0 : i32
        %dma_start3A_110 = tpu.memref_slice %arg14[%dma_start3A_108, %dma_start3A_109] : memref<208x128xf32, #tpu.memory_space<vmem>> -> memref<16x128xf32, #tpu.memory_space<vmem>>
        tpu.enqueue_dma source(%dma_start3A_110 : memref<16x128xf32, #tpu.memory_space<vmem>>) target(%dma_start3A_107 : memref<16x128xf32, #tpu.memory_space<vmem_shared>>) target_semaphore(%run_scoped3A : memref<!tpu.dma_semaphore, #tpu.memory_space<semaphore_mem>>)
        %dma_wait3A_111 = arith.constant 0 : i32
        %dma_wait3A_112 = arith.constant 0 : i32
        %dma_wait3A_113 = tpu.memref_slice %arg14[%dma_wait3A_111, %dma_wait3A_112] : memref<208x128xf32, #tpu.memory_space<vmem>> -> memref<16x128xf32, #tpu.memory_space<vmem>>
        %dma_wait3A_114 = arith.constant 9984 : i32
        %dma_wait3A_115 = arith.constant 0 : i32
        %dma_wait3A_116 = tpu.memref_slice %arg7[%dma_wait3A_114, %dma_wait3A_115] : memref<10008x128xf32, #tpu.memory_space<vmem_shared>> -> memref<16x128xf32, #tpu.memory_space<vmem_shared>>
        %dma_wait3A_117 = arith.constant 9984 : i32
        %dma_wait3A_118 = arith.constant 0 : i32
        %dma_wait3A_119 = tpu.memref_slice %arg7[%dma_wait3A_117, %dma_wait3A_118] : memref<10008x128xf32, #tpu.memory_space<vmem_shared>> -> memref<16x128xf32, #tpu.memory_space<vmem_shared>>
        %dma_wait3A_120 = arith.constant 0 : i32
        %dma_wait3A_121 = arith.constant 0 : i32
        %dma_wait3A_122 = tpu.memref_slice %arg14[%dma_wait3A_120, %dma_wait3A_121] : memref<208x128xf32, #tpu.memory_space<vmem>> -> memref<16x128xf32, #tpu.memory_space<vmem>>
        tpu.wait_dma2 semaphore(%run_scoped3A : memref<!tpu.dma_semaphore, #tpu.memory_space<semaphore_mem>>) src(%dma_wait3A_122 : memref<16x128xf32, #tpu.memory_space<vmem>>) dst(%dma_wait3A_119 : memref<16x128xf32, #tpu.memory_space<vmem_shared>>)
        tpu.yield
      }) : () -> ()
    } else {
    }
    %barrier3A_66 = arith.constant 0 : index
    tpu.barrier barrier_id(%barrier3A_66)
    %mul3A_67 = arith.constant 160000 : i32
    %mul3A_68 = arith.muli %add3A_48, %mul3A_67 : i32
    %mul3A_69 = arith.constant 10000 : i32
    %mul3A_70 = arith.muli %arg1, %mul3A_69 : i32
    %add3A_71 = arith.addi %mul3A_68, %mul3A_70 : i32
    %scan3A_72 = arith.constant 0 : i32
    %scan3A_73 = arith.constant 0 : i32
    %scan3A_74 = arith.constant 78 : i32
    %scan3A_75 = arith.addi %scan3A_73, %scan3A_74 : i32
    %scan3A_76 = arith.constant 1 : i32
    scf.for %scan3A_99 = %scan3A_73 to %scan3A_75 step %scan3A_76  : i32 {
      %mul3A_100 = arith.constant 128 : i32
      %mul3A_101 = arith.muli %scan3A_99, %mul3A_100 : i32
      %add3A_102 = arith.addi %add3A_71, %mul3A_101 : i32
      "tpu.region"() ({
        %run_scoped3A = tpu.sem_alloc : memref<!tpu.dma_semaphore, #tpu.memory_space<semaphore_mem>>
        %dma_start3A_109 = tpu.memref_slice %arg3[%add3A_102] : memref<640000xi32, #tpu.memory_space<hbm>> -> memref<128xi32, #tpu.memory_space<hbm>>
        %dma_start3A_110 = tpu.memref_slice %arg3[%add3A_102] : memref<640000xi32, #tpu.memory_space<hbm>> -> memref<128xi32, #tpu.memory_space<hbm>>
        tpu.enqueue_dma source(%dma_start3A_110 : memref<128xi32, #tpu.memory_space<hbm>>) target(%arg8 : memref<128xi32, #tpu.memory_space<vmem>>) target_semaphore(%run_scoped3A : memref<!tpu.dma_semaphore, #tpu.memory_space<semaphore_mem>>)
        %dma_wait3A_111 = tpu.memref_slice %arg3[%add3A_102] : memref<640000xi32, #tpu.memory_space<hbm>> -> memref<128xi32, #tpu.memory_space<hbm>>
        %dma_wait3A_112 = tpu.memref_slice %arg3[%add3A_102] : memref<640000xi32, #tpu.memory_space<hbm>> -> memref<128xi32, #tpu.memory_space<hbm>>
        tpu.wait_dma2 semaphore(%run_scoped3A : memref<!tpu.dma_semaphore, #tpu.memory_space<semaphore_mem>>) src(%dma_wait3A_112 : memref<128xi32, #tpu.memory_space<hbm>>) dst(%arg8 : memref<128xi32, #tpu.memory_space<vmem>>)
        tpu.yield
      }) : () -> ()
      "tpu.region"() ({
        %run_scoped3A = tpu.sem_alloc : memref<!tpu.dma_semaphore, #tpu.memory_space<semaphore_mem>>
        %dma_start3A_109 = tpu.memref_slice %arg4[%add3A_102] : memref<640000xi32, #tpu.memory_space<hbm>> -> memref<128xi32, #tpu.memory_space<hbm>>
        %dma_start3A_110 = tpu.memref_slice %arg4[%add3A_102] : memref<640000xi32, #tpu.memory_space<hbm>> -> memref<128xi32, #tpu.memory_space<hbm>>
        tpu.enqueue_dma source(%dma_start3A_110 : memref<128xi32, #tpu.memory_space<hbm>>) target(%arg9 : memref<128xi32, #tpu.memory_space<vmem>>) target_semaphore(%run_scoped3A : memref<!tpu.dma_semaphore, #tpu.memory_space<semaphore_mem>>)
        %dma_wait3A_111 = tpu.memref_slice %arg4[%add3A_102] : memref<640000xi32, #tpu.memory_space<hbm>> -> memref<128xi32, #tpu.memory_space<hbm>>
        %dma_wait3A_112 = tpu.memref_slice %arg4[%add3A_102] : memref<640000xi32, #tpu.memory_space<hbm>> -> memref<128xi32, #tpu.memory_space<hbm>>
        tpu.wait_dma2 semaphore(%run_scoped3A : memref<!tpu.dma_semaphore, #tpu.memory_space<semaphore_mem>>) src(%dma_wait3A_112 : memref<128xi32, #tpu.memory_space<hbm>>) dst(%arg9 : memref<128xi32, #tpu.memory_space<vmem>>)
        tpu.yield
      }) : () -> ()
      %dma_start3A_103 = arith.constant 0 : i32
      %dma_start3A_104 = arith.constant 0 : i32
      %dma_start3A_105 = tpu.memref_slice %arg2[%dma_start3A_103, %dma_start3A_104] : memref<40000x128xf32, #tpu.memory_space<hbm>> -> memref<40000x128xf32, #tpu.memory_space<hbm>>
      tpu.enqueue_indirect_dma source(%dma_start3A_105 : memref<40000x128xf32, #tpu.memory_space<hbm>>) target(%arg10 : memref<128x128xf32, #tpu.memory_space<vmem>>) offsets(%arg8 : memref<128xi32, #tpu.memory_space<vmem>>) semaphore(%arg15 : memref<!tpu.dma_semaphore, #tpu.memory_space<semaphore_mem>>)
      %dma_wait3A_106 = arith.constant 0 : i32
      %dma_wait3A_107 = arith.constant 0 : i32
      %dma_wait3A_108 = tpu.memref_slice %arg2[%dma_wait3A_106, %dma_wait3A_107] : memref<40000x128xf32, #tpu.memory_space<hbm>> -> memref<40000x128xf32, #tpu.memory_space<hbm>>
      tpu.wait_indirect_dma semaphore(%arg15 : memref<!tpu.dma_semaphore, #tpu.memory_space<semaphore_mem>>) src(%dma_wait3A_108 : memref<40000x128xf32, #tpu.memory_space<hbm>>) dst(%arg10 : memref<128x128xf32, #tpu.memory_space<vmem>>)
      "tpu.region"() ({
        %run_scoped3A = tpu.sem_alloc : memref<!tpu.dma_semaphore, #tpu.memory_space<semaphore_mem>>
        %dma_start3A_109 = arith.constant 0 : i32
        %dma_start3A_110 = arith.constant 0 : i32
        %dma_start3A_111 = tpu.memref_slice %arg7[%dma_start3A_109, %dma_start3A_110] : memref<10008x128xf32, #tpu.memory_space<vmem_shared>> -> memref<10008x128xf32, #tpu.memory_space<vmem_shared>>
        tpu.enqueue_indirect_dma source(%arg10 : memref<128x128xf32, #tpu.memory_space<vmem>>) target(%dma_start3A_111 : memref<10008x128xf32, #tpu.memory_space<vmem_shared>>) offsets(%arg9 : memref<128xi32, #tpu.memory_space<vmem>>) semaphore(%run_scoped3A : memref<!tpu.dma_semaphore, #tpu.memory_space<semaphore_mem>>) {add = true}
        %dma_wait3A_112 = arith.constant 0 : i32
        %dma_wait3A_113 = arith.constant 0 : i32
        %dma_wait3A_114 = tpu.memref_slice %arg7[%dma_wait3A_112, %dma_wait3A_113] : memref<10008x128xf32, #tpu.memory_space<vmem_shared>> -> memref<10008x128xf32, #tpu.memory_space<vmem_shared>>
        tpu.wait_indirect_dma semaphore(%run_scoped3A : memref<!tpu.dma_semaphore, #tpu.memory_space<semaphore_mem>>) src(%arg10 : memref<128x128xf32, #tpu.memory_space<vmem>>) dst(%dma_wait3A_114 : memref<10008x128xf32, #tpu.memory_space<vmem_shared>>)
        tpu.yield
      }) : () -> ()
    }
    %scan3A_77 = arith.constant 78 : i32
    %add3A_78 = arith.constant 9984 : i32
    %add3A_79 = arith.addi %add3A_71, %add3A_78 : i32
    "tpu.region"() ({
      %run_scoped3A = tpu.sem_alloc : memref<!tpu.dma_semaphore, #tpu.memory_space<semaphore_mem>>
      %dma_start3A_99 = tpu.memref_slice %arg3[%add3A_79] : memref<640000xi32, #tpu.memory_space<hbm>> -> memref<16xi32, #tpu.memory_space<hbm>>
      %dma_start3A_100 = tpu.memref_slice %arg3[%add3A_79] : memref<640000xi32, #tpu.memory_space<hbm>> -> memref<16xi32, #tpu.memory_space<hbm>>
      tpu.enqueue_dma source(%dma_start3A_100 : memref<16xi32, #tpu.memory_space<hbm>>) target(%arg11 : memref<16xi32, #tpu.memory_space<vmem>>) target_semaphore(%run_scoped3A : memref<!tpu.dma_semaphore, #tpu.memory_space<semaphore_mem>>)
      %dma_wait3A_101 = tpu.memref_slice %arg3[%add3A_79] : memref<640000xi32, #tpu.memory_space<hbm>> -> memref<16xi32, #tpu.memory_space<hbm>>
      %dma_wait3A_102 = tpu.memref_slice %arg3[%add3A_79] : memref<640000xi32, #tpu.memory_space<hbm>> -> memref<16xi32, #tpu.memory_space<hbm>>
      tpu.wait_dma2 semaphore(%run_scoped3A : memref<!tpu.dma_semaphore, #tpu.memory_space<semaphore_mem>>) src(%dma_wait3A_102 : memref<16xi32, #tpu.memory_space<hbm>>) dst(%arg11 : memref<16xi32, #tpu.memory_space<vmem>>)
      tpu.yield
    }) : () -> ()
    "tpu.region"() ({
      %run_scoped3A = tpu.sem_alloc : memref<!tpu.dma_semaphore, #tpu.memory_space<semaphore_mem>>
      %dma_start3A_99 = tpu.memref_slice %arg4[%add3A_79] : memref<640000xi32, #tpu.memory_space<hbm>> -> memref<16xi32, #tpu.memory_space<hbm>>
      %dma_start3A_100 = tpu.memref_slice %arg4[%add3A_79] : memref<640000xi32, #tpu.memory_space<hbm>> -> memref<16xi32, #tpu.memory_space<hbm>>
      tpu.enqueue_dma source(%dma_start3A_100 : memref<16xi32, #tpu.memory_space<hbm>>) target(%arg12 : memref<16xi32, #tpu.memory_space<vmem>>) target_semaphore(%run_scoped3A : memref<!tpu.dma_semaphore, #tpu.memory_space<semaphore_mem>>)
      %dma_wait3A_101 = tpu.memref_slice %arg4[%add3A_79] : memref<640000xi32, #tpu.memory_space<hbm>> -> memref<16xi32, #tpu.memory_space<hbm>>
      %dma_wait3A_102 = tpu.memref_slice %arg4[%add3A_79] : memref<640000xi32, #tpu.memory_space<hbm>> -> memref<16xi32, #tpu.memory_space<hbm>>
      tpu.wait_dma2 semaphore(%run_scoped3A : memref<!tpu.dma_semaphore, #tpu.memory_space<semaphore_mem>>) src(%dma_wait3A_102 : memref<16xi32, #tpu.memory_space<hbm>>) dst(%arg12 : memref<16xi32, #tpu.memory_space<vmem>>)
      tpu.yield
    }) : () -> ()
    %dma_start3A_80 = arith.constant 0 : i32
    %dma_start3A_81 = arith.constant 0 : i32
    %dma_start3A_82 = tpu.memref_slice %arg2[%dma_start3A_80, %dma_start3A_81] : memref<40000x128xf32, #tpu.memory_space<hbm>> -> memref<40000x128xf32, #tpu.memory_space<hbm>>
    tpu.enqueue_indirect_dma source(%dma_start3A_82 : memref<40000x128xf32, #tpu.memory_space<hbm>>) target(%arg13 : memref<16x128xf32, #tpu.memory_space<vmem>>) offsets(%arg11 : memref<16xi32, #tpu.memory_space<vmem>>) semaphore(%arg15 : memref<!tpu.dma_semaphore, #tpu.memory_space<semaphore_mem>>)
    %dma_wait3A_83 = arith.constant 0 : i32
    %dma_wait3A_84 = arith.constant 0 : i32
    %dma_wait3A_85 = tpu.memref_slice %arg2[%dma_wait3A_83, %dma_wait3A_84] : memref<40000x128xf32, #tpu.memory_space<hbm>> -> memref<40000x128xf32, #tpu.memory_space<hbm>>
    tpu.wait_indirect_dma semaphore(%arg15 : memref<!tpu.dma_semaphore, #tpu.memory_space<semaphore_mem>>) src(%dma_wait3A_85 : memref<40000x128xf32, #tpu.memory_space<hbm>>) dst(%arg13 : memref<16x128xf32, #tpu.memory_space<vmem>>)
    "tpu.region"() ({
      %run_scoped3A = tpu.sem_alloc : memref<!tpu.dma_semaphore, #tpu.memory_space<semaphore_mem>>
      %dma_start3A_99 = arith.constant 0 : i32
      %dma_start3A_100 = arith.constant 0 : i32
      %dma_start3A_101 = tpu.memref_slice %arg7[%dma_start3A_99, %dma_start3A_100] : memref<10008x128xf32, #tpu.memory_space<vmem_shared>> -> memref<10008x128xf32, #tpu.memory_space<vmem_shared>>
      tpu.enqueue_indirect_dma source(%arg13 : memref<16x128xf32, #tpu.memory_space<vmem>>) target(%dma_start3A_101 : memref<10008x128xf32, #tpu.memory_space<vmem_shared>>) offsets(%arg12 : memref<16xi32, #tpu.memory_space<vmem>>) semaphore(%run_scoped3A : memref<!tpu.dma_semaphore, #tpu.memory_space<semaphore_mem>>) {add = true}
      %dma_wait3A_102 = arith.constant 0 : i32
      %dma_wait3A_103 = arith.constant 0 : i32
      %dma_wait3A_104 = tpu.memref_slice %arg7[%dma_wait3A_102, %dma_wait3A_103] : memref<10008x128xf32, #tpu.memory_space<vmem_shared>> -> memref<10008x128xf32, #tpu.memory_space<vmem_shared>>
      tpu.wait_indirect_dma semaphore(%run_scoped3A : memref<!tpu.dma_semaphore, #tpu.memory_space<semaphore_mem>>) src(%arg13 : memref<16x128xf32, #tpu.memory_space<vmem>>) dst(%dma_wait3A_104 : memref<10008x128xf32, #tpu.memory_space<vmem_shared>>)
      tpu.yield
    }) : () -> ()
    %barrier3A_86 = arith.constant 0 : index
    tpu.barrier barrier_id(%barrier3A_86)
    %mul3A_87 = arith.constant 624 : i32
    %mul3A_88 = arith.muli %arg1, %mul3A_87 : i32
    %mul3A_89 = arith.constant 10000 : i32
    %mul3A_90 = arith.muli %add3A_48, %mul3A_89 : i32
    %mul3A_91 = arith.constant 624 : i32
    %mul3A_92 = arith.muli %arg1, %mul3A_91 : i32
    %add3A_93 = arith.addi %mul3A_90, %mul3A_92 : i32
    "tpu.region"() ({
      %run_scoped3A = tpu.sem_alloc : memref<!tpu.dma_semaphore, #tpu.memory_space<semaphore_mem>>
      %dma_start3A_99 = arith.constant 0 : i32
      %dma_start3A_100 = tpu.memref_slice %arg6[%add3A_93, %dma_start3A_99] : memref<40000x128xf32, #tpu.memory_space<hbm>> -> memref<624x128xf32, #tpu.memory_space<hbm>>
      %dma_start3A_101 = arith.constant 0 : i32
      %dma_start3A_102 = tpu.memref_slice %arg7[%mul3A_88, %dma_start3A_101] : memref<10008x128xf32, #tpu.memory_space<vmem_shared>> -> memref<624x128xf32, #tpu.memory_space<vmem_shared>>
      tpu.enqueue_dma source(%dma_start3A_102 : memref<624x128xf32, #tpu.memory_space<vmem_shared>>) target(%dma_start3A_100 : memref<624x128xf32, #tpu.memory_space<hbm>>) target_semaphore(%run_scoped3A : memref<!tpu.dma_semaphore, #tpu.memory_space<semaphore_mem>>)
      %dma_wait3A_103 = arith.constant 0 : i32
      %dma_wait3A_104 = tpu.memref_slice %arg6[%add3A_93, %dma_wait3A_103] : memref<40000x128xf32, #tpu.memory_space<hbm>> -> memref<624x128xf32, #tpu.memory_space<hbm>>
      %dma_wait3A_105 = arith.constant 0 : i32
      %dma_wait3A_106 = tpu.memref_slice %arg7[%mul3A_88, %dma_wait3A_105] : memref<10008x128xf32, #tpu.memory_space<vmem_shared>> -> memref<624x128xf32, #tpu.memory_space<vmem_shared>>
      tpu.wait_dma2 semaphore(%run_scoped3A : memref<!tpu.dma_semaphore, #tpu.memory_space<semaphore_mem>>) src(%dma_wait3A_106 : memref<624x128xf32, #tpu.memory_space<vmem_shared>>) dst(%dma_wait3A_104 : memref<624x128xf32, #tpu.memory_space<hbm>>)
      tpu.yield
    }) : () -> ()
    %eq3A_94 = arith.constant 15 : i32
    %eq3A_95 = arith.cmpi eq, %arg1, %eq3A_94 : i32
    %convert_element_type3A_96 = arith.extui %eq3A_95 : i1 to i32
    %cond3A_97 = arith.constant 0 : i32
    %cond3A_98 = arith.cmpi ne, %convert_element_type3A_96, %cond3A_97 : i32
    scf.if %cond3A_98 {
      %mul3A_99 = arith.constant 10000 : i32
      %mul3A_100 = arith.muli %add3A_48, %mul3A_99 : i32
      %add3A_101 = arith.constant 9984 : i32
      %add3A_102 = arith.addi %mul3A_100, %add3A_101 : i32
      "tpu.region"() ({
        %run_scoped3A = tpu.sem_alloc : memref<!tpu.dma_semaphore, #tpu.memory_space<semaphore_mem>>
        %dma_start3A_103 = arith.constant 0 : i32
        %dma_start3A_104 = tpu.memref_slice %arg6[%add3A_102, %dma_start3A_103] : memref<40000x128xf32, #tpu.memory_space<hbm>> -> memref<16x128xf32, #tpu.memory_space<hbm>>
        %dma_start3A_105 = arith.constant 9984 : i32
        %dma_start3A_106 = arith.constant 0 : i32
        %dma_start3A_107 = tpu.memref_slice %arg7[%dma_start3A_105, %dma_start3A_106] : memref<10008x128xf32, #tpu.memory_space<vmem_shared>> -> memref<16x128xf32, #tpu.memory_space<vmem_shared>>
        tpu.enqueue_dma source(%dma_start3A_107 : memref<16x128xf32, #tpu.memory_space<vmem_shared>>) target(%dma_start3A_104 : memref<16x128xf32, #tpu.memory_space<hbm>>) target_semaphore(%run_scoped3A : memref<!tpu.dma_semaphore, #tpu.memory_space<semaphore_mem>>)
        %dma_wait3A_108 = arith.constant 0 : i32
        %dma_wait3A_109 = tpu.memref_slice %arg6[%add3A_102, %dma_wait3A_108] : memref<40000x128xf32, #tpu.memory_space<hbm>> -> memref<16x128xf32, #tpu.memory_space<hbm>>
        %dma_wait3A_110 = arith.constant 9984 : i32
        %dma_wait3A_111 = arith.constant 0 : i32
        %dma_wait3A_112 = tpu.memref_slice %arg7[%dma_wait3A_110, %dma_wait3A_111] : memref<10008x128xf32, #tpu.memory_space<vmem_shared>> -> memref<16x128xf32, #tpu.memory_space<vmem_shared>>
        tpu.wait_dma2 semaphore(%run_scoped3A : memref<!tpu.dma_semaphore, #tpu.memory_space<semaphore_mem>>) src(%dma_wait3A_112 : memref<16x128xf32, #tpu.memory_space<vmem_shared>>) dst(%dma_wait3A_109 : memref<16x128xf32, #tpu.memory_space<hbm>>)
        tpu.yield
      }) : () -> ()
    } else {
    }
    return
  }
}

#map = affine_map<(d0, d1) -> (0, 0)>
#map1 = affine_map<(d0, d1) -> (0)>
module attributes {stable_mosaic.version = 14 : i64} {
  func.func @sc_seg(%arg0: i32, %arg1: i32, %arg2: memref<40000x128xf32, #tpu.memory_space<hbm>>, %arg3: memref<640000xi32, #tpu.memory_space<hbm>>, %arg4: memref<640000xi32, #tpu.memory_space<hbm>>, %arg5: memref<208x128xf32, #tpu.memory_space<hbm>>, %arg6: memref<40000x128xf32, #tpu.memory_space<hbm>>, %arg7: memref<10008x128xf32, #tpu.memory_space<vmem_shared>>, %arg8: memref<128xi32, #tpu.memory_space<vmem>>, %arg9: memref<128xi32, #tpu.memory_space<vmem>>, %arg10: memref<128x128xf32, #tpu.memory_space<vmem>>, %arg11: memref<16xi32, #tpu.memory_space<vmem>>, %arg12: memref<16xi32, #tpu.memory_space<vmem>>, %arg13: memref<16x128xf32, #tpu.memory_space<vmem>>, %arg14: memref<208x128xf32, #tpu.memory_space<vmem>>, %arg15: memref<!tpu.dma_semaphore, #tpu.memory_space<semaphore_mem>>) attributes {dimension_semantics = [#tpu.dimension_semantics<core_parallel>, #tpu.dimension_semantics<subcore_parallel>], iteration_bounds = array<i64: 2, 16>, scalar_prefetch = 0 : i64, scratch_operands = 9 : i64, tpu.core_type = #tpu.core_type<sc_vector_subcore>, window_params = [{transform_indices = #map}, {transform_indices = #map1}, {transform_indices = #map1}, {transform_indices = #map}, {transform_indices = #map}]} {
    "tpu.region"() ({
      %run_scoped3A = tpu.sem_alloc : memref<!tpu.dma_semaphore, #tpu.memory_space<semaphore_mem>>
      tpu.enqueue_dma source(%arg5 : memref<208x128xf32, #tpu.memory_space<hbm>>) target(%arg14 : memref<208x128xf32, #tpu.memory_space<vmem>>) target_semaphore(%run_scoped3A : memref<!tpu.dma_semaphore, #tpu.memory_space<semaphore_mem>>)
      tpu.wait_dma2 semaphore(%run_scoped3A : memref<!tpu.dma_semaphore, #tpu.memory_space<semaphore_mem>>) src(%arg5 : memref<208x128xf32, #tpu.memory_space<hbm>>) dst(%arg14 : memref<208x128xf32, #tpu.memory_space<vmem>>)
      tpu.yield
    }) : () -> ()
    %mul3A = arith.constant 2 : i32
    %mul3A_0 = arith.muli %arg0, %mul3A : i32
    %add3A = arith.constant 0 : i32
    %add3A_1 = arith.addi %mul3A_0, %add3A : i32
    %mul3A_2 = arith.constant 624 : i32
    %mul3A_3 = arith.muli %arg1, %mul3A_2 : i32
    %add3A_4 = arith.constant 0 : i32
    %add3A_5 = arith.addi %mul3A_3, %add3A_4 : i32
    "tpu.region"() ({
      %run_scoped3A = tpu.sem_alloc : memref<!tpu.dma_semaphore, #tpu.memory_space<semaphore_mem>>
      %dma_start3A_99 = arith.constant 0 : i32
      %dma_start3A_100 = tpu.memref_slice %arg7[%add3A_5, %dma_start3A_99] : memref<10008x128xf32, #tpu.memory_space<vmem_shared>> -> memref<208x128xf32, #tpu.memory_space<vmem_shared>>
      %dma_start3A_101 = arith.constant 0 : i32
      %dma_start3A_102 = tpu.memref_slice %arg7[%add3A_5, %dma_start3A_101] : memref<10008x128xf32, #tpu.memory_space<vmem_shared>> -> memref<208x128xf32, #tpu.memory_space<vmem_shared>>
      tpu.enqueue_dma source(%arg14 : memref<208x128xf32, #tpu.memory_space<vmem>>) target(%dma_start3A_102 : memref<208x128xf32, #tpu.memory_space<vmem_shared>>) target_semaphore(%run_scoped3A : memref<!tpu.dma_semaphore, #tpu.memory_space<semaphore_mem>>)
      %dma_wait3A_103 = arith.constant 0 : i32
      %dma_wait3A_104 = tpu.memref_slice %arg7[%add3A_5, %dma_wait3A_103] : memref<10008x128xf32, #tpu.memory_space<vmem_shared>> -> memref<208x128xf32, #tpu.memory_space<vmem_shared>>
      %dma_wait3A_105 = arith.constant 0 : i32
      %dma_wait3A_106 = tpu.memref_slice %arg7[%add3A_5, %dma_wait3A_105] : memref<10008x128xf32, #tpu.memory_space<vmem_shared>> -> memref<208x128xf32, #tpu.memory_space<vmem_shared>>
      tpu.wait_dma2 semaphore(%run_scoped3A : memref<!tpu.dma_semaphore, #tpu.memory_space<semaphore_mem>>) src(%arg14 : memref<208x128xf32, #tpu.memory_space<vmem>>) dst(%dma_wait3A_106 : memref<208x128xf32, #tpu.memory_space<vmem_shared>>)
      tpu.yield
    }) : () -> ()
    %mul3A_6 = arith.constant 624 : i32
    %mul3A_7 = arith.muli %arg1, %mul3A_6 : i32
    %add3A_8 = arith.constant 208 : i32
    %add3A_9 = arith.addi %mul3A_7, %add3A_8 : i32
    "tpu.region"() ({
      %run_scoped3A = tpu.sem_alloc : memref<!tpu.dma_semaphore, #tpu.memory_space<semaphore_mem>>
      %dma_start3A_99 = arith.constant 0 : i32
      %dma_start3A_100 = tpu.memref_slice %arg7[%add3A_9, %dma_start3A_99] : memref<10008x128xf32, #tpu.memory_space<vmem_shared>> -> memref<208x128xf32, #tpu.memory_space<vmem_shared>>
      %dma_start3A_101 = arith.constant 0 : i32
      %dma_start3A_102 = tpu.memref_slice %arg7[%add3A_9, %dma_start3A_101] : memref<10008x128xf32, #tpu.memory_space<vmem_shared>> -> memref<208x128xf32, #tpu.memory_space<vmem_shared>>
      tpu.enqueue_dma source(%arg14 : memref<208x128xf32, #tpu.memory_space<vmem>>) target(%dma_start3A_102 : memref<208x128xf32, #tpu.memory_space<vmem_shared>>) target_semaphore(%run_scoped3A : memref<!tpu.dma_semaphore, #tpu.memory_space<semaphore_mem>>)
      %dma_wait3A_103 = arith.constant 0 : i32
      %dma_wait3A_104 = tpu.memref_slice %arg7[%add3A_9, %dma_wait3A_103] : memref<10008x128xf32, #tpu.memory_space<vmem_shared>> -> memref<208x128xf32, #tpu.memory_space<vmem_shared>>
      %dma_wait3A_105 = arith.constant 0 : i32
      %dma_wait3A_106 = tpu.memref_slice %arg7[%add3A_9, %dma_wait3A_105] : memref<10008x128xf32, #tpu.memory_space<vmem_shared>> -> memref<208x128xf32, #tpu.memory_space<vmem_shared>>
      tpu.wait_dma2 semaphore(%run_scoped3A : memref<!tpu.dma_semaphore, #tpu.memory_space<semaphore_mem>>) src(%arg14 : memref<208x128xf32, #tpu.memory_space<vmem>>) dst(%dma_wait3A_106 : memref<208x128xf32, #tpu.memory_space<vmem_shared>>)
      tpu.yield
    }) : () -> ()
    %mul3A_10 = arith.constant 624 : i32
    %mul3A_11 = arith.muli %arg1, %mul3A_10 : i32
    %add3A_12 = arith.constant 416 : i32
    %add3A_13 = arith.addi %mul3A_11, %add3A_12 : i32
    "tpu.region"() ({
      %run_scoped3A = tpu.sem_alloc : memref<!tpu.dma_semaphore, #tpu.memory_space<semaphore_mem>>
      %dma_start3A_99 = arith.constant 0 : i32
      %dma_start3A_100 = tpu.memref_slice %arg7[%add3A_13, %dma_start3A_99] : memref<10008x128xf32, #tpu.memory_space<vmem_shared>> -> memref<208x128xf32, #tpu.memory_space<vmem_shared>>
      %dma_start3A_101 = arith.constant 0 : i32
      %dma_start3A_102 = tpu.memref_slice %arg7[%add3A_13, %dma_start3A_101] : memref<10008x128xf32, #tpu.memory_space<vmem_shared>> -> memref<208x128xf32, #tpu.memory_space<vmem_shared>>
      tpu.enqueue_dma source(%arg14 : memref<208x128xf32, #tpu.memory_space<vmem>>) target(%dma_start3A_102 : memref<208x128xf32, #tpu.memory_space<vmem_shared>>) target_semaphore(%run_scoped3A : memref<!tpu.dma_semaphore, #tpu.memory_space<semaphore_mem>>)
      %dma_wait3A_103 = arith.constant 0 : i32
      %dma_wait3A_104 = tpu.memref_slice %arg7[%add3A_13, %dma_wait3A_103] : memref<10008x128xf32, #tpu.memory_space<vmem_shared>> -> memref<208x128xf32, #tpu.memory_space<vmem_shared>>
      %dma_wait3A_105 = arith.constant 0 : i32
      %dma_wait3A_106 = tpu.memref_slice %arg7[%add3A_13, %dma_wait3A_105] : memref<10008x128xf32, #tpu.memory_space<vmem_shared>> -> memref<208x128xf32, #tpu.memory_space<vmem_shared>>
      tpu.wait_dma2 semaphore(%run_scoped3A : memref<!tpu.dma_semaphore, #tpu.memory_space<semaphore_mem>>) src(%arg14 : memref<208x128xf32, #tpu.memory_space<vmem>>) dst(%dma_wait3A_106 : memref<208x128xf32, #tpu.memory_space<vmem_shared>>)
      tpu.yield
    }) : () -> ()
    %eq3A = arith.constant 15 : i32
    %eq3A_14 = arith.cmpi eq, %arg1, %eq3A : i32
    %convert_element_type3A = arith.extui %eq3A_14 : i1 to i32
    %cond3A = arith.constant 0 : i32
    %cond3A_15 = arith.cmpi ne, %convert_element_type3A, %cond3A : i32
    scf.if %cond3A_15 {
      "tpu.region"() ({
        %run_scoped3A = tpu.sem_alloc : memref<!tpu.dma_semaphore, #tpu.memory_space<semaphore_mem>>
        %dma_start3A_99 = arith.constant 0 : i32
        %dma_start3A_100 = arith.constant 0 : i32
        %dma_start3A_101 = tpu.memref_slice %arg14[%dma_start3A_99, %dma_start3A_100] : memref<208x128xf32, #tpu.memory_space<vmem>> -> memref<16x128xf32, #tpu.memory_space<vmem>>
        %dma_start3A_102 = arith.constant 9984 : i32
        %dma_start3A_103 = arith.constant 0 : i32
        %dma_start3A_104 = tpu.memref_slice %arg7[%dma_start3A_102, %dma_start3A_103] : memref<10008x128xf32, #tpu.memory_space<vmem_shared>> -> memref<16x128xf32, #tpu.memory_space<vmem_shared>>
        %dma_start3A_105 = arith.constant 9984 : i32
        %dma_start3A_106 = arith.constant 0 : i32
        %dma_start3A_107 = tpu.memref_slice %arg7[%dma_start3A_105, %dma_start3A_106] : memref<10008x128xf32, #tpu.memory_space<vmem_shared>> -> memref<16x128xf32, #tpu.memory_space<vmem_shared>>
        %dma_start3A_108 = arith.constant 0 : i32
        %dma_start3A_109 = arith.constant 0 : i32
        %dma_start3A_110 = tpu.memref_slice %arg14[%dma_start3A_108, %dma_start3A_109] : memref<208x128xf32, #tpu.memory_space<vmem>> -> memref<16x128xf32, #tpu.memory_space<vmem>>
        tpu.enqueue_dma source(%dma_start3A_110 : memref<16x128xf32, #tpu.memory_space<vmem>>) target(%dma_start3A_107 : memref<16x128xf32, #tpu.memory_space<vmem_shared>>) target_semaphore(%run_scoped3A : memref<!tpu.dma_semaphore, #tpu.memory_space<semaphore_mem>>)
        %dma_wait3A_111 = arith.constant 0 : i32
        %dma_wait3A_112 = arith.constant 0 : i32
        %dma_wait3A_113 = tpu.memref_slice %arg14[%dma_wait3A_111, %dma_wait3A_112] : memref<208x128xf32, #tpu.memory_space<vmem>> -> memref<16x128xf32, #tpu.memory_space<vmem>>
        %dma_wait3A_114 = arith.constant 9984 : i32
        %dma_wait3A_115 = arith.constant 0 : i32
        %dma_wait3A_116 = tpu.memref_slice %arg7[%dma_wait3A_114, %dma_wait3A_115] : memref<10008x128xf32, #tpu.memory_space<vmem_shared>> -> memref<16x128xf32, #tpu.memory_space<vmem_shared>>
        %dma_wait3A_117 = arith.constant 9984 : i32
        %dma_wait3A_118 = arith.constant 0 : i32
        %dma_wait3A_119 = tpu.memref_slice %arg7[%dma_wait3A_117, %dma_wait3A_118] : memref<10008x128xf32, #tpu.memory_space<vmem_shared>> -> memref<16x128xf32, #tpu.memory_space<vmem_shared>>
        %dma_wait3A_120 = arith.constant 0 : i32
        %dma_wait3A_121 = arith.constant 0 : i32
        %dma_wait3A_122 = tpu.memref_slice %arg14[%dma_wait3A_120, %dma_wait3A_121] : memref<208x128xf32, #tpu.memory_space<vmem>> -> memref<16x128xf32, #tpu.memory_space<vmem>>
        tpu.wait_dma2 semaphore(%run_scoped3A : memref<!tpu.dma_semaphore, #tpu.memory_space<semaphore_mem>>) src(%dma_wait3A_122 : memref<16x128xf32, #tpu.memory_space<vmem>>) dst(%dma_wait3A_119 : memref<16x128xf32, #tpu.memory_space<vmem_shared>>)
        tpu.yield
      }) : () -> ()
    } else {
    }
    %barrier3A = arith.constant 0 : index
    tpu.barrier barrier_id(%barrier3A)
    %mul3A_16 = arith.constant 160000 : i32
    %mul3A_17 = arith.muli %add3A_1, %mul3A_16 : i32
    %mul3A_18 = arith.constant 10000 : i32
    %mul3A_19 = arith.muli %arg1, %mul3A_18 : i32
    %add3A_20 = arith.addi %mul3A_17, %mul3A_19 : i32
    %scan3A = arith.constant 0 : i32
    %scan3A_21 = arith.constant 0 : i32
    %scan3A_22 = arith.constant 78 : i32
    %scan3A_23 = arith.addi %scan3A_21, %scan3A_22 : i32
    %scan3A_24 = arith.constant 1 : i32
    scf.for %scan3A_99 = %scan3A_21 to %scan3A_23 step %scan3A_24  : i32 {
      %mul3A_100 = arith.constant 128 : i32
      %mul3A_101 = arith.muli %scan3A_99, %mul3A_100 : i32
      %add3A_102 = arith.addi %add3A_20, %mul3A_101 : i32
      "tpu.region"() ({
        %run_scoped3A = tpu.sem_alloc : memref<!tpu.dma_semaphore, #tpu.memory_space<semaphore_mem>>
        %dma_start3A_109 = tpu.memref_slice %arg3[%add3A_102] : memref<640000xi32, #tpu.memory_space<hbm>> -> memref<128xi32, #tpu.memory_space<hbm>>
        %dma_start3A_110 = tpu.memref_slice %arg3[%add3A_102] : memref<640000xi32, #tpu.memory_space<hbm>> -> memref<128xi32, #tpu.memory_space<hbm>>
        tpu.enqueue_dma source(%dma_start3A_110 : memref<128xi32, #tpu.memory_space<hbm>>) target(%arg8 : memref<128xi32, #tpu.memory_space<vmem>>) target_semaphore(%run_scoped3A : memref<!tpu.dma_semaphore, #tpu.memory_space<semaphore_mem>>)
        %dma_wait3A_111 = tpu.memref_slice %arg3[%add3A_102] : memref<640000xi32, #tpu.memory_space<hbm>> -> memref<128xi32, #tpu.memory_space<hbm>>
        %dma_wait3A_112 = tpu.memref_slice %arg3[%add3A_102] : memref<640000xi32, #tpu.memory_space<hbm>> -> memref<128xi32, #tpu.memory_space<hbm>>
        tpu.wait_dma2 semaphore(%run_scoped3A : memref<!tpu.dma_semaphore, #tpu.memory_space<semaphore_mem>>) src(%dma_wait3A_112 : memref<128xi32, #tpu.memory_space<hbm>>) dst(%arg8 : memref<128xi32, #tpu.memory_space<vmem>>)
        tpu.yield
      }) : () -> ()
      "tpu.region"() ({
        %run_scoped3A = tpu.sem_alloc : memref<!tpu.dma_semaphore, #tpu.memory_space<semaphore_mem>>
        %dma_start3A_109 = tpu.memref_slice %arg4[%add3A_102] : memref<640000xi32, #tpu.memory_space<hbm>> -> memref<128xi32, #tpu.memory_space<hbm>>
        %dma_start3A_110 = tpu.memref_slice %arg4[%add3A_102] : memref<640000xi32, #tpu.memory_space<hbm>> -> memref<128xi32, #tpu.memory_space<hbm>>
        tpu.enqueue_dma source(%dma_start3A_110 : memref<128xi32, #tpu.memory_space<hbm>>) target(%arg9 : memref<128xi32, #tpu.memory_space<vmem>>) target_semaphore(%run_scoped3A : memref<!tpu.dma_semaphore, #tpu.memory_space<semaphore_mem>>)
        %dma_wait3A_111 = tpu.memref_slice %arg4[%add3A_102] : memref<640000xi32, #tpu.memory_space<hbm>> -> memref<128xi32, #tpu.memory_space<hbm>>
        %dma_wait3A_112 = tpu.memref_slice %arg4[%add3A_102] : memref<640000xi32, #tpu.memory_space<hbm>> -> memref<128xi32, #tpu.memory_space<hbm>>
        tpu.wait_dma2 semaphore(%run_scoped3A : memref<!tpu.dma_semaphore, #tpu.memory_space<semaphore_mem>>) src(%dma_wait3A_112 : memref<128xi32, #tpu.memory_space<hbm>>) dst(%arg9 : memref<128xi32, #tpu.memory_space<vmem>>)
        tpu.yield
      }) : () -> ()
      %dma_start3A_103 = arith.constant 0 : i32
      %dma_start3A_104 = arith.constant 0 : i32
      %dma_start3A_105 = tpu.memref_slice %arg2[%dma_start3A_103, %dma_start3A_104] : memref<40000x128xf32, #tpu.memory_space<hbm>> -> memref<40000x128xf32, #tpu.memory_space<hbm>>
      tpu.enqueue_indirect_dma source(%dma_start3A_105 : memref<40000x128xf32, #tpu.memory_space<hbm>>) target(%arg10 : memref<128x128xf32, #tpu.memory_space<vmem>>) offsets(%arg8 : memref<128xi32, #tpu.memory_space<vmem>>) semaphore(%arg15 : memref<!tpu.dma_semaphore, #tpu.memory_space<semaphore_mem>>)
      %dma_wait3A_106 = arith.constant 0 : i32
      %dma_wait3A_107 = arith.constant 0 : i32
      %dma_wait3A_108 = tpu.memref_slice %arg2[%dma_wait3A_106, %dma_wait3A_107] : memref<40000x128xf32, #tpu.memory_space<hbm>> -> memref<40000x128xf32, #tpu.memory_space<hbm>>
      tpu.wait_indirect_dma semaphore(%arg15 : memref<!tpu.dma_semaphore, #tpu.memory_space<semaphore_mem>>) src(%dma_wait3A_108 : memref<40000x128xf32, #tpu.memory_space<hbm>>) dst(%arg10 : memref<128x128xf32, #tpu.memory_space<vmem>>)
      "tpu.region"() ({
        %run_scoped3A = tpu.sem_alloc : memref<!tpu.dma_semaphore, #tpu.memory_space<semaphore_mem>>
        %dma_start3A_109 = arith.constant 0 : i32
        %dma_start3A_110 = arith.constant 0 : i32
        %dma_start3A_111 = tpu.memref_slice %arg7[%dma_start3A_109, %dma_start3A_110] : memref<10008x128xf32, #tpu.memory_space<vmem_shared>> -> memref<10008x128xf32, #tpu.memory_space<vmem_shared>>
        tpu.enqueue_indirect_dma source(%arg10 : memref<128x128xf32, #tpu.memory_space<vmem>>) target(%dma_start3A_111 : memref<10008x128xf32, #tpu.memory_space<vmem_shared>>) offsets(%arg9 : memref<128xi32, #tpu.memory_space<vmem>>) semaphore(%run_scoped3A : memref<!tpu.dma_semaphore, #tpu.memory_space<semaphore_mem>>) {add = true}
        %dma_wait3A_112 = arith.constant 0 : i32
        %dma_wait3A_113 = arith.constant 0 : i32
        %dma_wait3A_114 = tpu.memref_slice %arg7[%dma_wait3A_112, %dma_wait3A_113] : memref<10008x128xf32, #tpu.memory_space<vmem_shared>> -> memref<10008x128xf32, #tpu.memory_space<vmem_shared>>
        tpu.wait_indirect_dma semaphore(%run_scoped3A : memref<!tpu.dma_semaphore, #tpu.memory_space<semaphore_mem>>) src(%arg10 : memref<128x128xf32, #tpu.memory_space<vmem>>) dst(%dma_wait3A_114 : memref<10008x128xf32, #tpu.memory_space<vmem_shared>>)
        tpu.yield
      }) : () -> ()
    }
    %scan3A_25 = arith.constant 78 : i32
    %add3A_26 = arith.constant 9984 : i32
    %add3A_27 = arith.addi %add3A_20, %add3A_26 : i32
    "tpu.region"() ({
      %run_scoped3A = tpu.sem_alloc : memref<!tpu.dma_semaphore, #tpu.memory_space<semaphore_mem>>
      %dma_start3A_99 = tpu.memref_slice %arg3[%add3A_27] : memref<640000xi32, #tpu.memory_space<hbm>> -> memref<16xi32, #tpu.memory_space<hbm>>
      %dma_start3A_100 = tpu.memref_slice %arg3[%add3A_27] : memref<640000xi32, #tpu.memory_space<hbm>> -> memref<16xi32, #tpu.memory_space<hbm>>
      tpu.enqueue_dma source(%dma_start3A_100 : memref<16xi32, #tpu.memory_space<hbm>>) target(%arg11 : memref<16xi32, #tpu.memory_space<vmem>>) target_semaphore(%run_scoped3A : memref<!tpu.dma_semaphore, #tpu.memory_space<semaphore_mem>>)
      %dma_wait3A_101 = tpu.memref_slice %arg3[%add3A_27] : memref<640000xi32, #tpu.memory_space<hbm>> -> memref<16xi32, #tpu.memory_space<hbm>>
      %dma_wait3A_102 = tpu.memref_slice %arg3[%add3A_27] : memref<640000xi32, #tpu.memory_space<hbm>> -> memref<16xi32, #tpu.memory_space<hbm>>
      tpu.wait_dma2 semaphore(%run_scoped3A : memref<!tpu.dma_semaphore, #tpu.memory_space<semaphore_mem>>) src(%dma_wait3A_102 : memref<16xi32, #tpu.memory_space<hbm>>) dst(%arg11 : memref<16xi32, #tpu.memory_space<vmem>>)
      tpu.yield
    }) : () -> ()
    "tpu.region"() ({
      %run_scoped3A = tpu.sem_alloc : memref<!tpu.dma_semaphore, #tpu.memory_space<semaphore_mem>>
      %dma_start3A_99 = tpu.memref_slice %arg4[%add3A_27] : memref<640000xi32, #tpu.memory_space<hbm>> -> memref<16xi32, #tpu.memory_space<hbm>>
      %dma_start3A_100 = tpu.memref_slice %arg4[%add3A_27] : memref<640000xi32, #tpu.memory_space<hbm>> -> memref<16xi32, #tpu.memory_space<hbm>>
      tpu.enqueue_dma source(%dma_start3A_100 : memref<16xi32, #tpu.memory_space<hbm>>) target(%arg12 : memref<16xi32, #tpu.memory_space<vmem>>) target_semaphore(%run_scoped3A : memref<!tpu.dma_semaphore, #tpu.memory_space<semaphore_mem>>)
      %dma_wait3A_101 = tpu.memref_slice %arg4[%add3A_27] : memref<640000xi32, #tpu.memory_space<hbm>> -> memref<16xi32, #tpu.memory_space<hbm>>
      %dma_wait3A_102 = tpu.memref_slice %arg4[%add3A_27] : memref<640000xi32, #tpu.memory_space<hbm>> -> memref<16xi32, #tpu.memory_space<hbm>>
      tpu.wait_dma2 semaphore(%run_scoped3A : memref<!tpu.dma_semaphore, #tpu.memory_space<semaphore_mem>>) src(%dma_wait3A_102 : memref<16xi32, #tpu.memory_space<hbm>>) dst(%arg12 : memref<16xi32, #tpu.memory_space<vmem>>)
      tpu.yield
    }) : () -> ()
    %dma_start3A = arith.constant 0 : i32
    %dma_start3A_28 = arith.constant 0 : i32
    %dma_start3A_29 = tpu.memref_slice %arg2[%dma_start3A, %dma_start3A_28] : memref<40000x128xf32, #tpu.memory_space<hbm>> -> memref<40000x128xf32, #tpu.memory_space<hbm>>
    tpu.enqueue_indirect_dma source(%dma_start3A_29 : memref<40000x128xf32, #tpu.memory_space<hbm>>) target(%arg13 : memref<16x128xf32, #tpu.memory_space<vmem>>) offsets(%arg11 : memref<16xi32, #tpu.memory_space<vmem>>) semaphore(%arg15 : memref<!tpu.dma_semaphore, #tpu.memory_space<semaphore_mem>>)
    %dma_wait3A = arith.constant 0 : i32
    %dma_wait3A_30 = arith.constant 0 : i32
    %dma_wait3A_31 = tpu.memref_slice %arg2[%dma_wait3A, %dma_wait3A_30] : memref<40000x128xf32, #tpu.memory_space<hbm>> -> memref<40000x128xf32, #tpu.memory_space<hbm>>
    tpu.wait_indirect_dma semaphore(%arg15 : memref<!tpu.dma_semaphore, #tpu.memory_space<semaphore_mem>>) src(%dma_wait3A_31 : memref<40000x128xf32, #tpu.memory_space<hbm>>) dst(%arg13 : memref<16x128xf32, #tpu.memory_space<vmem>>)
    "tpu.region"() ({
      %run_scoped3A = tpu.sem_alloc : memref<!tpu.dma_semaphore, #tpu.memory_space<semaphore_mem>>
      %dma_start3A_99 = arith.constant 0 : i32
      %dma_start3A_100 = arith.constant 0 : i32
      %dma_start3A_101 = tpu.memref_slice %arg7[%dma_start3A_99, %dma_start3A_100] : memref<10008x128xf32, #tpu.memory_space<vmem_shared>> -> memref<10008x128xf32, #tpu.memory_space<vmem_shared>>
      tpu.enqueue_indirect_dma source(%arg13 : memref<16x128xf32, #tpu.memory_space<vmem>>) target(%dma_start3A_101 : memref<10008x128xf32, #tpu.memory_space<vmem_shared>>) offsets(%arg12 : memref<16xi32, #tpu.memory_space<vmem>>) semaphore(%run_scoped3A : memref<!tpu.dma_semaphore, #tpu.memory_space<semaphore_mem>>) {add = true}
      %dma_wait3A_102 = arith.constant 0 : i32
      %dma_wait3A_103 = arith.constant 0 : i32
      %dma_wait3A_104 = tpu.memref_slice %arg7[%dma_wait3A_102, %dma_wait3A_103] : memref<10008x128xf32, #tpu.memory_space<vmem_shared>> -> memref<10008x128xf32, #tpu.memory_space<vmem_shared>>
      tpu.wait_indirect_dma semaphore(%run_scoped3A : memref<!tpu.dma_semaphore, #tpu.memory_space<semaphore_mem>>) src(%arg13 : memref<16x128xf32, #tpu.memory_space<vmem>>) dst(%dma_wait3A_104 : memref<10008x128xf32, #tpu.memory_space<vmem_shared>>)
      tpu.yield
    }) : () -> ()
    %barrier3A_32 = arith.constant 0 : index
    tpu.barrier barrier_id(%barrier3A_32)
    %mul3A_33 = arith.constant 624 : i32
    %mul3A_34 = arith.muli %arg1, %mul3A_33 : i32
    %mul3A_35 = arith.constant 10000 : i32
    %mul3A_36 = arith.muli %add3A_1, %mul3A_35 : i32
    %mul3A_37 = arith.constant 624 : i32
    %mul3A_38 = arith.muli %arg1, %mul3A_37 : i32
    %add3A_39 = arith.addi %mul3A_36, %mul3A_38 : i32
    "tpu.region"() ({
      %run_scoped3A = tpu.sem_alloc : memref<!tpu.dma_semaphore, #tpu.memory_space<semaphore_mem>>
      %dma_start3A_99 = arith.constant 0 : i32
      %dma_start3A_100 = tpu.memref_slice %arg6[%add3A_39, %dma_start3A_99] : memref<40000x128xf32, #tpu.memory_space<hbm>> -> memref<624x128xf32, #tpu.memory_space<hbm>>
      %dma_start3A_101 = arith.constant 0 : i32
      %dma_start3A_102 = tpu.memref_slice %arg7[%mul3A_34, %dma_start3A_101] : memref<10008x128xf32, #tpu.memory_space<vmem_shared>> -> memref<624x128xf32, #tpu.memory_space<vmem_shared>>
      tpu.enqueue_dma source(%dma_start3A_102 : memref<624x128xf32, #tpu.memory_space<vmem_shared>>) target(%dma_start3A_100 : memref<624x128xf32, #tpu.memory_space<hbm>>) target_semaphore(%run_scoped3A : memref<!tpu.dma_semaphore, #tpu.memory_space<semaphore_mem>>)
      %dma_wait3A_103 = arith.constant 0 : i32
      %dma_wait3A_104 = tpu.memref_slice %arg6[%add3A_39, %dma_wait3A_103] : memref<40000x128xf32, #tpu.memory_space<hbm>> -> memref<624x128xf32, #tpu.memory_space<hbm>>
      %dma_wait3A_105 = arith.constant 0 : i32
      %dma_wait3A_106 = tpu.memref_slice %arg7[%mul3A_34, %dma_wait3A_105] : memref<10008x128xf32, #tpu.memory_space<vmem_shared>> -> memref<624x128xf32, #tpu.memory_space<vmem_shared>>
      tpu.wait_dma2 semaphore(%run_scoped3A : memref<!tpu.dma_semaphore, #tpu.memory_space<semaphore_mem>>) src(%dma_wait3A_106 : memref<624x128xf32, #tpu.memory_space<vmem_shared>>) dst(%dma_wait3A_104 : memref<624x128xf32, #tpu.memory_space<hbm>>)
      tpu.yield
    }) : () -> ()
    %eq3A_40 = arith.constant 15 : i32
    %eq3A_41 = arith.cmpi eq, %arg1, %eq3A_40 : i32
    %convert_element_type3A_42 = arith.extui %eq3A_41 : i1 to i32
    %cond3A_43 = arith.constant 0 : i32
    %cond3A_44 = arith.cmpi ne, %convert_element_type3A_42, %cond3A_43 : i32
    scf.if %cond3A_44 {
      %mul3A_99 = arith.constant 10000 : i32
      %mul3A_100 = arith.muli %add3A_1, %mul3A_99 : i32
      %add3A_101 = arith.constant 9984 : i32
      %add3A_102 = arith.addi %mul3A_100, %add3A_101 : i32
      "tpu.region"() ({
        %run_scoped3A = tpu.sem_alloc : memref<!tpu.dma_semaphore, #tpu.memory_space<semaphore_mem>>
        %dma_start3A_103 = arith.constant 0 : i32
        %dma_start3A_104 = tpu.memref_slice %arg6[%add3A_102, %dma_start3A_103] : memref<40000x128xf32, #tpu.memory_space<hbm>> -> memref<16x128xf32, #tpu.memory_space<hbm>>
        %dma_start3A_105 = arith.constant 9984 : i32
        %dma_start3A_106 = arith.constant 0 : i32
        %dma_start3A_107 = tpu.memref_slice %arg7[%dma_start3A_105, %dma_start3A_106] : memref<10008x128xf32, #tpu.memory_space<vmem_shared>> -> memref<16x128xf32, #tpu.memory_space<vmem_shared>>
        tpu.enqueue_dma source(%dma_start3A_107 : memref<16x128xf32, #tpu.memory_space<vmem_shared>>) target(%dma_start3A_104 : memref<16x128xf32, #tpu.memory_space<hbm>>) target_semaphore(%run_scoped3A : memref<!tpu.dma_semaphore, #tpu.memory_space<semaphore_mem>>)
        %dma_wait3A_108 = arith.constant 0 : i32
        %dma_wait3A_109 = tpu.memref_slice %arg6[%add3A_102, %dma_wait3A_108] : memref<40000x128xf32, #tpu.memory_space<hbm>> -> memref<16x128xf32, #tpu.memory_space<hbm>>
        %dma_wait3A_110 = arith.constant 9984 : i32
        %dma_wait3A_111 = arith.constant 0 : i32
        %dma_wait3A_112 = tpu.memref_slice %arg7[%dma_wait3A_110, %dma_wait3A_111] : memref<10008x128xf32, #tpu.memory_space<vmem_shared>> -> memref<16x128xf32, #tpu.memory_space<vmem_shared>>
        tpu.wait_dma2 semaphore(%run_scoped3A : memref<!tpu.dma_semaphore, #tpu.memory_space<semaphore_mem>>) src(%dma_wait3A_112 : memref<16x128xf32, #tpu.memory_space<vmem_shared>>) dst(%dma_wait3A_109 : memref<16x128xf32, #tpu.memory_space<hbm>>)
        tpu.yield
      }) : () -> ()
    } else {
    }
    %mul3A_45 = arith.constant 2 : i32
    %mul3A_46 = arith.muli %arg0, %mul3A_45 : i32
    %add3A_47 = arith.constant 1 : i32
    %add3A_48 = arith.addi %mul3A_46, %add3A_47 : i32
    %mul3A_49 = arith.constant 624 : i32
    %mul3A_50 = arith.muli %arg1, %mul3A_49 : i32
    %add3A_51 = arith.constant 0 : i32
    %add3A_52 = arith.addi %mul3A_50, %add3A_51 : i32
    "tpu.region"() ({
      %run_scoped3A = tpu.sem_alloc : memref<!tpu.dma_semaphore, #tpu.memory_space<semaphore_mem>>
      %dma_start3A_99 = arith.constant 0 : i32
      %dma_start3A_100 = tpu.memref_slice %arg7[%add3A_52, %dma_start3A_99] : memref<10008x128xf32, #tpu.memory_space<vmem_shared>> -> memref<208x128xf32, #tpu.memory_space<vmem_shared>>
      %dma_start3A_101 = arith.constant 0 : i32
      %dma_start3A_102 = tpu.memref_slice %arg7[%add3A_52, %dma_start3A_101] : memref<10008x128xf32, #tpu.memory_space<vmem_shared>> -> memref<208x128xf32, #tpu.memory_space<vmem_shared>>
      tpu.enqueue_dma source(%arg14 : memref<208x128xf32, #tpu.memory_space<vmem>>) target(%dma_start3A_102 : memref<208x128xf32, #tpu.memory_space<vmem_shared>>) target_semaphore(%run_scoped3A : memref<!tpu.dma_semaphore, #tpu.memory_space<semaphore_mem>>)
      %dma_wait3A_103 = arith.constant 0 : i32
      %dma_wait3A_104 = tpu.memref_slice %arg7[%add3A_52, %dma_wait3A_103] : memref<10008x128xf32, #tpu.memory_space<vmem_shared>> -> memref<208x128xf32, #tpu.memory_space<vmem_shared>>
      %dma_wait3A_105 = arith.constant 0 : i32
      %dma_wait3A_106 = tpu.memref_slice %arg7[%add3A_52, %dma_wait3A_105] : memref<10008x128xf32, #tpu.memory_space<vmem_shared>> -> memref<208x128xf32, #tpu.memory_space<vmem_shared>>
      tpu.wait_dma2 semaphore(%run_scoped3A : memref<!tpu.dma_semaphore, #tpu.memory_space<semaphore_mem>>) src(%arg14 : memref<208x128xf32, #tpu.memory_space<vmem>>) dst(%dma_wait3A_106 : memref<208x128xf32, #tpu.memory_space<vmem_shared>>)
      tpu.yield
    }) : () -> ()
    %mul3A_53 = arith.constant 624 : i32
    %mul3A_54 = arith.muli %arg1, %mul3A_53 : i32
    %add3A_55 = arith.constant 208 : i32
    %add3A_56 = arith.addi %mul3A_54, %add3A_55 : i32
    "tpu.region"() ({
      %run_scoped3A = tpu.sem_alloc : memref<!tpu.dma_semaphore, #tpu.memory_space<semaphore_mem>>
      %dma_start3A_99 = arith.constant 0 : i32
      %dma_start3A_100 = tpu.memref_slice %arg7[%add3A_56, %dma_start3A_99] : memref<10008x128xf32, #tpu.memory_space<vmem_shared>> -> memref<208x128xf32, #tpu.memory_space<vmem_shared>>
      %dma_start3A_101 = arith.constant 0 : i32
      %dma_start3A_102 = tpu.memref_slice %arg7[%add3A_56, %dma_start3A_101] : memref<10008x128xf32, #tpu.memory_space<vmem_shared>> -> memref<208x128xf32, #tpu.memory_space<vmem_shared>>
      tpu.enqueue_dma source(%arg14 : memref<208x128xf32, #tpu.memory_space<vmem>>) target(%dma_start3A_102 : memref<208x128xf32, #tpu.memory_space<vmem_shared>>) target_semaphore(%run_scoped3A : memref<!tpu.dma_semaphore, #tpu.memory_space<semaphore_mem>>)
      %dma_wait3A_103 = arith.constant 0 : i32
      %dma_wait3A_104 = tpu.memref_slice %arg7[%add3A_56, %dma_wait3A_103] : memref<10008x128xf32, #tpu.memory_space<vmem_shared>> -> memref<208x128xf32, #tpu.memory_space<vmem_shared>>
      %dma_wait3A_105 = arith.constant 0 : i32
      %dma_wait3A_106 = tpu.memref_slice %arg7[%add3A_56, %dma_wait3A_105] : memref<10008x128xf32, #tpu.memory_space<vmem_shared>> -> memref<208x128xf32, #tpu.memory_space<vmem_shared>>
      tpu.wait_dma2 semaphore(%run_scoped3A : memref<!tpu.dma_semaphore, #tpu.memory_space<semaphore_mem>>) src(%arg14 : memref<208x128xf32, #tpu.memory_space<vmem>>) dst(%dma_wait3A_106 : memref<208x128xf32, #tpu.memory_space<vmem_shared>>)
      tpu.yield
    }) : () -> ()
    %mul3A_57 = arith.constant 624 : i32
    %mul3A_58 = arith.muli %arg1, %mul3A_57 : i32
    %add3A_59 = arith.constant 416 : i32
    %add3A_60 = arith.addi %mul3A_58, %add3A_59 : i32
    "tpu.region"() ({
      %run_scoped3A = tpu.sem_alloc : memref<!tpu.dma_semaphore, #tpu.memory_space<semaphore_mem>>
      %dma_start3A_99 = arith.constant 0 : i32
      %dma_start3A_100 = tpu.memref_slice %arg7[%add3A_60, %dma_start3A_99] : memref<10008x128xf32, #tpu.memory_space<vmem_shared>> -> memref<208x128xf32, #tpu.memory_space<vmem_shared>>
      %dma_start3A_101 = arith.constant 0 : i32
      %dma_start3A_102 = tpu.memref_slice %arg7[%add3A_60, %dma_start3A_101] : memref<10008x128xf32, #tpu.memory_space<vmem_shared>> -> memref<208x128xf32, #tpu.memory_space<vmem_shared>>
      tpu.enqueue_dma source(%arg14 : memref<208x128xf32, #tpu.memory_space<vmem>>) target(%dma_start3A_102 : memref<208x128xf32, #tpu.memory_space<vmem_shared>>) target_semaphore(%run_scoped3A : memref<!tpu.dma_semaphore, #tpu.memory_space<semaphore_mem>>)
      %dma_wait3A_103 = arith.constant 0 : i32
      %dma_wait3A_104 = tpu.memref_slice %arg7[%add3A_60, %dma_wait3A_103] : memref<10008x128xf32, #tpu.memory_space<vmem_shared>> -> memref<208x128xf32, #tpu.memory_space<vmem_shared>>
      %dma_wait3A_105 = arith.constant 0 : i32
      %dma_wait3A_106 = tpu.memref_slice %arg7[%add3A_60, %dma_wait3A_105] : memref<10008x128xf32, #tpu.memory_space<vmem_shared>> -> memref<208x128xf32, #tpu.memory_space<vmem_shared>>
      tpu.wait_dma2 semaphore(%run_scoped3A : memref<!tpu.dma_semaphore, #tpu.memory_space<semaphore_mem>>) src(%arg14 : memref<208x128xf32, #tpu.memory_space<vmem>>) dst(%dma_wait3A_106 : memref<208x128xf32, #tpu.memory_space<vmem_shared>>)
      tpu.yield
    }) : () -> ()
    %eq3A_61 = arith.constant 15 : i32
    %eq3A_62 = arith.cmpi eq, %arg1, %eq3A_61 : i32
    %convert_element_type3A_63 = arith.extui %eq3A_62 : i1 to i32
    %cond3A_64 = arith.constant 0 : i32
    %cond3A_65 = arith.cmpi ne, %convert_element_type3A_63, %cond3A_64 : i32
    scf.if %cond3A_65 {
      "tpu.region"() ({
        %run_scoped3A = tpu.sem_alloc : memref<!tpu.dma_semaphore, #tpu.memory_space<semaphore_mem>>
        %dma_start3A_99 = arith.constant 0 : i32
        %dma_start3A_100 = arith.constant 0 : i32
        %dma_start3A_101 = tpu.memref_slice %arg14[%dma_start3A_99, %dma_start3A_100] : memref<208x128xf32, #tpu.memory_space<vmem>> -> memref<16x128xf32, #tpu.memory_space<vmem>>
        %dma_start3A_102 = arith.constant 9984 : i32
        %dma_start3A_103 = arith.constant 0 : i32
        %dma_start3A_104 = tpu.memref_slice %arg7[%dma_start3A_102, %dma_start3A_103] : memref<10008x128xf32, #tpu.memory_space<vmem_shared>> -> memref<16x128xf32, #tpu.memory_space<vmem_shared>>
        %dma_start3A_105 = arith.constant 9984 : i32
        %dma_start3A_106 = arith.constant 0 : i32
        %dma_start3A_107 = tpu.memref_slice %arg7[%dma_start3A_105, %dma_start3A_106] : memref<10008x128xf32, #tpu.memory_space<vmem_shared>> -> memref<16x128xf32, #tpu.memory_space<vmem_shared>>
        %dma_start3A_108 = arith.constant 0 : i32
        %dma_start3A_109 = arith.constant 0 : i32
        %dma_start3A_110 = tpu.memref_slice %arg14[%dma_start3A_108, %dma_start3A_109] : memref<208x128xf32, #tpu.memory_space<vmem>> -> memref<16x128xf32, #tpu.memory_space<vmem>>
        tpu.enqueue_dma source(%dma_start3A_110 : memref<16x128xf32, #tpu.memory_space<vmem>>) target(%dma_start3A_107 : memref<16x128xf32, #tpu.memory_space<vmem_shared>>) target_semaphore(%run_scoped3A : memref<!tpu.dma_semaphore, #tpu.memory_space<semaphore_mem>>)
        %dma_wait3A_111 = arith.constant 0 : i32
        %dma_wait3A_112 = arith.constant 0 : i32
        %dma_wait3A_113 = tpu.memref_slice %arg14[%dma_wait3A_111, %dma_wait3A_112] : memref<208x128xf32, #tpu.memory_space<vmem>> -> memref<16x128xf32, #tpu.memory_space<vmem>>
        %dma_wait3A_114 = arith.constant 9984 : i32
        %dma_wait3A_115 = arith.constant 0 : i32
        %dma_wait3A_116 = tpu.memref_slice %arg7[%dma_wait3A_114, %dma_wait3A_115] : memref<10008x128xf32, #tpu.memory_space<vmem_shared>> -> memref<16x128xf32, #tpu.memory_space<vmem_shared>>
        %dma_wait3A_117 = arith.constant 9984 : i32
        %dma_wait3A_118 = arith.constant 0 : i32
        %dma_wait3A_119 = tpu.memref_slice %arg7[%dma_wait3A_117, %dma_wait3A_118] : memref<10008x128xf32, #tpu.memory_space<vmem_shared>> -> memref<16x128xf32, #tpu.memory_space<vmem_shared>>
        %dma_wait3A_120 = arith.constant 0 : i32
        %dma_wait3A_121 = arith.constant 0 : i32
        %dma_wait3A_122 = tpu.memref_slice %arg14[%dma_wait3A_120, %dma_wait3A_121] : memref<208x128xf32, #tpu.memory_space<vmem>> -> memref<16x128xf32, #tpu.memory_space<vmem>>
        tpu.wait_dma2 semaphore(%run_scoped3A : memref<!tpu.dma_semaphore, #tpu.memory_space<semaphore_mem>>) src(%dma_wait3A_122 : memref<16x128xf32, #tpu.memory_space<vmem>>) dst(%dma_wait3A_119 : memref<16x128xf32, #tpu.memory_space<vmem_shared>>)
        tpu.yield
      }) : () -> ()
    } else {
    }
    %barrier3A_66 = arith.constant 0 : index
    tpu.barrier barrier_id(%barrier3A_66)
    %mul3A_67 = arith.constant 160000 : i32
    %mul3A_68 = arith.muli %add3A_48, %mul3A_67 : i32
    %mul3A_69 = arith.constant 10000 : i32
    %mul3A_70 = arith.muli %arg1, %mul3A_69 : i32
    %add3A_71 = arith.addi %mul3A_68, %mul3A_70 : i32
    %scan3A_72 = arith.constant 0 : i32
    %scan3A_73 = arith.constant 0 : i32
    %scan3A_74 = arith.constant 78 : i32
    %scan3A_75 = arith.addi %scan3A_73, %scan3A_74 : i32
    %scan3A_76 = arith.constant 1 : i32
    scf.for %scan3A_99 = %scan3A_73 to %scan3A_75 step %scan3A_76  : i32 {
      %mul3A_100 = arith.constant 128 : i32
      %mul3A_101 = arith.muli %scan3A_99, %mul3A_100 : i32
      %add3A_102 = arith.addi %add3A_71, %mul3A_101 : i32
      "tpu.region"() ({
        %run_scoped3A = tpu.sem_alloc : memref<!tpu.dma_semaphore, #tpu.memory_space<semaphore_mem>>
        %dma_start3A_109 = tpu.memref_slice %arg3[%add3A_102] : memref<640000xi32, #tpu.memory_space<hbm>> -> memref<128xi32, #tpu.memory_space<hbm>>
        %dma_start3A_110 = tpu.memref_slice %arg3[%add3A_102] : memref<640000xi32, #tpu.memory_space<hbm>> -> memref<128xi32, #tpu.memory_space<hbm>>
        tpu.enqueue_dma source(%dma_start3A_110 : memref<128xi32, #tpu.memory_space<hbm>>) target(%arg8 : memref<128xi32, #tpu.memory_space<vmem>>) target_semaphore(%run_scoped3A : memref<!tpu.dma_semaphore, #tpu.memory_space<semaphore_mem>>)
        %dma_wait3A_111 = tpu.memref_slice %arg3[%add3A_102] : memref<640000xi32, #tpu.memory_space<hbm>> -> memref<128xi32, #tpu.memory_space<hbm>>
        %dma_wait3A_112 = tpu.memref_slice %arg3[%add3A_102] : memref<640000xi32, #tpu.memory_space<hbm>> -> memref<128xi32, #tpu.memory_space<hbm>>
        tpu.wait_dma2 semaphore(%run_scoped3A : memref<!tpu.dma_semaphore, #tpu.memory_space<semaphore_mem>>) src(%dma_wait3A_112 : memref<128xi32, #tpu.memory_space<hbm>>) dst(%arg8 : memref<128xi32, #tpu.memory_space<vmem>>)
        tpu.yield
      }) : () -> ()
      "tpu.region"() ({
        %run_scoped3A = tpu.sem_alloc : memref<!tpu.dma_semaphore, #tpu.memory_space<semaphore_mem>>
        %dma_start3A_109 = tpu.memref_slice %arg4[%add3A_102] : memref<640000xi32, #tpu.memory_space<hbm>> -> memref<128xi32, #tpu.memory_space<hbm>>
        %dma_start3A_110 = tpu.memref_slice %arg4[%add3A_102] : memref<640000xi32, #tpu.memory_space<hbm>> -> memref<128xi32, #tpu.memory_space<hbm>>
        tpu.enqueue_dma source(%dma_start3A_110 : memref<128xi32, #tpu.memory_space<hbm>>) target(%arg9 : memref<128xi32, #tpu.memory_space<vmem>>) target_semaphore(%run_scoped3A : memref<!tpu.dma_semaphore, #tpu.memory_space<semaphore_mem>>)
        %dma_wait3A_111 = tpu.memref_slice %arg4[%add3A_102] : memref<640000xi32, #tpu.memory_space<hbm>> -> memref<128xi32, #tpu.memory_space<hbm>>
        %dma_wait3A_112 = tpu.memref_slice %arg4[%add3A_102] : memref<640000xi32, #tpu.memory_space<hbm>> -> memref<128xi32, #tpu.memory_space<hbm>>
        tpu.wait_dma2 semaphore(%run_scoped3A : memref<!tpu.dma_semaphore, #tpu.memory_space<semaphore_mem>>) src(%dma_wait3A_112 : memref<128xi32, #tpu.memory_space<hbm>>) dst(%arg9 : memref<128xi32, #tpu.memory_space<vmem>>)
        tpu.yield
      }) : () -> ()
      %dma_start3A_103 = arith.constant 0 : i32
      %dma_start3A_104 = arith.constant 0 : i32
      %dma_start3A_105 = tpu.memref_slice %arg2[%dma_start3A_103, %dma_start3A_104] : memref<40000x128xf32, #tpu.memory_space<hbm>> -> memref<40000x128xf32, #tpu.memory_space<hbm>>
      tpu.enqueue_indirect_dma source(%dma_start3A_105 : memref<40000x128xf32, #tpu.memory_space<hbm>>) target(%arg10 : memref<128x128xf32, #tpu.memory_space<vmem>>) offsets(%arg8 : memref<128xi32, #tpu.memory_space<vmem>>) semaphore(%arg15 : memref<!tpu.dma_semaphore, #tpu.memory_space<semaphore_mem>>)
      %dma_wait3A_106 = arith.constant 0 : i32
      %dma_wait3A_107 = arith.constant 0 : i32
      %dma_wait3A_108 = tpu.memref_slice %arg2[%dma_wait3A_106, %dma_wait3A_107] : memref<40000x128xf32, #tpu.memory_space<hbm>> -> memref<40000x128xf32, #tpu.memory_space<hbm>>
      tpu.wait_indirect_dma semaphore(%arg15 : memref<!tpu.dma_semaphore, #tpu.memory_space<semaphore_mem>>) src(%dma_wait3A_108 : memref<40000x128xf32, #tpu.memory_space<hbm>>) dst(%arg10 : memref<128x128xf32, #tpu.memory_space<vmem>>)
      "tpu.region"() ({
        %run_scoped3A = tpu.sem_alloc : memref<!tpu.dma_semaphore, #tpu.memory_space<semaphore_mem>>
        %dma_start3A_109 = arith.constant 0 : i32
        %dma_start3A_110 = arith.constant 0 : i32
        %dma_start3A_111 = tpu.memref_slice %arg7[%dma_start3A_109, %dma_start3A_110] : memref<10008x128xf32, #tpu.memory_space<vmem_shared>> -> memref<10008x128xf32, #tpu.memory_space<vmem_shared>>
        tpu.enqueue_indirect_dma source(%arg10 : memref<128x128xf32, #tpu.memory_space<vmem>>) target(%dma_start3A_111 : memref<10008x128xf32, #tpu.memory_space<vmem_shared>>) offsets(%arg9 : memref<128xi32, #tpu.memory_space<vmem>>) semaphore(%run_scoped3A : memref<!tpu.dma_semaphore, #tpu.memory_space<semaphore_mem>>) {add = true}
        %dma_wait3A_112 = arith.constant 0 : i32
        %dma_wait3A_113 = arith.constant 0 : i32
        %dma_wait3A_114 = tpu.memref_slice %arg7[%dma_wait3A_112, %dma_wait3A_113] : memref<10008x128xf32, #tpu.memory_space<vmem_shared>> -> memref<10008x128xf32, #tpu.memory_space<vmem_shared>>
        tpu.wait_indirect_dma semaphore(%run_scoped3A : memref<!tpu.dma_semaphore, #tpu.memory_space<semaphore_mem>>) src(%arg10 : memref<128x128xf32, #tpu.memory_space<vmem>>) dst(%dma_wait3A_114 : memref<10008x128xf32, #tpu.memory_space<vmem_shared>>)
        tpu.yield
      }) : () -> ()
    }
    %scan3A_77 = arith.constant 78 : i32
    %add3A_78 = arith.constant 9984 : i32
    %add3A_79 = arith.addi %add3A_71, %add3A_78 : i32
    "tpu.region"() ({
      %run_scoped3A = tpu.sem_alloc : memref<!tpu.dma_semaphore, #tpu.memory_space<semaphore_mem>>
      %dma_start3A_99 = tpu.memref_slice %arg3[%add3A_79] : memref<640000xi32, #tpu.memory_space<hbm>> -> memref<16xi32, #tpu.memory_space<hbm>>
      %dma_start3A_100 = tpu.memref_slice %arg3[%add3A_79] : memref<640000xi32, #tpu.memory_space<hbm>> -> memref<16xi32, #tpu.memory_space<hbm>>
      tpu.enqueue_dma source(%dma_start3A_100 : memref<16xi32, #tpu.memory_space<hbm>>) target(%arg11 : memref<16xi32, #tpu.memory_space<vmem>>) target_semaphore(%run_scoped3A : memref<!tpu.dma_semaphore, #tpu.memory_space<semaphore_mem>>)
      %dma_wait3A_101 = tpu.memref_slice %arg3[%add3A_79] : memref<640000xi32, #tpu.memory_space<hbm>> -> memref<16xi32, #tpu.memory_space<hbm>>
      %dma_wait3A_102 = tpu.memref_slice %arg3[%add3A_79] : memref<640000xi32, #tpu.memory_space<hbm>> -> memref<16xi32, #tpu.memory_space<hbm>>
      tpu.wait_dma2 semaphore(%run_scoped3A : memref<!tpu.dma_semaphore, #tpu.memory_space<semaphore_mem>>) src(%dma_wait3A_102 : memref<16xi32, #tpu.memory_space<hbm>>) dst(%arg11 : memref<16xi32, #tpu.memory_space<vmem>>)
      tpu.yield
    }) : () -> ()
    "tpu.region"() ({
      %run_scoped3A = tpu.sem_alloc : memref<!tpu.dma_semaphore, #tpu.memory_space<semaphore_mem>>
      %dma_start3A_99 = tpu.memref_slice %arg4[%add3A_79] : memref<640000xi32, #tpu.memory_space<hbm>> -> memref<16xi32, #tpu.memory_space<hbm>>
      %dma_start3A_100 = tpu.memref_slice %arg4[%add3A_79] : memref<640000xi32, #tpu.memory_space<hbm>> -> memref<16xi32, #tpu.memory_space<hbm>>
      tpu.enqueue_dma source(%dma_start3A_100 : memref<16xi32, #tpu.memory_space<hbm>>) target(%arg12 : memref<16xi32, #tpu.memory_space<vmem>>) target_semaphore(%run_scoped3A : memref<!tpu.dma_semaphore, #tpu.memory_space<semaphore_mem>>)
      %dma_wait3A_101 = tpu.memref_slice %arg4[%add3A_79] : memref<640000xi32, #tpu.memory_space<hbm>> -> memref<16xi32, #tpu.memory_space<hbm>>
      %dma_wait3A_102 = tpu.memref_slice %arg4[%add3A_79] : memref<640000xi32, #tpu.memory_space<hbm>> -> memref<16xi32, #tpu.memory_space<hbm>>
      tpu.wait_dma2 semaphore(%run_scoped3A : memref<!tpu.dma_semaphore, #tpu.memory_space<semaphore_mem>>) src(%dma_wait3A_102 : memref<16xi32, #tpu.memory_space<hbm>>) dst(%arg12 : memref<16xi32, #tpu.memory_space<vmem>>)
      tpu.yield
    }) : () -> ()
    %dma_start3A_80 = arith.constant 0 : i32
    %dma_start3A_81 = arith.constant 0 : i32
    %dma_start3A_82 = tpu.memref_slice %arg2[%dma_start3A_80, %dma_start3A_81] : memref<40000x128xf32, #tpu.memory_space<hbm>> -> memref<40000x128xf32, #tpu.memory_space<hbm>>
    tpu.enqueue_indirect_dma source(%dma_start3A_82 : memref<40000x128xf32, #tpu.memory_space<hbm>>) target(%arg13 : memref<16x128xf32, #tpu.memory_space<vmem>>) offsets(%arg11 : memref<16xi32, #tpu.memory_space<vmem>>) semaphore(%arg15 : memref<!tpu.dma_semaphore, #tpu.memory_space<semaphore_mem>>)
    %dma_wait3A_83 = arith.constant 0 : i32
    %dma_wait3A_84 = arith.constant 0 : i32
    %dma_wait3A_85 = tpu.memref_slice %arg2[%dma_wait3A_83, %dma_wait3A_84] : memref<40000x128xf32, #tpu.memory_space<hbm>> -> memref<40000x128xf32, #tpu.memory_space<hbm>>
    tpu.wait_indirect_dma semaphore(%arg15 : memref<!tpu.dma_semaphore, #tpu.memory_space<semaphore_mem>>) src(%dma_wait3A_85 : memref<40000x128xf32, #tpu.memory_space<hbm>>) dst(%arg13 : memref<16x128xf32, #tpu.memory_space<vmem>>)
    "tpu.region"() ({
      %run_scoped3A = tpu.sem_alloc : memref<!tpu.dma_semaphore, #tpu.memory_space<semaphore_mem>>
      %dma_start3A_99 = arith.constant 0 : i32
      %dma_start3A_100 = arith.constant 0 : i32
      %dma_start3A_101 = tpu.memref_slice %arg7[%dma_start3A_99, %dma_start3A_100] : memref<10008x128xf32, #tpu.memory_space<vmem_shared>> -> memref<10008x128xf32, #tpu.memory_space<vmem_shared>>
      tpu.enqueue_indirect_dma source(%arg13 : memref<16x128xf32, #tpu.memory_space<vmem>>) target(%dma_start3A_101 : memref<10008x128xf32, #tpu.memory_space<vmem_shared>>) offsets(%arg12 : memref<16xi32, #tpu.memory_space<vmem>>) semaphore(%run_scoped3A : memref<!tpu.dma_semaphore, #tpu.memory_space<semaphore_mem>>) {add = true}
      %dma_wait3A_102 = arith.constant 0 : i32
      %dma_wait3A_103 = arith.constant 0 : i32
      %dma_wait3A_104 = tpu.memref_slice %arg7[%dma_wait3A_102, %dma_wait3A_103] : memref<10008x128xf32, #tpu.memory_space<vmem_shared>> -> memref<10008x128xf32, #tpu.memory_space<vmem_shared>>
      tpu.wait_indirect_dma semaphore(%run_scoped3A : memref<!tpu.dma_semaphore, #tpu.memory_space<semaphore_mem>>) src(%arg13 : memref<16x128xf32, #tpu.memory_space<vmem>>) dst(%dma_wait3A_104 : memref<10008x128xf32, #tpu.memory_space<vmem_shared>>)
      tpu.yield
    }) : () -> ()
    %barrier3A_86 = arith.constant 0 : index
    tpu.barrier barrier_id(%barrier3A_86)
    %mul3A_87 = arith.constant 624 : i32
    %mul3A_88 = arith.muli %arg1, %mul3A_87 : i32
    %mul3A_89 = arith.constant 10000 : i32
    %mul3A_90 = arith.muli %add3A_48, %mul3A_89 : i32
    %mul3A_91 = arith.constant 624 : i32
    %mul3A_92 = arith.muli %arg1, %mul3A_91 : i32
    %add3A_93 = arith.addi %mul3A_90, %mul3A_92 : i32
    "tpu.region"() ({
      %run_scoped3A = tpu.sem_alloc : memref<!tpu.dma_semaphore, #tpu.memory_space<semaphore_mem>>
      %dma_start3A_99 = arith.constant 0 : i32
      %dma_start3A_100 = tpu.memref_slice %arg6[%add3A_93, %dma_start3A_99] : memref<40000x128xf32, #tpu.memory_space<hbm>> -> memref<624x128xf32, #tpu.memory_space<hbm>>
      %dma_start3A_101 = arith.constant 0 : i32
      %dma_start3A_102 = tpu.memref_slice %arg7[%mul3A_88, %dma_start3A_101] : memref<10008x128xf32, #tpu.memory_space<vmem_shared>> -> memref<624x128xf32, #tpu.memory_space<vmem_shared>>
      tpu.enqueue_dma source(%dma_start3A_102 : memref<624x128xf32, #tpu.memory_space<vmem_shared>>) target(%dma_start3A_100 : memref<624x128xf32, #tpu.memory_space<hbm>>) target_semaphore(%run_scoped3A : memref<!tpu.dma_semaphore, #tpu.memory_space<semaphore_mem>>)
      %dma_wait3A_103 = arith.constant 0 : i32
      %dma_wait3A_104 = tpu.memref_slice %arg6[%add3A_93, %dma_wait3A_103] : memref<40000x128xf32, #tpu.memory_space<hbm>> -> memref<624x128xf32, #tpu.memory_space<hbm>>
      %dma_wait3A_105 = arith.constant 0 : i32
      %dma_wait3A_106 = tpu.memref_slice %arg7[%mul3A_88, %dma_wait3A_105] : memref<10008x128xf32, #tpu.memory_space<vmem_shared>> -> memref<624x128xf32, #tpu.memory_space<vmem_shared>>
      tpu.wait_dma2 semaphore(%run_scoped3A : memref<!tpu.dma_semaphore, #tpu.memory_space<semaphore_mem>>) src(%dma_wait3A_106 : memref<624x128xf32, #tpu.memory_space<vmem_shared>>) dst(%dma_wait3A_104 : memref<624x128xf32, #tpu.memory_space<hbm>>)
      tpu.yield
    }) : () -> ()
    %eq3A_94 = arith.constant 15 : i32
    %eq3A_95 = arith.cmpi eq, %arg1, %eq3A_94 : i32
    %convert_element_type3A_96 = arith.extui %eq3A_95 : i1 to i32
    %cond3A_97 = arith.constant 0 : i32
    %cond3A_98 = arith.cmpi ne, %convert_element_type3A_96, %cond3A_97 : i32
    scf.if %cond3A_98 {
      %mul3A_99 = arith.constant 10000 : i32
      %mul3A_100 = arith.muli %add3A_48, %mul3A_99 : i32
      %add3A_101 = arith.constant 9984 : i32
      %add3A_102 = arith.addi %mul3A_100, %add3A_101 : i32
      "tpu.region"() ({
        %run_scoped3A = tpu.sem_alloc : memref<!tpu.dma_semaphore, #tpu.memory_space<semaphore_mem>>
        %dma_start3A_103 = arith.constant 0 : i32
        %dma_start3A_104 = tpu.memref_slice %arg6[%add3A_102, %dma_start3A_103] : memref<40000x128xf32, #tpu.memory_space<hbm>> -> memref<16x128xf32, #tpu.memory_space<hbm>>
        %dma_start3A_105 = arith.constant 9984 : i32
        %dma_start3A_106 = arith.constant 0 : i32
        %dma_start3A_107 = tpu.memref_slice %arg7[%dma_start3A_105, %dma_start3A_106] : memref<10008x128xf32, #tpu.memory_space<vmem_shared>> -> memref<16x128xf32, #tpu.memory_space<vmem_shared>>
        tpu.enqueue_dma source(%dma_start3A_107 : memref<16x128xf32, #tpu.memory_space<vmem_shared>>) target(%dma_start3A_104 : memref<16x128xf32, #tpu.memory_space<hbm>>) target_semaphore(%run_scoped3A : memref<!tpu.dma_semaphore, #tpu.memory_space<semaphore_mem>>)
        %dma_wait3A_108 = arith.constant 0 : i32
        %dma_wait3A_109 = tpu.memref_slice %arg6[%add3A_102, %dma_wait3A_108] : memref<40000x128xf32, #tpu.memory_space<hbm>> -> memref<16x128xf32, #tpu.memory_space<hbm>>
        %dma_wait3A_110 = arith.constant 9984 : i32
        %dma_wait3A_111 = arith.constant 0 : i32
        %dma_wait3A_112 = tpu.memref_slice %arg7[%dma_wait3A_110, %dma_wait3A_111] : memref<10008x128xf32, #tpu.memory_space<vmem_shared>> -> memref<16x128xf32, #tpu.memory_space<vmem_shared>>
        tpu.wait_dma2 semaphore(%run_scoped3A : memref<!tpu.dma_semaphore, #tpu.memory_space<semaphore_mem>>) src(%dma_wait3A_112 : memref<16x128xf32, #tpu.memory_space<vmem_shared>>) dst(%dma_wait3A_109 : memref<16x128xf32, #tpu.memory_space<hbm>>)
        tpu.yield
      }) : () -> ()
    } else {
    }
    return
  }
}

#map = affine_map<(d0, d1) -> (0, 0)>
#map1 = affine_map<(d0, d1) -> (0)>
module attributes {stable_mosaic.version = 14 : i64} {
  func.func @sc_seg(%arg0: i32, %arg1: i32, %arg2: memref<40000x128xf32, #tpu.memory_space<hbm>>, %arg3: memref<640000xi32, #tpu.memory_space<hbm>>, %arg4: memref<640000xi32, #tpu.memory_space<hbm>>, %arg5: memref<208x128xf32, #tpu.memory_space<hbm>>, %arg6: memref<40000x128xf32, #tpu.memory_space<hbm>>, %arg7: memref<10008x128xf32, #tpu.memory_space<vmem_shared>>, %arg8: memref<128xi32, #tpu.memory_space<vmem>>, %arg9: memref<128xi32, #tpu.memory_space<vmem>>, %arg10: memref<128x128xf32, #tpu.memory_space<vmem>>, %arg11: memref<16xi32, #tpu.memory_space<vmem>>, %arg12: memref<16xi32, #tpu.memory_space<vmem>>, %arg13: memref<16x128xf32, #tpu.memory_space<vmem>>, %arg14: memref<208x128xf32, #tpu.memory_space<vmem>>, %arg15: memref<!tpu.dma_semaphore, #tpu.memory_space<semaphore_mem>>) attributes {dimension_semantics = [#tpu.dimension_semantics<core_parallel>, #tpu.dimension_semantics<subcore_parallel>], iteration_bounds = array<i64: 2, 16>, scalar_prefetch = 0 : i64, scratch_operands = 9 : i64, tpu.core_type = #tpu.core_type<sc_vector_subcore>, window_params = [{transform_indices = #map}, {transform_indices = #map1}, {transform_indices = #map1}, {transform_indices = #map}, {transform_indices = #map}]} {
    "tpu.region"() ({
      %run_scoped3A = tpu.sem_alloc : memref<!tpu.dma_semaphore, #tpu.memory_space<semaphore_mem>>
      tpu.enqueue_dma source(%arg5 : memref<208x128xf32, #tpu.memory_space<hbm>>) target(%arg14 : memref<208x128xf32, #tpu.memory_space<vmem>>) target_semaphore(%run_scoped3A : memref<!tpu.dma_semaphore, #tpu.memory_space<semaphore_mem>>)
      tpu.wait_dma2 semaphore(%run_scoped3A : memref<!tpu.dma_semaphore, #tpu.memory_space<semaphore_mem>>) src(%arg5 : memref<208x128xf32, #tpu.memory_space<hbm>>) dst(%arg14 : memref<208x128xf32, #tpu.memory_space<vmem>>)
      tpu.yield
    }) : () -> ()
    %mul3A = arith.constant 2 : i32
    %mul3A_0 = arith.muli %arg0, %mul3A : i32
    %add3A = arith.constant 0 : i32
    %add3A_1 = arith.addi %mul3A_0, %add3A : i32
    %mul3A_2 = arith.constant 624 : i32
    %mul3A_3 = arith.muli %arg1, %mul3A_2 : i32
    %add3A_4 = arith.constant 0 : i32
    %add3A_5 = arith.addi %mul3A_3, %add3A_4 : i32
    "tpu.region"() ({
      %run_scoped3A = tpu.sem_alloc : memref<!tpu.dma_semaphore, #tpu.memory_space<semaphore_mem>>
      %dma_start3A_99 = arith.constant 0 : i32
      %dma_start3A_100 = tpu.memref_slice %arg7[%add3A_5, %dma_start3A_99] : memref<10008x128xf32, #tpu.memory_space<vmem_shared>> -> memref<208x128xf32, #tpu.memory_space<vmem_shared>>
      %dma_start3A_101 = arith.constant 0 : i32
      %dma_start3A_102 = tpu.memref_slice %arg7[%add3A_5, %dma_start3A_101] : memref<10008x128xf32, #tpu.memory_space<vmem_shared>> -> memref<208x128xf32, #tpu.memory_space<vmem_shared>>
      tpu.enqueue_dma source(%arg14 : memref<208x128xf32, #tpu.memory_space<vmem>>) target(%dma_start3A_102 : memref<208x128xf32, #tpu.memory_space<vmem_shared>>) target_semaphore(%run_scoped3A : memref<!tpu.dma_semaphore, #tpu.memory_space<semaphore_mem>>)
      %dma_wait3A_103 = arith.constant 0 : i32
      %dma_wait3A_104 = tpu.memref_slice %arg7[%add3A_5, %dma_wait3A_103] : memref<10008x128xf32, #tpu.memory_space<vmem_shared>> -> memref<208x128xf32, #tpu.memory_space<vmem_shared>>
      %dma_wait3A_105 = arith.constant 0 : i32
      %dma_wait3A_106 = tpu.memref_slice %arg7[%add3A_5, %dma_wait3A_105] : memref<10008x128xf32, #tpu.memory_space<vmem_shared>> -> memref<208x128xf32, #tpu.memory_space<vmem_shared>>
      tpu.wait_dma2 semaphore(%run_scoped3A : memref<!tpu.dma_semaphore, #tpu.memory_space<semaphore_mem>>) src(%arg14 : memref<208x128xf32, #tpu.memory_space<vmem>>) dst(%dma_wait3A_106 : memref<208x128xf32, #tpu.memory_space<vmem_shared>>)
      tpu.yield
    }) : () -> ()
    %mul3A_6 = arith.constant 624 : i32
    %mul3A_7 = arith.muli %arg1, %mul3A_6 : i32
    %add3A_8 = arith.constant 208 : i32
    %add3A_9 = arith.addi %mul3A_7, %add3A_8 : i32
    "tpu.region"() ({
      %run_scoped3A = tpu.sem_alloc : memref<!tpu.dma_semaphore, #tpu.memory_space<semaphore_mem>>
      %dma_start3A_99 = arith.constant 0 : i32
      %dma_start3A_100 = tpu.memref_slice %arg7[%add3A_9, %dma_start3A_99] : memref<10008x128xf32, #tpu.memory_space<vmem_shared>> -> memref<208x128xf32, #tpu.memory_space<vmem_shared>>
      %dma_start3A_101 = arith.constant 0 : i32
      %dma_start3A_102 = tpu.memref_slice %arg7[%add3A_9, %dma_start3A_101] : memref<10008x128xf32, #tpu.memory_space<vmem_shared>> -> memref<208x128xf32, #tpu.memory_space<vmem_shared>>
      tpu.enqueue_dma source(%arg14 : memref<208x128xf32, #tpu.memory_space<vmem>>) target(%dma_start3A_102 : memref<208x128xf32, #tpu.memory_space<vmem_shared>>) target_semaphore(%run_scoped3A : memref<!tpu.dma_semaphore, #tpu.memory_space<semaphore_mem>>)
      %dma_wait3A_103 = arith.constant 0 : i32
      %dma_wait3A_104 = tpu.memref_slice %arg7[%add3A_9, %dma_wait3A_103] : memref<10008x128xf32, #tpu.memory_space<vmem_shared>> -> memref<208x128xf32, #tpu.memory_space<vmem_shared>>
      %dma_wait3A_105 = arith.constant 0 : i32
      %dma_wait3A_106 = tpu.memref_slice %arg7[%add3A_9, %dma_wait3A_105] : memref<10008x128xf32, #tpu.memory_space<vmem_shared>> -> memref<208x128xf32, #tpu.memory_space<vmem_shared>>
      tpu.wait_dma2 semaphore(%run_scoped3A : memref<!tpu.dma_semaphore, #tpu.memory_space<semaphore_mem>>) src(%arg14 : memref<208x128xf32, #tpu.memory_space<vmem>>) dst(%dma_wait3A_106 : memref<208x128xf32, #tpu.memory_space<vmem_shared>>)
      tpu.yield
    }) : () -> ()
    %mul3A_10 = arith.constant 624 : i32
    %mul3A_11 = arith.muli %arg1, %mul3A_10 : i32
    %add3A_12 = arith.constant 416 : i32
    %add3A_13 = arith.addi %mul3A_11, %add3A_12 : i32
    "tpu.region"() ({
      %run_scoped3A = tpu.sem_alloc : memref<!tpu.dma_semaphore, #tpu.memory_space<semaphore_mem>>
      %dma_start3A_99 = arith.constant 0 : i32
      %dma_start3A_100 = tpu.memref_slice %arg7[%add3A_13, %dma_start3A_99] : memref<10008x128xf32, #tpu.memory_space<vmem_shared>> -> memref<208x128xf32, #tpu.memory_space<vmem_shared>>
      %dma_start3A_101 = arith.constant 0 : i32
      %dma_start3A_102 = tpu.memref_slice %arg7[%add3A_13, %dma_start3A_101] : memref<10008x128xf32, #tpu.memory_space<vmem_shared>> -> memref<208x128xf32, #tpu.memory_space<vmem_shared>>
      tpu.enqueue_dma source(%arg14 : memref<208x128xf32, #tpu.memory_space<vmem>>) target(%dma_start3A_102 : memref<208x128xf32, #tpu.memory_space<vmem_shared>>) target_semaphore(%run_scoped3A : memref<!tpu.dma_semaphore, #tpu.memory_space<semaphore_mem>>)
      %dma_wait3A_103 = arith.constant 0 : i32
      %dma_wait3A_104 = tpu.memref_slice %arg7[%add3A_13, %dma_wait3A_103] : memref<10008x128xf32, #tpu.memory_space<vmem_shared>> -> memref<208x128xf32, #tpu.memory_space<vmem_shared>>
      %dma_wait3A_105 = arith.constant 0 : i32
      %dma_wait3A_106 = tpu.memref_slice %arg7[%add3A_13, %dma_wait3A_105] : memref<10008x128xf32, #tpu.memory_space<vmem_shared>> -> memref<208x128xf32, #tpu.memory_space<vmem_shared>>
      tpu.wait_dma2 semaphore(%run_scoped3A : memref<!tpu.dma_semaphore, #tpu.memory_space<semaphore_mem>>) src(%arg14 : memref<208x128xf32, #tpu.memory_space<vmem>>) dst(%dma_wait3A_106 : memref<208x128xf32, #tpu.memory_space<vmem_shared>>)
      tpu.yield
    }) : () -> ()
    %eq3A = arith.constant 15 : i32
    %eq3A_14 = arith.cmpi eq, %arg1, %eq3A : i32
    %convert_element_type3A = arith.extui %eq3A_14 : i1 to i32
    %cond3A = arith.constant 0 : i32
    %cond3A_15 = arith.cmpi ne, %convert_element_type3A, %cond3A : i32
    scf.if %cond3A_15 {
      "tpu.region"() ({
        %run_scoped3A = tpu.sem_alloc : memref<!tpu.dma_semaphore, #tpu.memory_space<semaphore_mem>>
        %dma_start3A_99 = arith.constant 0 : i32
        %dma_start3A_100 = arith.constant 0 : i32
        %dma_start3A_101 = tpu.memref_slice %arg14[%dma_start3A_99, %dma_start3A_100] : memref<208x128xf32, #tpu.memory_space<vmem>> -> memref<16x128xf32, #tpu.memory_space<vmem>>
        %dma_start3A_102 = arith.constant 9984 : i32
        %dma_start3A_103 = arith.constant 0 : i32
        %dma_start3A_104 = tpu.memref_slice %arg7[%dma_start3A_102, %dma_start3A_103] : memref<10008x128xf32, #tpu.memory_space<vmem_shared>> -> memref<16x128xf32, #tpu.memory_space<vmem_shared>>
        %dma_start3A_105 = arith.constant 9984 : i32
        %dma_start3A_106 = arith.constant 0 : i32
        %dma_start3A_107 = tpu.memref_slice %arg7[%dma_start3A_105, %dma_start3A_106] : memref<10008x128xf32, #tpu.memory_space<vmem_shared>> -> memref<16x128xf32, #tpu.memory_space<vmem_shared>>
        %dma_start3A_108 = arith.constant 0 : i32
        %dma_start3A_109 = arith.constant 0 : i32
        %dma_start3A_110 = tpu.memref_slice %arg14[%dma_start3A_108, %dma_start3A_109] : memref<208x128xf32, #tpu.memory_space<vmem>> -> memref<16x128xf32, #tpu.memory_space<vmem>>
        tpu.enqueue_dma source(%dma_start3A_110 : memref<16x128xf32, #tpu.memory_space<vmem>>) target(%dma_start3A_107 : memref<16x128xf32, #tpu.memory_space<vmem_shared>>) target_semaphore(%run_scoped3A : memref<!tpu.dma_semaphore, #tpu.memory_space<semaphore_mem>>)
        %dma_wait3A_111 = arith.constant 0 : i32
        %dma_wait3A_112 = arith.constant 0 : i32
        %dma_wait3A_113 = tpu.memref_slice %arg14[%dma_wait3A_111, %dma_wait3A_112] : memref<208x128xf32, #tpu.memory_space<vmem>> -> memref<16x128xf32, #tpu.memory_space<vmem>>
        %dma_wait3A_114 = arith.constant 9984 : i32
        %dma_wait3A_115 = arith.constant 0 : i32
        %dma_wait3A_116 = tpu.memref_slice %arg7[%dma_wait3A_114, %dma_wait3A_115] : memref<10008x128xf32, #tpu.memory_space<vmem_shared>> -> memref<16x128xf32, #tpu.memory_space<vmem_shared>>
        %dma_wait3A_117 = arith.constant 9984 : i32
        %dma_wait3A_118 = arith.constant 0 : i32
        %dma_wait3A_119 = tpu.memref_slice %arg7[%dma_wait3A_117, %dma_wait3A_118] : memref<10008x128xf32, #tpu.memory_space<vmem_shared>> -> memref<16x128xf32, #tpu.memory_space<vmem_shared>>
        %dma_wait3A_120 = arith.constant 0 : i32
        %dma_wait3A_121 = arith.constant 0 : i32
        %dma_wait3A_122 = tpu.memref_slice %arg14[%dma_wait3A_120, %dma_wait3A_121] : memref<208x128xf32, #tpu.memory_space<vmem>> -> memref<16x128xf32, #tpu.memory_space<vmem>>
        tpu.wait_dma2 semaphore(%run_scoped3A : memref<!tpu.dma_semaphore, #tpu.memory_space<semaphore_mem>>) src(%dma_wait3A_122 : memref<16x128xf32, #tpu.memory_space<vmem>>) dst(%dma_wait3A_119 : memref<16x128xf32, #tpu.memory_space<vmem_shared>>)
        tpu.yield
      }) : () -> ()
    } else {
    }
    %barrier3A = arith.constant 0 : index
    tpu.barrier barrier_id(%barrier3A)
    %mul3A_16 = arith.constant 160000 : i32
    %mul3A_17 = arith.muli %add3A_1, %mul3A_16 : i32
    %mul3A_18 = arith.constant 10000 : i32
    %mul3A_19 = arith.muli %arg1, %mul3A_18 : i32
    %add3A_20 = arith.addi %mul3A_17, %mul3A_19 : i32
    %scan3A = arith.constant 0 : i32
    %scan3A_21 = arith.constant 0 : i32
    %scan3A_22 = arith.constant 78 : i32
    %scan3A_23 = arith.addi %scan3A_21, %scan3A_22 : i32
    %scan3A_24 = arith.constant 1 : i32
    scf.for %scan3A_99 = %scan3A_21 to %scan3A_23 step %scan3A_24  : i32 {
      %mul3A_100 = arith.constant 128 : i32
      %mul3A_101 = arith.muli %scan3A_99, %mul3A_100 : i32
      %add3A_102 = arith.addi %add3A_20, %mul3A_101 : i32
      "tpu.region"() ({
        %run_scoped3A = tpu.sem_alloc : memref<!tpu.dma_semaphore, #tpu.memory_space<semaphore_mem>>
        %dma_start3A_109 = tpu.memref_slice %arg3[%add3A_102] : memref<640000xi32, #tpu.memory_space<hbm>> -> memref<128xi32, #tpu.memory_space<hbm>>
        %dma_start3A_110 = tpu.memref_slice %arg3[%add3A_102] : memref<640000xi32, #tpu.memory_space<hbm>> -> memref<128xi32, #tpu.memory_space<hbm>>
        tpu.enqueue_dma source(%dma_start3A_110 : memref<128xi32, #tpu.memory_space<hbm>>) target(%arg8 : memref<128xi32, #tpu.memory_space<vmem>>) target_semaphore(%run_scoped3A : memref<!tpu.dma_semaphore, #tpu.memory_space<semaphore_mem>>)
        %dma_wait3A_111 = tpu.memref_slice %arg3[%add3A_102] : memref<640000xi32, #tpu.memory_space<hbm>> -> memref<128xi32, #tpu.memory_space<hbm>>
        %dma_wait3A_112 = tpu.memref_slice %arg3[%add3A_102] : memref<640000xi32, #tpu.memory_space<hbm>> -> memref<128xi32, #tpu.memory_space<hbm>>
        tpu.wait_dma2 semaphore(%run_scoped3A : memref<!tpu.dma_semaphore, #tpu.memory_space<semaphore_mem>>) src(%dma_wait3A_112 : memref<128xi32, #tpu.memory_space<hbm>>) dst(%arg8 : memref<128xi32, #tpu.memory_space<vmem>>)
        tpu.yield
      }) : () -> ()
      "tpu.region"() ({
        %run_scoped3A = tpu.sem_alloc : memref<!tpu.dma_semaphore, #tpu.memory_space<semaphore_mem>>
        %dma_start3A_109 = tpu.memref_slice %arg4[%add3A_102] : memref<640000xi32, #tpu.memory_space<hbm>> -> memref<128xi32, #tpu.memory_space<hbm>>
        %dma_start3A_110 = tpu.memref_slice %arg4[%add3A_102] : memref<640000xi32, #tpu.memory_space<hbm>> -> memref<128xi32, #tpu.memory_space<hbm>>
        tpu.enqueue_dma source(%dma_start3A_110 : memref<128xi32, #tpu.memory_space<hbm>>) target(%arg9 : memref<128xi32, #tpu.memory_space<vmem>>) target_semaphore(%run_scoped3A : memref<!tpu.dma_semaphore, #tpu.memory_space<semaphore_mem>>)
        %dma_wait3A_111 = tpu.memref_slice %arg4[%add3A_102] : memref<640000xi32, #tpu.memory_space<hbm>> -> memref<128xi32, #tpu.memory_space<hbm>>
        %dma_wait3A_112 = tpu.memref_slice %arg4[%add3A_102] : memref<640000xi32, #tpu.memory_space<hbm>> -> memref<128xi32, #tpu.memory_space<hbm>>
        tpu.wait_dma2 semaphore(%run_scoped3A : memref<!tpu.dma_semaphore, #tpu.memory_space<semaphore_mem>>) src(%dma_wait3A_112 : memref<128xi32, #tpu.memory_space<hbm>>) dst(%arg9 : memref<128xi32, #tpu.memory_space<vmem>>)
        tpu.yield
      }) : () -> ()
      %dma_start3A_103 = arith.constant 0 : i32
      %dma_start3A_104 = arith.constant 0 : i32
      %dma_start3A_105 = tpu.memref_slice %arg2[%dma_start3A_103, %dma_start3A_104] : memref<40000x128xf32, #tpu.memory_space<hbm>> -> memref<40000x128xf32, #tpu.memory_space<hbm>>
      tpu.enqueue_indirect_dma source(%dma_start3A_105 : memref<40000x128xf32, #tpu.memory_space<hbm>>) target(%arg10 : memref<128x128xf32, #tpu.memory_space<vmem>>) offsets(%arg8 : memref<128xi32, #tpu.memory_space<vmem>>) semaphore(%arg15 : memref<!tpu.dma_semaphore, #tpu.memory_space<semaphore_mem>>)
      %dma_wait3A_106 = arith.constant 0 : i32
      %dma_wait3A_107 = arith.constant 0 : i32
      %dma_wait3A_108 = tpu.memref_slice %arg2[%dma_wait3A_106, %dma_wait3A_107] : memref<40000x128xf32, #tpu.memory_space<hbm>> -> memref<40000x128xf32, #tpu.memory_space<hbm>>
      tpu.wait_indirect_dma semaphore(%arg15 : memref<!tpu.dma_semaphore, #tpu.memory_space<semaphore_mem>>) src(%dma_wait3A_108 : memref<40000x128xf32, #tpu.memory_space<hbm>>) dst(%arg10 : memref<128x128xf32, #tpu.memory_space<vmem>>)
      "tpu.region"() ({
        %run_scoped3A = tpu.sem_alloc : memref<!tpu.dma_semaphore, #tpu.memory_space<semaphore_mem>>
        %dma_start3A_109 = arith.constant 0 : i32
        %dma_start3A_110 = arith.constant 0 : i32
        %dma_start3A_111 = tpu.memref_slice %arg7[%dma_start3A_109, %dma_start3A_110] : memref<10008x128xf32, #tpu.memory_space<vmem_shared>> -> memref<10008x128xf32, #tpu.memory_space<vmem_shared>>
        tpu.enqueue_indirect_dma source(%arg10 : memref<128x128xf32, #tpu.memory_space<vmem>>) target(%dma_start3A_111 : memref<10008x128xf32, #tpu.memory_space<vmem_shared>>) offsets(%arg9 : memref<128xi32, #tpu.memory_space<vmem>>) semaphore(%run_scoped3A : memref<!tpu.dma_semaphore, #tpu.memory_space<semaphore_mem>>) {add = true}
        %dma_wait3A_112 = arith.constant 0 : i32
        %dma_wait3A_113 = arith.constant 0 : i32
        %dma_wait3A_114 = tpu.memref_slice %arg7[%dma_wait3A_112, %dma_wait3A_113] : memref<10008x128xf32, #tpu.memory_space<vmem_shared>> -> memref<10008x128xf32, #tpu.memory_space<vmem_shared>>
        tpu.wait_indirect_dma semaphore(%run_scoped3A : memref<!tpu.dma_semaphore, #tpu.memory_space<semaphore_mem>>) src(%arg10 : memref<128x128xf32, #tpu.memory_space<vmem>>) dst(%dma_wait3A_114 : memref<10008x128xf32, #tpu.memory_space<vmem_shared>>)
        tpu.yield
      }) : () -> ()
    }
    %scan3A_25 = arith.constant 78 : i32
    %add3A_26 = arith.constant 9984 : i32
    %add3A_27 = arith.addi %add3A_20, %add3A_26 : i32
    "tpu.region"() ({
      %run_scoped3A = tpu.sem_alloc : memref<!tpu.dma_semaphore, #tpu.memory_space<semaphore_mem>>
      %dma_start3A_99 = tpu.memref_slice %arg3[%add3A_27] : memref<640000xi32, #tpu.memory_space<hbm>> -> memref<16xi32, #tpu.memory_space<hbm>>
      %dma_start3A_100 = tpu.memref_slice %arg3[%add3A_27] : memref<640000xi32, #tpu.memory_space<hbm>> -> memref<16xi32, #tpu.memory_space<hbm>>
      tpu.enqueue_dma source(%dma_start3A_100 : memref<16xi32, #tpu.memory_space<hbm>>) target(%arg11 : memref<16xi32, #tpu.memory_space<vmem>>) target_semaphore(%run_scoped3A : memref<!tpu.dma_semaphore, #tpu.memory_space<semaphore_mem>>)
      %dma_wait3A_101 = tpu.memref_slice %arg3[%add3A_27] : memref<640000xi32, #tpu.memory_space<hbm>> -> memref<16xi32, #tpu.memory_space<hbm>>
      %dma_wait3A_102 = tpu.memref_slice %arg3[%add3A_27] : memref<640000xi32, #tpu.memory_space<hbm>> -> memref<16xi32, #tpu.memory_space<hbm>>
      tpu.wait_dma2 semaphore(%run_scoped3A : memref<!tpu.dma_semaphore, #tpu.memory_space<semaphore_mem>>) src(%dma_wait3A_102 : memref<16xi32, #tpu.memory_space<hbm>>) dst(%arg11 : memref<16xi32, #tpu.memory_space<vmem>>)
      tpu.yield
    }) : () -> ()
    "tpu.region"() ({
      %run_scoped3A = tpu.sem_alloc : memref<!tpu.dma_semaphore, #tpu.memory_space<semaphore_mem>>
      %dma_start3A_99 = tpu.memref_slice %arg4[%add3A_27] : memref<640000xi32, #tpu.memory_space<hbm>> -> memref<16xi32, #tpu.memory_space<hbm>>
      %dma_start3A_100 = tpu.memref_slice %arg4[%add3A_27] : memref<640000xi32, #tpu.memory_space<hbm>> -> memref<16xi32, #tpu.memory_space<hbm>>
      tpu.enqueue_dma source(%dma_start3A_100 : memref<16xi32, #tpu.memory_space<hbm>>) target(%arg12 : memref<16xi32, #tpu.memory_space<vmem>>) target_semaphore(%run_scoped3A : memref<!tpu.dma_semaphore, #tpu.memory_space<semaphore_mem>>)
      %dma_wait3A_101 = tpu.memref_slice %arg4[%add3A_27] : memref<640000xi32, #tpu.memory_space<hbm>> -> memref<16xi32, #tpu.memory_space<hbm>>
      %dma_wait3A_102 = tpu.memref_slice %arg4[%add3A_27] : memref<640000xi32, #tpu.memory_space<hbm>> -> memref<16xi32, #tpu.memory_space<hbm>>
      tpu.wait_dma2 semaphore(%run_scoped3A : memref<!tpu.dma_semaphore, #tpu.memory_space<semaphore_mem>>) src(%dma_wait3A_102 : memref<16xi32, #tpu.memory_space<hbm>>) dst(%arg12 : memref<16xi32, #tpu.memory_space<vmem>>)
      tpu.yield
    }) : () -> ()
    %dma_start3A = arith.constant 0 : i32
    %dma_start3A_28 = arith.constant 0 : i32
    %dma_start3A_29 = tpu.memref_slice %arg2[%dma_start3A, %dma_start3A_28] : memref<40000x128xf32, #tpu.memory_space<hbm>> -> memref<40000x128xf32, #tpu.memory_space<hbm>>
    tpu.enqueue_indirect_dma source(%dma_start3A_29 : memref<40000x128xf32, #tpu.memory_space<hbm>>) target(%arg13 : memref<16x128xf32, #tpu.memory_space<vmem>>) offsets(%arg11 : memref<16xi32, #tpu.memory_space<vmem>>) semaphore(%arg15 : memref<!tpu.dma_semaphore, #tpu.memory_space<semaphore_mem>>)
    %dma_wait3A = arith.constant 0 : i32
    %dma_wait3A_30 = arith.constant 0 : i32
    %dma_wait3A_31 = tpu.memref_slice %arg2[%dma_wait3A, %dma_wait3A_30] : memref<40000x128xf32, #tpu.memory_space<hbm>> -> memref<40000x128xf32, #tpu.memory_space<hbm>>
    tpu.wait_indirect_dma semaphore(%arg15 : memref<!tpu.dma_semaphore, #tpu.memory_space<semaphore_mem>>) src(%dma_wait3A_31 : memref<40000x128xf32, #tpu.memory_space<hbm>>) dst(%arg13 : memref<16x128xf32, #tpu.memory_space<vmem>>)
    "tpu.region"() ({
      %run_scoped3A = tpu.sem_alloc : memref<!tpu.dma_semaphore, #tpu.memory_space<semaphore_mem>>
      %dma_start3A_99 = arith.constant 0 : i32
      %dma_start3A_100 = arith.constant 0 : i32
      %dma_start3A_101 = tpu.memref_slice %arg7[%dma_start3A_99, %dma_start3A_100] : memref<10008x128xf32, #tpu.memory_space<vmem_shared>> -> memref<10008x128xf32, #tpu.memory_space<vmem_shared>>
      tpu.enqueue_indirect_dma source(%arg13 : memref<16x128xf32, #tpu.memory_space<vmem>>) target(%dma_start3A_101 : memref<10008x128xf32, #tpu.memory_space<vmem_shared>>) offsets(%arg12 : memref<16xi32, #tpu.memory_space<vmem>>) semaphore(%run_scoped3A : memref<!tpu.dma_semaphore, #tpu.memory_space<semaphore_mem>>) {add = true}
      %dma_wait3A_102 = arith.constant 0 : i32
      %dma_wait3A_103 = arith.constant 0 : i32
      %dma_wait3A_104 = tpu.memref_slice %arg7[%dma_wait3A_102, %dma_wait3A_103] : memref<10008x128xf32, #tpu.memory_space<vmem_shared>> -> memref<10008x128xf32, #tpu.memory_space<vmem_shared>>
      tpu.wait_indirect_dma semaphore(%run_scoped3A : memref<!tpu.dma_semaphore, #tpu.memory_space<semaphore_mem>>) src(%arg13 : memref<16x128xf32, #tpu.memory_space<vmem>>) dst(%dma_wait3A_104 : memref<10008x128xf32, #tpu.memory_space<vmem_shared>>)
      tpu.yield
    }) : () -> ()
    %barrier3A_32 = arith.constant 0 : index
    tpu.barrier barrier_id(%barrier3A_32)
    %mul3A_33 = arith.constant 624 : i32
    %mul3A_34 = arith.muli %arg1, %mul3A_33 : i32
    %mul3A_35 = arith.constant 10000 : i32
    %mul3A_36 = arith.muli %add3A_1, %mul3A_35 : i32
    %mul3A_37 = arith.constant 624 : i32
    %mul3A_38 = arith.muli %arg1, %mul3A_37 : i32
    %add3A_39 = arith.addi %mul3A_36, %mul3A_38 : i32
    "tpu.region"() ({
      %run_scoped3A = tpu.sem_alloc : memref<!tpu.dma_semaphore, #tpu.memory_space<semaphore_mem>>
      %dma_start3A_99 = arith.constant 0 : i32
      %dma_start3A_100 = tpu.memref_slice %arg6[%add3A_39, %dma_start3A_99] : memref<40000x128xf32, #tpu.memory_space<hbm>> -> memref<624x128xf32, #tpu.memory_space<hbm>>
      %dma_start3A_101 = arith.constant 0 : i32
      %dma_start3A_102 = tpu.memref_slice %arg7[%mul3A_34, %dma_start3A_101] : memref<10008x128xf32, #tpu.memory_space<vmem_shared>> -> memref<624x128xf32, #tpu.memory_space<vmem_shared>>
      tpu.enqueue_dma source(%dma_start3A_102 : memref<624x128xf32, #tpu.memory_space<vmem_shared>>) target(%dma_start3A_100 : memref<624x128xf32, #tpu.memory_space<hbm>>) target_semaphore(%run_scoped3A : memref<!tpu.dma_semaphore, #tpu.memory_space<semaphore_mem>>)
      %dma_wait3A_103 = arith.constant 0 : i32
      %dma_wait3A_104 = tpu.memref_slice %arg6[%add3A_39, %dma_wait3A_103] : memref<40000x128xf32, #tpu.memory_space<hbm>> -> memref<624x128xf32, #tpu.memory_space<hbm>>
      %dma_wait3A_105 = arith.constant 0 : i32
      %dma_wait3A_106 = tpu.memref_slice %arg7[%mul3A_34, %dma_wait3A_105] : memref<10008x128xf32, #tpu.memory_space<vmem_shared>> -> memref<624x128xf32, #tpu.memory_space<vmem_shared>>
      tpu.wait_dma2 semaphore(%run_scoped3A : memref<!tpu.dma_semaphore, #tpu.memory_space<semaphore_mem>>) src(%dma_wait3A_106 : memref<624x128xf32, #tpu.memory_space<vmem_shared>>) dst(%dma_wait3A_104 : memref<624x128xf32, #tpu.memory_space<hbm>>)
      tpu.yield
    }) : () -> ()
    %eq3A_40 = arith.constant 15 : i32
    %eq3A_41 = arith.cmpi eq, %arg1, %eq3A_40 : i32
    %convert_element_type3A_42 = arith.extui %eq3A_41 : i1 to i32
    %cond3A_43 = arith.constant 0 : i32
    %cond3A_44 = arith.cmpi ne, %convert_element_type3A_42, %cond3A_43 : i32
    scf.if %cond3A_44 {
      %mul3A_99 = arith.constant 10000 : i32
      %mul3A_100 = arith.muli %add3A_1, %mul3A_99 : i32
      %add3A_101 = arith.constant 9984 : i32
      %add3A_102 = arith.addi %mul3A_100, %add3A_101 : i32
      "tpu.region"() ({
        %run_scoped3A = tpu.sem_alloc : memref<!tpu.dma_semaphore, #tpu.memory_space<semaphore_mem>>
        %dma_start3A_103 = arith.constant 0 : i32
        %dma_start3A_104 = tpu.memref_slice %arg6[%add3A_102, %dma_start3A_103] : memref<40000x128xf32, #tpu.memory_space<hbm>> -> memref<16x128xf32, #tpu.memory_space<hbm>>
        %dma_start3A_105 = arith.constant 9984 : i32
        %dma_start3A_106 = arith.constant 0 : i32
        %dma_start3A_107 = tpu.memref_slice %arg7[%dma_start3A_105, %dma_start3A_106] : memref<10008x128xf32, #tpu.memory_space<vmem_shared>> -> memref<16x128xf32, #tpu.memory_space<vmem_shared>>
        tpu.enqueue_dma source(%dma_start3A_107 : memref<16x128xf32, #tpu.memory_space<vmem_shared>>) target(%dma_start3A_104 : memref<16x128xf32, #tpu.memory_space<hbm>>) target_semaphore(%run_scoped3A : memref<!tpu.dma_semaphore, #tpu.memory_space<semaphore_mem>>)
        %dma_wait3A_108 = arith.constant 0 : i32
        %dma_wait3A_109 = tpu.memref_slice %arg6[%add3A_102, %dma_wait3A_108] : memref<40000x128xf32, #tpu.memory_space<hbm>> -> memref<16x128xf32, #tpu.memory_space<hbm>>
        %dma_wait3A_110 = arith.constant 9984 : i32
        %dma_wait3A_111 = arith.constant 0 : i32
        %dma_wait3A_112 = tpu.memref_slice %arg7[%dma_wait3A_110, %dma_wait3A_111] : memref<10008x128xf32, #tpu.memory_space<vmem_shared>> -> memref<16x128xf32, #tpu.memory_space<vmem_shared>>
        tpu.wait_dma2 semaphore(%run_scoped3A : memref<!tpu.dma_semaphore, #tpu.memory_space<semaphore_mem>>) src(%dma_wait3A_112 : memref<16x128xf32, #tpu.memory_space<vmem_shared>>) dst(%dma_wait3A_109 : memref<16x128xf32, #tpu.memory_space<hbm>>)
        tpu.yield
      }) : () -> ()
    } else {
    }
    %mul3A_45 = arith.constant 2 : i32
    %mul3A_46 = arith.muli %arg0, %mul3A_45 : i32
    %add3A_47 = arith.constant 1 : i32
    %add3A_48 = arith.addi %mul3A_46, %add3A_47 : i32
    %mul3A_49 = arith.constant 624 : i32
    %mul3A_50 = arith.muli %arg1, %mul3A_49 : i32
    %add3A_51 = arith.constant 0 : i32
    %add3A_52 = arith.addi %mul3A_50, %add3A_51 : i32
    "tpu.region"() ({
      %run_scoped3A = tpu.sem_alloc : memref<!tpu.dma_semaphore, #tpu.memory_space<semaphore_mem>>
      %dma_start3A_99 = arith.constant 0 : i32
      %dma_start3A_100 = tpu.memref_slice %arg7[%add3A_52, %dma_start3A_99] : memref<10008x128xf32, #tpu.memory_space<vmem_shared>> -> memref<208x128xf32, #tpu.memory_space<vmem_shared>>
      %dma_start3A_101 = arith.constant 0 : i32
      %dma_start3A_102 = tpu.memref_slice %arg7[%add3A_52, %dma_start3A_101] : memref<10008x128xf32, #tpu.memory_space<vmem_shared>> -> memref<208x128xf32, #tpu.memory_space<vmem_shared>>
      tpu.enqueue_dma source(%arg14 : memref<208x128xf32, #tpu.memory_space<vmem>>) target(%dma_start3A_102 : memref<208x128xf32, #tpu.memory_space<vmem_shared>>) target_semaphore(%run_scoped3A : memref<!tpu.dma_semaphore, #tpu.memory_space<semaphore_mem>>)
      %dma_wait3A_103 = arith.constant 0 : i32
      %dma_wait3A_104 = tpu.memref_slice %arg7[%add3A_52, %dma_wait3A_103] : memref<10008x128xf32, #tpu.memory_space<vmem_shared>> -> memref<208x128xf32, #tpu.memory_space<vmem_shared>>
      %dma_wait3A_105 = arith.constant 0 : i32
      %dma_wait3A_106 = tpu.memref_slice %arg7[%add3A_52, %dma_wait3A_105] : memref<10008x128xf32, #tpu.memory_space<vmem_shared>> -> memref<208x128xf32, #tpu.memory_space<vmem_shared>>
      tpu.wait_dma2 semaphore(%run_scoped3A : memref<!tpu.dma_semaphore, #tpu.memory_space<semaphore_mem>>) src(%arg14 : memref<208x128xf32, #tpu.memory_space<vmem>>) dst(%dma_wait3A_106 : memref<208x128xf32, #tpu.memory_space<vmem_shared>>)
      tpu.yield
    }) : () -> ()
    %mul3A_53 = arith.constant 624 : i32
    %mul3A_54 = arith.muli %arg1, %mul3A_53 : i32
    %add3A_55 = arith.constant 208 : i32
    %add3A_56 = arith.addi %mul3A_54, %add3A_55 : i32
    "tpu.region"() ({
      %run_scoped3A = tpu.sem_alloc : memref<!tpu.dma_semaphore, #tpu.memory_space<semaphore_mem>>
      %dma_start3A_99 = arith.constant 0 : i32
      %dma_start3A_100 = tpu.memref_slice %arg7[%add3A_56, %dma_start3A_99] : memref<10008x128xf32, #tpu.memory_space<vmem_shared>> -> memref<208x128xf32, #tpu.memory_space<vmem_shared>>
      %dma_start3A_101 = arith.constant 0 : i32
      %dma_start3A_102 = tpu.memref_slice %arg7[%add3A_56, %dma_start3A_101] : memref<10008x128xf32, #tpu.memory_space<vmem_shared>> -> memref<208x128xf32, #tpu.memory_space<vmem_shared>>
      tpu.enqueue_dma source(%arg14 : memref<208x128xf32, #tpu.memory_space<vmem>>) target(%dma_start3A_102 : memref<208x128xf32, #tpu.memory_space<vmem_shared>>) target_semaphore(%run_scoped3A : memref<!tpu.dma_semaphore, #tpu.memory_space<semaphore_mem>>)
      %dma_wait3A_103 = arith.constant 0 : i32
      %dma_wait3A_104 = tpu.memref_slice %arg7[%add3A_56, %dma_wait3A_103] : memref<10008x128xf32, #tpu.memory_space<vmem_shared>> -> memref<208x128xf32, #tpu.memory_space<vmem_shared>>
      %dma_wait3A_105 = arith.constant 0 : i32
      %dma_wait3A_106 = tpu.memref_slice %arg7[%add3A_56, %dma_wait3A_105] : memref<10008x128xf32, #tpu.memory_space<vmem_shared>> -> memref<208x128xf32, #tpu.memory_space<vmem_shared>>
      tpu.wait_dma2 semaphore(%run_scoped3A : memref<!tpu.dma_semaphore, #tpu.memory_space<semaphore_mem>>) src(%arg14 : memref<208x128xf32, #tpu.memory_space<vmem>>) dst(%dma_wait3A_106 : memref<208x128xf32, #tpu.memory_space<vmem_shared>>)
      tpu.yield
    }) : () -> ()
    %mul3A_57 = arith.constant 624 : i32
    %mul3A_58 = arith.muli %arg1, %mul3A_57 : i32
    %add3A_59 = arith.constant 416 : i32
    %add3A_60 = arith.addi %mul3A_58, %add3A_59 : i32
    "tpu.region"() ({
      %run_scoped3A = tpu.sem_alloc : memref<!tpu.dma_semaphore, #tpu.memory_space<semaphore_mem>>
      %dma_start3A_99 = arith.constant 0 : i32
      %dma_start3A_100 = tpu.memref_slice %arg7[%add3A_60, %dma_start3A_99] : memref<10008x128xf32, #tpu.memory_space<vmem_shared>> -> memref<208x128xf32, #tpu.memory_space<vmem_shared>>
      %dma_start3A_101 = arith.constant 0 : i32
      %dma_start3A_102 = tpu.memref_slice %arg7[%add3A_60, %dma_start3A_101] : memref<10008x128xf32, #tpu.memory_space<vmem_shared>> -> memref<208x128xf32, #tpu.memory_space<vmem_shared>>
      tpu.enqueue_dma source(%arg14 : memref<208x128xf32, #tpu.memory_space<vmem>>) target(%dma_start3A_102 : memref<208x128xf32, #tpu.memory_space<vmem_shared>>) target_semaphore(%run_scoped3A : memref<!tpu.dma_semaphore, #tpu.memory_space<semaphore_mem>>)
      %dma_wait3A_103 = arith.constant 0 : i32
      %dma_wait3A_104 = tpu.memref_slice %arg7[%add3A_60, %dma_wait3A_103] : memref<10008x128xf32, #tpu.memory_space<vmem_shared>> -> memref<208x128xf32, #tpu.memory_space<vmem_shared>>
      %dma_wait3A_105 = arith.constant 0 : i32
      %dma_wait3A_106 = tpu.memref_slice %arg7[%add3A_60, %dma_wait3A_105] : memref<10008x128xf32, #tpu.memory_space<vmem_shared>> -> memref<208x128xf32, #tpu.memory_space<vmem_shared>>
      tpu.wait_dma2 semaphore(%run_scoped3A : memref<!tpu.dma_semaphore, #tpu.memory_space<semaphore_mem>>) src(%arg14 : memref<208x128xf32, #tpu.memory_space<vmem>>) dst(%dma_wait3A_106 : memref<208x128xf32, #tpu.memory_space<vmem_shared>>)
      tpu.yield
    }) : () -> ()
    %eq3A_61 = arith.constant 15 : i32
    %eq3A_62 = arith.cmpi eq, %arg1, %eq3A_61 : i32
    %convert_element_type3A_63 = arith.extui %eq3A_62 : i1 to i32
    %cond3A_64 = arith.constant 0 : i32
    %cond3A_65 = arith.cmpi ne, %convert_element_type3A_63, %cond3A_64 : i32
    scf.if %cond3A_65 {
      "tpu.region"() ({
        %run_scoped3A = tpu.sem_alloc : memref<!tpu.dma_semaphore, #tpu.memory_space<semaphore_mem>>
        %dma_start3A_99 = arith.constant 0 : i32
        %dma_start3A_100 = arith.constant 0 : i32
        %dma_start3A_101 = tpu.memref_slice %arg14[%dma_start3A_99, %dma_start3A_100] : memref<208x128xf32, #tpu.memory_space<vmem>> -> memref<16x128xf32, #tpu.memory_space<vmem>>
        %dma_start3A_102 = arith.constant 9984 : i32
        %dma_start3A_103 = arith.constant 0 : i32
        %dma_start3A_104 = tpu.memref_slice %arg7[%dma_start3A_102, %dma_start3A_103] : memref<10008x128xf32, #tpu.memory_space<vmem_shared>> -> memref<16x128xf32, #tpu.memory_space<vmem_shared>>
        %dma_start3A_105 = arith.constant 9984 : i32
        %dma_start3A_106 = arith.constant 0 : i32
        %dma_start3A_107 = tpu.memref_slice %arg7[%dma_start3A_105, %dma_start3A_106] : memref<10008x128xf32, #tpu.memory_space<vmem_shared>> -> memref<16x128xf32, #tpu.memory_space<vmem_shared>>
        %dma_start3A_108 = arith.constant 0 : i32
        %dma_start3A_109 = arith.constant 0 : i32
        %dma_start3A_110 = tpu.memref_slice %arg14[%dma_start3A_108, %dma_start3A_109] : memref<208x128xf32, #tpu.memory_space<vmem>> -> memref<16x128xf32, #tpu.memory_space<vmem>>
        tpu.enqueue_dma source(%dma_start3A_110 : memref<16x128xf32, #tpu.memory_space<vmem>>) target(%dma_start3A_107 : memref<16x128xf32, #tpu.memory_space<vmem_shared>>) target_semaphore(%run_scoped3A : memref<!tpu.dma_semaphore, #tpu.memory_space<semaphore_mem>>)
        %dma_wait3A_111 = arith.constant 0 : i32
        %dma_wait3A_112 = arith.constant 0 : i32
        %dma_wait3A_113 = tpu.memref_slice %arg14[%dma_wait3A_111, %dma_wait3A_112] : memref<208x128xf32, #tpu.memory_space<vmem>> -> memref<16x128xf32, #tpu.memory_space<vmem>>
        %dma_wait3A_114 = arith.constant 9984 : i32
        %dma_wait3A_115 = arith.constant 0 : i32
        %dma_wait3A_116 = tpu.memref_slice %arg7[%dma_wait3A_114, %dma_wait3A_115] : memref<10008x128xf32, #tpu.memory_space<vmem_shared>> -> memref<16x128xf32, #tpu.memory_space<vmem_shared>>
        %dma_wait3A_117 = arith.constant 9984 : i32
        %dma_wait3A_118 = arith.constant 0 : i32
        %dma_wait3A_119 = tpu.memref_slice %arg7[%dma_wait3A_117, %dma_wait3A_118] : memref<10008x128xf32, #tpu.memory_space<vmem_shared>> -> memref<16x128xf32, #tpu.memory_space<vmem_shared>>
        %dma_wait3A_120 = arith.constant 0 : i32
        %dma_wait3A_121 = arith.constant 0 : i32
        %dma_wait3A_122 = tpu.memref_slice %arg14[%dma_wait3A_120, %dma_wait3A_121] : memref<208x128xf32, #tpu.memory_space<vmem>> -> memref<16x128xf32, #tpu.memory_space<vmem>>
        tpu.wait_dma2 semaphore(%run_scoped3A : memref<!tpu.dma_semaphore, #tpu.memory_space<semaphore_mem>>) src(%dma_wait3A_122 : memref<16x128xf32, #tpu.memory_space<vmem>>) dst(%dma_wait3A_119 : memref<16x128xf32, #tpu.memory_space<vmem_shared>>)
        tpu.yield
      }) : () -> ()
    } else {
    }
    %barrier3A_66 = arith.constant 0 : index
    tpu.barrier barrier_id(%barrier3A_66)
    %mul3A_67 = arith.constant 160000 : i32
    %mul3A_68 = arith.muli %add3A_48, %mul3A_67 : i32
    %mul3A_69 = arith.constant 10000 : i32
    %mul3A_70 = arith.muli %arg1, %mul3A_69 : i32
    %add3A_71 = arith.addi %mul3A_68, %mul3A_70 : i32
    %scan3A_72 = arith.constant 0 : i32
    %scan3A_73 = arith.constant 0 : i32
    %scan3A_74 = arith.constant 78 : i32
    %scan3A_75 = arith.addi %scan3A_73, %scan3A_74 : i32
    %scan3A_76 = arith.constant 1 : i32
    scf.for %scan3A_99 = %scan3A_73 to %scan3A_75 step %scan3A_76  : i32 {
      %mul3A_100 = arith.constant 128 : i32
      %mul3A_101 = arith.muli %scan3A_99, %mul3A_100 : i32
      %add3A_102 = arith.addi %add3A_71, %mul3A_101 : i32
      "tpu.region"() ({
        %run_scoped3A = tpu.sem_alloc : memref<!tpu.dma_semaphore, #tpu.memory_space<semaphore_mem>>
        %dma_start3A_109 = tpu.memref_slice %arg3[%add3A_102] : memref<640000xi32, #tpu.memory_space<hbm>> -> memref<128xi32, #tpu.memory_space<hbm>>
        %dma_start3A_110 = tpu.memref_slice %arg3[%add3A_102] : memref<640000xi32, #tpu.memory_space<hbm>> -> memref<128xi32, #tpu.memory_space<hbm>>
        tpu.enqueue_dma source(%dma_start3A_110 : memref<128xi32, #tpu.memory_space<hbm>>) target(%arg8 : memref<128xi32, #tpu.memory_space<vmem>>) target_semaphore(%run_scoped3A : memref<!tpu.dma_semaphore, #tpu.memory_space<semaphore_mem>>)
        %dma_wait3A_111 = tpu.memref_slice %arg3[%add3A_102] : memref<640000xi32, #tpu.memory_space<hbm>> -> memref<128xi32, #tpu.memory_space<hbm>>
        %dma_wait3A_112 = tpu.memref_slice %arg3[%add3A_102] : memref<640000xi32, #tpu.memory_space<hbm>> -> memref<128xi32, #tpu.memory_space<hbm>>
        tpu.wait_dma2 semaphore(%run_scoped3A : memref<!tpu.dma_semaphore, #tpu.memory_space<semaphore_mem>>) src(%dma_wait3A_112 : memref<128xi32, #tpu.memory_space<hbm>>) dst(%arg8 : memref<128xi32, #tpu.memory_space<vmem>>)
        tpu.yield
      }) : () -> ()
      "tpu.region"() ({
        %run_scoped3A = tpu.sem_alloc : memref<!tpu.dma_semaphore, #tpu.memory_space<semaphore_mem>>
        %dma_start3A_109 = tpu.memref_slice %arg4[%add3A_102] : memref<640000xi32, #tpu.memory_space<hbm>> -> memref<128xi32, #tpu.memory_space<hbm>>
        %dma_start3A_110 = tpu.memref_slice %arg4[%add3A_102] : memref<640000xi32, #tpu.memory_space<hbm>> -> memref<128xi32, #tpu.memory_space<hbm>>
        tpu.enqueue_dma source(%dma_start3A_110 : memref<128xi32, #tpu.memory_space<hbm>>) target(%arg9 : memref<128xi32, #tpu.memory_space<vmem>>) target_semaphore(%run_scoped3A : memref<!tpu.dma_semaphore, #tpu.memory_space<semaphore_mem>>)
        %dma_wait3A_111 = tpu.memref_slice %arg4[%add3A_102] : memref<640000xi32, #tpu.memory_space<hbm>> -> memref<128xi32, #tpu.memory_space<hbm>>
        %dma_wait3A_112 = tpu.memref_slice %arg4[%add3A_102] : memref<640000xi32, #tpu.memory_space<hbm>> -> memref<128xi32, #tpu.memory_space<hbm>>
        tpu.wait_dma2 semaphore(%run_scoped3A : memref<!tpu.dma_semaphore, #tpu.memory_space<semaphore_mem>>) src(%dma_wait3A_112 : memref<128xi32, #tpu.memory_space<hbm>>) dst(%arg9 : memref<128xi32, #tpu.memory_space<vmem>>)
        tpu.yield
      }) : () -> ()
      %dma_start3A_103 = arith.constant 0 : i32
      %dma_start3A_104 = arith.constant 0 : i32
      %dma_start3A_105 = tpu.memref_slice %arg2[%dma_start3A_103, %dma_start3A_104] : memref<40000x128xf32, #tpu.memory_space<hbm>> -> memref<40000x128xf32, #tpu.memory_space<hbm>>
      tpu.enqueue_indirect_dma source(%dma_start3A_105 : memref<40000x128xf32, #tpu.memory_space<hbm>>) target(%arg10 : memref<128x128xf32, #tpu.memory_space<vmem>>) offsets(%arg8 : memref<128xi32, #tpu.memory_space<vmem>>) semaphore(%arg15 : memref<!tpu.dma_semaphore, #tpu.memory_space<semaphore_mem>>)
      %dma_wait3A_106 = arith.constant 0 : i32
      %dma_wait3A_107 = arith.constant 0 : i32
      %dma_wait3A_108 = tpu.memref_slice %arg2[%dma_wait3A_106, %dma_wait3A_107] : memref<40000x128xf32, #tpu.memory_space<hbm>> -> memref<40000x128xf32, #tpu.memory_space<hbm>>
      tpu.wait_indirect_dma semaphore(%arg15 : memref<!tpu.dma_semaphore, #tpu.memory_space<semaphore_mem>>) src(%dma_wait3A_108 : memref<40000x128xf32, #tpu.memory_space<hbm>>) dst(%arg10 : memref<128x128xf32, #tpu.memory_space<vmem>>)
      "tpu.region"() ({
        %run_scoped3A = tpu.sem_alloc : memref<!tpu.dma_semaphore, #tpu.memory_space<semaphore_mem>>
        %dma_start3A_109 = arith.constant 0 : i32
        %dma_start3A_110 = arith.constant 0 : i32
        %dma_start3A_111 = tpu.memref_slice %arg7[%dma_start3A_109, %dma_start3A_110] : memref<10008x128xf32, #tpu.memory_space<vmem_shared>> -> memref<10008x128xf32, #tpu.memory_space<vmem_shared>>
        tpu.enqueue_indirect_dma source(%arg10 : memref<128x128xf32, #tpu.memory_space<vmem>>) target(%dma_start3A_111 : memref<10008x128xf32, #tpu.memory_space<vmem_shared>>) offsets(%arg9 : memref<128xi32, #tpu.memory_space<vmem>>) semaphore(%run_scoped3A : memref<!tpu.dma_semaphore, #tpu.memory_space<semaphore_mem>>) {add = true}
        %dma_wait3A_112 = arith.constant 0 : i32
        %dma_wait3A_113 = arith.constant 0 : i32
        %dma_wait3A_114 = tpu.memref_slice %arg7[%dma_wait3A_112, %dma_wait3A_113] : memref<10008x128xf32, #tpu.memory_space<vmem_shared>> -> memref<10008x128xf32, #tpu.memory_space<vmem_shared>>
        tpu.wait_indirect_dma semaphore(%run_scoped3A : memref<!tpu.dma_semaphore, #tpu.memory_space<semaphore_mem>>) src(%arg10 : memref<128x128xf32, #tpu.memory_space<vmem>>) dst(%dma_wait3A_114 : memref<10008x128xf32, #tpu.memory_space<vmem_shared>>)
        tpu.yield
      }) : () -> ()
    }
    %scan3A_77 = arith.constant 78 : i32
    %add3A_78 = arith.constant 9984 : i32
    %add3A_79 = arith.addi %add3A_71, %add3A_78 : i32
    "tpu.region"() ({
      %run_scoped3A = tpu.sem_alloc : memref<!tpu.dma_semaphore, #tpu.memory_space<semaphore_mem>>
      %dma_start3A_99 = tpu.memref_slice %arg3[%add3A_79] : memref<640000xi32, #tpu.memory_space<hbm>> -> memref<16xi32, #tpu.memory_space<hbm>>
      %dma_start3A_100 = tpu.memref_slice %arg3[%add3A_79] : memref<640000xi32, #tpu.memory_space<hbm>> -> memref<16xi32, #tpu.memory_space<hbm>>
      tpu.enqueue_dma source(%dma_start3A_100 : memref<16xi32, #tpu.memory_space<hbm>>) target(%arg11 : memref<16xi32, #tpu.memory_space<vmem>>) target_semaphore(%run_scoped3A : memref<!tpu.dma_semaphore, #tpu.memory_space<semaphore_mem>>)
      %dma_wait3A_101 = tpu.memref_slice %arg3[%add3A_79] : memref<640000xi32, #tpu.memory_space<hbm>> -> memref<16xi32, #tpu.memory_space<hbm>>
      %dma_wait3A_102 = tpu.memref_slice %arg3[%add3A_79] : memref<640000xi32, #tpu.memory_space<hbm>> -> memref<16xi32, #tpu.memory_space<hbm>>
      tpu.wait_dma2 semaphore(%run_scoped3A : memref<!tpu.dma_semaphore, #tpu.memory_space<semaphore_mem>>) src(%dma_wait3A_102 : memref<16xi32, #tpu.memory_space<hbm>>) dst(%arg11 : memref<16xi32, #tpu.memory_space<vmem>>)
      tpu.yield
    }) : () -> ()
    "tpu.region"() ({
      %run_scoped3A = tpu.sem_alloc : memref<!tpu.dma_semaphore, #tpu.memory_space<semaphore_mem>>
      %dma_start3A_99 = tpu.memref_slice %arg4[%add3A_79] : memref<640000xi32, #tpu.memory_space<hbm>> -> memref<16xi32, #tpu.memory_space<hbm>>
      %dma_start3A_100 = tpu.memref_slice %arg4[%add3A_79] : memref<640000xi32, #tpu.memory_space<hbm>> -> memref<16xi32, #tpu.memory_space<hbm>>
      tpu.enqueue_dma source(%dma_start3A_100 : memref<16xi32, #tpu.memory_space<hbm>>) target(%arg12 : memref<16xi32, #tpu.memory_space<vmem>>) target_semaphore(%run_scoped3A : memref<!tpu.dma_semaphore, #tpu.memory_space<semaphore_mem>>)
      %dma_wait3A_101 = tpu.memref_slice %arg4[%add3A_79] : memref<640000xi32, #tpu.memory_space<hbm>> -> memref<16xi32, #tpu.memory_space<hbm>>
      %dma_wait3A_102 = tpu.memref_slice %arg4[%add3A_79] : memref<640000xi32, #tpu.memory_space<hbm>> -> memref<16xi32, #tpu.memory_space<hbm>>
      tpu.wait_dma2 semaphore(%run_scoped3A : memref<!tpu.dma_semaphore, #tpu.memory_space<semaphore_mem>>) src(%dma_wait3A_102 : memref<16xi32, #tpu.memory_space<hbm>>) dst(%arg12 : memref<16xi32, #tpu.memory_space<vmem>>)
      tpu.yield
    }) : () -> ()
    %dma_start3A_80 = arith.constant 0 : i32
    %dma_start3A_81 = arith.constant 0 : i32
    %dma_start3A_82 = tpu.memref_slice %arg2[%dma_start3A_80, %dma_start3A_81] : memref<40000x128xf32, #tpu.memory_space<hbm>> -> memref<40000x128xf32, #tpu.memory_space<hbm>>
    tpu.enqueue_indirect_dma source(%dma_start3A_82 : memref<40000x128xf32, #tpu.memory_space<hbm>>) target(%arg13 : memref<16x128xf32, #tpu.memory_space<vmem>>) offsets(%arg11 : memref<16xi32, #tpu.memory_space<vmem>>) semaphore(%arg15 : memref<!tpu.dma_semaphore, #tpu.memory_space<semaphore_mem>>)
    %dma_wait3A_83 = arith.constant 0 : i32
    %dma_wait3A_84 = arith.constant 0 : i32
    %dma_wait3A_85 = tpu.memref_slice %arg2[%dma_wait3A_83, %dma_wait3A_84] : memref<40000x128xf32, #tpu.memory_space<hbm>> -> memref<40000x128xf32, #tpu.memory_space<hbm>>
    tpu.wait_indirect_dma semaphore(%arg15 : memref<!tpu.dma_semaphore, #tpu.memory_space<semaphore_mem>>) src(%dma_wait3A_85 : memref<40000x128xf32, #tpu.memory_space<hbm>>) dst(%arg13 : memref<16x128xf32, #tpu.memory_space<vmem>>)
    "tpu.region"() ({
      %run_scoped3A = tpu.sem_alloc : memref<!tpu.dma_semaphore, #tpu.memory_space<semaphore_mem>>
      %dma_start3A_99 = arith.constant 0 : i32
      %dma_start3A_100 = arith.constant 0 : i32
      %dma_start3A_101 = tpu.memref_slice %arg7[%dma_start3A_99, %dma_start3A_100] : memref<10008x128xf32, #tpu.memory_space<vmem_shared>> -> memref<10008x128xf32, #tpu.memory_space<vmem_shared>>
      tpu.enqueue_indirect_dma source(%arg13 : memref<16x128xf32, #tpu.memory_space<vmem>>) target(%dma_start3A_101 : memref<10008x128xf32, #tpu.memory_space<vmem_shared>>) offsets(%arg12 : memref<16xi32, #tpu.memory_space<vmem>>) semaphore(%run_scoped3A : memref<!tpu.dma_semaphore, #tpu.memory_space<semaphore_mem>>) {add = true}
      %dma_wait3A_102 = arith.constant 0 : i32
      %dma_wait3A_103 = arith.constant 0 : i32
      %dma_wait3A_104 = tpu.memref_slice %arg7[%dma_wait3A_102, %dma_wait3A_103] : memref<10008x128xf32, #tpu.memory_space<vmem_shared>> -> memref<10008x128xf32, #tpu.memory_space<vmem_shared>>
      tpu.wait_indirect_dma semaphore(%run_scoped3A : memref<!tpu.dma_semaphore, #tpu.memory_space<semaphore_mem>>) src(%arg13 : memref<16x128xf32, #tpu.memory_space<vmem>>) dst(%dma_wait3A_104 : memref<10008x128xf32, #tpu.memory_space<vmem_shared>>)
      tpu.yield
    }) : () -> ()
    %barrier3A_86 = arith.constant 0 : index
    tpu.barrier barrier_id(%barrier3A_86)
    %mul3A_87 = arith.constant 624 : i32
    %mul3A_88 = arith.muli %arg1, %mul3A_87 : i32
    %mul3A_89 = arith.constant 10000 : i32
    %mul3A_90 = arith.muli %add3A_48, %mul3A_89 : i32
    %mul3A_91 = arith.constant 624 : i32
    %mul3A_92 = arith.muli %arg1, %mul3A_91 : i32
    %add3A_93 = arith.addi %mul3A_90, %mul3A_92 : i32
    "tpu.region"() ({
      %run_scoped3A = tpu.sem_alloc : memref<!tpu.dma_semaphore, #tpu.memory_space<semaphore_mem>>
      %dma_start3A_99 = arith.constant 0 : i32
      %dma_start3A_100 = tpu.memref_slice %arg6[%add3A_93, %dma_start3A_99] : memref<40000x128xf32, #tpu.memory_space<hbm>> -> memref<624x128xf32, #tpu.memory_space<hbm>>
      %dma_start3A_101 = arith.constant 0 : i32
      %dma_start3A_102 = tpu.memref_slice %arg7[%mul3A_88, %dma_start3A_101] : memref<10008x128xf32, #tpu.memory_space<vmem_shared>> -> memref<624x128xf32, #tpu.memory_space<vmem_shared>>
      tpu.enqueue_dma source(%dma_start3A_102 : memref<624x128xf32, #tpu.memory_space<vmem_shared>>) target(%dma_start3A_100 : memref<624x128xf32, #tpu.memory_space<hbm>>) target_semaphore(%run_scoped3A : memref<!tpu.dma_semaphore, #tpu.memory_space<semaphore_mem>>)
      %dma_wait3A_103 = arith.constant 0 : i32
      %dma_wait3A_104 = tpu.memref_slice %arg6[%add3A_93, %dma_wait3A_103] : memref<40000x128xf32, #tpu.memory_space<hbm>> -> memref<624x128xf32, #tpu.memory_space<hbm>>
      %dma_wait3A_105 = arith.constant 0 : i32
      %dma_wait3A_106 = tpu.memref_slice %arg7[%mul3A_88, %dma_wait3A_105] : memref<10008x128xf32, #tpu.memory_space<vmem_shared>> -> memref<624x128xf32, #tpu.memory_space<vmem_shared>>
      tpu.wait_dma2 semaphore(%run_scoped3A : memref<!tpu.dma_semaphore, #tpu.memory_space<semaphore_mem>>) src(%dma_wait3A_106 : memref<624x128xf32, #tpu.memory_space<vmem_shared>>) dst(%dma_wait3A_104 : memref<624x128xf32, #tpu.memory_space<hbm>>)
      tpu.yield
    }) : () -> ()
    %eq3A_94 = arith.constant 15 : i32
    %eq3A_95 = arith.cmpi eq, %arg1, %eq3A_94 : i32
    %convert_element_type3A_96 = arith.extui %eq3A_95 : i1 to i32
    %cond3A_97 = arith.constant 0 : i32
    %cond3A_98 = arith.cmpi ne, %convert_element_type3A_96, %cond3A_97 : i32
    scf.if %cond3A_98 {
      %mul3A_99 = arith.constant 10000 : i32
      %mul3A_100 = arith.muli %add3A_48, %mul3A_99 : i32
      %add3A_101 = arith.constant 9984 : i32
      %add3A_102 = arith.addi %mul3A_100, %add3A_101 : i32
      "tpu.region"() ({
        %run_scoped3A = tpu.sem_alloc : memref<!tpu.dma_semaphore, #tpu.memory_space<semaphore_mem>>
        %dma_start3A_103 = arith.constant 0 : i32
        %dma_start3A_104 = tpu.memref_slice %arg6[%add3A_102, %dma_start3A_103] : memref<40000x128xf32, #tpu.memory_space<hbm>> -> memref<16x128xf32, #tpu.memory_space<hbm>>
        %dma_start3A_105 = arith.constant 9984 : i32
        %dma_start3A_106 = arith.constant 0 : i32
        %dma_start3A_107 = tpu.memref_slice %arg7[%dma_start3A_105, %dma_start3A_106] : memref<10008x128xf32, #tpu.memory_space<vmem_shared>> -> memref<16x128xf32, #tpu.memory_space<vmem_shared>>
        tpu.enqueue_dma source(%dma_start3A_107 : memref<16x128xf32, #tpu.memory_space<vmem_shared>>) target(%dma_start3A_104 : memref<16x128xf32, #tpu.memory_space<hbm>>) target_semaphore(%run_scoped3A : memref<!tpu.dma_semaphore, #tpu.memory_space<semaphore_mem>>)
        %dma_wait3A_108 = arith.constant 0 : i32
        %dma_wait3A_109 = tpu.memref_slice %arg6[%add3A_102, %dma_wait3A_108] : memref<40000x128xf32, #tpu.memory_space<hbm>> -> memref<16x128xf32, #tpu.memory_space<hbm>>
        %dma_wait3A_110 = arith.constant 9984 : i32
        %dma_wait3A_111 = arith.constant 0 : i32
        %dma_wait3A_112 = tpu.memref_slice %arg7[%dma_wait3A_110, %dma_wait3A_111] : memref<10008x128xf32, #tpu.memory_space<vmem_shared>> -> memref<16x128xf32, #tpu.memory_space<vmem_shared>>
        tpu.wait_dma2 semaphore(%run_scoped3A : memref<!tpu.dma_semaphore, #tpu.memory_space<semaphore_mem>>) src(%dma_wait3A_112 : memref<16x128xf32, #tpu.memory_space<vmem_shared>>) dst(%dma_wait3A_109 : memref<16x128xf32, #tpu.memory_space<hbm>>)
        tpu.yield
      }) : () -> ()
    } else {
    }
    return
  }
}

#map = affine_map<(d0, d1) -> (0, 0)>
#map1 = affine_map<(d0, d1) -> (0)>
module attributes {stable_mosaic.version = 14 : i64} {
  func.func @sc_seg(%arg0: i32, %arg1: i32, %arg2: memref<40000x128xf32, #tpu.memory_space<hbm>>, %arg3: memref<640000xi32, #tpu.memory_space<hbm>>, %arg4: memref<640000xi32, #tpu.memory_space<hbm>>, %arg5: memref<208x128xf32, #tpu.memory_space<hbm>>, %arg6: memref<40000x128xf32, #tpu.memory_space<hbm>>, %arg7: memref<10008x128xf32, #tpu.memory_space<vmem_shared>>, %arg8: memref<128xi32, #tpu.memory_space<vmem>>, %arg9: memref<128xi32, #tpu.memory_space<vmem>>, %arg10: memref<128x128xf32, #tpu.memory_space<vmem>>, %arg11: memref<16xi32, #tpu.memory_space<vmem>>, %arg12: memref<16xi32, #tpu.memory_space<vmem>>, %arg13: memref<16x128xf32, #tpu.memory_space<vmem>>, %arg14: memref<208x128xf32, #tpu.memory_space<vmem>>, %arg15: memref<!tpu.dma_semaphore, #tpu.memory_space<semaphore_mem>>) attributes {dimension_semantics = [#tpu.dimension_semantics<core_parallel>, #tpu.dimension_semantics<subcore_parallel>], iteration_bounds = array<i64: 2, 16>, scalar_prefetch = 0 : i64, scratch_operands = 9 : i64, tpu.core_type = #tpu.core_type<sc_vector_subcore>, window_params = [{transform_indices = #map}, {transform_indices = #map1}, {transform_indices = #map1}, {transform_indices = #map}, {transform_indices = #map}]} {
    "tpu.region"() ({
      %run_scoped3A = tpu.sem_alloc : memref<!tpu.dma_semaphore, #tpu.memory_space<semaphore_mem>>
      tpu.enqueue_dma source(%arg5 : memref<208x128xf32, #tpu.memory_space<hbm>>) target(%arg14 : memref<208x128xf32, #tpu.memory_space<vmem>>) target_semaphore(%run_scoped3A : memref<!tpu.dma_semaphore, #tpu.memory_space<semaphore_mem>>)
      tpu.wait_dma2 semaphore(%run_scoped3A : memref<!tpu.dma_semaphore, #tpu.memory_space<semaphore_mem>>) src(%arg5 : memref<208x128xf32, #tpu.memory_space<hbm>>) dst(%arg14 : memref<208x128xf32, #tpu.memory_space<vmem>>)
      tpu.yield
    }) : () -> ()
    %mul3A = arith.constant 2 : i32
    %mul3A_0 = arith.muli %arg0, %mul3A : i32
    %add3A = arith.constant 0 : i32
    %add3A_1 = arith.addi %mul3A_0, %add3A : i32
    %mul3A_2 = arith.constant 624 : i32
    %mul3A_3 = arith.muli %arg1, %mul3A_2 : i32
    %add3A_4 = arith.constant 0 : i32
    %add3A_5 = arith.addi %mul3A_3, %add3A_4 : i32
    "tpu.region"() ({
      %run_scoped3A = tpu.sem_alloc : memref<!tpu.dma_semaphore, #tpu.memory_space<semaphore_mem>>
      %dma_start3A_99 = arith.constant 0 : i32
      %dma_start3A_100 = tpu.memref_slice %arg7[%add3A_5, %dma_start3A_99] : memref<10008x128xf32, #tpu.memory_space<vmem_shared>> -> memref<208x128xf32, #tpu.memory_space<vmem_shared>>
      %dma_start3A_101 = arith.constant 0 : i32
      %dma_start3A_102 = tpu.memref_slice %arg7[%add3A_5, %dma_start3A_101] : memref<10008x128xf32, #tpu.memory_space<vmem_shared>> -> memref<208x128xf32, #tpu.memory_space<vmem_shared>>
      tpu.enqueue_dma source(%arg14 : memref<208x128xf32, #tpu.memory_space<vmem>>) target(%dma_start3A_102 : memref<208x128xf32, #tpu.memory_space<vmem_shared>>) target_semaphore(%run_scoped3A : memref<!tpu.dma_semaphore, #tpu.memory_space<semaphore_mem>>)
      %dma_wait3A_103 = arith.constant 0 : i32
      %dma_wait3A_104 = tpu.memref_slice %arg7[%add3A_5, %dma_wait3A_103] : memref<10008x128xf32, #tpu.memory_space<vmem_shared>> -> memref<208x128xf32, #tpu.memory_space<vmem_shared>>
      %dma_wait3A_105 = arith.constant 0 : i32
      %dma_wait3A_106 = tpu.memref_slice %arg7[%add3A_5, %dma_wait3A_105] : memref<10008x128xf32, #tpu.memory_space<vmem_shared>> -> memref<208x128xf32, #tpu.memory_space<vmem_shared>>
      tpu.wait_dma2 semaphore(%run_scoped3A : memref<!tpu.dma_semaphore, #tpu.memory_space<semaphore_mem>>) src(%arg14 : memref<208x128xf32, #tpu.memory_space<vmem>>) dst(%dma_wait3A_106 : memref<208x128xf32, #tpu.memory_space<vmem_shared>>)
      tpu.yield
    }) : () -> ()
    %mul3A_6 = arith.constant 624 : i32
    %mul3A_7 = arith.muli %arg1, %mul3A_6 : i32
    %add3A_8 = arith.constant 208 : i32
    %add3A_9 = arith.addi %mul3A_7, %add3A_8 : i32
    "tpu.region"() ({
      %run_scoped3A = tpu.sem_alloc : memref<!tpu.dma_semaphore, #tpu.memory_space<semaphore_mem>>
      %dma_start3A_99 = arith.constant 0 : i32
      %dma_start3A_100 = tpu.memref_slice %arg7[%add3A_9, %dma_start3A_99] : memref<10008x128xf32, #tpu.memory_space<vmem_shared>> -> memref<208x128xf32, #tpu.memory_space<vmem_shared>>
      %dma_start3A_101 = arith.constant 0 : i32
      %dma_start3A_102 = tpu.memref_slice %arg7[%add3A_9, %dma_start3A_101] : memref<10008x128xf32, #tpu.memory_space<vmem_shared>> -> memref<208x128xf32, #tpu.memory_space<vmem_shared>>
      tpu.enqueue_dma source(%arg14 : memref<208x128xf32, #tpu.memory_space<vmem>>) target(%dma_start3A_102 : memref<208x128xf32, #tpu.memory_space<vmem_shared>>) target_semaphore(%run_scoped3A : memref<!tpu.dma_semaphore, #tpu.memory_space<semaphore_mem>>)
      %dma_wait3A_103 = arith.constant 0 : i32
      %dma_wait3A_104 = tpu.memref_slice %arg7[%add3A_9, %dma_wait3A_103] : memref<10008x128xf32, #tpu.memory_space<vmem_shared>> -> memref<208x128xf32, #tpu.memory_space<vmem_shared>>
      %dma_wait3A_105 = arith.constant 0 : i32
      %dma_wait3A_106 = tpu.memref_slice %arg7[%add3A_9, %dma_wait3A_105] : memref<10008x128xf32, #tpu.memory_space<vmem_shared>> -> memref<208x128xf32, #tpu.memory_space<vmem_shared>>
      tpu.wait_dma2 semaphore(%run_scoped3A : memref<!tpu.dma_semaphore, #tpu.memory_space<semaphore_mem>>) src(%arg14 : memref<208x128xf32, #tpu.memory_space<vmem>>) dst(%dma_wait3A_106 : memref<208x128xf32, #tpu.memory_space<vmem_shared>>)
      tpu.yield
    }) : () -> ()
    %mul3A_10 = arith.constant 624 : i32
    %mul3A_11 = arith.muli %arg1, %mul3A_10 : i32
    %add3A_12 = arith.constant 416 : i32
    %add3A_13 = arith.addi %mul3A_11, %add3A_12 : i32
    "tpu.region"() ({
      %run_scoped3A = tpu.sem_alloc : memref<!tpu.dma_semaphore, #tpu.memory_space<semaphore_mem>>
      %dma_start3A_99 = arith.constant 0 : i32
      %dma_start3A_100 = tpu.memref_slice %arg7[%add3A_13, %dma_start3A_99] : memref<10008x128xf32, #tpu.memory_space<vmem_shared>> -> memref<208x128xf32, #tpu.memory_space<vmem_shared>>
      %dma_start3A_101 = arith.constant 0 : i32
      %dma_start3A_102 = tpu.memref_slice %arg7[%add3A_13, %dma_start3A_101] : memref<10008x128xf32, #tpu.memory_space<vmem_shared>> -> memref<208x128xf32, #tpu.memory_space<vmem_shared>>
      tpu.enqueue_dma source(%arg14 : memref<208x128xf32, #tpu.memory_space<vmem>>) target(%dma_start3A_102 : memref<208x128xf32, #tpu.memory_space<vmem_shared>>) target_semaphore(%run_scoped3A : memref<!tpu.dma_semaphore, #tpu.memory_space<semaphore_mem>>)
      %dma_wait3A_103 = arith.constant 0 : i32
      %dma_wait3A_104 = tpu.memref_slice %arg7[%add3A_13, %dma_wait3A_103] : memref<10008x128xf32, #tpu.memory_space<vmem_shared>> -> memref<208x128xf32, #tpu.memory_space<vmem_shared>>
      %dma_wait3A_105 = arith.constant 0 : i32
      %dma_wait3A_106 = tpu.memref_slice %arg7[%add3A_13, %dma_wait3A_105] : memref<10008x128xf32, #tpu.memory_space<vmem_shared>> -> memref<208x128xf32, #tpu.memory_space<vmem_shared>>
      tpu.wait_dma2 semaphore(%run_scoped3A : memref<!tpu.dma_semaphore, #tpu.memory_space<semaphore_mem>>) src(%arg14 : memref<208x128xf32, #tpu.memory_space<vmem>>) dst(%dma_wait3A_106 : memref<208x128xf32, #tpu.memory_space<vmem_shared>>)
      tpu.yield
    }) : () -> ()
    %eq3A = arith.constant 15 : i32
    %eq3A_14 = arith.cmpi eq, %arg1, %eq3A : i32
    %convert_element_type3A = arith.extui %eq3A_14 : i1 to i32
    %cond3A = arith.constant 0 : i32
    %cond3A_15 = arith.cmpi ne, %convert_element_type3A, %cond3A : i32
    scf.if %cond3A_15 {
      "tpu.region"() ({
        %run_scoped3A = tpu.sem_alloc : memref<!tpu.dma_semaphore, #tpu.memory_space<semaphore_mem>>
        %dma_start3A_99 = arith.constant 0 : i32
        %dma_start3A_100 = arith.constant 0 : i32
        %dma_start3A_101 = tpu.memref_slice %arg14[%dma_start3A_99, %dma_start3A_100] : memref<208x128xf32, #tpu.memory_space<vmem>> -> memref<16x128xf32, #tpu.memory_space<vmem>>
        %dma_start3A_102 = arith.constant 9984 : i32
        %dma_start3A_103 = arith.constant 0 : i32
        %dma_start3A_104 = tpu.memref_slice %arg7[%dma_start3A_102, %dma_start3A_103] : memref<10008x128xf32, #tpu.memory_space<vmem_shared>> -> memref<16x128xf32, #tpu.memory_space<vmem_shared>>
        %dma_start3A_105 = arith.constant 9984 : i32
        %dma_start3A_106 = arith.constant 0 : i32
        %dma_start3A_107 = tpu.memref_slice %arg7[%dma_start3A_105, %dma_start3A_106] : memref<10008x128xf32, #tpu.memory_space<vmem_shared>> -> memref<16x128xf32, #tpu.memory_space<vmem_shared>>
        %dma_start3A_108 = arith.constant 0 : i32
        %dma_start3A_109 = arith.constant 0 : i32
        %dma_start3A_110 = tpu.memref_slice %arg14[%dma_start3A_108, %dma_start3A_109] : memref<208x128xf32, #tpu.memory_space<vmem>> -> memref<16x128xf32, #tpu.memory_space<vmem>>
        tpu.enqueue_dma source(%dma_start3A_110 : memref<16x128xf32, #tpu.memory_space<vmem>>) target(%dma_start3A_107 : memref<16x128xf32, #tpu.memory_space<vmem_shared>>) target_semaphore(%run_scoped3A : memref<!tpu.dma_semaphore, #tpu.memory_space<semaphore_mem>>)
        %dma_wait3A_111 = arith.constant 0 : i32
        %dma_wait3A_112 = arith.constant 0 : i32
        %dma_wait3A_113 = tpu.memref_slice %arg14[%dma_wait3A_111, %dma_wait3A_112] : memref<208x128xf32, #tpu.memory_space<vmem>> -> memref<16x128xf32, #tpu.memory_space<vmem>>
        %dma_wait3A_114 = arith.constant 9984 : i32
        %dma_wait3A_115 = arith.constant 0 : i32
        %dma_wait3A_116 = tpu.memref_slice %arg7[%dma_wait3A_114, %dma_wait3A_115] : memref<10008x128xf32, #tpu.memory_space<vmem_shared>> -> memref<16x128xf32, #tpu.memory_space<vmem_shared>>
        %dma_wait3A_117 = arith.constant 9984 : i32
        %dma_wait3A_118 = arith.constant 0 : i32
        %dma_wait3A_119 = tpu.memref_slice %arg7[%dma_wait3A_117, %dma_wait3A_118] : memref<10008x128xf32, #tpu.memory_space<vmem_shared>> -> memref<16x128xf32, #tpu.memory_space<vmem_shared>>
        %dma_wait3A_120 = arith.constant 0 : i32
        %dma_wait3A_121 = arith.constant 0 : i32
        %dma_wait3A_122 = tpu.memref_slice %arg14[%dma_wait3A_120, %dma_wait3A_121] : memref<208x128xf32, #tpu.memory_space<vmem>> -> memref<16x128xf32, #tpu.memory_space<vmem>>
        tpu.wait_dma2 semaphore(%run_scoped3A : memref<!tpu.dma_semaphore, #tpu.memory_space<semaphore_mem>>) src(%dma_wait3A_122 : memref<16x128xf32, #tpu.memory_space<vmem>>) dst(%dma_wait3A_119 : memref<16x128xf32, #tpu.memory_space<vmem_shared>>)
        tpu.yield
      }) : () -> ()
    } else {
    }
    %barrier3A = arith.constant 0 : index
    tpu.barrier barrier_id(%barrier3A)
    %mul3A_16 = arith.constant 160000 : i32
    %mul3A_17 = arith.muli %add3A_1, %mul3A_16 : i32
    %mul3A_18 = arith.constant 10000 : i32
    %mul3A_19 = arith.muli %arg1, %mul3A_18 : i32
    %add3A_20 = arith.addi %mul3A_17, %mul3A_19 : i32
    %scan3A = arith.constant 0 : i32
    %scan3A_21 = arith.constant 0 : i32
    %scan3A_22 = arith.constant 78 : i32
    %scan3A_23 = arith.addi %scan3A_21, %scan3A_22 : i32
    %scan3A_24 = arith.constant 1 : i32
    scf.for %scan3A_99 = %scan3A_21 to %scan3A_23 step %scan3A_24  : i32 {
      %mul3A_100 = arith.constant 128 : i32
      %mul3A_101 = arith.muli %scan3A_99, %mul3A_100 : i32
      %add3A_102 = arith.addi %add3A_20, %mul3A_101 : i32
      "tpu.region"() ({
        %run_scoped3A = tpu.sem_alloc : memref<!tpu.dma_semaphore, #tpu.memory_space<semaphore_mem>>
        %dma_start3A_109 = tpu.memref_slice %arg3[%add3A_102] : memref<640000xi32, #tpu.memory_space<hbm>> -> memref<128xi32, #tpu.memory_space<hbm>>
        %dma_start3A_110 = tpu.memref_slice %arg3[%add3A_102] : memref<640000xi32, #tpu.memory_space<hbm>> -> memref<128xi32, #tpu.memory_space<hbm>>
        tpu.enqueue_dma source(%dma_start3A_110 : memref<128xi32, #tpu.memory_space<hbm>>) target(%arg8 : memref<128xi32, #tpu.memory_space<vmem>>) target_semaphore(%run_scoped3A : memref<!tpu.dma_semaphore, #tpu.memory_space<semaphore_mem>>)
        %dma_wait3A_111 = tpu.memref_slice %arg3[%add3A_102] : memref<640000xi32, #tpu.memory_space<hbm>> -> memref<128xi32, #tpu.memory_space<hbm>>
        %dma_wait3A_112 = tpu.memref_slice %arg3[%add3A_102] : memref<640000xi32, #tpu.memory_space<hbm>> -> memref<128xi32, #tpu.memory_space<hbm>>
        tpu.wait_dma2 semaphore(%run_scoped3A : memref<!tpu.dma_semaphore, #tpu.memory_space<semaphore_mem>>) src(%dma_wait3A_112 : memref<128xi32, #tpu.memory_space<hbm>>) dst(%arg8 : memref<128xi32, #tpu.memory_space<vmem>>)
        tpu.yield
      }) : () -> ()
      "tpu.region"() ({
        %run_scoped3A = tpu.sem_alloc : memref<!tpu.dma_semaphore, #tpu.memory_space<semaphore_mem>>
        %dma_start3A_109 = tpu.memref_slice %arg4[%add3A_102] : memref<640000xi32, #tpu.memory_space<hbm>> -> memref<128xi32, #tpu.memory_space<hbm>>
        %dma_start3A_110 = tpu.memref_slice %arg4[%add3A_102] : memref<640000xi32, #tpu.memory_space<hbm>> -> memref<128xi32, #tpu.memory_space<hbm>>
        tpu.enqueue_dma source(%dma_start3A_110 : memref<128xi32, #tpu.memory_space<hbm>>) target(%arg9 : memref<128xi32, #tpu.memory_space<vmem>>) target_semaphore(%run_scoped3A : memref<!tpu.dma_semaphore, #tpu.memory_space<semaphore_mem>>)
        %dma_wait3A_111 = tpu.memref_slice %arg4[%add3A_102] : memref<640000xi32, #tpu.memory_space<hbm>> -> memref<128xi32, #tpu.memory_space<hbm>>
        %dma_wait3A_112 = tpu.memref_slice %arg4[%add3A_102] : memref<640000xi32, #tpu.memory_space<hbm>> -> memref<128xi32, #tpu.memory_space<hbm>>
        tpu.wait_dma2 semaphore(%run_scoped3A : memref<!tpu.dma_semaphore, #tpu.memory_space<semaphore_mem>>) src(%dma_wait3A_112 : memref<128xi32, #tpu.memory_space<hbm>>) dst(%arg9 : memref<128xi32, #tpu.memory_space<vmem>>)
        tpu.yield
      }) : () -> ()
      %dma_start3A_103 = arith.constant 0 : i32
      %dma_start3A_104 = arith.constant 0 : i32
      %dma_start3A_105 = tpu.memref_slice %arg2[%dma_start3A_103, %dma_start3A_104] : memref<40000x128xf32, #tpu.memory_space<hbm>> -> memref<40000x128xf32, #tpu.memory_space<hbm>>
      tpu.enqueue_indirect_dma source(%dma_start3A_105 : memref<40000x128xf32, #tpu.memory_space<hbm>>) target(%arg10 : memref<128x128xf32, #tpu.memory_space<vmem>>) offsets(%arg8 : memref<128xi32, #tpu.memory_space<vmem>>) semaphore(%arg15 : memref<!tpu.dma_semaphore, #tpu.memory_space<semaphore_mem>>)
      %dma_wait3A_106 = arith.constant 0 : i32
      %dma_wait3A_107 = arith.constant 0 : i32
      %dma_wait3A_108 = tpu.memref_slice %arg2[%dma_wait3A_106, %dma_wait3A_107] : memref<40000x128xf32, #tpu.memory_space<hbm>> -> memref<40000x128xf32, #tpu.memory_space<hbm>>
      tpu.wait_indirect_dma semaphore(%arg15 : memref<!tpu.dma_semaphore, #tpu.memory_space<semaphore_mem>>) src(%dma_wait3A_108 : memref<40000x128xf32, #tpu.memory_space<hbm>>) dst(%arg10 : memref<128x128xf32, #tpu.memory_space<vmem>>)
      "tpu.region"() ({
        %run_scoped3A = tpu.sem_alloc : memref<!tpu.dma_semaphore, #tpu.memory_space<semaphore_mem>>
        %dma_start3A_109 = arith.constant 0 : i32
        %dma_start3A_110 = arith.constant 0 : i32
        %dma_start3A_111 = tpu.memref_slice %arg7[%dma_start3A_109, %dma_start3A_110] : memref<10008x128xf32, #tpu.memory_space<vmem_shared>> -> memref<10008x128xf32, #tpu.memory_space<vmem_shared>>
        tpu.enqueue_indirect_dma source(%arg10 : memref<128x128xf32, #tpu.memory_space<vmem>>) target(%dma_start3A_111 : memref<10008x128xf32, #tpu.memory_space<vmem_shared>>) offsets(%arg9 : memref<128xi32, #tpu.memory_space<vmem>>) semaphore(%run_scoped3A : memref<!tpu.dma_semaphore, #tpu.memory_space<semaphore_mem>>) {add = true}
        %dma_wait3A_112 = arith.constant 0 : i32
        %dma_wait3A_113 = arith.constant 0 : i32
        %dma_wait3A_114 = tpu.memref_slice %arg7[%dma_wait3A_112, %dma_wait3A_113] : memref<10008x128xf32, #tpu.memory_space<vmem_shared>> -> memref<10008x128xf32, #tpu.memory_space<vmem_shared>>
        tpu.wait_indirect_dma semaphore(%run_scoped3A : memref<!tpu.dma_semaphore, #tpu.memory_space<semaphore_mem>>) src(%arg10 : memref<128x128xf32, #tpu.memory_space<vmem>>) dst(%dma_wait3A_114 : memref<10008x128xf32, #tpu.memory_space<vmem_shared>>)
        tpu.yield
      }) : () -> ()
    }
    %scan3A_25 = arith.constant 78 : i32
    %add3A_26 = arith.constant 9984 : i32
    %add3A_27 = arith.addi %add3A_20, %add3A_26 : i32
    "tpu.region"() ({
      %run_scoped3A = tpu.sem_alloc : memref<!tpu.dma_semaphore, #tpu.memory_space<semaphore_mem>>
      %dma_start3A_99 = tpu.memref_slice %arg3[%add3A_27] : memref<640000xi32, #tpu.memory_space<hbm>> -> memref<16xi32, #tpu.memory_space<hbm>>
      %dma_start3A_100 = tpu.memref_slice %arg3[%add3A_27] : memref<640000xi32, #tpu.memory_space<hbm>> -> memref<16xi32, #tpu.memory_space<hbm>>
      tpu.enqueue_dma source(%dma_start3A_100 : memref<16xi32, #tpu.memory_space<hbm>>) target(%arg11 : memref<16xi32, #tpu.memory_space<vmem>>) target_semaphore(%run_scoped3A : memref<!tpu.dma_semaphore, #tpu.memory_space<semaphore_mem>>)
      %dma_wait3A_101 = tpu.memref_slice %arg3[%add3A_27] : memref<640000xi32, #tpu.memory_space<hbm>> -> memref<16xi32, #tpu.memory_space<hbm>>
      %dma_wait3A_102 = tpu.memref_slice %arg3[%add3A_27] : memref<640000xi32, #tpu.memory_space<hbm>> -> memref<16xi32, #tpu.memory_space<hbm>>
      tpu.wait_dma2 semaphore(%run_scoped3A : memref<!tpu.dma_semaphore, #tpu.memory_space<semaphore_mem>>) src(%dma_wait3A_102 : memref<16xi32, #tpu.memory_space<hbm>>) dst(%arg11 : memref<16xi32, #tpu.memory_space<vmem>>)
      tpu.yield
    }) : () -> ()
    "tpu.region"() ({
      %run_scoped3A = tpu.sem_alloc : memref<!tpu.dma_semaphore, #tpu.memory_space<semaphore_mem>>
      %dma_start3A_99 = tpu.memref_slice %arg4[%add3A_27] : memref<640000xi32, #tpu.memory_space<hbm>> -> memref<16xi32, #tpu.memory_space<hbm>>
      %dma_start3A_100 = tpu.memref_slice %arg4[%add3A_27] : memref<640000xi32, #tpu.memory_space<hbm>> -> memref<16xi32, #tpu.memory_space<hbm>>
      tpu.enqueue_dma source(%dma_start3A_100 : memref<16xi32, #tpu.memory_space<hbm>>) target(%arg12 : memref<16xi32, #tpu.memory_space<vmem>>) target_semaphore(%run_scoped3A : memref<!tpu.dma_semaphore, #tpu.memory_space<semaphore_mem>>)
      %dma_wait3A_101 = tpu.memref_slice %arg4[%add3A_27] : memref<640000xi32, #tpu.memory_space<hbm>> -> memref<16xi32, #tpu.memory_space<hbm>>
      %dma_wait3A_102 = tpu.memref_slice %arg4[%add3A_27] : memref<640000xi32, #tpu.memory_space<hbm>> -> memref<16xi32, #tpu.memory_space<hbm>>
      tpu.wait_dma2 semaphore(%run_scoped3A : memref<!tpu.dma_semaphore, #tpu.memory_space<semaphore_mem>>) src(%dma_wait3A_102 : memref<16xi32, #tpu.memory_space<hbm>>) dst(%arg12 : memref<16xi32, #tpu.memory_space<vmem>>)
      tpu.yield
    }) : () -> ()
    %dma_start3A = arith.constant 0 : i32
    %dma_start3A_28 = arith.constant 0 : i32
    %dma_start3A_29 = tpu.memref_slice %arg2[%dma_start3A, %dma_start3A_28] : memref<40000x128xf32, #tpu.memory_space<hbm>> -> memref<40000x128xf32, #tpu.memory_space<hbm>>
    tpu.enqueue_indirect_dma source(%dma_start3A_29 : memref<40000x128xf32, #tpu.memory_space<hbm>>) target(%arg13 : memref<16x128xf32, #tpu.memory_space<vmem>>) offsets(%arg11 : memref<16xi32, #tpu.memory_space<vmem>>) semaphore(%arg15 : memref<!tpu.dma_semaphore, #tpu.memory_space<semaphore_mem>>)
    %dma_wait3A = arith.constant 0 : i32
    %dma_wait3A_30 = arith.constant 0 : i32
    %dma_wait3A_31 = tpu.memref_slice %arg2[%dma_wait3A, %dma_wait3A_30] : memref<40000x128xf32, #tpu.memory_space<hbm>> -> memref<40000x128xf32, #tpu.memory_space<hbm>>
    tpu.wait_indirect_dma semaphore(%arg15 : memref<!tpu.dma_semaphore, #tpu.memory_space<semaphore_mem>>) src(%dma_wait3A_31 : memref<40000x128xf32, #tpu.memory_space<hbm>>) dst(%arg13 : memref<16x128xf32, #tpu.memory_space<vmem>>)
    "tpu.region"() ({
      %run_scoped3A = tpu.sem_alloc : memref<!tpu.dma_semaphore, #tpu.memory_space<semaphore_mem>>
      %dma_start3A_99 = arith.constant 0 : i32
      %dma_start3A_100 = arith.constant 0 : i32
      %dma_start3A_101 = tpu.memref_slice %arg7[%dma_start3A_99, %dma_start3A_100] : memref<10008x128xf32, #tpu.memory_space<vmem_shared>> -> memref<10008x128xf32, #tpu.memory_space<vmem_shared>>
      tpu.enqueue_indirect_dma source(%arg13 : memref<16x128xf32, #tpu.memory_space<vmem>>) target(%dma_start3A_101 : memref<10008x128xf32, #tpu.memory_space<vmem_shared>>) offsets(%arg12 : memref<16xi32, #tpu.memory_space<vmem>>) semaphore(%run_scoped3A : memref<!tpu.dma_semaphore, #tpu.memory_space<semaphore_mem>>) {add = true}
      %dma_wait3A_102 = arith.constant 0 : i32
      %dma_wait3A_103 = arith.constant 0 : i32
      %dma_wait3A_104 = tpu.memref_slice %arg7[%dma_wait3A_102, %dma_wait3A_103] : memref<10008x128xf32, #tpu.memory_space<vmem_shared>> -> memref<10008x128xf32, #tpu.memory_space<vmem_shared>>
      tpu.wait_indirect_dma semaphore(%run_scoped3A : memref<!tpu.dma_semaphore, #tpu.memory_space<semaphore_mem>>) src(%arg13 : memref<16x128xf32, #tpu.memory_space<vmem>>) dst(%dma_wait3A_104 : memref<10008x128xf32, #tpu.memory_space<vmem_shared>>)
      tpu.yield
    }) : () -> ()
    %barrier3A_32 = arith.constant 0 : index
    tpu.barrier barrier_id(%barrier3A_32)
    %mul3A_33 = arith.constant 624 : i32
    %mul3A_34 = arith.muli %arg1, %mul3A_33 : i32
    %mul3A_35 = arith.constant 10000 : i32
    %mul3A_36 = arith.muli %add3A_1, %mul3A_35 : i32
    %mul3A_37 = arith.constant 624 : i32
    %mul3A_38 = arith.muli %arg1, %mul3A_37 : i32
    %add3A_39 = arith.addi %mul3A_36, %mul3A_38 : i32
    "tpu.region"() ({
      %run_scoped3A = tpu.sem_alloc : memref<!tpu.dma_semaphore, #tpu.memory_space<semaphore_mem>>
      %dma_start3A_99 = arith.constant 0 : i32
      %dma_start3A_100 = tpu.memref_slice %arg6[%add3A_39, %dma_start3A_99] : memref<40000x128xf32, #tpu.memory_space<hbm>> -> memref<624x128xf32, #tpu.memory_space<hbm>>
      %dma_start3A_101 = arith.constant 0 : i32
      %dma_start3A_102 = tpu.memref_slice %arg7[%mul3A_34, %dma_start3A_101] : memref<10008x128xf32, #tpu.memory_space<vmem_shared>> -> memref<624x128xf32, #tpu.memory_space<vmem_shared>>
      tpu.enqueue_dma source(%dma_start3A_102 : memref<624x128xf32, #tpu.memory_space<vmem_shared>>) target(%dma_start3A_100 : memref<624x128xf32, #tpu.memory_space<hbm>>) target_semaphore(%run_scoped3A : memref<!tpu.dma_semaphore, #tpu.memory_space<semaphore_mem>>)
      %dma_wait3A_103 = arith.constant 0 : i32
      %dma_wait3A_104 = tpu.memref_slice %arg6[%add3A_39, %dma_wait3A_103] : memref<40000x128xf32, #tpu.memory_space<hbm>> -> memref<624x128xf32, #tpu.memory_space<hbm>>
      %dma_wait3A_105 = arith.constant 0 : i32
      %dma_wait3A_106 = tpu.memref_slice %arg7[%mul3A_34, %dma_wait3A_105] : memref<10008x128xf32, #tpu.memory_space<vmem_shared>> -> memref<624x128xf32, #tpu.memory_space<vmem_shared>>
      tpu.wait_dma2 semaphore(%run_scoped3A : memref<!tpu.dma_semaphore, #tpu.memory_space<semaphore_mem>>) src(%dma_wait3A_106 : memref<624x128xf32, #tpu.memory_space<vmem_shared>>) dst(%dma_wait3A_104 : memref<624x128xf32, #tpu.memory_space<hbm>>)
      tpu.yield
    }) : () -> ()
    %eq3A_40 = arith.constant 15 : i32
    %eq3A_41 = arith.cmpi eq, %arg1, %eq3A_40 : i32
    %convert_element_type3A_42 = arith.extui %eq3A_41 : i1 to i32
    %cond3A_43 = arith.constant 0 : i32
    %cond3A_44 = arith.cmpi ne, %convert_element_type3A_42, %cond3A_43 : i32
    scf.if %cond3A_44 {
      %mul3A_99 = arith.constant 10000 : i32
      %mul3A_100 = arith.muli %add3A_1, %mul3A_99 : i32
      %add3A_101 = arith.constant 9984 : i32
      %add3A_102 = arith.addi %mul3A_100, %add3A_101 : i32
      "tpu.region"() ({
        %run_scoped3A = tpu.sem_alloc : memref<!tpu.dma_semaphore, #tpu.memory_space<semaphore_mem>>
        %dma_start3A_103 = arith.constant 0 : i32
        %dma_start3A_104 = tpu.memref_slice %arg6[%add3A_102, %dma_start3A_103] : memref<40000x128xf32, #tpu.memory_space<hbm>> -> memref<16x128xf32, #tpu.memory_space<hbm>>
        %dma_start3A_105 = arith.constant 9984 : i32
        %dma_start3A_106 = arith.constant 0 : i32
        %dma_start3A_107 = tpu.memref_slice %arg7[%dma_start3A_105, %dma_start3A_106] : memref<10008x128xf32, #tpu.memory_space<vmem_shared>> -> memref<16x128xf32, #tpu.memory_space<vmem_shared>>
        tpu.enqueue_dma source(%dma_start3A_107 : memref<16x128xf32, #tpu.memory_space<vmem_shared>>) target(%dma_start3A_104 : memref<16x128xf32, #tpu.memory_space<hbm>>) target_semaphore(%run_scoped3A : memref<!tpu.dma_semaphore, #tpu.memory_space<semaphore_mem>>)
        %dma_wait3A_108 = arith.constant 0 : i32
        %dma_wait3A_109 = tpu.memref_slice %arg6[%add3A_102, %dma_wait3A_108] : memref<40000x128xf32, #tpu.memory_space<hbm>> -> memref<16x128xf32, #tpu.memory_space<hbm>>
        %dma_wait3A_110 = arith.constant 9984 : i32
        %dma_wait3A_111 = arith.constant 0 : i32
        %dma_wait3A_112 = tpu.memref_slice %arg7[%dma_wait3A_110, %dma_wait3A_111] : memref<10008x128xf32, #tpu.memory_space<vmem_shared>> -> memref<16x128xf32, #tpu.memory_space<vmem_shared>>
        tpu.wait_dma2 semaphore(%run_scoped3A : memref<!tpu.dma_semaphore, #tpu.memory_space<semaphore_mem>>) src(%dma_wait3A_112 : memref<16x128xf32, #tpu.memory_space<vmem_shared>>) dst(%dma_wait3A_109 : memref<16x128xf32, #tpu.memory_space<hbm>>)
        tpu.yield
      }) : () -> ()
    } else {
    }
    %mul3A_45 = arith.constant 2 : i32
    %mul3A_46 = arith.muli %arg0, %mul3A_45 : i32
    %add3A_47 = arith.constant 1 : i32
    %add3A_48 = arith.addi %mul3A_46, %add3A_47 : i32
    %mul3A_49 = arith.constant 624 : i32
    %mul3A_50 = arith.muli %arg1, %mul3A_49 : i32
    %add3A_51 = arith.constant 0 : i32
    %add3A_52 = arith.addi %mul3A_50, %add3A_51 : i32
    "tpu.region"() ({
      %run_scoped3A = tpu.sem_alloc : memref<!tpu.dma_semaphore, #tpu.memory_space<semaphore_mem>>
      %dma_start3A_99 = arith.constant 0 : i32
      %dma_start3A_100 = tpu.memref_slice %arg7[%add3A_52, %dma_start3A_99] : memref<10008x128xf32, #tpu.memory_space<vmem_shared>> -> memref<208x128xf32, #tpu.memory_space<vmem_shared>>
      %dma_start3A_101 = arith.constant 0 : i32
      %dma_start3A_102 = tpu.memref_slice %arg7[%add3A_52, %dma_start3A_101] : memref<10008x128xf32, #tpu.memory_space<vmem_shared>> -> memref<208x128xf32, #tpu.memory_space<vmem_shared>>
      tpu.enqueue_dma source(%arg14 : memref<208x128xf32, #tpu.memory_space<vmem>>) target(%dma_start3A_102 : memref<208x128xf32, #tpu.memory_space<vmem_shared>>) target_semaphore(%run_scoped3A : memref<!tpu.dma_semaphore, #tpu.memory_space<semaphore_mem>>)
      %dma_wait3A_103 = arith.constant 0 : i32
      %dma_wait3A_104 = tpu.memref_slice %arg7[%add3A_52, %dma_wait3A_103] : memref<10008x128xf32, #tpu.memory_space<vmem_shared>> -> memref<208x128xf32, #tpu.memory_space<vmem_shared>>
      %dma_wait3A_105 = arith.constant 0 : i32
      %dma_wait3A_106 = tpu.memref_slice %arg7[%add3A_52, %dma_wait3A_105] : memref<10008x128xf32, #tpu.memory_space<vmem_shared>> -> memref<208x128xf32, #tpu.memory_space<vmem_shared>>
      tpu.wait_dma2 semaphore(%run_scoped3A : memref<!tpu.dma_semaphore, #tpu.memory_space<semaphore_mem>>) src(%arg14 : memref<208x128xf32, #tpu.memory_space<vmem>>) dst(%dma_wait3A_106 : memref<208x128xf32, #tpu.memory_space<vmem_shared>>)
      tpu.yield
    }) : () -> ()
    %mul3A_53 = arith.constant 624 : i32
    %mul3A_54 = arith.muli %arg1, %mul3A_53 : i32
    %add3A_55 = arith.constant 208 : i32
    %add3A_56 = arith.addi %mul3A_54, %add3A_55 : i32
    "tpu.region"() ({
      %run_scoped3A = tpu.sem_alloc : memref<!tpu.dma_semaphore, #tpu.memory_space<semaphore_mem>>
      %dma_start3A_99 = arith.constant 0 : i32
      %dma_start3A_100 = tpu.memref_slice %arg7[%add3A_56, %dma_start3A_99] : memref<10008x128xf32, #tpu.memory_space<vmem_shared>> -> memref<208x128xf32, #tpu.memory_space<vmem_shared>>
      %dma_start3A_101 = arith.constant 0 : i32
      %dma_start3A_102 = tpu.memref_slice %arg7[%add3A_56, %dma_start3A_101] : memref<10008x128xf32, #tpu.memory_space<vmem_shared>> -> memref<208x128xf32, #tpu.memory_space<vmem_shared>>
      tpu.enqueue_dma source(%arg14 : memref<208x128xf32, #tpu.memory_space<vmem>>) target(%dma_start3A_102 : memref<208x128xf32, #tpu.memory_space<vmem_shared>>) target_semaphore(%run_scoped3A : memref<!tpu.dma_semaphore, #tpu.memory_space<semaphore_mem>>)
      %dma_wait3A_103 = arith.constant 0 : i32
      %dma_wait3A_104 = tpu.memref_slice %arg7[%add3A_56, %dma_wait3A_103] : memref<10008x128xf32, #tpu.memory_space<vmem_shared>> -> memref<208x128xf32, #tpu.memory_space<vmem_shared>>
      %dma_wait3A_105 = arith.constant 0 : i32
      %dma_wait3A_106 = tpu.memref_slice %arg7[%add3A_56, %dma_wait3A_105] : memref<10008x128xf32, #tpu.memory_space<vmem_shared>> -> memref<208x128xf32, #tpu.memory_space<vmem_shared>>
      tpu.wait_dma2 semaphore(%run_scoped3A : memref<!tpu.dma_semaphore, #tpu.memory_space<semaphore_mem>>) src(%arg14 : memref<208x128xf32, #tpu.memory_space<vmem>>) dst(%dma_wait3A_106 : memref<208x128xf32, #tpu.memory_space<vmem_shared>>)
      tpu.yield
    }) : () -> ()
    %mul3A_57 = arith.constant 624 : i32
    %mul3A_58 = arith.muli %arg1, %mul3A_57 : i32
    %add3A_59 = arith.constant 416 : i32
    %add3A_60 = arith.addi %mul3A_58, %add3A_59 : i32
    "tpu.region"() ({
      %run_scoped3A = tpu.sem_alloc : memref<!tpu.dma_semaphore, #tpu.memory_space<semaphore_mem>>
      %dma_start3A_99 = arith.constant 0 : i32
      %dma_start3A_100 = tpu.memref_slice %arg7[%add3A_60, %dma_start3A_99] : memref<10008x128xf32, #tpu.memory_space<vmem_shared>> -> memref<208x128xf32, #tpu.memory_space<vmem_shared>>
      %dma_start3A_101 = arith.constant 0 : i32
      %dma_start3A_102 = tpu.memref_slice %arg7[%add3A_60, %dma_start3A_101] : memref<10008x128xf32, #tpu.memory_space<vmem_shared>> -> memref<208x128xf32, #tpu.memory_space<vmem_shared>>
      tpu.enqueue_dma source(%arg14 : memref<208x128xf32, #tpu.memory_space<vmem>>) target(%dma_start3A_102 : memref<208x128xf32, #tpu.memory_space<vmem_shared>>) target_semaphore(%run_scoped3A : memref<!tpu.dma_semaphore, #tpu.memory_space<semaphore_mem>>)
      %dma_wait3A_103 = arith.constant 0 : i32
      %dma_wait3A_104 = tpu.memref_slice %arg7[%add3A_60, %dma_wait3A_103] : memref<10008x128xf32, #tpu.memory_space<vmem_shared>> -> memref<208x128xf32, #tpu.memory_space<vmem_shared>>
      %dma_wait3A_105 = arith.constant 0 : i32
      %dma_wait3A_106 = tpu.memref_slice %arg7[%add3A_60, %dma_wait3A_105] : memref<10008x128xf32, #tpu.memory_space<vmem_shared>> -> memref<208x128xf32, #tpu.memory_space<vmem_shared>>
      tpu.wait_dma2 semaphore(%run_scoped3A : memref<!tpu.dma_semaphore, #tpu.memory_space<semaphore_mem>>) src(%arg14 : memref<208x128xf32, #tpu.memory_space<vmem>>) dst(%dma_wait3A_106 : memref<208x128xf32, #tpu.memory_space<vmem_shared>>)
      tpu.yield
    }) : () -> ()
    %eq3A_61 = arith.constant 15 : i32
    %eq3A_62 = arith.cmpi eq, %arg1, %eq3A_61 : i32
    %convert_element_type3A_63 = arith.extui %eq3A_62 : i1 to i32
    %cond3A_64 = arith.constant 0 : i32
    %cond3A_65 = arith.cmpi ne, %convert_element_type3A_63, %cond3A_64 : i32
    scf.if %cond3A_65 {
      "tpu.region"() ({
        %run_scoped3A = tpu.sem_alloc : memref<!tpu.dma_semaphore, #tpu.memory_space<semaphore_mem>>
        %dma_start3A_99 = arith.constant 0 : i32
        %dma_start3A_100 = arith.constant 0 : i32
        %dma_start3A_101 = tpu.memref_slice %arg14[%dma_start3A_99, %dma_start3A_100] : memref<208x128xf32, #tpu.memory_space<vmem>> -> memref<16x128xf32, #tpu.memory_space<vmem>>
        %dma_start3A_102 = arith.constant 9984 : i32
        %dma_start3A_103 = arith.constant 0 : i32
        %dma_start3A_104 = tpu.memref_slice %arg7[%dma_start3A_102, %dma_start3A_103] : memref<10008x128xf32, #tpu.memory_space<vmem_shared>> -> memref<16x128xf32, #tpu.memory_space<vmem_shared>>
        %dma_start3A_105 = arith.constant 9984 : i32
        %dma_start3A_106 = arith.constant 0 : i32
        %dma_start3A_107 = tpu.memref_slice %arg7[%dma_start3A_105, %dma_start3A_106] : memref<10008x128xf32, #tpu.memory_space<vmem_shared>> -> memref<16x128xf32, #tpu.memory_space<vmem_shared>>
        %dma_start3A_108 = arith.constant 0 : i32
        %dma_start3A_109 = arith.constant 0 : i32
        %dma_start3A_110 = tpu.memref_slice %arg14[%dma_start3A_108, %dma_start3A_109] : memref<208x128xf32, #tpu.memory_space<vmem>> -> memref<16x128xf32, #tpu.memory_space<vmem>>
        tpu.enqueue_dma source(%dma_start3A_110 : memref<16x128xf32, #tpu.memory_space<vmem>>) target(%dma_start3A_107 : memref<16x128xf32, #tpu.memory_space<vmem_shared>>) target_semaphore(%run_scoped3A : memref<!tpu.dma_semaphore, #tpu.memory_space<semaphore_mem>>)
        %dma_wait3A_111 = arith.constant 0 : i32
        %dma_wait3A_112 = arith.constant 0 : i32
        %dma_wait3A_113 = tpu.memref_slice %arg14[%dma_wait3A_111, %dma_wait3A_112] : memref<208x128xf32, #tpu.memory_space<vmem>> -> memref<16x128xf32, #tpu.memory_space<vmem>>
        %dma_wait3A_114 = arith.constant 9984 : i32
        %dma_wait3A_115 = arith.constant 0 : i32
        %dma_wait3A_116 = tpu.memref_slice %arg7[%dma_wait3A_114, %dma_wait3A_115] : memref<10008x128xf32, #tpu.memory_space<vmem_shared>> -> memref<16x128xf32, #tpu.memory_space<vmem_shared>>
        %dma_wait3A_117 = arith.constant 9984 : i32
        %dma_wait3A_118 = arith.constant 0 : i32
        %dma_wait3A_119 = tpu.memref_slice %arg7[%dma_wait3A_117, %dma_wait3A_118] : memref<10008x128xf32, #tpu.memory_space<vmem_shared>> -> memref<16x128xf32, #tpu.memory_space<vmem_shared>>
        %dma_wait3A_120 = arith.constant 0 : i32
        %dma_wait3A_121 = arith.constant 0 : i32
        %dma_wait3A_122 = tpu.memref_slice %arg14[%dma_wait3A_120, %dma_wait3A_121] : memref<208x128xf32, #tpu.memory_space<vmem>> -> memref<16x128xf32, #tpu.memory_space<vmem>>
        tpu.wait_dma2 semaphore(%run_scoped3A : memref<!tpu.dma_semaphore, #tpu.memory_space<semaphore_mem>>) src(%dma_wait3A_122 : memref<16x128xf32, #tpu.memory_space<vmem>>) dst(%dma_wait3A_119 : memref<16x128xf32, #tpu.memory_space<vmem_shared>>)
        tpu.yield
      }) : () -> ()
    } else {
    }
    %barrier3A_66 = arith.constant 0 : index
    tpu.barrier barrier_id(%barrier3A_66)
    %mul3A_67 = arith.constant 160000 : i32
    %mul3A_68 = arith.muli %add3A_48, %mul3A_67 : i32
    %mul3A_69 = arith.constant 10000 : i32
    %mul3A_70 = arith.muli %arg1, %mul3A_69 : i32
    %add3A_71 = arith.addi %mul3A_68, %mul3A_70 : i32
    %scan3A_72 = arith.constant 0 : i32
    %scan3A_73 = arith.constant 0 : i32
    %scan3A_74 = arith.constant 78 : i32
    %scan3A_75 = arith.addi %scan3A_73, %scan3A_74 : i32
    %scan3A_76 = arith.constant 1 : i32
    scf.for %scan3A_99 = %scan3A_73 to %scan3A_75 step %scan3A_76  : i32 {
      %mul3A_100 = arith.constant 128 : i32
      %mul3A_101 = arith.muli %scan3A_99, %mul3A_100 : i32
      %add3A_102 = arith.addi %add3A_71, %mul3A_101 : i32
      "tpu.region"() ({
        %run_scoped3A = tpu.sem_alloc : memref<!tpu.dma_semaphore, #tpu.memory_space<semaphore_mem>>
        %dma_start3A_109 = tpu.memref_slice %arg3[%add3A_102] : memref<640000xi32, #tpu.memory_space<hbm>> -> memref<128xi32, #tpu.memory_space<hbm>>
        %dma_start3A_110 = tpu.memref_slice %arg3[%add3A_102] : memref<640000xi32, #tpu.memory_space<hbm>> -> memref<128xi32, #tpu.memory_space<hbm>>
        tpu.enqueue_dma source(%dma_start3A_110 : memref<128xi32, #tpu.memory_space<hbm>>) target(%arg8 : memref<128xi32, #tpu.memory_space<vmem>>) target_semaphore(%run_scoped3A : memref<!tpu.dma_semaphore, #tpu.memory_space<semaphore_mem>>)
        %dma_wait3A_111 = tpu.memref_slice %arg3[%add3A_102] : memref<640000xi32, #tpu.memory_space<hbm>> -> memref<128xi32, #tpu.memory_space<hbm>>
        %dma_wait3A_112 = tpu.memref_slice %arg3[%add3A_102] : memref<640000xi32, #tpu.memory_space<hbm>> -> memref<128xi32, #tpu.memory_space<hbm>>
        tpu.wait_dma2 semaphore(%run_scoped3A : memref<!tpu.dma_semaphore, #tpu.memory_space<semaphore_mem>>) src(%dma_wait3A_112 : memref<128xi32, #tpu.memory_space<hbm>>) dst(%arg8 : memref<128xi32, #tpu.memory_space<vmem>>)
        tpu.yield
      }) : () -> ()
      "tpu.region"() ({
        %run_scoped3A = tpu.sem_alloc : memref<!tpu.dma_semaphore, #tpu.memory_space<semaphore_mem>>
        %dma_start3A_109 = tpu.memref_slice %arg4[%add3A_102] : memref<640000xi32, #tpu.memory_space<hbm>> -> memref<128xi32, #tpu.memory_space<hbm>>
        %dma_start3A_110 = tpu.memref_slice %arg4[%add3A_102] : memref<640000xi32, #tpu.memory_space<hbm>> -> memref<128xi32, #tpu.memory_space<hbm>>
        tpu.enqueue_dma source(%dma_start3A_110 : memref<128xi32, #tpu.memory_space<hbm>>) target(%arg9 : memref<128xi32, #tpu.memory_space<vmem>>) target_semaphore(%run_scoped3A : memref<!tpu.dma_semaphore, #tpu.memory_space<semaphore_mem>>)
        %dma_wait3A_111 = tpu.memref_slice %arg4[%add3A_102] : memref<640000xi32, #tpu.memory_space<hbm>> -> memref<128xi32, #tpu.memory_space<hbm>>
        %dma_wait3A_112 = tpu.memref_slice %arg4[%add3A_102] : memref<640000xi32, #tpu.memory_space<hbm>> -> memref<128xi32, #tpu.memory_space<hbm>>
        tpu.wait_dma2 semaphore(%run_scoped3A : memref<!tpu.dma_semaphore, #tpu.memory_space<semaphore_mem>>) src(%dma_wait3A_112 : memref<128xi32, #tpu.memory_space<hbm>>) dst(%arg9 : memref<128xi32, #tpu.memory_space<vmem>>)
        tpu.yield
      }) : () -> ()
      %dma_start3A_103 = arith.constant 0 : i32
      %dma_start3A_104 = arith.constant 0 : i32
      %dma_start3A_105 = tpu.memref_slice %arg2[%dma_start3A_103, %dma_start3A_104] : memref<40000x128xf32, #tpu.memory_space<hbm>> -> memref<40000x128xf32, #tpu.memory_space<hbm>>
      tpu.enqueue_indirect_dma source(%dma_start3A_105 : memref<40000x128xf32, #tpu.memory_space<hbm>>) target(%arg10 : memref<128x128xf32, #tpu.memory_space<vmem>>) offsets(%arg8 : memref<128xi32, #tpu.memory_space<vmem>>) semaphore(%arg15 : memref<!tpu.dma_semaphore, #tpu.memory_space<semaphore_mem>>)
      %dma_wait3A_106 = arith.constant 0 : i32
      %dma_wait3A_107 = arith.constant 0 : i32
      %dma_wait3A_108 = tpu.memref_slice %arg2[%dma_wait3A_106, %dma_wait3A_107] : memref<40000x128xf32, #tpu.memory_space<hbm>> -> memref<40000x128xf32, #tpu.memory_space<hbm>>
      tpu.wait_indirect_dma semaphore(%arg15 : memref<!tpu.dma_semaphore, #tpu.memory_space<semaphore_mem>>) src(%dma_wait3A_108 : memref<40000x128xf32, #tpu.memory_space<hbm>>) dst(%arg10 : memref<128x128xf32, #tpu.memory_space<vmem>>)
      "tpu.region"() ({
        %run_scoped3A = tpu.sem_alloc : memref<!tpu.dma_semaphore, #tpu.memory_space<semaphore_mem>>
        %dma_start3A_109 = arith.constant 0 : i32
        %dma_start3A_110 = arith.constant 0 : i32
        %dma_start3A_111 = tpu.memref_slice %arg7[%dma_start3A_109, %dma_start3A_110] : memref<10008x128xf32, #tpu.memory_space<vmem_shared>> -> memref<10008x128xf32, #tpu.memory_space<vmem_shared>>
        tpu.enqueue_indirect_dma source(%arg10 : memref<128x128xf32, #tpu.memory_space<vmem>>) target(%dma_start3A_111 : memref<10008x128xf32, #tpu.memory_space<vmem_shared>>) offsets(%arg9 : memref<128xi32, #tpu.memory_space<vmem>>) semaphore(%run_scoped3A : memref<!tpu.dma_semaphore, #tpu.memory_space<semaphore_mem>>) {add = true}
        %dma_wait3A_112 = arith.constant 0 : i32
        %dma_wait3A_113 = arith.constant 0 : i32
        %dma_wait3A_114 = tpu.memref_slice %arg7[%dma_wait3A_112, %dma_wait3A_113] : memref<10008x128xf32, #tpu.memory_space<vmem_shared>> -> memref<10008x128xf32, #tpu.memory_space<vmem_shared>>
        tpu.wait_indirect_dma semaphore(%run_scoped3A : memref<!tpu.dma_semaphore, #tpu.memory_space<semaphore_mem>>) src(%arg10 : memref<128x128xf32, #tpu.memory_space<vmem>>) dst(%dma_wait3A_114 : memref<10008x128xf32, #tpu.memory_space<vmem_shared>>)
        tpu.yield
      }) : () -> ()
    }
    %scan3A_77 = arith.constant 78 : i32
    %add3A_78 = arith.constant 9984 : i32
    %add3A_79 = arith.addi %add3A_71, %add3A_78 : i32
    "tpu.region"() ({
      %run_scoped3A = tpu.sem_alloc : memref<!tpu.dma_semaphore, #tpu.memory_space<semaphore_mem>>
      %dma_start3A_99 = tpu.memref_slice %arg3[%add3A_79] : memref<640000xi32, #tpu.memory_space<hbm>> -> memref<16xi32, #tpu.memory_space<hbm>>
      %dma_start3A_100 = tpu.memref_slice %arg3[%add3A_79] : memref<640000xi32, #tpu.memory_space<hbm>> -> memref<16xi32, #tpu.memory_space<hbm>>
      tpu.enqueue_dma source(%dma_start3A_100 : memref<16xi32, #tpu.memory_space<hbm>>) target(%arg11 : memref<16xi32, #tpu.memory_space<vmem>>) target_semaphore(%run_scoped3A : memref<!tpu.dma_semaphore, #tpu.memory_space<semaphore_mem>>)
      %dma_wait3A_101 = tpu.memref_slice %arg3[%add3A_79] : memref<640000xi32, #tpu.memory_space<hbm>> -> memref<16xi32, #tpu.memory_space<hbm>>
      %dma_wait3A_102 = tpu.memref_slice %arg3[%add3A_79] : memref<640000xi32, #tpu.memory_space<hbm>> -> memref<16xi32, #tpu.memory_space<hbm>>
      tpu.wait_dma2 semaphore(%run_scoped3A : memref<!tpu.dma_semaphore, #tpu.memory_space<semaphore_mem>>) src(%dma_wait3A_102 : memref<16xi32, #tpu.memory_space<hbm>>) dst(%arg11 : memref<16xi32, #tpu.memory_space<vmem>>)
      tpu.yield
    }) : () -> ()
    "tpu.region"() ({
      %run_scoped3A = tpu.sem_alloc : memref<!tpu.dma_semaphore, #tpu.memory_space<semaphore_mem>>
      %dma_start3A_99 = tpu.memref_slice %arg4[%add3A_79] : memref<640000xi32, #tpu.memory_space<hbm>> -> memref<16xi32, #tpu.memory_space<hbm>>
      %dma_start3A_100 = tpu.memref_slice %arg4[%add3A_79] : memref<640000xi32, #tpu.memory_space<hbm>> -> memref<16xi32, #tpu.memory_space<hbm>>
      tpu.enqueue_dma source(%dma_start3A_100 : memref<16xi32, #tpu.memory_space<hbm>>) target(%arg12 : memref<16xi32, #tpu.memory_space<vmem>>) target_semaphore(%run_scoped3A : memref<!tpu.dma_semaphore, #tpu.memory_space<semaphore_mem>>)
      %dma_wait3A_101 = tpu.memref_slice %arg4[%add3A_79] : memref<640000xi32, #tpu.memory_space<hbm>> -> memref<16xi32, #tpu.memory_space<hbm>>
      %dma_wait3A_102 = tpu.memref_slice %arg4[%add3A_79] : memref<640000xi32, #tpu.memory_space<hbm>> -> memref<16xi32, #tpu.memory_space<hbm>>
      tpu.wait_dma2 semaphore(%run_scoped3A : memref<!tpu.dma_semaphore, #tpu.memory_space<semaphore_mem>>) src(%dma_wait3A_102 : memref<16xi32, #tpu.memory_space<hbm>>) dst(%arg12 : memref<16xi32, #tpu.memory_space<vmem>>)
      tpu.yield
    }) : () -> ()
    %dma_start3A_80 = arith.constant 0 : i32
    %dma_start3A_81 = arith.constant 0 : i32
    %dma_start3A_82 = tpu.memref_slice %arg2[%dma_start3A_80, %dma_start3A_81] : memref<40000x128xf32, #tpu.memory_space<hbm>> -> memref<40000x128xf32, #tpu.memory_space<hbm>>
    tpu.enqueue_indirect_dma source(%dma_start3A_82 : memref<40000x128xf32, #tpu.memory_space<hbm>>) target(%arg13 : memref<16x128xf32, #tpu.memory_space<vmem>>) offsets(%arg11 : memref<16xi32, #tpu.memory_space<vmem>>) semaphore(%arg15 : memref<!tpu.dma_semaphore, #tpu.memory_space<semaphore_mem>>)
    %dma_wait3A_83 = arith.constant 0 : i32
    %dma_wait3A_84 = arith.constant 0 : i32
    %dma_wait3A_85 = tpu.memref_slice %arg2[%dma_wait3A_83, %dma_wait3A_84] : memref<40000x128xf32, #tpu.memory_space<hbm>> -> memref<40000x128xf32, #tpu.memory_space<hbm>>
    tpu.wait_indirect_dma semaphore(%arg15 : memref<!tpu.dma_semaphore, #tpu.memory_space<semaphore_mem>>) src(%dma_wait3A_85 : memref<40000x128xf32, #tpu.memory_space<hbm>>) dst(%arg13 : memref<16x128xf32, #tpu.memory_space<vmem>>)
    "tpu.region"() ({
      %run_scoped3A = tpu.sem_alloc : memref<!tpu.dma_semaphore, #tpu.memory_space<semaphore_mem>>
      %dma_start3A_99 = arith.constant 0 : i32
      %dma_start3A_100 = arith.constant 0 : i32
      %dma_start3A_101 = tpu.memref_slice %arg7[%dma_start3A_99, %dma_start3A_100] : memref<10008x128xf32, #tpu.memory_space<vmem_shared>> -> memref<10008x128xf32, #tpu.memory_space<vmem_shared>>
      tpu.enqueue_indirect_dma source(%arg13 : memref<16x128xf32, #tpu.memory_space<vmem>>) target(%dma_start3A_101 : memref<10008x128xf32, #tpu.memory_space<vmem_shared>>) offsets(%arg12 : memref<16xi32, #tpu.memory_space<vmem>>) semaphore(%run_scoped3A : memref<!tpu.dma_semaphore, #tpu.memory_space<semaphore_mem>>) {add = true}
      %dma_wait3A_102 = arith.constant 0 : i32
      %dma_wait3A_103 = arith.constant 0 : i32
      %dma_wait3A_104 = tpu.memref_slice %arg7[%dma_wait3A_102, %dma_wait3A_103] : memref<10008x128xf32, #tpu.memory_space<vmem_shared>> -> memref<10008x128xf32, #tpu.memory_space<vmem_shared>>
      tpu.wait_indirect_dma semaphore(%run_scoped3A : memref<!tpu.dma_semaphore, #tpu.memory_space<semaphore_mem>>) src(%arg13 : memref<16x128xf32, #tpu.memory_space<vmem>>) dst(%dma_wait3A_104 : memref<10008x128xf32, #tpu.memory_space<vmem_shared>>)
      tpu.yield
    }) : () -> ()
    %barrier3A_86 = arith.constant 0 : index
    tpu.barrier barrier_id(%barrier3A_86)
    %mul3A_87 = arith.constant 624 : i32
    %mul3A_88 = arith.muli %arg1, %mul3A_87 : i32
    %mul3A_89 = arith.constant 10000 : i32
    %mul3A_90 = arith.muli %add3A_48, %mul3A_89 : i32
    %mul3A_91 = arith.constant 624 : i32
    %mul3A_92 = arith.muli %arg1, %mul3A_91 : i32
    %add3A_93 = arith.addi %mul3A_90, %mul3A_92 : i32
    "tpu.region"() ({
      %run_scoped3A = tpu.sem_alloc : memref<!tpu.dma_semaphore, #tpu.memory_space<semaphore_mem>>
      %dma_start3A_99 = arith.constant 0 : i32
      %dma_start3A_100 = tpu.memref_slice %arg6[%add3A_93, %dma_start3A_99] : memref<40000x128xf32, #tpu.memory_space<hbm>> -> memref<624x128xf32, #tpu.memory_space<hbm>>
      %dma_start3A_101 = arith.constant 0 : i32
      %dma_start3A_102 = tpu.memref_slice %arg7[%mul3A_88, %dma_start3A_101] : memref<10008x128xf32, #tpu.memory_space<vmem_shared>> -> memref<624x128xf32, #tpu.memory_space<vmem_shared>>
      tpu.enqueue_dma source(%dma_start3A_102 : memref<624x128xf32, #tpu.memory_space<vmem_shared>>) target(%dma_start3A_100 : memref<624x128xf32, #tpu.memory_space<hbm>>) target_semaphore(%run_scoped3A : memref<!tpu.dma_semaphore, #tpu.memory_space<semaphore_mem>>)
      %dma_wait3A_103 = arith.constant 0 : i32
      %dma_wait3A_104 = tpu.memref_slice %arg6[%add3A_93, %dma_wait3A_103] : memref<40000x128xf32, #tpu.memory_space<hbm>> -> memref<624x128xf32, #tpu.memory_space<hbm>>
      %dma_wait3A_105 = arith.constant 0 : i32
      %dma_wait3A_106 = tpu.memref_slice %arg7[%mul3A_88, %dma_wait3A_105] : memref<10008x128xf32, #tpu.memory_space<vmem_shared>> -> memref<624x128xf32, #tpu.memory_space<vmem_shared>>
      tpu.wait_dma2 semaphore(%run_scoped3A : memref<!tpu.dma_semaphore, #tpu.memory_space<semaphore_mem>>) src(%dma_wait3A_106 : memref<624x128xf32, #tpu.memory_space<vmem_shared>>) dst(%dma_wait3A_104 : memref<624x128xf32, #tpu.memory_space<hbm>>)
      tpu.yield
    }) : () -> ()
    %eq3A_94 = arith.constant 15 : i32
    %eq3A_95 = arith.cmpi eq, %arg1, %eq3A_94 : i32
    %convert_element_type3A_96 = arith.extui %eq3A_95 : i1 to i32
    %cond3A_97 = arith.constant 0 : i32
    %cond3A_98 = arith.cmpi ne, %convert_element_type3A_96, %cond3A_97 : i32
    scf.if %cond3A_98 {
      %mul3A_99 = arith.constant 10000 : i32
      %mul3A_100 = arith.muli %add3A_48, %mul3A_99 : i32
      %add3A_101 = arith.constant 9984 : i32
      %add3A_102 = arith.addi %mul3A_100, %add3A_101 : i32
      "tpu.region"() ({
        %run_scoped3A = tpu.sem_alloc : memref<!tpu.dma_semaphore, #tpu.memory_space<semaphore_mem>>
        %dma_start3A_103 = arith.constant 0 : i32
        %dma_start3A_104 = tpu.memref_slice %arg6[%add3A_102, %dma_start3A_103] : memref<40000x128xf32, #tpu.memory_space<hbm>> -> memref<16x128xf32, #tpu.memory_space<hbm>>
        %dma_start3A_105 = arith.constant 9984 : i32
        %dma_start3A_106 = arith.constant 0 : i32
        %dma_start3A_107 = tpu.memref_slice %arg7[%dma_start3A_105, %dma_start3A_106] : memref<10008x128xf32, #tpu.memory_space<vmem_shared>> -> memref<16x128xf32, #tpu.memory_space<vmem_shared>>
        tpu.enqueue_dma source(%dma_start3A_107 : memref<16x128xf32, #tpu.memory_space<vmem_shared>>) target(%dma_start3A_104 : memref<16x128xf32, #tpu.memory_space<hbm>>) target_semaphore(%run_scoped3A : memref<!tpu.dma_semaphore, #tpu.memory_space<semaphore_mem>>)
        %dma_wait3A_108 = arith.constant 0 : i32
        %dma_wait3A_109 = tpu.memref_slice %arg6[%add3A_102, %dma_wait3A_108] : memref<40000x128xf32, #tpu.memory_space<hbm>> -> memref<16x128xf32, #tpu.memory_space<hbm>>
        %dma_wait3A_110 = arith.constant 9984 : i32
        %dma_wait3A_111 = arith.constant 0 : i32
        %dma_wait3A_112 = tpu.memref_slice %arg7[%dma_wait3A_110, %dma_wait3A_111] : memref<10008x128xf32, #tpu.memory_space<vmem_shared>> -> memref<16x128xf32, #tpu.memory_space<vmem_shared>>
        tpu.wait_dma2 semaphore(%run_scoped3A : memref<!tpu.dma_semaphore, #tpu.memory_space<semaphore_mem>>) src(%dma_wait3A_112 : memref<16x128xf32, #tpu.memory_space<vmem_shared>>) dst(%dma_wait3A_109 : memref<16x128xf32, #tpu.memory_space<hbm>>)
        tpu.yield
      }) : () -> ()
    } else {
    }
    return
  }
}

module attributes {stable_mosaic.version = 14 : i64} {
  func.func @_mlp4_body(%arg0: i32, %arg1: i32, %arg2: memref<1x2000x128xf32, #tpu.memory_space<vmem>>, %arg3: memref<1x128x128xf32, #tpu.memory_space<vmem>>, %arg4: memref<1x1x128xf32, #tpu.memory_space<vmem>>, %arg5: memref<1x128x128xf32, #tpu.memory_space<vmem>>, %arg6: memref<1x1x128xf32, #tpu.memory_space<vmem>>, %arg7: memref<2000x128xf32, #tpu.memory_space<vmem>>) attributes {dimension_semantics = [#tpu.dimension_semantics<arbitrary>, #tpu.dimension_semantics<arbitrary>], iteration_bounds = array<i64: 4, 5>, scalar_prefetch = 0 : i64, scratch_operands = 0 : i64, tpu.core_type = #tpu.core_type<tc>, window_params = [{transform_indices = @transform_0, window_bounds = array<i64: 1, 2000, 128>}, {transform_indices = @transform_1, window_bounds = array<i64: 1, 128, 128>}, {transform_indices = @transform_2, window_bounds = array<i64: 1, 1, 128>}, {transform_indices = @transform_3, window_bounds = array<i64: 1, 128, 128>}, {transform_indices = @transform_4, window_bounds = array<i64: 1, 1, 128>}, {transform_indices = @transform_5, window_bounds = array<i64: 2000, 128>}]} {
    %get3A = arith.constant 0 : index
    %get3A_0 = arith.constant 0 : index
    %get3A_1 = arith.constant 0 : index
    %get3A_2 = vector.load %arg2[%get3A, %get3A_0, %get3A_1] : memref<1x2000x128xf32, #tpu.memory_space<vmem>>, vector<1x2000x128xf32>
    %get3A_3 = vector.shape_cast %get3A_2 : vector<1x2000x128xf32> to vector<2000x128xf32>
    %get3A_4 = arith.constant 0 : index
    %get3A_5 = arith.constant 0 : index
    %get3A_6 = arith.constant 0 : index
    %get3A_7 = vector.load %arg3[%get3A_4, %get3A_5, %get3A_6] : memref<1x128x128xf32, #tpu.memory_space<vmem>>, vector<1x128x128xf32>
    %get3A_8 = vector.shape_cast %get3A_7 : vector<1x128x128xf32> to vector<128x128xf32>
    %dot_general3A = arith.constant dense<0.000000e+00> : vector<2000x128xf32>
    %dot_general3A_9 = tpu.matmul %get3A_3, %get3A_8, %dot_general3A {dimension_numbers = #tpu.dot_dimension_numbers<[1], [0], [0], [1], [0, 0, 1, 1], [], []>, transpose_lhs_hint = false} : vector<2000x128xf32>, vector<128x128xf32>, vector<2000x128xf32> -> vector<2000x128xf32>
    %get3A_10 = arith.constant 0 : index
    %get3A_11 = arith.constant 0 : index
    %get3A_12 = arith.constant 0 : index
    %get3A_13 = vector.load %arg4[%get3A_10, %get3A_11, %get3A_12] : memref<1x1x128xf32, #tpu.memory_space<vmem>>, vector<1x1x128xf32>
    %get3A_14 = vector.shape_cast %get3A_13 : vector<1x1x128xf32> to vector<1x128xf32>
    %add3A = vector.broadcast %get3A_14 : vector<1x128xf32> to vector<2000x128xf32>
    %add3A_15 = arith.addf %dot_general3A_9, %add3A : vector<2000x128xf32>
    %max3A = arith.constant 0.000000e+00 : f32
    %max3A_16 = vector.broadcast %max3A : f32 to vector<2000x128xf32>
    %max3A_17 = arith.maximumf %add3A_15, %max3A_16 : vector<2000x128xf32>
    %get3A_18 = arith.constant 0 : index
    %get3A_19 = arith.constant 0 : index
    %get3A_20 = arith.constant 0 : index
    %get3A_21 = vector.load %arg5[%get3A_18, %get3A_19, %get3A_20] : memref<1x128x128xf32, #tpu.memory_space<vmem>>, vector<1x128x128xf32>
    %get3A_22 = vector.shape_cast %get3A_21 : vector<1x128x128xf32> to vector<128x128xf32>
    %dot_general3A_23 = arith.constant dense<0.000000e+00> : vector<2000x128xf32>
    %dot_general3A_24 = tpu.matmul %max3A_17, %get3A_22, %dot_general3A_23 {dimension_numbers = #tpu.dot_dimension_numbers<[1], [0], [0], [1], [0, 0, 1, 1], [], []>, transpose_lhs_hint = false} : vector<2000x128xf32>, vector<128x128xf32>, vector<2000x128xf32> -> vector<2000x128xf32>
    %get3A_25 = arith.constant 0 : index
    %get3A_26 = arith.constant 0 : index
    %get3A_27 = arith.constant 0 : index
    %get3A_28 = vector.load %arg6[%get3A_25, %get3A_26, %get3A_27] : memref<1x1x128xf32, #tpu.memory_space<vmem>>, vector<1x1x128xf32>
    %get3A_29 = vector.shape_cast %get3A_28 : vector<1x1x128xf32> to vector<1x128xf32>
    %add3A_30 = vector.broadcast %get3A_29 : vector<1x128xf32> to vector<2000x128xf32>
    %add3A_31 = arith.addf %dot_general3A_24, %add3A_30 : vector<2000x128xf32>
    %swap3A = arith.constant 0 : index
    %swap3A_32 = arith.constant 0 : index
    %swap3A_33 = vector.load %arg7[%swap3A, %swap3A_32] : memref<2000x128xf32, #tpu.memory_space<vmem>>, vector<2000x128xf32>
    tpu.vector_store %arg7[%swap3A, %swap3A_32], %add3A_31 {strides = array<i32>} : memref<2000x128xf32, #tpu.memory_space<vmem>>, vector<2000x128xf32>,
    return
  }
  func.func @transform_0(%arg0: i32, %arg1: i32) -> (i32, i32, i32) {
    %jit3A = arith.constant 2 : i32
    %div3A = arith.divsi %arg0, %jit3A : i32
    %sign3A = arith.constant 0 : i32
    %sign3A_0 = arith.cmpi sgt, %arg0, %sign3A : i32
    %sign3A_1 = arith.extui %sign3A_0 : i1 to i32
    %sign3A_2 = arith.constant 0 : i32
    %sign3A_3 = arith.cmpi slt, %arg0, %sign3A_2 : i32
    %sign3A_4 = arith.extui %sign3A_3 : i1 to i32
    %sign3A_5 = arith.subi %sign3A_1, %sign3A_4 : i32
    %sign3A_6 = arith.constant 0 : i32
    %sign3A_7 = arith.cmpi sgt, %jit3A, %sign3A_6 : i32
    %sign3A_8 = arith.extui %sign3A_7 : i1 to i32
    %sign3A_9 = arith.constant 0 : i32
    %sign3A_10 = arith.cmpi slt, %jit3A, %sign3A_9 : i32
    %sign3A_11 = arith.extui %sign3A_10 : i1 to i32
    %sign3A_12 = arith.subi %sign3A_8, %sign3A_11 : i32
    %ne3A = arith.cmpi ne, %sign3A_5, %sign3A_12 : i32
    %rem3A = arith.remsi %arg0, %jit3A : i32
    %ne3A_13 = arith.constant 0 : i32
    %ne3A_14 = arith.cmpi ne, %rem3A, %ne3A_13 : i32
    %and3A = arith.andi %ne3A, %ne3A_14 : i1
    %sub3A = arith.constant 1 : i32
    %sub3A_15 = arith.subi %div3A, %sub3A : i32
    %select_n3A = arith.select %and3A, %sub3A_15, %div3A : i32
    %sub3A_16 = arith.constant 1 : i32
    %sub3A_17 = arith.subi %sub3A_16, %select_n3A : i32
    %c0_i32 = arith.constant 0 : i32
    %c0_i32_18 = arith.constant 0 : i32
    return %sub3A_17, %arg1, %c0_i32 : i32, i32, i32
  }
  func.func @transform_1(%arg0: i32, %arg1: i32) -> (i32, i32, i32) {
    %c0_i32 = arith.constant 0 : i32
    %c0_i32_0 = arith.constant 0 : i32
    %c0_i32_1 = arith.constant 0 : i32
    return %arg0, %c0_i32, %c0_i32_0 : i32, i32, i32
  }
  func.func @transform_2(%arg0: i32, %arg1: i32) -> (i32, i32, i32) {
    %c0_i32 = arith.constant 0 : i32
    %c0_i32_0 = arith.constant 0 : i32
    %c0_i32_1 = arith.constant 0 : i32
    return %arg0, %c0_i32, %c0_i32_0 : i32, i32, i32
  }
  func.func @transform_3(%arg0: i32, %arg1: i32) -> (i32, i32, i32) {
    %c0_i32 = arith.constant 0 : i32
    %c0_i32_0 = arith.constant 0 : i32
    %c0_i32_1 = arith.constant 0 : i32
    return %arg0, %c0_i32, %c0_i32_0 : i32, i32, i32
  }
  func.func @transform_4(%arg0: i32, %arg1: i32) -> (i32, i32, i32) {
    %c0_i32 = arith.constant 0 : i32
    %c0_i32_0 = arith.constant 0 : i32
    %c0_i32_1 = arith.constant 0 : i32
    return %arg0, %c0_i32, %c0_i32_0 : i32, i32, i32
  }
  func.func @transform_5(%arg0: i32, %arg1: i32) -> (i32, i32) {
    %mul3A = arith.constant 5 : i32
    %mul3A_0 = arith.muli %arg0, %mul3A : i32
    %add3A = arith.addi %mul3A_0, %arg1 : i32
    %c0_i32 = arith.constant 0 : i32
    %c0_i32_1 = arith.constant 0 : i32
    return %add3A, %c0_i32 : i32, i32
  }
}

module attributes {stable_mosaic.version = 14 : i64} {
  func.func @_gru_body(%arg0: i32, %arg1: i32, %arg2: memref<2000x128xf32, #tpu.memory_space<vmem>>, %arg3: memref<2000x128xf32, #tpu.memory_space<vmem>>, %arg4: memref<1x2000x128xf32, #tpu.memory_space<vmem>>, %arg5: memref<1x256x384xf32, #tpu.memory_space<vmem>>, %arg6: memref<1x128x384xf32, #tpu.memory_space<vmem>>, %arg7: memref<1x1x384xf32, #tpu.memory_space<vmem>>, %arg8: memref<1x1x384xf32, #tpu.memory_space<vmem>>, %arg9: memref<1x2000x128xf32, #tpu.memory_space<vmem>>) attributes {dimension_semantics = [#tpu.dimension_semantics<arbitrary>, #tpu.dimension_semantics<arbitrary>], iteration_bounds = array<i64: 2, 5>, scalar_prefetch = 0 : i64, scratch_operands = 0 : i64, tpu.core_type = #tpu.core_type<tc>, window_params = [{transform_indices = @transform_0, window_bounds = array<i64: 2000, 128>}, {transform_indices = @transform_1, window_bounds = array<i64: 2000, 128>}, {transform_indices = @transform_2, window_bounds = array<i64: 1, 2000, 128>}, {transform_indices = @transform_3, window_bounds = array<i64: 1, 256, 384>}, {transform_indices = @transform_4, window_bounds = array<i64: 1, 128, 384>}, {transform_indices = @transform_5, window_bounds = array<i64: 1, 1, 384>}, {transform_indices = @transform_6, window_bounds = array<i64: 1, 1, 384>}, {transform_indices = @transform_7, window_bounds = array<i64: 1, 2000, 128>}]} {
    %get3A = arith.constant 0 : index
    %get3A_0 = arith.constant 0 : index
    %get3A_1 = vector.load %arg2[%get3A, %get3A_0] : memref<2000x128xf32, #tpu.memory_space<vmem>>, vector<2000x128xf32>
    %get3A_2 = arith.constant 0 : index
    %get3A_3 = arith.constant 0 : index
    %get3A_4 = vector.load %arg3[%get3A_2, %get3A_3] : memref<2000x128xf32, #tpu.memory_space<vmem>>, vector<2000x128xf32>
    %get3A_5 = arith.constant 0 : index
    %get3A_6 = arith.constant 0 : index
    %get3A_7 = arith.constant 0 : index
    %get3A_8 = vector.load %arg4[%get3A_5, %get3A_6, %get3A_7] : memref<1x2000x128xf32, #tpu.memory_space<vmem>>, vector<1x2000x128xf32>
    %get3A_9 = vector.shape_cast %get3A_8 : vector<1x2000x128xf32> to vector<2000x128xf32>
    %get3A_10 = arith.constant 0 : index
    %get3A_11 = arith.constant 0 : index
    %get3A_12 = arith.constant 0 : index
    %get3A_13 = vector.load %arg5[%get3A_10, %get3A_11, %get3A_12] : memref<1x256x384xf32, #tpu.memory_space<vmem>>, vector<1x128x384xf32>
    %get3A_14 = vector.shape_cast %get3A_13 : vector<1x128x384xf32> to vector<128x384xf32>
    %dot_general3A = arith.constant dense<0.000000e+00> : vector<2000x384xf32>
    %dot_general3A_15 = tpu.matmul %get3A_1, %get3A_14, %dot_general3A {dimension_numbers = #tpu.dot_dimension_numbers<[1], [0], [0], [1], [0, 0, 1, 1], [], []>, transpose_lhs_hint = false} : vector<2000x128xf32>, vector<128x384xf32>, vector<2000x384xf32> -> vector<2000x384xf32>
    %get3A_16 = arith.constant 0 : index
    %get3A_17 = arith.constant 128 : index
    %get3A_18 = arith.constant 0 : index
    %get3A_19 = vector.load %arg5[%get3A_16, %get3A_17, %get3A_18] : memref<1x256x384xf32, #tpu.memory_space<vmem>>, vector<1x128x384xf32>
    %get3A_20 = vector.shape_cast %get3A_19 : vector<1x128x384xf32> to vector<128x384xf32>
    %dot_general3A_21 = arith.constant dense<0.000000e+00> : vector<2000x384xf32>
    %dot_general3A_22 = tpu.matmul %get3A_4, %get3A_20, %dot_general3A_21 {dimension_numbers = #tpu.dot_dimension_numbers<[1], [0], [0], [1], [0, 0, 1, 1], [], []>, transpose_lhs_hint = false} : vector<2000x128xf32>, vector<128x384xf32>, vector<2000x384xf32> -> vector<2000x384xf32>
    %add3A = arith.addf %dot_general3A_15, %dot_general3A_22 : vector<2000x384xf32>
    %get3A_23 = arith.constant 0 : index
    %get3A_24 = arith.constant 0 : index
    %get3A_25 = arith.constant 0 : index
    %get3A_26 = vector.load %arg7[%get3A_23, %get3A_24, %get3A_25] : memref<1x1x384xf32, #tpu.memory_space<vmem>>, vector<1x1x384xf32>
    %get3A_27 = vector.shape_cast %get3A_26 : vector<1x1x384xf32> to vector<1x384xf32>
    %add3A_28 = vector.broadcast %get3A_27 : vector<1x384xf32> to vector<2000x384xf32>
    %add3A_29 = arith.addf %add3A, %add3A_28 : vector<2000x384xf32>
    %get3A_30 = arith.constant 0 : index
    %get3A_31 = arith.constant 0 : index
    %get3A_32 = arith.constant 0 : index
    %get3A_33 = vector.load %arg6[%get3A_30, %get3A_31, %get3A_32] : memref<1x128x384xf32, #tpu.memory_space<vmem>>, vector<1x128x384xf32>
    %get3A_34 = vector.shape_cast %get3A_33 : vector<1x128x384xf32> to vector<128x384xf32>
    %dot_general3A_35 = arith.constant dense<0.000000e+00> : vector<2000x384xf32>
    %dot_general3A_36 = tpu.matmul %get3A_9, %get3A_34, %dot_general3A_35 {dimension_numbers = #tpu.dot_dimension_numbers<[1], [0], [0], [1], [0, 0, 1, 1], [], []>, transpose_lhs_hint = false} : vector<2000x128xf32>, vector<128x384xf32>, vector<2000x384xf32> -> vector<2000x384xf32>
    %get3A_37 = arith.constant 0 : index
    %get3A_38 = arith.constant 0 : index
    %get3A_39 = arith.constant 0 : index
    %get3A_40 = vector.load %arg8[%get3A_37, %get3A_38, %get3A_39] : memref<1x1x384xf32, #tpu.memory_space<vmem>>, vector<1x1x384xf32>
    %get3A_41 = vector.shape_cast %get3A_40 : vector<1x1x384xf32> to vector<1x384xf32>
    %add3A_42 = vector.broadcast %get3A_41 : vector<1x384xf32> to vector<2000x384xf32>
    %add3A_43 = arith.addf %dot_general3A_36, %add3A_42 : vector<2000x384xf32>
    %slice3A = vector.extract_strided_slice %add3A_29 {offsets = [0, 0], sizes = [2000, 128], strides = [1, 1]} : vector<2000x384xf32> to vector<2000x128xf32>
    %slice3A_44 = vector.extract_strided_slice %add3A_43 {offsets = [0, 0], sizes = [2000, 128], strides = [1, 1]} : vector<2000x384xf32> to vector<2000x128xf32>
    %add3A_45 = arith.addf %slice3A, %slice3A_44 : vector<2000x128xf32>
    %logistic3A = arith.negf %add3A_45 : vector<2000x128xf32>
    %logistic3A_46 = math.exp %logistic3A : vector<2000x128xf32>
    %logistic3A_47 = arith.constant 1.000000e+00 : f32
    %logistic3A_48 = vector.broadcast %logistic3A_47 : f32 to vector<2000x128xf32>
    %logistic3A_49 = arith.addf %logistic3A_48, %logistic3A_46 : vector<2000x128xf32>
    %logistic3A_50 = arith.divf %logistic3A_48, %logistic3A_49 : vector<2000x128xf32>
    %slice3A_51 = vector.extract_strided_slice %add3A_29 {offsets = [0, 128], sizes = [2000, 128], strides = [1, 1]} : vector<2000x384xf32> to vector<2000x128xf32>
    %slice3A_52 = vector.extract_strided_slice %add3A_43 {offsets = [0, 128], sizes = [2000, 128], strides = [1, 1]} : vector<2000x384xf32> to vector<2000x128xf32>
    %add3A_53 = arith.addf %slice3A_51, %slice3A_52 : vector<2000x128xf32>
    %logistic3A_54 = arith.negf %add3A_53 : vector<2000x128xf32>
    %logistic3A_55 = math.exp %logistic3A_54 : vector<2000x128xf32>
    %logistic3A_56 = arith.constant 1.000000e+00 : f32
    %logistic3A_57 = vector.broadcast %logistic3A_56 : f32 to vector<2000x128xf32>
    %logistic3A_58 = arith.addf %logistic3A_57, %logistic3A_55 : vector<2000x128xf32>
    %logistic3A_59 = arith.divf %logistic3A_57, %logistic3A_58 : vector<2000x128xf32>
    %slice3A_60 = vector.extract_strided_slice %add3A_29 {offsets = [0, 256], sizes = [2000, 128], strides = [1, 1]} : vector<2000x384xf32> to vector<2000x128xf32>
    %slice3A_61 = vector.extract_strided_slice %add3A_43 {offsets = [0, 256], sizes = [2000, 128], strides = [1, 1]} : vector<2000x384xf32> to vector<2000x128xf32>
    %mul3A = arith.mulf %logistic3A_50, %slice3A_61 : vector<2000x128xf32>
    %add3A_62 = arith.addf %slice3A_60, %mul3A : vector<2000x128xf32>
    %tanh3A = math.tanh %add3A_62 : vector<2000x128xf32>
    %sub3A = arith.constant 1.000000e+00 : f32
    %sub3A_63 = vector.broadcast %sub3A : f32 to vector<2000x128xf32>
    %sub3A_64 = arith.subf %sub3A_63, %logistic3A_59 : vector<2000x128xf32>
    %mul3A_65 = arith.mulf %sub3A_64, %tanh3A : vector<2000x128xf32>
    %mul3A_66 = arith.mulf %logistic3A_59, %get3A_9 : vector<2000x128xf32>
    %add3A_67 = arith.addf %mul3A_65, %mul3A_66 : vector<2000x128xf32>
    %swap3A = arith.constant 0 : index
    %swap3A_68 = arith.constant 0 : index
    %swap3A_69 = arith.constant 0 : index
    %swap3A_70 = vector.load %arg9[%swap3A, %swap3A_68, %swap3A_69] : memref<1x2000x128xf32, #tpu.memory_space<vmem>>, vector<1x2000x128xf32>
    %swap3A_71 = vector.shape_cast %swap3A_70 : vector<1x2000x128xf32> to vector<2000x128xf32>
    %swap3A_72 = vector.shape_cast %add3A_67 : vector<2000x128xf32> to vector<1x2000x128xf32>
    tpu.vector_store %arg9[%swap3A, %swap3A_68, %swap3A_69], %swap3A_72 {strides = array<i32>} : memref<1x2000x128xf32, #tpu.memory_space<vmem>>, vector<1x2000x128xf32>,
    return
  }
  func.func @transform_0(%arg0: i32, %arg1: i32) -> (i32, i32) {
    %mul3A = arith.constant 2 : i32
    %mul3A_0 = arith.muli %mul3A, %arg0 : i32
    %mul3A_1 = arith.constant 5 : i32
    %mul3A_2 = arith.muli %mul3A_0, %mul3A_1 : i32
    %add3A = arith.addi %mul3A_2, %arg1 : i32
    %c0_i32 = arith.constant 0 : i32
    %c0_i32_3 = arith.constant 0 : i32
    return %add3A, %c0_i32 : i32, i32
  }
  func.func @transform_1(%arg0: i32, %arg1: i32) -> (i32, i32) {
    %mul3A = arith.constant 2 : i32
    %mul3A_0 = arith.muli %mul3A, %arg0 : i32
    %add3A = arith.constant 1 : i32
    %add3A_1 = arith.addi %mul3A_0, %add3A : i32
    %mul3A_2 = arith.constant 5 : i32
    %mul3A_3 = arith.muli %add3A_1, %mul3A_2 : i32
    %add3A_4 = arith.addi %mul3A_3, %arg1 : i32
    %c0_i32 = arith.constant 0 : i32
    %c0_i32_5 = arith.constant 0 : i32
    return %add3A_4, %c0_i32 : i32, i32
  }
  func.func @transform_2(%arg0: i32, %arg1: i32) -> (i32, i32, i32) {
    %c0_i32 = arith.constant 0 : i32
    %c0_i32_0 = arith.constant 0 : i32
    return %arg0, %arg1, %c0_i32 : i32, i32, i32
  }
  func.func @transform_3(%arg0: i32, %arg1: i32) -> (i32, i32, i32) {
    %c0_i32 = arith.constant 0 : i32
    %c0_i32_0 = arith.constant 0 : i32
    %c0_i32_1 = arith.constant 0 : i32
    return %arg0, %c0_i32, %c0_i32_0 : i32, i32, i32
  }
  func.func @transform_4(%arg0: i32, %arg1: i32) -> (i32, i32, i32) {
    %c0_i32 = arith.constant 0 : i32
    %c0_i32_0 = arith.constant 0 : i32
    %c0_i32_1 = arith.constant 0 : i32
    return %arg0, %c0_i32, %c0_i32_0 : i32, i32, i32
  }
  func.func @transform_5(%arg0: i32, %arg1: i32) -> (i32, i32, i32) {
    %c0_i32 = arith.constant 0 : i32
    %c0_i32_0 = arith.constant 0 : i32
    %c0_i32_1 = arith.constant 0 : i32
    return %arg0, %c0_i32, %c0_i32_0 : i32, i32, i32
  }
  func.func @transform_6(%arg0: i32, %arg1: i32) -> (i32, i32, i32) {
    %c0_i32 = arith.constant 0 : i32
    %c0_i32_0 = arith.constant 0 : i32
    %c0_i32_1 = arith.constant 0 : i32
    return %arg0, %c0_i32, %c0_i32_0 : i32, i32, i32
  }
  func.func @transform_7(%arg0: i32, %arg1: i32) -> (i32, i32, i32) {
    %c0_i32 = arith.constant 0 : i32
    %c0_i32_0 = arith.constant 0 : i32
    return %arg0, %arg1, %c0_i32 : i32, i32, i32
  }
}

</mosaic_0001>

<sc_bundles>
// kernel: gather_offload_async_start.1
scs
__scs_entry_jumppad:
0x0: {  	(pc) =	sbr.rel $0x88, $3  }
0x1: {  	(tag) =	ssettag $0x0;
	lr =	simm.s32 $0x1  }
0x2: {  	[smem:$0x3F83] =	sst lr;
	_ =	strace $0xD0000000  }
0x3: {  	_ = 	snop  }
0x4: {  	_ = 	snop  }
0x5: {  	_ = 	snop  }
0x6: {  	_ = 	snop  }
0x7: {  	_ = 	snop  }
__scs_overlays_trampoline_lowered:
0x8: {  	[smem:$0x3F92] =	sst s0  }
0x9: {  	[smem:$0x3F93] =	sst s1  }
0xa: {  	[smem:$0x3F94] =	sst s2  }
0xb: {  	[smem:$0x3F95] =	sst s3  }
0xc: {  	[smem:$0x3F96] =	sst s4  }
0xd: {  	[smem:$0x3F97] =	sst s5  }
0xe: {  	[smem:$0x3F98] =	sst s6  }
0xf: {  	[smem:$0x3F99] =	sst s7  }
0x10: {  	[smem:$0x3F9A] =	sst s8  }
0x11: {  	[smem:$0x3F9B] =	sst s9;
	s0 =	simm.s32 @!p0 $0x0  }
0x12: {  	s1 =	sld [smem:$0x3F81];
	s0 =	simm.s32 @p0 $0x1  }
0x13: {  	[smem:$0x3F9C] =	sst s0;
	s0 =	simm.s32 @!p1 $0x0  }
0x14: {  	s2 =	sld [smem:$0x3F80];
	s0 =	simm.s32 @p1 $0x1  }
0x15: {  	[smem:$0x3F9D] =	sst s0;
	s0 =	simm.s32 @!p2 $0x0  }
0x16: {  	s3 =	sld [smem:$0x3FDB];
	s0 =	simm.s32 @p2 $0x1  }
0x17: {  	s4 =	simm.s32 $0x1BF5;
	[smem:$0x3F9F] =	sst s0  }
0x18: {  	s0 =	sld [smem:$0x3F82];
	_ =	swait.ge [sflag:s4], $0x0  }
0x19: {  	s7 =	sld [smem:$0x3F83]  }
0x1a: {  	s8 =	sadd.s32 $0xFFFFE003, lr  }
0x1b: {  	s9 =	sadd.s32 $0xFFFFFEF7, lr;
	s5 =	simm.s32 $0xFFFFFFFF;
	p2 =	slt.u32 s8, $0xFFFFF086  }
0x1c: {  	p1 =	slt.u32 s9, $0xF7A;
	s5 =	simm.s32 @!p2 $0x0  }
0x1d: {  	s5 =	simm.s32 @p1 $0x1;
	p0 =	seq.s32 s7, s2  }
0x1e: {  	s7 =	smul.u32 @!p0 $0xF7A, s2;
	p2 =	seq.s32 @!p0 s5, $0x0  }
0x1f: {  	s9 =	smul.u32 $0xF7A, s1;
	s8 =	simm.s32 @!p0 $0x1BF5;
	p2 =	por !p2, p0  }
0x20: {  	[sflag:s8] =	ssyncset.s32 @!p0 $0xFFFFF086;
	s6 =	sadd.s32 @!p0 s3, s7;
	s7 =	simm.s32 @!p0 $0x108  }
0x21: {  	s3 =	sadd.s32 s3, s9;
	s6 =	sadd.s32 @!p0 $0x88, s6;
	s7 =	simm.s32 @p2 $0x1082  }
0x22: {  	[simem:s7], [sflag:s8] =	dma.local @!p0 [hbm:s6], $0xF7A  }
0x23: {  	s9 =	sor.u32 $0xD0000000, s2;
	s6 =	simm.s32 $0x108;
	_ =	swait.ge @!p0 [sflag:s8], $0x0  }
0x24: {  	s3 =	sadd.s32 $0x88, s3;
	s6 =	simm.s32 @!p1 $0x1082;
	[sflag:s4] =	ssyncset.s32 $0xFFFFF086  }
0x25: {  	[simem:s6], [sflag:s4] =	dma.local [hbm:s3], $0xF7A  }
0x26: {  	[smem:$0x3F83] =	sst s1;
	(tag) =	ssettag s2;
	_ =	strace s9  }
0x27: {  	s1 =	sld [smem:$0x3F93]  }
0x28: {  	s2 =	sld [smem:$0x3F94]  }
0x29: {  	s4 =	sld [smem:$0x3F96]  }
0x2a: {  	p0 =	seq.s32 s5, $0x0;
	s5 =	sld [smem:$0x3F97]  }
0x2b: {  	s6 =	sld [smem:$0x3F98]  }
0x2c: {  	s7 =	sld [smem:$0x3F99]  }
0x2d: {  	s3 =	simm.s32 $0x108;
	s8 =	sld [smem:$0x3F9A]  }
0x2e: {  	s3 =	simm.s32 @!p0 $0x1082;
	s9 =	sld [smem:$0x3F9B]  }
0x2f: {  	lr =	sadd.s32 s0, s3;
	s0 =	sld [smem:$0x3F92]  }
0x30: {  	s3 =	sld [smem:$0x3F95]  }
0x31: {  	[smem:$0x3F9E] =	sst s10  }
0x32: {  	s10 =	sld [smem:$0x3F9C];
	_ =	sdelay $0x3  }
0x33: {  	p0 =	seq.s32 s10, $0x1;
	s10 =	sld [smem:$0x3F9E];
	_ =	sdelay $0x3  }
0x34: {  	[smem:$0x3F9E] =	sst s10  }
0x35: {  	s10 =	sld [smem:$0x3F9D];
	_ =	sdelay $0x3  }
0x36: {  	p1 =	seq.s32 s10, $0x1;
	s10 =	sld [smem:$0x3F9E];
	_ =	sdelay $0x3  }
0x37: {  	[smem:$0x3F9E] =	sst s10  }
0x38: {  	s10 =	sld [smem:$0x3F9F]  }
0x39: {  	_ = 	snop;
	(pc) =	sbr.ind lr, $3  }
0x3a: {  	_ = 	snop  }
0x3b: {  	_ = 	snop  }
0x3c: {  	p2 =	seq.s32 s10, $0x1;
	s10 =	sld [smem:$0x3F9E]  }
0x3d: {  	_ =	shalt  }
0x3e: {  	_ =	shalt  }
0x3f: {  	_ =	shalt  }
0x40: {  	_ =	shalt  }
0x41: {  	_ =	shalt  }
0x42: {  	_ =	shalt  }
0x43: {  	_ =	shalt  }
0x44: {  	_ =	shalt  }
0x45: {  	_ =	shalt  }
0x46: {  	_ =	shalt  }
0x47: {  	_ =	shalt  }
0x48: {  	_ =	shalt  }
0x49: {  	_ =	shalt  }
0x4a: {  	_ =	shalt  }
0x4b: {  	_ =	shalt  }
0x4c: {  	_ =	shalt  }
0x4d: {  	_ =	shalt  }
0x4e: {  	_ =	shalt  }
0x4f: {  	_ =	shalt  }
0x50: {  	_ =	shalt  }
0x51: {  	_ =	shalt  }
0x52: {  	_ =	shalt  }
0x53: {  	_ =	shalt  }
0x54: {  	_ =	shalt  }
0x55: {  	_ =	shalt  }
0x56: {  	_ =	shalt  }
0x57: {  	_ =	shalt  }
0x58: {  	_ =	shalt  }
0x59: {  	_ =	shalt  }
0x5a: {  	_ =	shalt  }
0x5b: {  	_ =	shalt  }
0x5c: {  	_ =	shalt  }
0x5d: {  	_ =	shalt  }
0x5e: {  	_ =	shalt  }
0x5f: {  	_ =	shalt  }
0x60: {  	_ =	shalt  }
0x61: {  	_ =	shalt  }
0x62: {  	_ =	shalt  }
0x63: {  	_ =	shalt  }
0x64: {  	_ =	shalt  }
0x65: {  	_ =	shalt  }
0x66: {  	_ =	shalt  }
0x67: {  	_ =	shalt  }
0x68: {  	_ =	shalt  }
0x69: {  	_ =	shalt  }
0x6a: {  	_ =	shalt  }
0x6b: {  	_ =	shalt  }
0x6c: {  	_ =	shalt  }
0x6d: {  	_ =	shalt  }
0x6e: {  	_ =	shalt  }
0x6f: {  	_ =	shalt  }
0x70: {  	_ =	shalt  }
0x71: {  	_ =	shalt  }
0x72: {  	_ =	shalt  }
0x73: {  	_ =	shalt  }
0x74: {  	_ =	shalt  }
0x75: {  	_ =	shalt  }
0x76: {  	_ =	shalt  }
0x77: {  	_ =	shalt  }
0x78: {  	_ =	shalt  }
0x79: {  	_ =	shalt  }
0x7a: {  	_ =	shalt  }
0x7b: {  	_ =	shalt  }
0x7c: {  	_ =	shalt  }
0x7d: {  	_ =	shalt  }
0x7e: {  	_ =	shalt  }
0x7f: {  	_ =	shalt  }
0x80: {  	_ =	shalt  }
0x81: {  	_ =	shalt  }
0x82: {  	_ =	shalt  }
0x83: {  	_ =	shalt  }
0x84: {  	_ =	shalt  }
0x85: {  	_ =	shalt  }
0x86: {  	_ =	shalt  }
0x87: {  	_ =	shalt  }
.Lfunc_end0:
.L_simem_size_0:
called_computation.1_lowered:
.L_overlay_start_0:
0x88: {  	s2 =	sld [smem:$0x3FD9]  }
0x89: {  	s3 =	sld [smem:$0x3FFE];
	_ =	sdelay $0x1  }
0x8a: {  	s1 =	srdreg.scid  }
0x8b: {  	s0 =	sand.u32 $0x1, s1  }
0x8c: {  	s17 =	sshll.u32 s0, $0xA;
	s2 =	sadd.s32 s3, s2  }
0x8d: {  	s2 =	sadd.s32 s2, s17  }
0x8e: {  	[smem:$0x3FAA] =	sst s2  }
0x8f: {  	_ = 	snop  }
0x90: {  	s18 =	sld [smem:$0x3FC9];
	(tm) =	ssettm $0x1  }
0x91: {  	s19 =	sld [smem:$0x3FFB];
	_ =	sdelay $0x3  }
0x92: {  	_ =	strace s19  }
0x93: {  	s2 =	sld [smem:$0x3FFC];
	_ =	sdelay $0x3  }
0x94: {  	_ =	strace s2  }
0x95: {  	s2 =	sld [smem:$0x3FFD];
	_ =	sdelay $0x3  }
0x96: {  	_ =	strace s2  }
0x97: {  	_ =	strace $0x8FFFFFFF  }
0x98: {  	s20 =	sld [smem:$0x3FDB];
	_ =	sdelay $0x1  }
0x99: {  	s4 =	simm.s32 $_scs_section_size  }
0x9a: {  	s5 =	simm.s32 $_size__tile_overlayer_lowered;
	s6 =	simm.s32 $_tile_overlayer_lowered  }
0x9b: {  	s7 =	simm.s32 $0x1BFF;
	s21 =	sshll.u32 s6, $0x1;
	s4 =	sadd.s32 s4, s20  }
0x9c: {  	s22 =	simm.s32 $0x0;
	s5 =	sshll.u32 s5, $0x1;
	s6 =	sadd.s32 s21, s4  }
0x9d: {  	[timem:s22], [sflag:s7] =	dma.local [hbm:s6], s5  }
0x9e: {  	_ =	swait.ge [sflag:s7], s5  }
0x9f: {  	s5 =	ssub.s32 $0x0, s5;
	[sflag:s7] =	ssyncset.done $0x0  }
0xa0: {  	[sflag:s7] =	ssyncadd.s32 s5;
	_ =	sdelay $0x1  }
0xa1: {  	s23 =	simm.s32 $0x1B8B  }
0xa2: {  	_ =	swait.ge [sflag:s23], $0x1  }
0xa3: {  	[sflag:s23] =	ssyncset.done $0x0  }
0xa4: {  	[sflag:s23] =	ssyncadd.s32 $0xFFFFFFFF  }
0xa5: {  	s5 =	sld [smem:$0x0]  }
0xa6: {  	s6 =	sand.u32 $0xFFFFFFFE, s1  }
0xa7: {  	p0 =	sne.s32 s1, s6  }
0xa8: {  	s6 =	sshll.u32 @p0 s6, $0xE  }
0xa9: {  	s6 =	sadd.s32 @p0 $0x11B8D, s6;
	s7 =	sshll.u32 @p0 s5, $0x11  }
0xaa: {  	s6 =	sor.u32 @p0 s7, s6  }
0xab: {  	[sflag:s6] =	ssyncadd.remote.s32 @p0 $0x1;
	_ =	sdelay $0x1  }
0xac: {  	s6 =	simm.s32 @p0 $0x1B8D  }
0xad: {  	_ =	swait.eq @p0 [sflag:s6], $0x1  }
0xae: {  	[sflag:s6] =	ssyncadd.s32 @p0 $0xFFFFFFFF  }
0xaf: {  	s7 =	sshll.u32 @!p0 s1, $0xE  }
0xb0: {  	s7 =	sor.u32 @!p0 $0x4000, s7;
	s6 =	simm.s32 @!p0 $0x1B8D  }
0xb1: {  	s5 =	sshll.u32 @!p0 s5, $0x11;
	s7 =	sadd.s32 @!p0 $0x11B8D, s7;
	_ =	swait.eq @!p0 [sflag:s6], $0x1  }
0xb2: {  	s5 =	sor.u32 @!p0 s5, s7;
	[sflag:s6] =	ssyncadd.s32 @!p0 $0xFFFFFFFF  }
0xb3: {  	s25 =	simm.s32 $0x1B8E;
	s24 =	sld [smem:$0x3FFE];
	[sflag:s5] =	ssyncadd.remote.s32 @!p0 $0x1  }
0xb4: {  	s26 =	simm.s32 $execute0_lowered;
	[smem:$0x3FD2] =	sst s25  }
0xb5: {  	s6 =	sshll.u32 s26, $0x1;
	_ =	strace $0x80000049;
	[dreg:$0x1] =	wrdreg $0xFFFFFFFF  }
0xb6: {  	s28 =	simm.s32 $_size_execute0_lowered;
	s4 =	sadd.s32 s4, s6;
	[dreg:$0x0] =	wrdreg $0x0  }
0xb7: {  	s6 =	sshll.u32 s28, $0x1;
	[dreg:$0x2] =	wrdreg s4  }
0xb8: {  	[dreg:$0x3] =	wrdreg s6  }
0xb9: {  	[dreg:$0x4] =	wrdreg $0xC0  }
0xba: {  	_ =	task [dreg:s22], $0x5FFFF  }
0xbb: {  	[dreg:$0x1] =	wrdreg $0xFFFFFFFF  }
0xbc: {  	[dreg:$0x0] =	wrdreg $0x60  }
0xbd: {  	[dreg:$0x2] =	wrdreg s18  }
0xbe: {  	[dreg:$0x3] =	wrdreg s24  }
0xbf: {  	[dreg:$0x4] =	wrdreg $0xB  }
0xc0: {  	_ =	task.clear_ibuf [dreg:s22], $0x5FFFF;
	_ =	strace $0x90000049  }
0xc1: {  	s29 =	simm.s32 $0xB;
	_ =	strace $0x8000004B  }
0xc2: {  	_ =	swait.ge [sflag:s29], $0x1  }
0xc3: {  	[sflag:s29] =	ssyncadd.s32 $0xFFFFFFFF  }
0xc4: {  	_ =	strace $0x9000004B  }
0xc5: {  	_ =	sfence  }
0xc6: {  	s30 =	sld [smem:$0x0];
	_ =	sdelay $0x2  }
0xc7: {  	s31 =	sshll.u32 s1, $0xD;
	s1 =	sshrl.u32 s1, $0x2  }
0xc8: {  	s4 =	sand.u32 $0x4000, s31;
	s1 =	sadd.s32 s1, s30  }
0xc9: {  	s0 =	sor.u32 s4, s0;
	s1 =	sshll.u32 s1, $0x11  }
0xca: {  	s0 =	sor.u32 s1, s0  }
0xcb: {  	s0 =	sadd.s32 $0x8F2B, s0  }
0xcc: {  	[sflag:s0] =	ssyncadd.remote.s32 $0x1  }
0xcd: {  	_ =	sfence.sel $0xFFFF  }
0xce: {  	[dreg:$0x0] =	wrdreg $0xFFFFFFFF;
	(pc) =	sbr.abs _section_cstart, $3  }
0xcf: {  	[dreg:$0x1] =	wrdreg $0xFFFFFFFF  }
0xd0: {  	_ =	task.clear_ibuf [dreg:s22], $0x2FFFF;
	_ =	strace $0x9FFFFFFF  }
0xd1: {  	(tm) =	ssettm $0x7FFFFFFF  }
tec
execute0_lowered:
.L_overlay_start_1:
0x0: {  	(tag) =	ssettag $0x1  }
0x1: {  	s2 =	rddreg [dreg:$0x0]  }
0x2: {  	s8 =	rddreg [dreg:$0x1]  }
0x3: {  	s0 =	rddreg [dreg:$0x2];
	s1 =	stileid.u32  }
0x4: {  	s3 =	srdreg.scid;
	_ =	strace $0x8000004A;
	s4 =	simm.s32 $0x1  }
0x5: {  	s7 =	simm.s32 $0x1;
	s9 =	simm.s32 $0x1;
	s10 =	simm.s32 $0x3  }
0x6: {  	s13 =	simm.s32 $0x0;
	s5 =	sand.u32 $0x1, s3;
	s6 =	sshll.u32 s1, $0x1  }
0x7: {  	s12 =	simm.s32 $0x0;
	s3 =	sadd.s32 $0x9600, s8;
	s5 =	sor.u32 s6, s5  }
.Ltmp0:
0x8: {  	[sflag:s4] =	ssyncpa.u1 $0x0;
	p0 =	slt.u32 s5, $0x9;
	(pc) =	sbr.rel .LBB2_1-.Ltmp0, $4  }
0x9: {  	s6 =	simm.s32 $0x2;
	s7 =	simm.s32 @!p0 $0x0;
	p0 =	sne.s32 s5, $0x8  }
0xa: {  	[sflag:s6] =	ssyncpa.u1 $0x0;
	s5 =	smul.u32 $0xFA0, s5;
	s9 =	simm.s32 @!p0 $0x0  }
0xb: {  	s8 =	sadd.s32 $0x65C00, s8;
	[sflag:s10] =	ssyncpa.u1 $0x0;
	s7 =	sadd.s32 s9, s7  }
0xc: {  	vm0 =	vmmov $0xffff;
	s10 =	simm.s32 $0x0;
	s11 =	smov.u32 s5;
	s9 =	sadd.s32 $0x1, s7  }
.LBB2_4:
0xd: {  	v2 =	vnsel vm1, $0x0, v2  }
0xe: {  	vm1 =	vgt.s32 v0, $0x0;
	v2 =	vmin.u32 v2, $0x4E1FF  }
0xf: {  	v0 =	vnsel vm1, $0x0, v0  }
0x10: {  	v0 =	vmin.u32 v0, $0x4E1FF  }
0x11: {  	[tilespmem:s18], [sflag:$0x1] =	stream.indirect_vreg.gather [hbm4b:s2+s10], $0x1, v1, vm0, $0x4038;
	[tilespmem:$0x3E80] =	vst v63  }
0x12: {  	(ifvalue) =	ssetifvalue $0x7FFFFFFF  }
0x13: {  	[tilespmem:s15], [sflag:$0x1] =	stream.indirect_vreg.gather [hbm4b:s2+s10], $0x1, v2, vm0, $0x4038;
	[tilespmem:$0x3E80] =	vst v63  }
0x14: {  	s29 =	sadd.s32 $0x10, s15;
	(ifvalue) =	ssetifvalue $0x7FFFFFFF  }
0x15: {  	[tilespmem:s29], [sflag:$0x1] =	stream.indirect_vreg.gather [hbm4b:s2+s10], $0x1, v0, vm0, $0x4038;
	[tilespmem:$0x3E80] =	vst v63  }
0x16: {  	_ =	swait.ge [sflag:s4], $0xFA0  }
0x17: {  	s30 =	sshrl.u32 s13, $0x3;
	[sflag:s4] =	ssyncset.done $0x0  }
0x18: {  	s31 =	sand.u32 $0x7, s13;
	s15 =	sadd.s32 s8, s30;
	[sflag:s4] =	ssyncadd.s32 $0xFFFFF060  }
0x19: {  	[hbm4b:s15+s31] =	stream.linear.scatter [tilespmem:s14], [sflag:$0x3], $0xFA0, $0x38;
	[tilespmem:$0x3E80] =	vst v63  }
.LBB2_5:
0x1a: {  	s15 =	sadd.s32 $0x1F400, s11  }
0x1b: {  	p1 =	sgt.s32 s15, $0x270FF  }
0x1c: {  	s15 =	smov.u32 @p1 s5;
	p1 =	sne.s32 s12, s9  }
.Ltmp1:
0x1d: {  	p0 =	slt.u32 s12, $0x2;
	(pc) =	sbr.rel @!p1 .LBB2_6-.Ltmp1, $4  }
0x1e: {  	s14 =	simm.s32 @!p0 $0x3  }
0x1f: {  	_ =	swait.ge @!p0 [sflag:s14], $0xFA0  }
0x20: {  	s16 =	sadd.s32 $0x1, s12;
	s13 =	smov.u32 s11;
	[sflag:s14] =	ssyncset.done @!p0 $0x0  }
0x21: {  	s12 =	smov.u32 s16;
	s11 =	smov.u32 s15;
	[sflag:s14] =	ssyncadd.s32 @!p0 $0xFFFFF060  }
.LBB2_1:
0x22: {  	p0 =	sge.u32 s12, s7  }
0x23: {  	s14 =	sxor.u32 @!p0 $0x1, s12  }
0x24: {  	s14 =	smul.u32 @!p0 $0x3E80, s14  }
0x25: {  	s31 =	sadd.s32 $0xFFFFFFFF, s12;
	s15 =	sshrl.u32 @!p0 s11, $0x3  }
0x26: {  	s16 =	sand.u32 @!p0 $0x7, s11;
	s15 =	sadd.s32 @!p0 s3, s15;
	s14 =	sshra.s32 @!p0 s14, $0x2  }
0x27: {  	[tilespmem:s14], [sflag:$0x2] =	stream.linear.gather @!p0 [hbm4b:s15+s16], $0xFA0, $0x38;
	[tilespmem:$0x3E80] =	vst v63  }
0x28: {  	p0 =	sge.u32 s31, s7  }
.Ltmp2:
0x29: {  	_ = 	snop;
	(pc) =	sbr.rel @p0 .LBB2_5-.Ltmp2, $1  }
0x2a: {  	_ =	sdelay $0x3  }
0x2b: {  	s14 =	sand.u32 $0x1, s12  }
0x2c: {  	_ =	swait.ge [sflag:s6], $0xFA0;
	p0 =	seq.s32 s14, $0x1;
	s14 =	simm.s32 $0xFA0  }
0x2d: {  	[sflag:s6] =	ssyncset.done $0x0;
	s14 =	simm.s32 @!p0 $0x0  }
0x2e: {  	[sflag:s6] =	ssyncadd.s32 $0xFFFFF060;
	(ifvalue) =	ssetifvalue $0x7FFFFFFF;
	v0 =	vld.msk [tilespmem:s14+$0x0 ss:$0x1], $0xffff;
	_ =	sdelay $0x4  }
0x2f: {  	s15 =	sadd.s32 $0x10, s14;
	vm1 =	vgt.s32 v0, $0x0  }
0x30: {  	v2 =	vld.msk [tilespmem:s15+$0x0 ss:$0x1], $0xffff;
	v1 =	vnsel vm1, $0x0, v0  }
0x31: {  	v1 =	vmin.u32 v1, $0x4E1FF;
	_ =	sdelay $0x2  }
0x32: {  	s17 =	simm.s32 $0x20;
	s14 =	sadd.s32 $0x1F40, s14;
	s16 =	sadd.s32 $0x10, s15  }
0x33: {  	s15 =	sadd.s32 $0x10, s14;
	s18 =	smov.u32 s14;
	v0 =	vld.msk [tilespmem:s16+$0x0 ss:$0x1], $0xffff;
	vm1 =	vgt.s32 v2, $0x0;
	(ifvalue) =	ssetifvalue $0x7FFFFFFF  }
.LBB2_3:
0x34: {  	[tilespmem:s18], [sflag:$0x1] =	stream.indirect_vreg.gather [hbm4b:s2+s10], $0x1, v1, vm0, $0x4038;
	[tilespmem:$0x3E80] =	vst v63  }
0x35: {  	s17 =	sadd.s32 $0x10, s17  }
0x36: {  	v2 =	vnsel vm1, $0x0, v2;
	p0 =	slt.u32 s17, $0xF90  }
.Ltmp3:
0x37: {  	s18 =	smov.u32 s15;
	v1 =	vmin.u32 v2, $0x4E1FF;
	(pc) =	sbr.rel @p0 .LBB2_3-.Ltmp3, $3  }
0x38: {  	_ =	sdelay $0x1  }
0x39: {  	s16 =	sadd.s32 $0x10, s16  }
0x3a: {  	vm1 =	vgt.s32 v0, $0x0;
	s15 =	sadd.s32 $0x10, s15;
	v2 =	vmov v0;
	(ifvalue) =	ssetifvalue $0x7FFFFFFF;
	v0 =	vld.msk [tilespmem:s16+$0x0 ss:$0x1], $0xffff  }
.Ltmp4:
0x3b: {  	_ = 	snop;
	(pc) =	sbr.rel .LBB2_4-.Ltmp4, $1  }
0x3c: {  	_ =	sdelay $0x3  }
.LBB2_6:
0x3d: {  	_ =	sfence.sel $0x180000  }
0x3e: {  	s2 =	simm.s32 $0x2;
	[bflag:$0x0] =	sbarrier.arrive $0xFFFF  }
0x3f: {  	s30 =	simm.s32 $0x3;
	[sflag:s2] =	ssyncpa.u1 $0x1  }
0x40: {  	s31 =	simm.s32 $0x1;
	[sflag:s30] =	ssyncpa.u1 $0x1  }
0x41: {  	[sflag:s31] =	ssyncpa.u1 $0x1  }
0x42: {  	p0 =	sne.s32 s1, $0x0;
	_ =	strace $0x9000004A  }
0x43: {  	s0 =	sadd.s32 @!p0 $0x100000, s0;
	[bflag:$0x2] =	sbarrier.arrive $0xFFFF  }
0x44: {  	[sflag:s0] =	ssyncadd.tile.s32 @!p0 $0x1;
	_ =	shalt  }
.Lfunc_end2:
_tile_overlayer_lowered:
.L_overlay_start_2:
0x45: {  	(tag) =	ssettag $0x2  }
0x46: {  	s0 =	rddreg [dreg:$0x0];
	s2 =	stileid.u32  }
0x47: {  	s1 =	rddreg [dreg:$0x1];
	p0 =	sne.s32 s2, $0x0  }
0x48: {  	s3 =	rddreg [dreg:$0x2];
	[bflag:$0x3] =	sbarrier.arrive $0xFFFF;
	s2 =	simm.s32 @!p0 $0x1C01  }
0x49: {  	[timem:s3], [sflag:s2] =	dma.local @!p0 [hbm:s0], s1  }
0x4a: {  	s0 =	simm.s32 @!p0 $0x1  }
0x4b: {  	_ =	swait.ge @!p0 [sflag:s0], s1  }
0x4c: {  	s1 =	ssub.s32 @!p0 $0x0, s1;
	[sflag:s0] =	ssyncset.done @!p0 $0x0  }
0x4d: {  	[sflag:s0] =	ssyncadd.s32 @!p0 s1  }
0x4e: {  	[bflag:$0x3] =	sbarrier.arrive $0xFFFF  }
0x4f: {  	_ =	shalt  }

// kernel: gather_offload_async_start.2
scs
__scs_entry_jumppad:
0x0: {  	(pc) =	sbr.rel $0x88, $3  }
0x1: {  	(tag) =	ssettag $0x0;
	lr =	simm.s32 $0x1  }
0x2: {  	[smem:$0x3F83] =	sst lr;
	_ =	strace $0xD0000000  }
0x3: {  	_ = 	snop  }
0x4: {  	_ = 	snop  }
0x5: {  	_ = 	snop  }
0x6: {  	_ = 	snop  }
0x7: {  	_ = 	snop  }
__scs_overlays_trampoline_lowered:
0x8: {  	[smem:$0x3F92] =	sst s0  }
0x9: {  	[smem:$0x3F93] =	sst s1  }
0xa: {  	[smem:$0x3F94] =	sst s2  }
0xb: {  	[smem:$0x3F95] =	sst s3  }
0xc: {  	[smem:$0x3F96] =	sst s4  }
0xd: {  	[smem:$0x3F97] =	sst s5  }
0xe: {  	[smem:$0x3F98] =	sst s6  }
0xf: {  	[smem:$0x3F99] =	sst s7  }
0x10: {  	[smem:$0x3F9A] =	sst s8  }
0x11: {  	[smem:$0x3F9B] =	sst s9;
	s0 =	simm.s32 @!p0 $0x0  }
0x12: {  	s1 =	sld [smem:$0x3F81];
	s0 =	simm.s32 @p0 $0x1  }
0x13: {  	[smem:$0x3F9C] =	sst s0;
	s0 =	simm.s32 @!p1 $0x0  }
0x14: {  	s2 =	sld [smem:$0x3F80];
	s0 =	simm.s32 @p1 $0x1  }
0x15: {  	[smem:$0x3F9D] =	sst s0;
	s0 =	simm.s32 @!p2 $0x0  }
0x16: {  	s3 =	sld [smem:$0x3FDB];
	s0 =	simm.s32 @p2 $0x1  }
0x17: {  	s4 =	simm.s32 $0x1BF5;
	[smem:$0x3F9F] =	sst s0  }
0x18: {  	s0 =	sld [smem:$0x3F82];
	_ =	swait.ge [sflag:s4], $0x0  }
0x19: {  	s7 =	sld [smem:$0x3F83]  }
0x1a: {  	s8 =	sadd.s32 $0xFFFFE003, lr  }
0x1b: {  	s9 =	sadd.s32 $0xFFFFFEF7, lr;
	s5 =	simm.s32 $0xFFFFFFFF;
	p2 =	slt.u32 s8, $0xFFFFF086  }
0x1c: {  	p1 =	slt.u32 s9, $0xF7A;
	s5 =	simm.s32 @!p2 $0x0  }
0x1d: {  	s5 =	simm.s32 @p1 $0x1;
	p0 =	seq.s32 s7, s2  }
0x1e: {  	s7 =	smul.u32 @!p0 $0xF7A, s2;
	p2 =	seq.s32 @!p0 s5, $0x0  }
0x1f: {  	s9 =	smul.u32 $0xF7A, s1;
	s8 =	simm.s32 @!p0 $0x1BF5;
	p2 =	por !p2, p0  }
0x20: {  	[sflag:s8] =	ssyncset.s32 @!p0 $0xFFFFF086;
	s6 =	sadd.s32 @!p0 s3, s7;
	s7 =	simm.s32 @!p0 $0x108  }
0x21: {  	s3 =	sadd.s32 s3, s9;
	s6 =	sadd.s32 @!p0 $0x88, s6;
	s7 =	simm.s32 @p2 $0x1082  }
0x22: {  	[simem:s7], [sflag:s8] =	dma.local @!p0 [hbm:s6], $0xF7A  }
0x23: {  	s9 =	sor.u32 $0xD0000000, s2;
	s6 =	simm.s32 $0x108;
	_ =	swait.ge @!p0 [sflag:s8], $0x0  }
0x24: {  	s3 =	sadd.s32 $0x88, s3;
	s6 =	simm.s32 @!p1 $0x1082;
	[sflag:s4] =	ssyncset.s32 $0xFFFFF086  }
0x25: {  	[simem:s6], [sflag:s4] =	dma.local [hbm:s3], $0xF7A  }
0x26: {  	[smem:$0x3F83] =	sst s1;
	(tag) =	ssettag s2;
	_ =	strace s9  }
0x27: {  	s1 =	sld [smem:$0x3F93]  }
0x28: {  	s2 =	sld [smem:$0x3F94]  }
0x29: {  	s4 =	sld [smem:$0x3F96]  }
0x2a: {  	p0 =	seq.s32 s5, $0x0;
	s5 =	sld [smem:$0x3F97]  }
0x2b: {  	s6 =	sld [smem:$0x3F98]  }
0x2c: {  	s7 =	sld [smem:$0x3F99]  }
0x2d: {  	s3 =	simm.s32 $0x108;
	s8 =	sld [smem:$0x3F9A]  }
0x2e: {  	s3 =	simm.s32 @!p0 $0x1082;
	s9 =	sld [smem:$0x3F9B]  }
0x2f: {  	lr =	sadd.s32 s0, s3;
	s0 =	sld [smem:$0x3F92]  }
0x30: {  	s3 =	sld [smem:$0x3F95]  }
0x31: {  	[smem:$0x3F9E] =	sst s10  }
0x32: {  	s10 =	sld [smem:$0x3F9C];
	_ =	sdelay $0x3  }
0x33: {  	p0 =	seq.s32 s10, $0x1;
	s10 =	sld [smem:$0x3F9E];
	_ =	sdelay $0x3  }
0x34: {  	[smem:$0x3F9E] =	sst s10  }
0x35: {  	s10 =	sld [smem:$0x3F9D];
	_ =	sdelay $0x3  }
0x36: {  	p1 =	seq.s32 s10, $0x1;
	s10 =	sld [smem:$0x3F9E];
	_ =	sdelay $0x3  }
0x37: {  	[smem:$0x3F9E] =	sst s10  }
0x38: {  	s10 =	sld [smem:$0x3F9F]  }
0x39: {  	_ = 	snop;
	(pc) =	sbr.ind lr, $3  }
0x3a: {  	_ = 	snop  }
0x3b: {  	_ = 	snop  }
0x3c: {  	p2 =	seq.s32 s10, $0x1;
	s10 =	sld [smem:$0x3F9E]  }
0x3d: {  	_ =	shalt  }
0x3e: {  	_ =	shalt  }
0x3f: {  	_ =	shalt  }
0x40: {  	_ =	shalt  }
0x41: {  	_ =	shalt  }
0x42: {  	_ =	shalt  }
0x43: {  	_ =	shalt  }
0x44: {  	_ =	shalt  }
0x45: {  	_ =	shalt  }
0x46: {  	_ =	shalt  }
0x47: {  	_ =	shalt  }
0x48: {  	_ =	shalt  }
0x49: {  	_ =	shalt  }
0x4a: {  	_ =	shalt  }
0x4b: {  	_ =	shalt  }
0x4c: {  	_ =	shalt  }
0x4d: {  	_ =	shalt  }
0x4e: {  	_ =	shalt  }
0x4f: {  	_ =	shalt  }
0x50: {  	_ =	shalt  }
0x51: {  	_ =	shalt  }
0x52: {  	_ =	shalt  }
0x53: {  	_ =	shalt  }
0x54: {  	_ =	shalt  }
0x55: {  	_ =	shalt  }
0x56: {  	_ =	shalt  }
0x57: {  	_ =	shalt  }
0x58: {  	_ =	shalt  }
0x59: {  	_ =	shalt  }
0x5a: {  	_ =	shalt  }
0x5b: {  	_ =	shalt  }
0x5c: {  	_ =	shalt  }
0x5d: {  	_ =	shalt  }
0x5e: {  	_ =	shalt  }
0x5f: {  	_ =	shalt  }
0x60: {  	_ =	shalt  }
0x61: {  	_ =	shalt  }
0x62: {  	_ =	shalt  }
0x63: {  	_ =	shalt  }
0x64: {  	_ =	shalt  }
0x65: {  	_ =	shalt  }
0x66: {  	_ =	shalt  }
0x67: {  	_ =	shalt  }
0x68: {  	_ =	shalt  }
0x69: {  	_ =	shalt  }
0x6a: {  	_ =	shalt  }
0x6b: {  	_ =	shalt  }
0x6c: {  	_ =	shalt  }
0x6d: {  	_ =	shalt  }
0x6e: {  	_ =	shalt  }
0x6f: {  	_ =	shalt  }
0x70: {  	_ =	shalt  }
0x71: {  	_ =	shalt  }
0x72: {  	_ =	shalt  }
0x73: {  	_ =	shalt  }
0x74: {  	_ =	shalt  }
0x75: {  	_ =	shalt  }
0x76: {  	_ =	shalt  }
0x77: {  	_ =	shalt  }
0x78: {  	_ =	shalt  }
0x79: {  	_ =	shalt  }
0x7a: {  	_ =	shalt  }
0x7b: {  	_ =	shalt  }
0x7c: {  	_ =	shalt  }
0x7d: {  	_ =	shalt  }
0x7e: {  	_ =	shalt  }
0x7f: {  	_ =	shalt  }
0x80: {  	_ =	shalt  }
0x81: {  	_ =	shalt  }
0x82: {  	_ =	shalt  }
0x83: {  	_ =	shalt  }
0x84: {  	_ =	shalt  }
0x85: {  	_ =	shalt  }
0x86: {  	_ =	shalt  }
0x87: {  	_ =	shalt  }
.Lfunc_end0:
.L_simem_size_0:
called_computation.2_lowered:
.L_overlay_start_0:
0x88: {  	s2 =	sld [smem:$0x3FD9]  }
0x89: {  	s3 =	sld [smem:$0x3FFE];
	_ =	sdelay $0x1  }
0x8a: {  	s1 =	srdreg.scid  }
0x8b: {  	s0 =	sand.u32 $0x1, s1  }
0x8c: {  	s15 =	sshll.u32 s0, $0xA;
	s2 =	sadd.s32 s3, s2  }
0x8d: {  	s2 =	sadd.s32 s2, s15  }
0x8e: {  	[smem:$0x3FAA] =	sst s2  }
0x8f: {  	_ = 	snop  }
0x90: {  	s16 =	sld [smem:$0x3FD0];
	_ =	sdelay $0x2  }
0x91: {  	s4 =	simm.s32 $0xC;
	s5 =	simm.s32 $0x10;
	s2 =	sld [smem:$0x3FC8]  }
0x92: {  	[smem:s5], [sflag:s4] =	dma.local [hbm:s16], $0x1  }
0x93: {  	_ =	swait.eq [sflag:s4], $0x1  }
0x94: {  	[sflag:s4] =	ssyncset.done $0x0  }
0x95: {  	[sflag:s4] =	ssyncadd.s32 $0xFFFFFFFF  }
0x96: {  	s17 =	sld [smem:$0x10];
	(tm) =	ssettm $0x1  }
0x97: {  	s18 =	sld [smem:$0x3FFB];
	_ =	sdelay $0x3  }
0x98: {  	_ =	strace s18  }
0x99: {  	s3 =	sld [smem:$0x3FFC];
	_ =	sdelay $0x3  }
0x9a: {  	_ =	strace s3  }
0x9b: {  	s3 =	sld [smem:$0x3FFD];
	_ =	sdelay $0x3  }
0x9c: {  	_ =	strace s3  }
0x9d: {  	_ =	strace $0x8FFFFFFF  }
0x9e: {  	s19 =	sld [smem:$0x3FDB];
	_ =	sdelay $0x1  }
0x9f: {  	s20 =	simm.s32 $_scs_section_size  }
0xa0: {  	s6 =	simm.s32 $_size__tile_overlayer_lowered;
	s7 =	simm.s32 $_tile_overlayer_lowered  }
0xa1: {  	s8 =	simm.s32 $0x1BFF;
	s21 =	sshll.u32 s7, $0x1;
	s5 =	sadd.s32 s20, s19  }
0xa2: {  	s22 =	simm.s32 $0x0;
	s6 =	sshll.u32 s6, $0x1;
	s7 =	sadd.s32 s21, s5  }
0xa3: {  	[timem:s22], [sflag:s8] =	dma.local [hbm:s7], s6  }
0xa4: {  	_ =	swait.ge [sflag:s8], s6  }
0xa5: {  	s6 =	ssub.s32 $0x0, s6;
	[sflag:s8] =	ssyncset.done $0x0  }
0xa6: {  	[sflag:s8] =	ssyncadd.s32 s6;
	_ =	sdelay $0x1  }
0xa7: {  	s23 =	simm.s32 $0x1B8B  }
0xa8: {  	_ =	swait.ge [sflag:s23], $0x1  }
0xa9: {  	[sflag:s23] =	ssyncset.done $0x0  }
0xaa: {  	[sflag:s23] =	ssyncadd.s32 $0xFFFFFFFF  }
0xab: {  	s6 =	sld [smem:$0x0]  }
0xac: {  	s7 =	sand.u32 $0xFFFFFFFE, s1  }
0xad: {  	p0 =	sne.s32 s1, s7  }
0xae: {  	s7 =	sshll.u32 @p0 s7, $0xE  }
0xaf: {  	s7 =	sadd.s32 @p0 $0x11B8D, s7;
	s8 =	sshll.u32 @p0 s6, $0x11  }
0xb0: {  	s7 =	sor.u32 @p0 s8, s7  }
0xb1: {  	[sflag:s7] =	ssyncadd.remote.s32 @p0 $0x1;
	_ =	sdelay $0x1  }
0xb2: {  	s7 =	simm.s32 @p0 $0x1B8D  }
0xb3: {  	_ =	swait.eq @p0 [sflag:s7], $0x1  }
0xb4: {  	[sflag:s7] =	ssyncadd.s32 @p0 $0xFFFFFFFF  }
0xb5: {  	s8 =	sshll.u32 @!p0 s1, $0xE  }
0xb6: {  	s8 =	sor.u32 @!p0 $0x4000, s8;
	s7 =	simm.s32 @!p0 $0x1B8D  }
0xb7: {  	s6 =	sshll.u32 @!p0 s6, $0x11;
	s8 =	sadd.s32 @!p0 $0x11B8D, s8;
	_ =	swait.eq @!p0 [sflag:s7], $0x1  }
0xb8: {  	s6 =	sor.u32 @!p0 s6, s8;
	[sflag:s7] =	ssyncadd.s32 @!p0 $0xFFFFFFFF  }
0xb9: {  	s25 =	simm.s32 $0x1B8E;
	s24 =	sld [smem:$0x3FFE];
	[sflag:s6] =	ssyncadd.remote.s32 @!p0 $0x1  }
0xba: {  	s26 =	simm.s32 $execute0_lowered;
	[smem:$0x3FD2] =	sst s25  }
0xbb: {  	s7 =	sshll.u32 s26, $0x1;
	_ =	strace $0x8000004F;
	[dreg:$0x1] =	wrdreg $0xFFFFFFFF  }
0xbc: {  	s28 =	simm.s32 $_size_execute0_lowered;
	s5 =	sadd.s32 s5, s7;
	[dreg:$0x0] =	wrdreg $0x0  }
0xbd: {  	s7 =	sshll.u32 s28, $0x1;
	[dreg:$0x2] =	wrdreg s5  }
0xbe: {  	[dreg:$0x3] =	wrdreg s7  }
0xbf: {  	[dreg:$0x4] =	wrdreg $0xC0  }
0xc0: {  	_ =	task [dreg:s22], $0x5FFFF  }
0xc1: {  	[dreg:$0x1] =	wrdreg $0xFFFFFFFF  }
0xc2: {  	[dreg:$0x0] =	wrdreg $0x60  }
0xc3: {  	[dreg:$0x2] =	wrdreg s2  }
0xc4: {  	[dreg:$0x3] =	wrdreg s17  }
0xc5: {  	[dreg:$0x4] =	wrdreg s24  }
0xc6: {  	[dreg:$0x5] =	wrdreg $0xA  }
0xc7: {  	_ =	task.clear_ibuf [dreg:s22], $0x6FFFF;
	_ =	strace $0x9000004F  }
0xc8: {  	s29 =	simm.s32 $0xA;
	_ =	strace $0x80000051  }
0xc9: {  	_ =	swait.ge [sflag:s29], $0x1  }
0xca: {  	[sflag:s29] =	ssyncadd.s32 $0xFFFFFFFF  }
0xcb: {  	_ =	strace $0x90000051  }
0xcc: {  	_ =	sfence  }
0xcd: {  	s30 =	sld [smem:$0x0];
	_ =	sdelay $0x2  }
0xce: {  	s31 =	sshll.u32 s1, $0xD;
	s1 =	sshrl.u32 s1, $0x2  }
0xcf: {  	s4 =	sand.u32 $0x4000, s31;
	s1 =	sadd.s32 s1, s30  }
0xd0: {  	s0 =	sor.u32 s4, s0;
	s1 =	sshll.u32 s1, $0x11  }
0xd1: {  	s0 =	sor.u32 s1, s0  }
0xd2: {  	s0 =	sadd.s32 $0x8F2B, s0  }
0xd3: {  	[sflag:s0] =	ssyncadd.remote.s32 $0x1  }
0xd4: {  	_ =	sfence.sel $0xFFFF  }
0xd5: {  	[dreg:$0x0] =	wrdreg $0xFFFFFFFF;
	(pc) =	sbr.abs _section_cstart, $3  }
0xd6: {  	[dreg:$0x1] =	wrdreg $0xFFFFFFFF  }
0xd7: {  	_ =	task.clear_ibuf [dreg:s22], $0x2FFFF;
	_ =	strace $0x9FFFFFFF  }
0xd8: {  	(tm) =	ssettm $0x7FFFFFFF  }
0xd9: {  	_ =	shalt  }
tec
execute0_lowered:
.L_overlay_start_1:
0x0: {  	(tag) =	ssettag $0x1  }
0x1: {  	s2 =	rddreg [dreg:$0x0]  }
0x2: {  	s3 =	rddreg [dreg:$0x1]  }
0x3: {  	s8 =	rddreg [dreg:$0x2];
	s1 =	stileid.u32  }
0x4: {  	s4 =	srdreg.scid;
	s0 =	rddreg [dreg:$0x3];
	_ =	strace $0x80000050  }
0x5: {  	s7 =	simm.s32 $0x1;
	s9 =	simm.s32 $0x1;
	s10 =	simm.s32 $0x3  }
0x6: {  	s13 =	simm.s32 $0x0;
	s5 =	sand.u32 $0x1, s4;
	s6 =	sshll.u32 s1, $0x1  }
0x7: {  	s12 =	simm.s32 $0x0;
	s4 =	simm.s32 $0x1;
	s5 =	sor.u32 s6, s5  }
.Ltmp0:
0x8: {  	[sflag:s4] =	ssyncpa.u1 $0x0;
	p0 =	slt.u32 s5, $0x9;
	(pc) =	sbr.rel .LBB2_1-.Ltmp0, $4  }
0x9: {  	s6 =	simm.s32 $0x2;
	s7 =	simm.s32 @!p0 $0x0;
	p0 =	sne.s32 s5, $0x8  }
0xa: {  	[sflag:s6] =	ssyncpa.u1 $0x0;
	s5 =	smul.u32 $0xFA0, s5;
	s9 =	simm.s32 @!p0 $0x0  }
0xb: {  	s8 =	sadd.s32 $0x60C00, s8;
	[sflag:s10] =	ssyncpa.u1 $0x0;
	s7 =	sadd.s32 s9, s7  }
0xc: {  	vm0 =	vmmov $0xffff;
	s10 =	simm.s32 $0x0;
	s11 =	smov.u32 s5;
	s9 =	sadd.s32 $0x1, s7  }
.LBB2_4:
0xd: {  	v2 =	vnsel vm1, $0x0, v2  }
0xe: {  	vm1 =	vgt.s32 v0, $0x0;
	v2 =	vmin.u32 v2, $0x4E1FF  }
0xf: {  	v0 =	vnsel vm1, $0x0, v0  }
0x10: {  	v0 =	vmin.u32 v0, $0x4E1FF  }
0x11: {  	[tilespmem:s18], [sflag:$0x1] =	stream.indirect_vreg.gather [hbm4b:s2+s10], $0x1, v1, vm0, $0x4038;
	[tilespmem:$0x3E80] =	vst v63  }
0x12: {  	(ifvalue) =	ssetifvalue $0x7FFFFFFF  }
0x13: {  	[tilespmem:s15], [sflag:$0x1] =	stream.indirect_vreg.gather [hbm4b:s2+s10], $0x1, v2, vm0, $0x4038;
	[tilespmem:$0x3E80] =	vst v63  }
0x14: {  	s29 =	sadd.s32 $0x10, s15;
	(ifvalue) =	ssetifvalue $0x7FFFFFFF  }
0x15: {  	[tilespmem:s29], [sflag:$0x1] =	stream.indirect_vreg.gather [hbm4b:s2+s10], $0x1, v0, vm0, $0x4038;
	[tilespmem:$0x3E80] =	vst v63  }
0x16: {  	_ =	swait.ge [sflag:s4], $0xFA0  }
0x17: {  	s30 =	sshrl.u32 s13, $0x3;
	[sflag:s4] =	ssyncset.done $0x0  }
0x18: {  	s31 =	sand.u32 $0x7, s13;
	s15 =	sadd.s32 s8, s30;
	[sflag:s4] =	ssyncadd.s32 $0xFFFFF060  }
0x19: {  	[hbm4b:s15+s31] =	stream.linear.scatter [tilespmem:s14], [sflag:$0x3], $0xFA0, $0x38;
	[tilespmem:$0x3E80] =	vst v63  }
.LBB2_5:
0x1a: {  	s15 =	sadd.s32 $0x1F400, s11  }
0x1b: {  	p1 =	sgt.s32 s15, $0x270FF  }
0x1c: {  	s15 =	smov.u32 @p1 s5;
	p1 =	sne.s32 s12, s9  }
.Ltmp1:
0x1d: {  	p0 =	slt.u32 s12, $0x2;
	(pc) =	sbr.rel @!p1 .LBB2_6-.Ltmp1, $4  }
0x1e: {  	s14 =	simm.s32 @!p0 $0x3  }
0x1f: {  	_ =	swait.ge @!p0 [sflag:s14], $0xFA0  }
0x20: {  	s16 =	sadd.s32 $0x1, s12;
	s13 =	smov.u32 s11;
	[sflag:s14] =	ssyncset.done @!p0 $0x0  }
0x21: {  	s12 =	smov.u32 s16;
	s11 =	smov.u32 s15;
	[sflag:s14] =	ssyncadd.s32 @!p0 $0xFFFFF060  }
.LBB2_1:
0x22: {  	p0 =	sge.u32 s12, s7  }
0x23: {  	s14 =	sxor.u32 @!p0 $0x1, s12  }
0x24: {  	s14 =	smul.u32 @!p0 $0x3E80, s14  }
0x25: {  	s31 =	sadd.s32 $0xFFFFFFFF, s12;
	s15 =	sshrl.u32 @!p0 s11, $0x3  }
0x26: {  	s16 =	sand.u32 @!p0 $0x7, s11;
	s15 =	sadd.s32 @!p0 s3, s15;
	s14 =	sshra.s32 @!p0 s14, $0x2  }
0x27: {  	[tilespmem:s14], [sflag:$0x2] =	stream.linear.gather @!p0 [hbm4b:s15+s16], $0xFA0, $0x38;
	[tilespmem:$0x3E80] =	vst v63  }
0x28: {  	p0 =	sge.u32 s31, s7  }
.Ltmp2:
0x29: {  	_ = 	snop;
	(pc) =	sbr.rel @p0 .LBB2_5-.Ltmp2, $1  }
0x2a: {  	_ =	sdelay $0x3  }
0x2b: {  	s14 =	sand.u32 $0x1, s12  }
0x2c: {  	_ =	swait.ge [sflag:s6], $0xFA0;
	p0 =	seq.s32 s14, $0x1;
	s14 =	simm.s32 $0xFA0  }
0x2d: {  	[sflag:s6] =	ssyncset.done $0x0;
	s14 =	simm.s32 @!p0 $0x0  }
0x2e: {  	[sflag:s6] =	ssyncadd.s32 $0xFFFFF060;
	(ifvalue) =	ssetifvalue $0x7FFFFFFF;
	v0 =	vld.msk [tilespmem:s14+$0x0 ss:$0x1], $0xffff;
	_ =	sdelay $0x4  }
0x2f: {  	s15 =	sadd.s32 $0x10, s14;
	vm1 =	vgt.s32 v0, $0x0  }
0x30: {  	v2 =	vld.msk [tilespmem:s15+$0x0 ss:$0x1], $0xffff;
	v1 =	vnsel vm1, $0x0, v0  }
0x31: {  	v1 =	vmin.u32 v1, $0x4E1FF;
	_ =	sdelay $0x2  }
0x32: {  	s17 =	simm.s32 $0x20;
	s14 =	sadd.s32 $0x1F40, s14;
	s16 =	sadd.s32 $0x10, s15  }
0x33: {  	s15 =	sadd.s32 $0x10, s14;
	s18 =	smov.u32 s14;
	v0 =	vld.msk [tilespmem:s16+$0x0 ss:$0x1], $0xffff;
	vm1 =	vgt.s32 v2, $0x0;
	(ifvalue) =	ssetifvalue $0x7FFFFFFF  }
.LBB2_3:
0x34: {  	[tilespmem:s18], [sflag:$0x1] =	stream.indirect_vreg.gather [hbm4b:s2+s10], $0x1, v1, vm0, $0x4038;
	[tilespmem:$0x3E80] =	vst v63  }
0x35: {  	s17 =	sadd.s32 $0x10, s17  }
0x36: {  	v2 =	vnsel vm1, $0x0, v2;
	p0 =	slt.u32 s17, $0xF90  }
.Ltmp3:
0x37: {  	s18 =	smov.u32 s15;
	v1 =	vmin.u32 v2, $0x4E1FF;
	(pc) =	sbr.rel @p0 .LBB2_3-.Ltmp3, $3  }
0x38: {  	_ =	sdelay $0x1  }
0x39: {  	s16 =	sadd.s32 $0x10, s16  }
0x3a: {  	vm1 =	vgt.s32 v0, $0x0;
	s15 =	sadd.s32 $0x10, s15;
	v2 =	vmov v0;
	(ifvalue) =	ssetifvalue $0x7FFFFFFF;
	v0 =	vld.msk [tilespmem:s16+$0x0 ss:$0x1], $0xffff  }
.Ltmp4:
0x3b: {  	_ = 	snop;
	(pc) =	sbr.rel .LBB2_4-.Ltmp4, $1  }
0x3c: {  	_ =	sdelay $0x3  }
.LBB2_6:
0x3d: {  	_ =	sfence.sel $0x180000  }
0x3e: {  	s2 =	simm.s32 $0x2;
	[bflag:$0x0] =	sbarrier.arrive $0xFFFF  }
0x3f: {  	s30 =	simm.s32 $0x3;
	[sflag:s2] =	ssyncpa.u1 $0x1  }
0x40: {  	s31 =	simm.s32 $0x1;
	[sflag:s30] =	ssyncpa.u1 $0x1  }
0x41: {  	[sflag:s31] =	ssyncpa.u1 $0x1  }
0x42: {  	p0 =	sne.s32 s1, $0x0;
	_ =	strace $0x90000050  }
0x43: {  	s0 =	sadd.s32 @!p0 $0x100000, s0;
	[bflag:$0x2] =	sbarrier.arrive $0xFFFF  }
0x44: {  	[sflag:s0] =	ssyncadd.tile.s32 @!p0 $0x1;
	_ =	shalt  }
.Lfunc_end2:
_tile_overlayer_lowered:
.L_overlay_start_2:
0x45: {  	(tag) =	ssettag $0x2  }
0x46: {  	s0 =	rddreg [dreg:$0x0];
	s2 =	stileid.u32  }
0x47: {  	s1 =	rddreg [dreg:$0x1];
	p0 =	sne.s32 s2, $0x0  }
0x48: {  	s3 =	rddreg [dreg:$0x2];
	[bflag:$0x3] =	sbarrier.arrive $0xFFFF;
	s2 =	simm.s32 @!p0 $0x1C01  }
0x49: {  	[timem:s3], [sflag:s2] =	dma.local @!p0 [hbm:s0], s1  }
0x4a: {  	s0 =	simm.s32 @!p0 $0x1  }
0x4b: {  	_ =	swait.ge @!p0 [sflag:s0], s1  }
0x4c: {  	s1 =	ssub.s32 @!p0 $0x0, s1;
	[sflag:s0] =	ssyncset.done @!p0 $0x0  }
0x4d: {  	[sflag:s0] =	ssyncadd.s32 @!p0 s1  }
0x4e: {  	[bflag:$0x3] =	sbarrier.arrive $0xFFFF  }
0x4f: {  	_ =	shalt  }

// kernel: gather_offload_async_start.3
scs
__scs_entry_jumppad:
0x0: {  	(pc) =	sbr.rel $0x88, $3  }
0x1: {  	(tag) =	ssettag $0x0;
	lr =	simm.s32 $0x1  }
0x2: {  	[smem:$0x3F83] =	sst lr;
	_ =	strace $0xD0000000  }
0x3: {  	_ = 	snop  }
0x4: {  	_ = 	snop  }
0x5: {  	_ = 	snop  }
0x6: {  	_ = 	snop  }
0x7: {  	_ = 	snop  }
__scs_overlays_trampoline_lowered:
0x8: {  	[smem:$0x3F92] =	sst s0  }
0x9: {  	[smem:$0x3F93] =	sst s1  }
0xa: {  	[smem:$0x3F94] =	sst s2  }
0xb: {  	[smem:$0x3F95] =	sst s3  }
0xc: {  	[smem:$0x3F96] =	sst s4  }
0xd: {  	[smem:$0x3F97] =	sst s5  }
0xe: {  	[smem:$0x3F98] =	sst s6  }
0xf: {  	[smem:$0x3F99] =	sst s7  }
0x10: {  	[smem:$0x3F9A] =	sst s8  }
0x11: {  	[smem:$0x3F9B] =	sst s9;
	s0 =	simm.s32 @!p0 $0x0  }
0x12: {  	s1 =	sld [smem:$0x3F81];
	s0 =	simm.s32 @p0 $0x1  }
0x13: {  	[smem:$0x3F9C] =	sst s0;
	s0 =	simm.s32 @!p1 $0x0  }
0x14: {  	s2 =	sld [smem:$0x3F80];
	s0 =	simm.s32 @p1 $0x1  }
0x15: {  	[smem:$0x3F9D] =	sst s0;
	s0 =	simm.s32 @!p2 $0x0  }
0x16: {  	s3 =	sld [smem:$0x3FDB];
	s0 =	simm.s32 @p2 $0x1  }
0x17: {  	s4 =	simm.s32 $0x1BF5;
	[smem:$0x3F9F] =	sst s0  }
0x18: {  	s0 =	sld [smem:$0x3F82];
	_ =	swait.ge [sflag:s4], $0x0  }
0x19: {  	s7 =	sld [smem:$0x3F83]  }
0x1a: {  	s8 =	sadd.s32 $0xFFFFE003, lr  }
0x1b: {  	s9 =	sadd.s32 $0xFFFFFEF7, lr;
	s5 =	simm.s32 $0xFFFFFFFF;
	p2 =	slt.u32 s8, $0xFFFFF086  }
0x1c: {  	p1 =	slt.u32 s9, $0xF7A;
	s5 =	simm.s32 @!p2 $0x0  }
0x1d: {  	s5 =	simm.s32 @p1 $0x1;
	p0 =	seq.s32 s7, s2  }
0x1e: {  	s7 =	smul.u32 @!p0 $0xF7A, s2;
	p2 =	seq.s32 @!p0 s5, $0x0  }
0x1f: {  	s9 =	smul.u32 $0xF7A, s1;
	s8 =	simm.s32 @!p0 $0x1BF5;
	p2 =	por !p2, p0  }
0x20: {  	[sflag:s8] =	ssyncset.s32 @!p0 $0xFFFFF086;
	s6 =	sadd.s32 @!p0 s3, s7;
	s7 =	simm.s32 @!p0 $0x108  }
0x21: {  	s3 =	sadd.s32 s3, s9;
	s6 =	sadd.s32 @!p0 $0x88, s6;
	s7 =	simm.s32 @p2 $0x1082  }
0x22: {  	[simem:s7], [sflag:s8] =	dma.local @!p0 [hbm:s6], $0xF7A  }
0x23: {  	s9 =	sor.u32 $0xD0000000, s2;
	s6 =	simm.s32 $0x108;
	_ =	swait.ge @!p0 [sflag:s8], $0x0  }
0x24: {  	s3 =	sadd.s32 $0x88, s3;
	s6 =	simm.s32 @!p1 $0x1082;
	[sflag:s4] =	ssyncset.s32 $0xFFFFF086  }
0x25: {  	[simem:s6], [sflag:s4] =	dma.local [hbm:s3], $0xF7A  }
0x26: {  	[smem:$0x3F83] =	sst s1;
	(tag) =	ssettag s2;
	_ =	strace s9  }
0x27: {  	s1 =	sld [smem:$0x3F93]  }
0x28: {  	s2 =	sld [smem:$0x3F94]  }
0x29: {  	s4 =	sld [smem:$0x3F96]  }
0x2a: {  	p0 =	seq.s32 s5, $0x0;
	s5 =	sld [smem:$0x3F97]  }
0x2b: {  	s6 =	sld [smem:$0x3F98]  }
0x2c: {  	s7 =	sld [smem:$0x3F99]  }
0x2d: {  	s3 =	simm.s32 $0x108;
	s8 =	sld [smem:$0x3F9A]  }
0x2e: {  	s3 =	simm.s32 @!p0 $0x1082;
	s9 =	sld [smem:$0x3F9B]  }
0x2f: {  	lr =	sadd.s32 s0, s3;
	s0 =	sld [smem:$0x3F92]  }
0x30: {  	s3 =	sld [smem:$0x3F95]  }
0x31: {  	[smem:$0x3F9E] =	sst s10  }
0x32: {  	s10 =	sld [smem:$0x3F9C];
	_ =	sdelay $0x3  }
0x33: {  	p0 =	seq.s32 s10, $0x1;
	s10 =	sld [smem:$0x3F9E];
	_ =	sdelay $0x3  }
0x34: {  	[smem:$0x3F9E] =	sst s10  }
0x35: {  	s10 =	sld [smem:$0x3F9D];
	_ =	sdelay $0x3  }
0x36: {  	p1 =	seq.s32 s10, $0x1;
	s10 =	sld [smem:$0x3F9E];
	_ =	sdelay $0x3  }
0x37: {  	[smem:$0x3F9E] =	sst s10  }
0x38: {  	s10 =	sld [smem:$0x3F9F]  }
0x39: {  	_ = 	snop;
	(pc) =	sbr.ind lr, $3  }
0x3a: {  	_ = 	snop  }
0x3b: {  	_ = 	snop  }
0x3c: {  	p2 =	seq.s32 s10, $0x1;
	s10 =	sld [smem:$0x3F9E]  }
0x3d: {  	_ =	shalt  }
0x3e: {  	_ =	shalt  }
0x3f: {  	_ =	shalt  }
0x40: {  	_ =	shalt  }
0x41: {  	_ =	shalt  }
0x42: {  	_ =	shalt  }
0x43: {  	_ =	shalt  }
0x44: {  	_ =	shalt  }
0x45: {  	_ =	shalt  }
0x46: {  	_ =	shalt  }
0x47: {  	_ =	shalt  }
0x48: {  	_ =	shalt  }
0x49: {  	_ =	shalt  }
0x4a: {  	_ =	shalt  }
0x4b: {  	_ =	shalt  }
0x4c: {  	_ =	shalt  }
0x4d: {  	_ =	shalt  }
0x4e: {  	_ =	shalt  }
0x4f: {  	_ =	shalt  }
0x50: {  	_ =	shalt  }
0x51: {  	_ =	shalt  }
0x52: {  	_ =	shalt  }
0x53: {  	_ =	shalt  }
0x54: {  	_ =	shalt  }
0x55: {  	_ =	shalt  }
0x56: {  	_ =	shalt  }
0x57: {  	_ =	shalt  }
0x58: {  	_ =	shalt  }
0x59: {  	_ =	shalt  }
0x5a: {  	_ =	shalt  }
0x5b: {  	_ =	shalt  }
0x5c: {  	_ =	shalt  }
0x5d: {  	_ =	shalt  }
0x5e: {  	_ =	shalt  }
0x5f: {  	_ =	shalt  }
0x60: {  	_ =	shalt  }
0x61: {  	_ =	shalt  }
0x62: {  	_ =	shalt  }
0x63: {  	_ =	shalt  }
0x64: {  	_ =	shalt  }
0x65: {  	_ =	shalt  }
0x66: {  	_ =	shalt  }
0x67: {  	_ =	shalt  }
0x68: {  	_ =	shalt  }
0x69: {  	_ =	shalt  }
0x6a: {  	_ =	shalt  }
0x6b: {  	_ =	shalt  }
0x6c: {  	_ =	shalt  }
0x6d: {  	_ =	shalt  }
0x6e: {  	_ =	shalt  }
0x6f: {  	_ =	shalt  }
0x70: {  	_ =	shalt  }
0x71: {  	_ =	shalt  }
0x72: {  	_ =	shalt  }
0x73: {  	_ =	shalt  }
0x74: {  	_ =	shalt  }
0x75: {  	_ =	shalt  }
0x76: {  	_ =	shalt  }
0x77: {  	_ =	shalt  }
0x78: {  	_ =	shalt  }
0x79: {  	_ =	shalt  }
0x7a: {  	_ =	shalt  }
0x7b: {  	_ =	shalt  }
0x7c: {  	_ =	shalt  }
0x7d: {  	_ =	shalt  }
0x7e: {  	_ =	shalt  }
0x7f: {  	_ =	shalt  }
0x80: {  	_ =	shalt  }
0x81: {  	_ =	shalt  }
0x82: {  	_ =	shalt  }
0x83: {  	_ =	shalt  }
0x84: {  	_ =	shalt  }
0x85: {  	_ =	shalt  }
0x86: {  	_ =	shalt  }
0x87: {  	_ =	shalt  }
.Lfunc_end0:
.L_simem_size_0:
called_computation.3_lowered:
.L_overlay_start_0:
0x88: {  	s2 =	sld [smem:$0x3FD9]  }
0x89: {  	s3 =	sld [smem:$0x3FFE];
	_ =	sdelay $0x1  }
0x8a: {  	s1 =	srdreg.scid  }
0x8b: {  	s0 =	sand.u32 $0x1, s1  }
0x8c: {  	s17 =	sshll.u32 s0, $0xA;
	s2 =	sadd.s32 s3, s2  }
0x8d: {  	s2 =	sadd.s32 s2, s17  }
0x8e: {  	[smem:$0x3FAA] =	sst s2  }
0x8f: {  	_ = 	snop  }
0x90: {  	s18 =	sld [smem:$0x3FC8];
	(tm) =	ssettm $0x1  }
0x91: {  	s19 =	sld [smem:$0x3FFB];
	_ =	sdelay $0x3  }
0x92: {  	_ =	strace s19  }
0x93: {  	s2 =	sld [smem:$0x3FFC];
	_ =	sdelay $0x3  }
0x94: {  	_ =	strace s2  }
0x95: {  	s2 =	sld [smem:$0x3FFD];
	_ =	sdelay $0x3  }
0x96: {  	_ =	strace s2  }
0x97: {  	_ =	strace $0x8FFFFFFF  }
0x98: {  	s20 =	sld [smem:$0x3FDB];
	_ =	sdelay $0x1  }
0x99: {  	s4 =	simm.s32 $_scs_section_size  }
0x9a: {  	s5 =	simm.s32 $_size__tile_overlayer_lowered;
	s6 =	simm.s32 $_tile_overlayer_lowered  }
0x9b: {  	s7 =	simm.s32 $0x1BFF;
	s21 =	sshll.u32 s6, $0x1;
	s4 =	sadd.s32 s4, s20  }
0x9c: {  	s22 =	simm.s32 $0x0;
	s5 =	sshll.u32 s5, $0x1;
	s6 =	sadd.s32 s21, s4  }
0x9d: {  	[timem:s22], [sflag:s7] =	dma.local [hbm:s6], s5  }
0x9e: {  	_ =	swait.ge [sflag:s7], s5  }
0x9f: {  	s5 =	ssub.s32 $0x0, s5;
	[sflag:s7] =	ssyncset.done $0x0  }
0xa0: {  	[sflag:s7] =	ssyncadd.s32 s5;
	_ =	sdelay $0x1  }
0xa1: {  	s23 =	simm.s32 $0x1B8B  }
0xa2: {  	_ =	swait.ge [sflag:s23], $0x1  }
0xa3: {  	[sflag:s23] =	ssyncset.done $0x0  }
0xa4: {  	[sflag:s23] =	ssyncadd.s32 $0xFFFFFFFF  }
0xa5: {  	s5 =	sld [smem:$0x0]  }
0xa6: {  	s6 =	sand.u32 $0xFFFFFFFE, s1  }
0xa7: {  	p0 =	sne.s32 s1, s6  }
0xa8: {  	s6 =	sshll.u32 @p0 s6, $0xE  }
0xa9: {  	s6 =	sadd.s32 @p0 $0x11B8D, s6;
	s7 =	sshll.u32 @p0 s5, $0x11  }
0xaa: {  	s6 =	sor.u32 @p0 s7, s6  }
0xab: {  	[sflag:s6] =	ssyncadd.remote.s32 @p0 $0x1;
	_ =	sdelay $0x1  }
0xac: {  	s6 =	simm.s32 @p0 $0x1B8D  }
0xad: {  	_ =	swait.eq @p0 [sflag:s6], $0x1  }
0xae: {  	[sflag:s6] =	ssyncadd.s32 @p0 $0xFFFFFFFF  }
0xaf: {  	s7 =	sshll.u32 @!p0 s1, $0xE  }
0xb0: {  	s7 =	sor.u32 @!p0 $0x4000, s7;
	s6 =	simm.s32 @!p0 $0x1B8D  }
0xb1: {  	s5 =	sshll.u32 @!p0 s5, $0x11;
	s7 =	sadd.s32 @!p0 $0x11B8D, s7;
	_ =	swait.eq @!p0 [sflag:s6], $0x1  }
0xb2: {  	s5 =	sor.u32 @!p0 s5, s7;
	[sflag:s6] =	ssyncadd.s32 @!p0 $0xFFFFFFFF  }
0xb3: {  	s25 =	simm.s32 $0x1B8E;
	s24 =	sld [smem:$0x3FFE];
	[sflag:s5] =	ssyncadd.remote.s32 @!p0 $0x1  }
0xb4: {  	s26 =	simm.s32 $execute0_lowered;
	[smem:$0x3FD2] =	sst s25  }
0xb5: {  	s6 =	sshll.u32 s26, $0x1;
	_ =	strace $0x8000004C;
	[dreg:$0x1] =	wrdreg $0xFFFFFFFF  }
0xb6: {  	s28 =	simm.s32 $_size_execute0_lowered;
	s4 =	sadd.s32 s4, s6;
	[dreg:$0x0] =	wrdreg $0x0  }
0xb7: {  	s6 =	sshll.u32 s28, $0x1;
	[dreg:$0x2] =	wrdreg s4  }
0xb8: {  	[dreg:$0x3] =	wrdreg s6  }
0xb9: {  	[dreg:$0x4] =	wrdreg $0xC0  }
0xba: {  	_ =	task [dreg:s22], $0x5FFFF  }
0xbb: {  	[dreg:$0x1] =	wrdreg $0xFFFFFFFF  }
0xbc: {  	[dreg:$0x0] =	wrdreg $0x60  }
0xbd: {  	[dreg:$0x2] =	wrdreg s18  }
0xbe: {  	[dreg:$0x3] =	wrdreg s24  }
0xbf: {  	[dreg:$0x4] =	wrdreg $0x9  }
0xc0: {  	_ =	task.clear_ibuf [dreg:s22], $0x5FFFF;
	_ =	strace $0x9000004C  }
0xc1: {  	s29 =	simm.s32 $0x9;
	_ =	strace $0x8000004E  }
0xc2: {  	_ =	swait.ge [sflag:s29], $0x1  }
0xc3: {  	[sflag:s29] =	ssyncadd.s32 $0xFFFFFFFF  }
0xc4: {  	_ =	strace $0x9000004E  }
0xc5: {  	_ =	sfence  }
0xc6: {  	s30 =	sld [smem:$0x0];
	_ =	sdelay $0x2  }
0xc7: {  	s31 =	sshll.u32 s1, $0xD;
	s1 =	sshrl.u32 s1, $0x2  }
0xc8: {  	s4 =	sand.u32 $0x4000, s31;
	s1 =	sadd.s32 s1, s30  }
0xc9: {  	s0 =	sor.u32 s4, s0;
	s1 =	sshll.u32 s1, $0x11  }
0xca: {  	s0 =	sor.u32 s1, s0  }
0xcb: {  	s0 =	sadd.s32 $0x8F2B, s0  }
0xcc: {  	[sflag:s0] =	ssyncadd.remote.s32 $0x1  }
0xcd: {  	_ =	sfence.sel $0xFFFF  }
0xce: {  	[dreg:$0x0] =	wrdreg $0xFFFFFFFF;
	(pc) =	sbr.abs _section_cstart, $3  }
0xcf: {  	[dreg:$0x1] =	wrdreg $0xFFFFFFFF  }
0xd0: {  	_ =	task.clear_ibuf [dreg:s22], $0x2FFFF;
	_ =	strace $0x9FFFFFFF  }
0xd1: {  	(tm) =	ssettm $0x7FFFFFFF  }
tec
execute0_lowered:
.L_overlay_start_1:
0x0: {  	(tag) =	ssettag $0x1  }
0x1: {  	s2 =	rddreg [dreg:$0x0]  }
0x2: {  	s8 =	rddreg [dreg:$0x1]  }
0x3: {  	s0 =	rddreg [dreg:$0x2];
	s1 =	stileid.u32  }
0x4: {  	s3 =	srdreg.scid;
	_ =	strace $0x8000004D;
	s4 =	simm.s32 $0x1  }
0x5: {  	s7 =	simm.s32 $0x1;
	s9 =	simm.s32 $0x1;
	s10 =	simm.s32 $0x3  }
0x6: {  	s13 =	simm.s32 $0x0;
	s5 =	sand.u32 $0x1, s3;
	s6 =	sshll.u32 s1, $0x1  }
0x7: {  	s12 =	simm.s32 $0x0;
	s3 =	sadd.s32 $0x9600, s8;
	s5 =	sor.u32 s6, s5  }
.Ltmp0:
0x8: {  	[sflag:s4] =	ssyncpa.u1 $0x0;
	p0 =	slt.u32 s5, $0x9;
	(pc) =	sbr.rel .LBB2_1-.Ltmp0, $4  }
0x9: {  	s6 =	simm.s32 $0x2;
	s7 =	simm.s32 @!p0 $0x0;
	p0 =	sne.s32 s5, $0x8  }
0xa: {  	[sflag:s6] =	ssyncpa.u1 $0x0;
	s5 =	smul.u32 $0xFA0, s5;
	s9 =	simm.s32 @!p0 $0x0  }
0xb: {  	s8 =	sadd.s32 $0x6AC00, s8;
	[sflag:s10] =	ssyncpa.u1 $0x0;
	s7 =	sadd.s32 s9, s7  }
0xc: {  	vm0 =	vmmov $0xffff;
	s10 =	simm.s32 $0x0;
	s11 =	smov.u32 s5;
	s9 =	sadd.s32 $0x1, s7  }
.LBB2_4:
0xd: {  	v2 =	vnsel vm1, $0x0, v2  }
0xe: {  	vm1 =	vgt.s32 v0, $0x0;
	v2 =	vmin.u32 v2, $0x4E1FF  }
0xf: {  	v0 =	vnsel vm1, $0x0, v0  }
0x10: {  	v0 =	vmin.u32 v0, $0x4E1FF  }
0x11: {  	[tilespmem:s18], [sflag:$0x1] =	stream.indirect_vreg.gather [hbm4b:s2+s10], $0x1, v1, vm0, $0x4038;
	[tilespmem:$0x3E80] =	vst v63  }
0x12: {  	(ifvalue) =	ssetifvalue $0x7FFFFFFF  }
0x13: {  	[tilespmem:s15], [sflag:$0x1] =	stream.indirect_vreg.gather [hbm4b:s2+s10], $0x1, v2, vm0, $0x4038;
	[tilespmem:$0x3E80] =	vst v63  }
0x14: {  	s29 =	sadd.s32 $0x10, s15;
	(ifvalue) =	ssetifvalue $0x7FFFFFFF  }
0x15: {  	[tilespmem:s29], [sflag:$0x1] =	stream.indirect_vreg.gather [hbm4b:s2+s10], $0x1, v0, vm0, $0x4038;
	[tilespmem:$0x3E80] =	vst v63  }
0x16: {  	_ =	swait.ge [sflag:s4], $0xFA0  }
0x17: {  	s30 =	sshrl.u32 s13, $0x3;
	[sflag:s4] =	ssyncset.done $0x0  }
0x18: {  	s31 =	sand.u32 $0x7, s13;
	s15 =	sadd.s32 s8, s30;
	[sflag:s4] =	ssyncadd.s32 $0xFFFFF060  }
0x19: {  	[hbm4b:s15+s31] =	stream.linear.scatter [tilespmem:s14], [sflag:$0x3], $0xFA0, $0x38;
	[tilespmem:$0x3E80] =	vst v63  }
.LBB2_5:
0x1a: {  	s15 =	sadd.s32 $0x1F400, s11  }
0x1b: {  	p1 =	sgt.s32 s15, $0x270FF  }
0x1c: {  	s15 =	smov.u32 @p1 s5;
	p1 =	sne.s32 s12, s9  }
.Ltmp1:
0x1d: {  	p0 =	slt.u32 s12, $0x2;
	(pc) =	sbr.rel @!p1 .LBB2_6-.Ltmp1, $4  }
0x1e: {  	s14 =	simm.s32 @!p0 $0x3  }
0x1f: {  	_ =	swait.ge @!p0 [sflag:s14], $0xFA0  }
0x20: {  	s16 =	sadd.s32 $0x1, s12;
	s13 =	smov.u32 s11;
	[sflag:s14] =	ssyncset.done @!p0 $0x0  }
0x21: {  	s12 =	smov.u32 s16;
	s11 =	smov.u32 s15;
	[sflag:s14] =	ssyncadd.s32 @!p0 $0xFFFFF060  }
.LBB2_1:
0x22: {  	p0 =	sge.u32 s12, s7  }
0x23: {  	s14 =	sxor.u32 @!p0 $0x1, s12  }
0x24: {  	s14 =	smul.u32 @!p0 $0x3E80, s14  }
0x25: {  	s31 =	sadd.s32 $0xFFFFFFFF, s12;
	s15 =	sshrl.u32 @!p0 s11, $0x3  }
0x26: {  	s16 =	sand.u32 @!p0 $0x7, s11;
	s15 =	sadd.s32 @!p0 s3, s15;
	s14 =	sshra.s32 @!p0 s14, $0x2  }
0x27: {  	[tilespmem:s14], [sflag:$0x2] =	stream.linear.gather @!p0 [hbm4b:s15+s16], $0xFA0, $0x38;
	[tilespmem:$0x3E80] =	vst v63  }
0x28: {  	p0 =	sge.u32 s31, s7  }
.Ltmp2:
0x29: {  	_ = 	snop;
	(pc) =	sbr.rel @p0 .LBB2_5-.Ltmp2, $1  }
0x2a: {  	_ =	sdelay $0x3  }
0x2b: {  	s14 =	sand.u32 $0x1, s12  }
0x2c: {  	_ =	swait.ge [sflag:s6], $0xFA0;
	p0 =	seq.s32 s14, $0x1;
	s14 =	simm.s32 $0xFA0  }
0x2d: {  	[sflag:s6] =	ssyncset.done $0x0;
	s14 =	simm.s32 @!p0 $0x0  }
0x2e: {  	[sflag:s6] =	ssyncadd.s32 $0xFFFFF060;
	(ifvalue) =	ssetifvalue $0x7FFFFFFF;
	v0 =	vld.msk [tilespmem:s14+$0x0 ss:$0x1], $0xffff;
	_ =	sdelay $0x4  }
0x2f: {  	s15 =	sadd.s32 $0x10, s14;
	vm1 =	vgt.s32 v0, $0x0  }
0x30: {  	v2 =	vld.msk [tilespmem:s15+$0x0 ss:$0x1], $0xffff;
	v1 =	vnsel vm1, $0x0, v0  }
0x31: {  	v1 =	vmin.u32 v1, $0x4E1FF;
	_ =	sdelay $0x2  }
0x32: {  	s17 =	simm.s32 $0x20;
	s14 =	sadd.s32 $0x1F40, s14;
	s16 =	sadd.s32 $0x10, s15  }
0x33: {  	s15 =	sadd.s32 $0x10, s14;
	s18 =	smov.u32 s14;
	v0 =	vld.msk [tilespmem:s16+$0x0 ss:$0x1], $0xffff;
	vm1 =	vgt.s32 v2, $0x0;
	(ifvalue) =	ssetifvalue $0x7FFFFFFF  }
.LBB2_3:
0x34: {  	[tilespmem:s18], [sflag:$0x1] =	stream.indirect_vreg.gather [hbm4b:s2+s10], $0x1, v1, vm0, $0x4038;
	[tilespmem:$0x3E80] =	vst v63  }
0x35: {  	s17 =	sadd.s32 $0x10, s17  }
0x36: {  	v2 =	vnsel vm1, $0x0, v2;
	p0 =	slt.u32 s17, $0xF90  }
.Ltmp3:
0x37: {  	s18 =	smov.u32 s15;
	v1 =	vmin.u32 v2, $0x4E1FF;
	(pc) =	sbr.rel @p0 .LBB2_3-.Ltmp3, $3  }
0x38: {  	_ =	sdelay $0x1  }
0x39: {  	s16 =	sadd.s32 $0x10, s16  }
0x3a: {  	vm1 =	vgt.s32 v0, $0x0;
	s15 =	sadd.s32 $0x10, s15;
	v2 =	vmov v0;
	(ifvalue) =	ssetifvalue $0x7FFFFFFF;
	v0 =	vld.msk [tilespmem:s16+$0x0 ss:$0x1], $0xffff  }
.Ltmp4:
0x3b: {  	_ = 	snop;
	(pc) =	sbr.rel .LBB2_4-.Ltmp4, $1  }
0x3c: {  	_ =	sdelay $0x3  }
.LBB2_6:
0x3d: {  	_ =	sfence.sel $0x180000  }
0x3e: {  	s2 =	simm.s32 $0x2;
	[bflag:$0x0] =	sbarrier.arrive $0xFFFF  }
0x3f: {  	s30 =	simm.s32 $0x3;
	[sflag:s2] =	ssyncpa.u1 $0x1  }
0x40: {  	s31 =	simm.s32 $0x1;
	[sflag:s30] =	ssyncpa.u1 $0x1  }
0x41: {  	[sflag:s31] =	ssyncpa.u1 $0x1  }
0x42: {  	p0 =	sne.s32 s1, $0x0;
	_ =	strace $0x9000004D  }
0x43: {  	s0 =	sadd.s32 @!p0 $0x100000, s0;
	[bflag:$0x2] =	sbarrier.arrive $0xFFFF  }
0x44: {  	[sflag:s0] =	ssyncadd.tile.s32 @!p0 $0x1;
	_ =	shalt  }
.Lfunc_end2:
_tile_overlayer_lowered:
.L_overlay_start_2:
0x45: {  	(tag) =	ssettag $0x2  }
0x46: {  	s0 =	rddreg [dreg:$0x0];
	s2 =	stileid.u32  }
0x47: {  	s1 =	rddreg [dreg:$0x1];
	p0 =	sne.s32 s2, $0x0  }
0x48: {  	s3 =	rddreg [dreg:$0x2];
	[bflag:$0x3] =	sbarrier.arrive $0xFFFF;
	s2 =	simm.s32 @!p0 $0x1C01  }
0x49: {  	[timem:s3], [sflag:s2] =	dma.local @!p0 [hbm:s0], s1  }
0x4a: {  	s0 =	simm.s32 @!p0 $0x1  }
0x4b: {  	_ =	swait.ge @!p0 [sflag:s0], s1  }
0x4c: {  	s1 =	ssub.s32 @!p0 $0x0, s1;
	[sflag:s0] =	ssyncset.done @!p0 $0x0  }
0x4d: {  	[sflag:s0] =	ssyncadd.s32 @!p0 s1  }
0x4e: {  	[bflag:$0x3] =	sbarrier.arrive $0xFFFF  }
0x4f: {  	_ =	shalt  }

// kernel: gather_offload_async_start
scs
__scs_entry_jumppad:
0x0: {  	(pc) =	sbr.rel $0x88, $3  }
0x1: {  	(tag) =	ssettag $0x0;
	lr =	simm.s32 $0x1  }
0x2: {  	[smem:$0x3F83] =	sst lr;
	_ =	strace $0xD0000000  }
0x3: {  	_ = 	snop  }
0x4: {  	_ = 	snop  }
0x5: {  	_ = 	snop  }
0x6: {  	_ = 	snop  }
0x7: {  	_ = 	snop  }
__scs_overlays_trampoline_lowered:
0x8: {  	[smem:$0x3F92] =	sst s0  }
0x9: {  	[smem:$0x3F93] =	sst s1  }
0xa: {  	[smem:$0x3F94] =	sst s2  }
0xb: {  	[smem:$0x3F95] =	sst s3  }
0xc: {  	[smem:$0x3F96] =	sst s4  }
0xd: {  	[smem:$0x3F97] =	sst s5  }
0xe: {  	[smem:$0x3F98] =	sst s6  }
0xf: {  	[smem:$0x3F99] =	sst s7  }
0x10: {  	[smem:$0x3F9A] =	sst s8  }
0x11: {  	[smem:$0x3F9B] =	sst s9;
	s0 =	simm.s32 @!p0 $0x0  }
0x12: {  	s1 =	sld [smem:$0x3F81];
	s0 =	simm.s32 @p0 $0x1  }
0x13: {  	[smem:$0x3F9C] =	sst s0;
	s0 =	simm.s32 @!p1 $0x0  }
0x14: {  	s2 =	sld [smem:$0x3F80];
	s0 =	simm.s32 @p1 $0x1  }
0x15: {  	[smem:$0x3F9D] =	sst s0;
	s0 =	simm.s32 @!p2 $0x0  }
0x16: {  	s3 =	sld [smem:$0x3FDB];
	s0 =	simm.s32 @p2 $0x1  }
0x17: {  	s4 =	simm.s32 $0x1BF5;
	[smem:$0x3F9F] =	sst s0  }
0x18: {  	s0 =	sld [smem:$0x3F82];
	_ =	swait.ge [sflag:s4], $0x0  }
0x19: {  	s7 =	sld [smem:$0x3F83]  }
0x1a: {  	s8 =	sadd.s32 $0xFFFFE003, lr  }
0x1b: {  	s9 =	sadd.s32 $0xFFFFFEF7, lr;
	s5 =	simm.s32 $0xFFFFFFFF;
	p2 =	slt.u32 s8, $0xFFFFF086  }
0x1c: {  	p1 =	slt.u32 s9, $0xF7A;
	s5 =	simm.s32 @!p2 $0x0  }
0x1d: {  	s5 =	simm.s32 @p1 $0x1;
	p0 =	seq.s32 s7, s2  }
0x1e: {  	s7 =	smul.u32 @!p0 $0xF7A, s2;
	p2 =	seq.s32 @!p0 s5, $0x0  }
0x1f: {  	s9 =	smul.u32 $0xF7A, s1;
	s8 =	simm.s32 @!p0 $0x1BF5;
	p2 =	por !p2, p0  }
0x20: {  	[sflag:s8] =	ssyncset.s32 @!p0 $0xFFFFF086;
	s6 =	sadd.s32 @!p0 s3, s7;
	s7 =	simm.s32 @!p0 $0x108  }
0x21: {  	s3 =	sadd.s32 s3, s9;
	s6 =	sadd.s32 @!p0 $0x88, s6;
	s7 =	simm.s32 @p2 $0x1082  }
0x22: {  	[simem:s7], [sflag:s8] =	dma.local @!p0 [hbm:s6], $0xF7A  }
0x23: {  	s9 =	sor.u32 $0xD0000000, s2;
	s6 =	simm.s32 $0x108;
	_ =	swait.ge @!p0 [sflag:s8], $0x0  }
0x24: {  	s3 =	sadd.s32 $0x88, s3;
	s6 =	simm.s32 @!p1 $0x1082;
	[sflag:s4] =	ssyncset.s32 $0xFFFFF086  }
0x25: {  	[simem:s6], [sflag:s4] =	dma.local [hbm:s3], $0xF7A  }
0x26: {  	[smem:$0x3F83] =	sst s1;
	(tag) =	ssettag s2;
	_ =	strace s9  }
0x27: {  	s1 =	sld [smem:$0x3F93]  }
0x28: {  	s2 =	sld [smem:$0x3F94]  }
0x29: {  	s4 =	sld [smem:$0x3F96]  }
0x2a: {  	p0 =	seq.s32 s5, $0x0;
	s5 =	sld [smem:$0x3F97]  }
0x2b: {  	s6 =	sld [smem:$0x3F98]  }
0x2c: {  	s7 =	sld [smem:$0x3F99]  }
0x2d: {  	s3 =	simm.s32 $0x108;
	s8 =	sld [smem:$0x3F9A]  }
0x2e: {  	s3 =	simm.s32 @!p0 $0x1082;
	s9 =	sld [smem:$0x3F9B]  }
0x2f: {  	lr =	sadd.s32 s0, s3;
	s0 =	sld [smem:$0x3F92]  }
0x30: {  	s3 =	sld [smem:$0x3F95]  }
0x31: {  	[smem:$0x3F9E] =	sst s10  }
0x32: {  	s10 =	sld [smem:$0x3F9C];
	_ =	sdelay $0x3  }
0x33: {  	p0 =	seq.s32 s10, $0x1;
	s10 =	sld [smem:$0x3F9E];
	_ =	sdelay $0x3  }
0x34: {  	[smem:$0x3F9E] =	sst s10  }
0x35: {  	s10 =	sld [smem:$0x3F9D];
	_ =	sdelay $0x3  }
0x36: {  	p1 =	seq.s32 s10, $0x1;
	s10 =	sld [smem:$0x3F9E];
	_ =	sdelay $0x3  }
0x37: {  	[smem:$0x3F9E] =	sst s10  }
0x38: {  	s10 =	sld [smem:$0x3F9F]  }
0x39: {  	_ = 	snop;
	(pc) =	sbr.ind lr, $3  }
0x3a: {  	_ = 	snop  }
0x3b: {  	_ = 	snop  }
0x3c: {  	p2 =	seq.s32 s10, $0x1;
	s10 =	sld [smem:$0x3F9E]  }
0x3d: {  	_ =	shalt  }
0x3e: {  	_ =	shalt  }
0x3f: {  	_ =	shalt  }
0x40: {  	_ =	shalt  }
0x41: {  	_ =	shalt  }
0x42: {  	_ =	shalt  }
0x43: {  	_ =	shalt  }
0x44: {  	_ =	shalt  }
0x45: {  	_ =	shalt  }
0x46: {  	_ =	shalt  }
0x47: {  	_ =	shalt  }
0x48: {  	_ =	shalt  }
0x49: {  	_ =	shalt  }
0x4a: {  	_ =	shalt  }
0x4b: {  	_ =	shalt  }
0x4c: {  	_ =	shalt  }
0x4d: {  	_ =	shalt  }
0x4e: {  	_ =	shalt  }
0x4f: {  	_ =	shalt  }
0x50: {  	_ =	shalt  }
0x51: {  	_ =	shalt  }
0x52: {  	_ =	shalt  }
0x53: {  	_ =	shalt  }
0x54: {  	_ =	shalt  }
0x55: {  	_ =	shalt  }
0x56: {  	_ =	shalt  }
0x57: {  	_ =	shalt  }
0x58: {  	_ =	shalt  }
0x59: {  	_ =	shalt  }
0x5a: {  	_ =	shalt  }
0x5b: {  	_ =	shalt  }
0x5c: {  	_ =	shalt  }
0x5d: {  	_ =	shalt  }
0x5e: {  	_ =	shalt  }
0x5f: {  	_ =	shalt  }
0x60: {  	_ =	shalt  }
0x61: {  	_ =	shalt  }
0x62: {  	_ =	shalt  }
0x63: {  	_ =	shalt  }
0x64: {  	_ =	shalt  }
0x65: {  	_ =	shalt  }
0x66: {  	_ =	shalt  }
0x67: {  	_ =	shalt  }
0x68: {  	_ =	shalt  }
0x69: {  	_ =	shalt  }
0x6a: {  	_ =	shalt  }
0x6b: {  	_ =	shalt  }
0x6c: {  	_ =	shalt  }
0x6d: {  	_ =	shalt  }
0x6e: {  	_ =	shalt  }
0x6f: {  	_ =	shalt  }
0x70: {  	_ =	shalt  }
0x71: {  	_ =	shalt  }
0x72: {  	_ =	shalt  }
0x73: {  	_ =	shalt  }
0x74: {  	_ =	shalt  }
0x75: {  	_ =	shalt  }
0x76: {  	_ =	shalt  }
0x77: {  	_ =	shalt  }
0x78: {  	_ =	shalt  }
0x79: {  	_ =	shalt  }
0x7a: {  	_ =	shalt  }
0x7b: {  	_ =	shalt  }
0x7c: {  	_ =	shalt  }
0x7d: {  	_ =	shalt  }
0x7e: {  	_ =	shalt  }
0x7f: {  	_ =	shalt  }
0x80: {  	_ =	shalt  }
0x81: {  	_ =	shalt  }
0x82: {  	_ =	shalt  }
0x83: {  	_ =	shalt  }
0x84: {  	_ =	shalt  }
0x85: {  	_ =	shalt  }
0x86: {  	_ =	shalt  }
0x87: {  	_ =	shalt  }
.Lfunc_end0:
.L_simem_size_0:
called_computation_lowered:
.L_overlay_start_0:
0x88: {  	s2 =	sld [smem:$0x3FD9]  }
0x89: {  	s3 =	sld [smem:$0x3FFE];
	_ =	sdelay $0x1  }
0x8a: {  	s1 =	srdreg.scid  }
0x8b: {  	s0 =	sand.u32 $0x1, s1  }
0x8c: {  	s14 =	sshll.u32 s0, $0xA;
	s2 =	sadd.s32 s3, s2  }
0x8d: {  	s2 =	sadd.s32 s2, s14  }
0x8e: {  	[smem:$0x3FAA] =	sst s2  }
0x8f: {  	_ = 	snop  }
0x90: {  	s2 =	sld [smem:$0x3FD0];
	_ =	sdelay $0x2  }
0x91: {  	s4 =	simm.s32 $0xC;
	s5 =	simm.s32 $0x10;
	s15 =	sld [smem:$0x3FC9]  }
0x92: {  	[smem:s5], [sflag:s4] =	dma.local [hbm:s2], $0x1  }
0x93: {  	_ =	swait.eq [sflag:s4], $0x1  }
0x94: {  	[sflag:s4] =	ssyncset.done $0x0  }
0x95: {  	[sflag:s4] =	ssyncadd.s32 $0xFFFFFFFF  }
0x96: {  	s16 =	sld [smem:$0x10];
	(tm) =	ssettm $0x1  }
0x97: {  	s17 =	sld [smem:$0x3FFB];
	_ =	sdelay $0x3  }
0x98: {  	_ =	strace s17  }
0x99: {  	s4 =	sld [smem:$0x3FFC];
	_ =	sdelay $0x3  }
0x9a: {  	_ =	strace s4  }
0x9b: {  	s4 =	sld [smem:$0x3FFD];
	_ =	sdelay $0x3  }
0x9c: {  	_ =	strace s4  }
0x9d: {  	_ =	strace $0x8FFFFFFF  }
0x9e: {  	s18 =	sld [smem:$0x3FDB];
	_ =	sdelay $0x1  }
0x9f: {  	s19 =	simm.s32 $_scs_section_size  }
0xa0: {  	s6 =	simm.s32 $_size__tile_overlayer_lowered;
	s7 =	simm.s32 $_tile_overlayer_lowered  }
0xa1: {  	s22 =	simm.s32 $0x1BFF;
	s21 =	sshll.u32 s7, $0x1;
	s4 =	sadd.s32 s19, s18  }
0xa2: {  	s8 =	simm.s32 $0x0;
	s20 =	sshll.u32 s6, $0x1;
	s6 =	sadd.s32 s21, s4  }
0xa3: {  	[timem:s8], [sflag:s22] =	dma.local [hbm:s6], s20  }
0xa4: {  	_ =	swait.ge [sflag:s22], s20  }
0xa5: {  	s5 =	ssub.s32 $0x0, s20;
	[sflag:s22] =	ssyncset.done $0x0  }
0xa6: {  	[sflag:s22] =	ssyncadd.s32 s5;
	_ =	sdelay $0x1  }
0xa7: {  	s23 =	simm.s32 $0x1B8B  }
0xa8: {  	_ =	swait.ge [sflag:s23], $0x1  }
0xa9: {  	[sflag:s23] =	ssyncset.done $0x0  }
0xaa: {  	s25 =	simm.s32 $0x1B8E;
	s24 =	sld [smem:$0x3FFE];
	[sflag:s23] =	ssyncadd.s32 $0xFFFFFFFF  }
0xab: {  	s26 =	simm.s32 $execute0_lowered;
	[smem:$0x3FD2] =	sst s25  }
0xac: {  	s6 =	sshll.u32 s26, $0x1;
	_ =	strace $0x80000046;
	[dreg:$0x1] =	wrdreg $0xFFFFFFFF  }
0xad: {  	s28 =	simm.s32 $_size_execute0_lowered;
	s4 =	sadd.s32 s4, s6;
	[dreg:$0x0] =	wrdreg $0x0  }
0xae: {  	s6 =	sshll.u32 s28, $0x1;
	[dreg:$0x2] =	wrdreg s4  }
0xaf: {  	[dreg:$0x3] =	wrdreg s6  }
0xb0: {  	[dreg:$0x4] =	wrdreg $0xC0  }
0xb1: {  	_ =	task [dreg:s8], $0x5FFFF  }
0xb2: {  	[dreg:$0x1] =	wrdreg $0xFFFFFFFF  }
0xb3: {  	[dreg:$0x0] =	wrdreg $0x60  }
0xb4: {  	[dreg:$0x2] =	wrdreg s15  }
0xb5: {  	[dreg:$0x3] =	wrdreg s16  }
0xb6: {  	[dreg:$0x4] =	wrdreg s24  }
0xb7: {  	[dreg:$0x5] =	wrdreg $0xA  }
0xb8: {  	_ =	task.clear_ibuf [dreg:s8], $0x6FFFF;
	_ =	strace $0x90000046  }
0xb9: {  	s29 =	simm.s32 $0xA;
	_ =	strace $0x80000048  }
0xba: {  	_ =	swait.ge [sflag:s29], $0x1  }
0xbb: {  	[sflag:s29] =	ssyncadd.s32 $0xFFFFFFFF  }
0xbc: {  	_ =	strace $0x90000048  }
0xbd: {  	_ =	sfence  }
0xbe: {  	s30 =	sld [smem:$0x0];
	_ =	sdelay $0x2  }
0xbf: {  	s31 =	sshll.u32 s1, $0xD;
	s1 =	sshrl.u32 s1, $0x2  }
0xc0: {  	s3 =	sand.u32 $0x4000, s31;
	s1 =	sadd.s32 s1, s30  }
0xc1: {  	s0 =	sor.u32 s3, s0;
	s1 =	sshll.u32 s1, $0x11  }
0xc2: {  	s0 =	sor.u32 s1, s0  }
0xc3: {  	s0 =	sadd.s32 $0x8F2B, s0  }
0xc4: {  	[sflag:s0] =	ssyncadd.remote.s32 $0x1  }
0xc5: {  	_ =	sfence.sel $0xFFFF  }
0xc6: {  	[dreg:$0x0] =	wrdreg $0xFFFFFFFF;
	(pc) =	sbr.abs _section_cstart, $3  }
0xc7: {  	[dreg:$0x1] =	wrdreg $0xFFFFFFFF  }
0xc8: {  	_ =	task.clear_ibuf [dreg:s8], $0x2FFFF;
	_ =	strace $0x9FFFFFFF  }
0xc9: {  	(tm) =	ssettm $0x7FFFFFFF  }
tec
execute0_lowered:
.L_overlay_start_1:
0x0: {  	(tag) =	ssettag $0x1  }
0x1: {  	s2 =	rddreg [dreg:$0x0]  }
0x2: {  	s3 =	rddreg [dreg:$0x1]  }
0x3: {  	s8 =	rddreg [dreg:$0x2];
	s1 =	stileid.u32  }
0x4: {  	s4 =	srdreg.scid;
	s0 =	rddreg [dreg:$0x3];
	_ =	strace $0x80000047  }
0x5: {  	s7 =	simm.s32 $0x1;
	s9 =	simm.s32 $0x1;
	s10 =	simm.s32 $0x3  }
0x6: {  	s13 =	simm.s32 $0x0;
	s5 =	sand.u32 $0x1, s4;
	s6 =	sshll.u32 s1, $0x1  }
0x7: {  	s12 =	simm.s32 $0x0;
	s4 =	simm.s32 $0x1;
	s5 =	sor.u32 s6, s5  }
.Ltmp0:
0x8: {  	[sflag:s4] =	ssyncpa.u1 $0x0;
	p0 =	slt.u32 s5, $0x9;
	(pc) =	sbr.rel .LBB2_1-.Ltmp0, $4  }
0x9: {  	s6 =	simm.s32 $0x2;
	s7 =	simm.s32 @!p0 $0x0;
	p0 =	sne.s32 s5, $0x8  }
0xa: {  	[sflag:s6] =	ssyncpa.u1 $0x0;
	s5 =	smul.u32 $0xFA0, s5;
	s9 =	simm.s32 @!p0 $0x0  }
0xb: {  	s8 =	sadd.s32 $0x60C00, s8;
	[sflag:s10] =	ssyncpa.u1 $0x0;
	s7 =	sadd.s32 s9, s7  }
0xc: {  	vm0 =	vmmov $0xffff;
	s10 =	simm.s32 $0x0;
	s11 =	smov.u32 s5;
	s9 =	sadd.s32 $0x1, s7  }
.LBB2_4:
0xd: {  	v2 =	vnsel vm1, $0x0, v2  }
0xe: {  	vm1 =	vgt.s32 v0, $0x0;
	v2 =	vmin.u32 v2, $0x4E1FF  }
0xf: {  	v0 =	vnsel vm1, $0x0, v0  }
0x10: {  	v0 =	vmin.u32 v0, $0x4E1FF  }
0x11: {  	[tilespmem:s18], [sflag:$0x1] =	stream.indirect_vreg.gather [hbm4b:s2+s10], $0x1, v1, vm0, $0x4038;
	[tilespmem:$0x3E80] =	vst v63  }
0x12: {  	(ifvalue) =	ssetifvalue $0x7FFFFFFF  }
0x13: {  	[tilespmem:s15], [sflag:$0x1] =	stream.indirect_vreg.gather [hbm4b:s2+s10], $0x1, v2, vm0, $0x4038;
	[tilespmem:$0x3E80] =	vst v63  }
0x14: {  	s29 =	sadd.s32 $0x10, s15;
	(ifvalue) =	ssetifvalue $0x7FFFFFFF  }
0x15: {  	[tilespmem:s29], [sflag:$0x1] =	stream.indirect_vreg.gather [hbm4b:s2+s10], $0x1, v0, vm0, $0x4038;
	[tilespmem:$0x3E80] =	vst v63  }
0x16: {  	_ =	swait.ge [sflag:s4], $0xFA0  }
0x17: {  	s30 =	sshrl.u32 s13, $0x3;
	[sflag:s4] =	ssyncset.done $0x0  }
0x18: {  	s31 =	sand.u32 $0x7, s13;
	s15 =	sadd.s32 s8, s30;
	[sflag:s4] =	ssyncadd.s32 $0xFFFFF060  }
0x19: {  	[hbm4b:s15+s31] =	stream.linear.scatter [tilespmem:s14], [sflag:$0x3], $0xFA0, $0x38;
	[tilespmem:$0x3E80] =	vst v63  }
.LBB2_5:
0x1a: {  	s15 =	sadd.s32 $0x1F400, s11  }
0x1b: {  	p1 =	sgt.s32 s15, $0x270FF  }
0x1c: {  	s15 =	smov.u32 @p1 s5;
	p1 =	sne.s32 s12, s9  }
.Ltmp1:
0x1d: {  	p0 =	slt.u32 s12, $0x2;
	(pc) =	sbr.rel @!p1 .LBB2_6-.Ltmp1, $4  }
0x1e: {  	s14 =	simm.s32 @!p0 $0x3  }
0x1f: {  	_ =	swait.ge @!p0 [sflag:s14], $0xFA0  }
0x20: {  	s16 =	sadd.s32 $0x1, s12;
	s13 =	smov.u32 s11;
	[sflag:s14] =	ssyncset.done @!p0 $0x0  }
0x21: {  	s12 =	smov.u32 s16;
	s11 =	smov.u32 s15;
	[sflag:s14] =	ssyncadd.s32 @!p0 $0xFFFFF060  }
.LBB2_1:
0x22: {  	p0 =	sge.u32 s12, s7  }
0x23: {  	s14 =	sxor.u32 @!p0 $0x1, s12  }
0x24: {  	s14 =	smul.u32 @!p0 $0x3E80, s14  }
0x25: {  	s31 =	sadd.s32 $0xFFFFFFFF, s12;
	s15 =	sshrl.u32 @!p0 s11, $0x3  }
0x26: {  	s16 =	sand.u32 @!p0 $0x7, s11;
	s15 =	sadd.s32 @!p0 s3, s15;
	s14 =	sshra.s32 @!p0 s14, $0x2  }
0x27: {  	[tilespmem:s14], [sflag:$0x2] =	stream.linear.gather @!p0 [hbm4b:s15+s16], $0xFA0, $0x38;
	[tilespmem:$0x3E80] =	vst v63  }
0x28: {  	p0 =	sge.u32 s31, s7  }
.Ltmp2:
0x29: {  	_ = 	snop;
	(pc) =	sbr.rel @p0 .LBB2_5-.Ltmp2, $1  }
0x2a: {  	_ =	sdelay $0x3  }
0x2b: {  	s14 =	sand.u32 $0x1, s12  }
0x2c: {  	_ =	swait.ge [sflag:s6], $0xFA0;
	p0 =	seq.s32 s14, $0x1;
	s14 =	simm.s32 $0xFA0  }
0x2d: {  	[sflag:s6] =	ssyncset.done $0x0;
	s14 =	simm.s32 @!p0 $0x0  }
0x2e: {  	[sflag:s6] =	ssyncadd.s32 $0xFFFFF060;
	(ifvalue) =	ssetifvalue $0x7FFFFFFF;
	v0 =	vld.msk [tilespmem:s14+$0x0 ss:$0x1], $0xffff;
	_ =	sdelay $0x4  }
0x2f: {  	s15 =	sadd.s32 $0x10, s14;
	vm1 =	vgt.s32 v0, $0x0  }
0x30: {  	v2 =	vld.msk [tilespmem:s15+$0x0 ss:$0x1], $0xffff;
	v1 =	vnsel vm1, $0x0, v0  }
0x31: {  	v1 =	vmin.u32 v1, $0x4E1FF;
	_ =	sdelay $0x2  }
0x32: {  	s17 =	simm.s32 $0x20;
	s14 =	sadd.s32 $0x1F40, s14;
	s16 =	sadd.s32 $0x10, s15  }
0x33: {  	s15 =	sadd.s32 $0x10, s14;
	s18 =	smov.u32 s14;
	v0 =	vld.msk [tilespmem:s16+$0x0 ss:$0x1], $0xffff;
	vm1 =	vgt.s32 v2, $0x0;
	(ifvalue) =	ssetifvalue $0x7FFFFFFF  }
.LBB2_3:
0x34: {  	[tilespmem:s18], [sflag:$0x1] =	stream.indirect_vreg.gather [hbm4b:s2+s10], $0x1, v1, vm0, $0x4038;
	[tilespmem:$0x3E80] =	vst v63  }
0x35: {  	s17 =	sadd.s32 $0x10, s17  }
0x36: {  	v2 =	vnsel vm1, $0x0, v2;
	p0 =	slt.u32 s17, $0xF90  }
.Ltmp3:
0x37: {  	s18 =	smov.u32 s15;
	v1 =	vmin.u32 v2, $0x4E1FF;
	(pc) =	sbr.rel @p0 .LBB2_3-.Ltmp3, $3  }
0x38: {  	_ =	sdelay $0x1  }
0x39: {  	s16 =	sadd.s32 $0x10, s16  }
0x3a: {  	vm1 =	vgt.s32 v0, $0x0;
	s15 =	sadd.s32 $0x10, s15;
	v2 =	vmov v0;
	(ifvalue) =	ssetifvalue $0x7FFFFFFF;
	v0 =	vld.msk [tilespmem:s16+$0x0 ss:$0x1], $0xffff  }
.Ltmp4:
0x3b: {  	_ = 	snop;
	(pc) =	sbr.rel .LBB2_4-.Ltmp4, $1  }
0x3c: {  	_ =	sdelay $0x3  }
.LBB2_6:
0x3d: {  	_ =	sfence.sel $0x180000  }
0x3e: {  	s2 =	simm.s32 $0x2;
	[bflag:$0x0] =	sbarrier.arrive $0xFFFF  }
0x3f: {  	s30 =	simm.s32 $0x3;
	[sflag:s2] =	ssyncpa.u1 $0x1  }
0x40: {  	s31 =	simm.s32 $0x1;
	[sflag:s30] =	ssyncpa.u1 $0x1  }
0x41: {  	[sflag:s31] =	ssyncpa.u1 $0x1  }
0x42: {  	p0 =	sne.s32 s1, $0x0;
	_ =	strace $0x90000047  }
0x43: {  	s0 =	sadd.s32 @!p0 $0x100000, s0;
	[bflag:$0x2] =	sbarrier.arrive $0xFFFF  }
0x44: {  	[sflag:s0] =	ssyncadd.tile.s32 @!p0 $0x1;
	_ =	shalt  }
.Lfunc_end2:
_tile_overlayer_lowered:
.L_overlay_start_2:
0x45: {  	(tag) =	ssettag $0x2  }
0x46: {  	s0 =	rddreg [dreg:$0x0];
	s2 =	stileid.u32  }
0x47: {  	s1 =	rddreg [dreg:$0x1];
	p0 =	sne.s32 s2, $0x0  }
0x48: {  	s3 =	rddreg [dreg:$0x2];
	[bflag:$0x3] =	sbarrier.arrive $0xFFFF;
	s2 =	simm.s32 @!p0 $0x1C01  }
0x49: {  	[timem:s3], [sflag:s2] =	dma.local @!p0 [hbm:s0], s1  }
0x4a: {  	s0 =	simm.s32 @!p0 $0x1  }
0x4b: {  	_ =	swait.ge @!p0 [sflag:s0], s1  }
0x4c: {  	s1 =	ssub.s32 @!p0 $0x0, s1;
	[sflag:s0] =	ssyncset.done @!p0 $0x0  }
0x4d: {  	[sflag:s0] =	ssyncadd.s32 @!p0 s1  }
0x4e: {  	[bflag:$0x3] =	sbarrier.arrive $0xFFFF  }
0x4f: {  	_ =	shalt  }

// kernel: kernel.14.cloned.1.call-start
scs
__scs_entry_jumppad:
0x0: {  	(pc) =	sbr.rel $0x88, $3  }
0x1: {  	(tag) =	ssettag $0x0;
	lr =	simm.s32 $0x1  }
0x2: {  	[smem:$0x3F83] =	sst lr;
	_ =	strace $0xD0000000  }
0x3: {  	_ = 	snop  }
0x4: {  	_ = 	snop  }
0x5: {  	_ = 	snop  }
0x6: {  	_ = 	snop  }
0x7: {  	_ = 	snop  }
__scs_overlays_trampoline_lowered:
0x8: {  	[smem:$0x3F92] =	sst s0  }
0x9: {  	[smem:$0x3F93] =	sst s1  }
0xa: {  	[smem:$0x3F94] =	sst s2  }
0xb: {  	[smem:$0x3F95] =	sst s3  }
0xc: {  	[smem:$0x3F96] =	sst s4  }
0xd: {  	[smem:$0x3F97] =	sst s5  }
0xe: {  	[smem:$0x3F98] =	sst s6  }
0xf: {  	[smem:$0x3F99] =	sst s7  }
0x10: {  	[smem:$0x3F9A] =	sst s8  }
0x11: {  	[smem:$0x3F9B] =	sst s9;
	s0 =	simm.s32 @!p0 $0x0  }
0x12: {  	s1 =	sld [smem:$0x3F81];
	s0 =	simm.s32 @p0 $0x1  }
0x13: {  	[smem:$0x3F9C] =	sst s0;
	s0 =	simm.s32 @!p1 $0x0  }
0x14: {  	s2 =	sld [smem:$0x3F80];
	s0 =	simm.s32 @p1 $0x1  }
0x15: {  	[smem:$0x3F9D] =	sst s0;
	s0 =	simm.s32 @!p2 $0x0  }
0x16: {  	s3 =	sld [smem:$0x3FDB];
	s0 =	simm.s32 @p2 $0x1  }
0x17: {  	s4 =	simm.s32 $0x1BF5;
	[smem:$0x3F9F] =	sst s0  }
0x18: {  	s0 =	sld [smem:$0x3F82];
	_ =	swait.ge [sflag:s4], $0x0  }
0x19: {  	s7 =	sld [smem:$0x3F83]  }
0x1a: {  	s8 =	sadd.s32 $0xFFFFE003, lr  }
0x1b: {  	s9 =	sadd.s32 $0xFFFFFEF7, lr;
	s5 =	simm.s32 $0xFFFFFFFF;
	p2 =	slt.u32 s8, $0xFFFFF086  }
0x1c: {  	p1 =	slt.u32 s9, $0xF7A;
	s5 =	simm.s32 @!p2 $0x0  }
0x1d: {  	s5 =	simm.s32 @p1 $0x1;
	p0 =	seq.s32 s7, s2  }
0x1e: {  	s7 =	smul.u32 @!p0 $0xF7A, s2;
	p2 =	seq.s32 @!p0 s5, $0x0  }
0x1f: {  	s9 =	smul.u32 $0xF7A, s1;
	s8 =	simm.s32 @!p0 $0x1BF5;
	p2 =	por !p2, p0  }
0x20: {  	[sflag:s8] =	ssyncset.s32 @!p0 $0xFFFFF086;
	s6 =	sadd.s32 @!p0 s3, s7;
	s7 =	simm.s32 @!p0 $0x108  }
0x21: {  	s3 =	sadd.s32 s3, s9;
	s6 =	sadd.s32 @!p0 $0x88, s6;
	s7 =	simm.s32 @p2 $0x1082  }
0x22: {  	[simem:s7], [sflag:s8] =	dma.local @!p0 [hbm:s6], $0xF7A  }
0x23: {  	s9 =	sor.u32 $0xD0000000, s2;
	s6 =	simm.s32 $0x108;
	_ =	swait.ge @!p0 [sflag:s8], $0x0  }
0x24: {  	s3 =	sadd.s32 $0x88, s3;
	s6 =	simm.s32 @!p1 $0x1082;
	[sflag:s4] =	ssyncset.s32 $0xFFFFF086  }
0x25: {  	[simem:s6], [sflag:s4] =	dma.local [hbm:s3], $0xF7A  }
0x26: {  	[smem:$0x3F83] =	sst s1;
	(tag) =	ssettag s2;
	_ =	strace s9  }
0x27: {  	s1 =	sld [smem:$0x3F93]  }
0x28: {  	s2 =	sld [smem:$0x3F94]  }
0x29: {  	s4 =	sld [smem:$0x3F96]  }
0x2a: {  	p0 =	seq.s32 s5, $0x0;
	s5 =	sld [smem:$0x3F97]  }
0x2b: {  	s6 =	sld [smem:$0x3F98]  }
0x2c: {  	s7 =	sld [smem:$0x3F99]  }
0x2d: {  	s3 =	simm.s32 $0x108;
	s8 =	sld [smem:$0x3F9A]  }
0x2e: {  	s3 =	simm.s32 @!p0 $0x1082;
	s9 =	sld [smem:$0x3F9B]  }
0x2f: {  	lr =	sadd.s32 s0, s3;
	s0 =	sld [smem:$0x3F92]  }
0x30: {  	s3 =	sld [smem:$0x3F95]  }
0x31: {  	[smem:$0x3F9E] =	sst s10  }
0x32: {  	s10 =	sld [smem:$0x3F9C];
	_ =	sdelay $0x3  }
0x33: {  	p0 =	seq.s32 s10, $0x1;
	s10 =	sld [smem:$0x3F9E];
	_ =	sdelay $0x3  }
0x34: {  	[smem:$0x3F9E] =	sst s10  }
0x35: {  	s10 =	sld [smem:$0x3F9D];
	_ =	sdelay $0x3  }
0x36: {  	p1 =	seq.s32 s10, $0x1;
	s10 =	sld [smem:$0x3F9E];
	_ =	sdelay $0x3  }
0x37: {  	[smem:$0x3F9E] =	sst s10  }
0x38: {  	s10 =	sld [smem:$0x3F9F]  }
0x39: {  	_ = 	snop;
	(pc) =	sbr.ind lr, $3  }
0x3a: {  	_ = 	snop  }
0x3b: {  	_ = 	snop  }
0x3c: {  	p2 =	seq.s32 s10, $0x1;
	s10 =	sld [smem:$0x3F9E]  }
0x3d: {  	_ =	shalt  }
0x3e: {  	_ =	shalt  }
0x3f: {  	_ =	shalt  }
0x40: {  	_ =	shalt  }
0x41: {  	_ =	shalt  }
0x42: {  	_ =	shalt  }
0x43: {  	_ =	shalt  }
0x44: {  	_ =	shalt  }
0x45: {  	_ =	shalt  }
0x46: {  	_ =	shalt  }
0x47: {  	_ =	shalt  }
0x48: {  	_ =	shalt  }
0x49: {  	_ =	shalt  }
0x4a: {  	_ =	shalt  }
0x4b: {  	_ =	shalt  }
0x4c: {  	_ =	shalt  }
0x4d: {  	_ =	shalt  }
0x4e: {  	_ =	shalt  }
0x4f: {  	_ =	shalt  }
0x50: {  	_ =	shalt  }
0x51: {  	_ =	shalt  }
0x52: {  	_ =	shalt  }
0x53: {  	_ =	shalt  }
0x54: {  	_ =	shalt  }
0x55: {  	_ =	shalt  }
0x56: {  	_ =	shalt  }
0x57: {  	_ =	shalt  }
0x58: {  	_ =	shalt  }
0x59: {  	_ =	shalt  }
0x5a: {  	_ =	shalt  }
0x5b: {  	_ =	shalt  }
0x5c: {  	_ =	shalt  }
0x5d: {  	_ =	shalt  }
0x5e: {  	_ =	shalt  }
0x5f: {  	_ =	shalt  }
0x60: {  	_ =	shalt  }
0x61: {  	_ =	shalt  }
0x62: {  	_ =	shalt  }
0x63: {  	_ =	shalt  }
0x64: {  	_ =	shalt  }
0x65: {  	_ =	shalt  }
0x66: {  	_ =	shalt  }
0x67: {  	_ =	shalt  }
0x68: {  	_ =	shalt  }
0x69: {  	_ =	shalt  }
0x6a: {  	_ =	shalt  }
0x6b: {  	_ =	shalt  }
0x6c: {  	_ =	shalt  }
0x6d: {  	_ =	shalt  }
0x6e: {  	_ =	shalt  }
0x6f: {  	_ =	shalt  }
0x70: {  	_ =	shalt  }
0x71: {  	_ =	shalt  }
0x72: {  	_ =	shalt  }
0x73: {  	_ =	shalt  }
0x74: {  	_ =	shalt  }
0x75: {  	_ =	shalt  }
0x76: {  	_ =	shalt  }
0x77: {  	_ =	shalt  }
0x78: {  	_ =	shalt  }
0x79: {  	_ =	shalt  }
0x7a: {  	_ =	shalt  }
0x7b: {  	_ =	shalt  }
0x7c: {  	_ =	shalt  }
0x7d: {  	_ =	shalt  }
0x7e: {  	_ =	shalt  }
0x7f: {  	_ =	shalt  }
0x80: {  	_ =	shalt  }
0x81: {  	_ =	shalt  }
0x82: {  	_ =	shalt  }
0x83: {  	_ =	shalt  }
0x84: {  	_ =	shalt  }
0x85: {  	_ =	shalt  }
0x86: {  	_ =	shalt  }
0x87: {  	_ =	shalt  }
.Lfunc_end0:
.L_simem_size_0:
called_computation.4_lowered:
.L_overlay_start_0:
0x88: {  	s2 =	sld [smem:$0x3FD9]  }
0x89: {  	s3 =	sld [smem:$0x3FFE];
	_ =	sdelay $0x1  }
0x8a: {  	s1 =	srdreg.scid  }
0x8b: {  	s0 =	sand.u32 $0x1, s1  }
0x8c: {  	s14 =	sshll.u32 s0, $0xA;
	s2 =	sadd.s32 s3, s2  }
0x8d: {  	s2 =	sadd.s32 s2, s14  }
0x8e: {  	[smem:$0x3FAA] =	sst s2  }
0x8f: {  	_ = 	snop  }
0x90: {  	s2 =	sld [smem:$0x3FD0];
	_ =	sdelay $0x2  }
0x91: {  	s15 =	simm.s32 $0xC;
	s4 =	simm.s32 $0x10  }
0x92: {  	[smem:s4], [sflag:s15] =	dma.local [hbm:s2], $0x1  }
0x93: {  	_ =	swait.eq [sflag:s15], $0x1  }
0x94: {  	[sflag:s15] =	ssyncset.done $0x0  }
0x95: {  	s16 =	sld [smem:$0x10];
	[sflag:s15] =	ssyncadd.s32 $0xFFFFFFFF  }
0x96: {  	s17 =	sld [smem:$0x11];
	(tm) =	ssettm $0x1  }
0x97: {  	s18 =	sld [smem:$0x3FFB];
	_ =	sdelay $0x3  }
0x98: {  	_ =	strace s18  }
0x99: {  	s4 =	sld [smem:$0x3FFC];
	_ =	sdelay $0x3  }
0x9a: {  	_ =	strace s4  }
0x9b: {  	s4 =	sld [smem:$0x3FFD];
	_ =	sdelay $0x3  }
0x9c: {  	_ =	strace s4  }
0x9d: {  	_ =	strace $0x8FFFFFFF  }
0x9e: {  	s19 =	sld [smem:$0x3FDB];
	_ =	sdelay $0x1  }
0x9f: {  	s5 =	simm.s32 $_scs_section_size  }
0xa0: {  	s6 =	simm.s32 $_size__tile_overlayer_lowered;
	s7 =	simm.s32 $_tile_overlayer_lowered  }
0xa1: {  	s22 =	simm.s32 $0x1BFF;
	s21 =	sshll.u32 s7, $0x1;
	s4 =	sadd.s32 s5, s19  }
0xa2: {  	s8 =	simm.s32 $0x0;
	s20 =	sshll.u32 s6, $0x1;
	s6 =	sadd.s32 s21, s4  }
0xa3: {  	[timem:s8], [sflag:s22] =	dma.local [hbm:s6], s20  }
0xa4: {  	_ =	swait.ge [sflag:s22], s20  }
0xa5: {  	s5 =	ssub.s32 $0x0, s20;
	[sflag:s22] =	ssyncset.done $0x0  }
0xa6: {  	[sflag:s22] =	ssyncadd.s32 s5;
	_ =	sdelay $0x1  }
0xa7: {  	s23 =	simm.s32 $0x1B8B  }
0xa8: {  	_ =	swait.ge [sflag:s23], $0x1  }
0xa9: {  	[sflag:s23] =	ssyncset.done $0x0  }
0xaa: {  	s25 =	simm.s32 $0x1B8E;
	s24 =	sld [smem:$0x3FFE];
	[sflag:s23] =	ssyncadd.s32 $0xFFFFFFFF  }
0xab: {  	s26 =	simm.s32 $execute0_lowered;
	[smem:$0x3FD2] =	sst s25  }
0xac: {  	s6 =	sshll.u32 s26, $0x1;
	_ =	strace $0x80000052;
	[dreg:$0x1] =	wrdreg $0xFFFFFFFF  }
0xad: {  	s28 =	simm.s32 $_size_execute0_lowered;
	s4 =	sadd.s32 s4, s6;
	[dreg:$0x0] =	wrdreg $0x0  }
0xae: {  	s6 =	sshll.u32 s28, $0x1;
	[dreg:$0x2] =	wrdreg s4  }
0xaf: {  	[dreg:$0x3] =	wrdreg s6  }
0xb0: {  	[dreg:$0x4] =	wrdreg $0xC0  }
0xb1: {  	_ =	task [dreg:s8], $0x5FFFF  }
0xb2: {  	[dreg:$0x1] =	wrdreg $0xFFFFFFFF  }
0xb3: {  	[dreg:$0x0] =	wrdreg $0x60  }
0xb4: {  	[dreg:$0x2] =	wrdreg s17  }
0xb5: {  	[dreg:$0x3] =	wrdreg s24  }
0xb6: {  	[dreg:$0x4] =	wrdreg s16  }
0xb7: {  	[dreg:$0x5] =	wrdreg $0x0  }
0xb8: {  	[dreg:$0x6] =	wrdreg $0x9  }
0xb9: {  	_ =	task.clear_ibuf [dreg:s8], $0x7FFFF;
	_ =	strace $0x90000052  }
0xba: {  	s29 =	simm.s32 $0x9;
	_ =	strace $0x80000054  }
0xbb: {  	_ =	swait.ge [sflag:s29], $0x1  }
0xbc: {  	[sflag:s29] =	ssyncadd.s32 $0xFFFFFFFF  }
0xbd: {  	_ =	strace $0x90000054  }
0xbe: {  	_ =	sfence  }
0xbf: {  	s30 =	sld [smem:$0x0];
	_ =	sdelay $0x2  }
0xc0: {  	s31 =	sshll.u32 s1, $0xD;
	s1 =	sshrl.u32 s1, $0x2  }
0xc1: {  	s3 =	sand.u32 $0x4000, s31;
	s1 =	sadd.s32 s1, s30  }
0xc2: {  	s0 =	sor.u32 s3, s0;
	s1 =	sshll.u32 s1, $0x11  }
0xc3: {  	s0 =	sor.u32 s1, s0  }
0xc4: {  	s0 =	sadd.s32 $0x8F2B, s0  }
0xc5: {  	[sflag:s0] =	ssyncadd.remote.s32 $0x1  }
0xc6: {  	_ =	sfence.sel $0xFFFF  }
0xc7: {  	[dreg:$0x0] =	wrdreg $0xFFFFFFFF;
	(pc) =	sbr.abs _section_cstart, $3  }
0xc8: {  	[dreg:$0x1] =	wrdreg $0xFFFFFFFF  }
0xc9: {  	_ =	task.clear_ibuf [dreg:s8], $0x2FFFF;
	_ =	strace $0x9FFFFFFF  }
0xca: {  	(tm) =	ssettm $0x7FFFFFFF  }
0xcb: {  	_ =	shalt  }
tec
execute0_lowered:
.L_overlay_start_1:
0x0: {  	(tag) =	ssettag $0x1  }
0x1: {  	s1 =	rddreg [dreg:$0x0]  }
0x2: {  	s0 =	rddreg [dreg:$0x1]  }
0x3: {  	s4 =	rddreg [dreg:$0x2]  }
0x4: {  	s2 =	rddreg [dreg:$0x3];
	s3 =	simm.s32 $0x0  }
0x5: {  	s6 =	srdreg.scid;
	s23 =	stileid.u32;
	s28 =	simm.s32 $0x80  }
0x6: {  	s29 =	simm.s32 $0x139C0;
	s30 =	simm.s32 $0x1;
	s19 =	smul.u32 $0x4E000, s23  }
0x7: {  	s31 =	simm.s32 $0x179C0;
	[smem:$0x7FF] =	sst s3;
	s12 =	smul.u32 $0x2710, s23  }
0x8: {  	s5 =	sadd.s32 $0x74600, s0;
	s11 =	sand.u32 $0x1, s6;
	s13 =	smul.u32 $0x270, s23  }
0x9: {  	s10 =	sadd.s32 $0x60C00, s0;
	s0 =	sadd.s32 $0x9600, s0;
	s8 =	smul.u32 $0x4E200, s11  }
0xa: {  	s9 =	sadd.s32 $0x138000, s2;
	p0 =	sne.s32 s23, $0xF;
	s15 =	smul.u32 $0x4E20, s11  }
0xb: {  	s20 =	ssub.s32 $0x2, s11;
	s16 =	smul.u32 $0x271000, s11;
	s11 =	sshllo.u32 s11, $0x1  }
0xc: {  	s23 =	simm.s32 $0x182C0;
	_ =	strace $0x80000053;
	s18 =	smul.u32 $0x27100, s11  }
0xd: {  	[dreg:$0x5] =	wrdreg s0;
	s7 =	sshrl.u32 s20, $0x1;
	s22 =	smul.u32 $0x2710, s11  }
0xe: {  	s6 =	sshrl.u32 s19, $0x2;
	s11 =	smul.u32 $0x138800, s11;
	s0 =	ssub.s32 s20, s7  }
0xf: {  	s6 =	sadd.s32 s6, s2;
	s14 =	sadd.s32 s12, s8;
	s15 =	sadd.s32 s13, s15  }
0x10: {  	s21 =	sshrl.u32 s16, $0x3;
	s7 =	sadd.s32 $0x6800, s6;
	s8 =	sadd.s32 $0xD000, s6  }
0x11: {  	s20 =	sshrl.u32 s14, $0x3;
	s15 =	sshll.u32 s15, $0x4;
	s12 =	sadd.s32 s12, s18  }
0x12: {  	s13 =	sadd.s32 s13, s22;
	s11 =	sshrl.u32 s11, $0x3;
	s0 =	smax.u32 s0, $0x1  }
0x13: {  	s26 =	sadd.s32 $0x27100, s14;
	s17 =	sadd.s32 $0x4E0, s20;
	s15 =	sadd.s32 s4, s15  }
0x14: {  	s12 =	sshrl.u32 s12, $0x3;
	s13 =	sshll.u32 s13, $0x4;
	[dreg:$0xe] =	wrdreg s0  }
0x15: {  	s0 =	sshrl.u32 s26, $0x3;
	s26 =	simm.s32 $0x13940;
	s19 =	sadd.s32 s5, s17  }
0x16: {  	s17 =	sadd.s32 s10, s17;
	[dreg:$0x8] =	wrdreg s15;
	s15 =	sadd.s32 s4, s21  }
0x17: {  	s12 =	sadd.s32 $0x4E0, s12;
	s25 =	sadd.s32 s4, s13;
	s4 =	sadd.s32 s4, s11  }
0x18: {  	s21 =	sadd.s32 s0, s10;
	s22 =	sadd.s32 s0, s5;
	[dreg:$0x6] =	wrdreg s19  }
0x19: {  	s0 =	simm.s32 $0x17A40;
	[dreg:$0x7] =	wrdreg s17;
	s15 =	sadd.s32 $0x27000, s15  }
0x1a: {  	s24 =	sadd.s32 s5, s12;
	s12 =	sadd.s32 s10, s12;
	[dreg:$0xc] =	wrdreg s25  }
0x1b: {  	s4 =	sadd.s32 $0x27000, s4;
	s19 =	sadd.s32 s20, s10;
	[dreg:$0x9] =	wrdreg s15  }
0x1c: {  	s20 =	sadd.s32 s20, s5;
	s25 =	simm.s32 $0x138C0;
	[dreg:$0xa] =	wrdreg s24  }
0x1d: {  	s5 =	simm.s32 $0x17AC0;
	s10 =	simm.s32 $0x0;
	[dreg:$0xb] =	wrdreg s12  }
0x1e: {  	[dreg:$0xd] =	wrdreg s4;
	s24 =	simm.s32 $0x2;
	s4 =	simm.s32 $0x10  }
.LBB2_1:
0x1f: {  	s11 =	rddreg [dreg:$0x5]  }
0x20: {  	[tilespmem:s23], [sflag:$0x2] =	stream.linear.gather [hbm4b:s11+s3], $0x6800, $0x38;
	[tilespmem:$0x1EAC0] =	vst v63  }
0x21: {  	_ =	swait.ge [sflag:s24], $0x6800  }
0x22: {  	[sflag:s24] =	ssyncset.done $0x0  }
0x23: {  	[sflag:s24] =	ssyncadd.s32 $0xFFFF9800  }
0x24: {  	[spmem:s6] =	stream.linear.scatter [tilespmem:s23], [sflag:$0x2], $0x6800, $0x38;
	[tilespmem:$0x1EAC0] =	vst v63  }
0x25: {  	_ =	swait.ge [sflag:s24], $0x6800  }
0x26: {  	[sflag:s24] =	ssyncset.done $0x0  }
0x27: {  	[sflag:s24] =	ssyncadd.s32 $0xFFFF9800  }
0x28: {  	[spmem:s7] =	stream.linear.scatter [tilespmem:s23], [sflag:$0x2], $0x6800, $0x38;
	[tilespmem:$0x1EAC0] =	vst v63  }
0x29: {  	_ =	swait.ge [sflag:s24], $0x6800  }
0x2a: {  	[sflag:s24] =	ssyncset.done $0x0  }
0x2b: {  	[sflag:s24] =	ssyncadd.s32 $0xFFFF9800  }
0x2c: {  	[spmem:s8] =	stream.linear.scatter [tilespmem:s23], [sflag:$0x2], $0x6800, $0x38;
	[tilespmem:$0x1EAC0] =	vst v63  }
0x2d: {  	_ =	swait.ge [sflag:s24], $0x6800  }
0x2e: {  	[sflag:s24] =	ssyncset.done $0x0  }
0x2f: {  	s11 =	simm.s32 @!p0 $0x182C0;
	[sflag:s24] =	ssyncadd.s32 $0xFFFF9800  }
0x30: {  	[spmem:s9] =	stream.linear.scatter @!p0 [tilespmem:s11], [sflag:$0x2], $0x800, $0x38;
	[tilespmem:$0x1EAC0] =	vst v63  }
0x31: {  	s11 =	simm.s32 @!p0 $0x2  }
0x32: {  	_ =	swait.ge @!p0 [sflag:s11], $0x800  }
0x33: {  	[sflag:s11] =	ssyncset.done @!p0 $0x0  }
0x34: {  	[sflag:s11] =	ssyncadd.s32 @!p0 $0xFFFFF800  }
0x35: {  	s17 =	sadd.s32 $0x0, s20;
	[bflag:$0x0] =	sbarrier.arrive $0xFFFF  }
0x36: {  	[tilespmem:s25], [sflag:$0x2] =	stream.linear.gather [hbm4b:s17+s3], $0x80, $0x38;
	[tilespmem:$0x1EAC0] =	vst v63  }
0x37: {  	_ =	swait.ge [sflag:s24], $0x80  }
0x38: {  	[sflag:s24] =	ssyncset.done $0x0  }
0x39: {  	s18 =	sadd.s32 $0x0, s19;
	[sflag:s24] =	ssyncadd.s32 $0xFFFFFF80  }
0x3a: {  	[tilespmem:s26], [sflag:$0x2] =	stream.linear.gather [hbm4b:s18+s3], $0x80, $0x38;
	[tilespmem:$0x1EAC0] =	vst v63  }
0x3b: {  	_ =	swait.ge [sflag:s24], $0x80  }
0x3c: {  	[sflag:s24] =	ssyncset.done $0x0  }
0x3d: {  	[sflag:s24] =	ssyncadd.s32 $0xFFFFFF80  }
0x3e: {  	[tilespmem:s29], [sflag:$0x1] =	stream.indirect.gather [hbm4b:s1+s28], $0x80, s25, s28, $0xb8;
	[tilespmem:$0x1EAC0] =	vst v63  }
0x3f: {  	_ =	swait.ge [sflag:s30], $0x4000  }
0x40: {  	[sflag:s30] =	ssyncset.done $0x0  }
0x41: {  	[sflag:s30] =	ssyncadd.s32 $0xFFFFC000  }
0x42: {  	[spmem:s2] =	stream.indirect.scatter.add.f32 [tilespmem:s29], [sflag:$0x2], $0x80, s26, s28, $0xb8;
	[tilespmem:$0x1EAC0] =	vst v63  }
0x43: {  	_ =	swait.ge [sflag:s24], $0x4000  }
0x44: {  	s12 =	simm.s32 $0x20;
	s11 =	simm.s32 $0x10;
	[sflag:s24] =	ssyncset.done $0x0  }
.LBB2_2:
0x45: {  	s13 =	sadd.s32 s11, s20  }
0x46: {  	[sflag:s24] =	ssyncadd.s32 $0xFFFFC000;
	s14 =	smov.u32 s12;
	s15 =	sadd.s32 $0x10, s12  }
0x47: {  	[tilespmem:s25], [sflag:$0x2] =	stream.linear.gather [hbm4b:s13+s3], $0x80, $0x38;
	[tilespmem:$0x1EAC0] =	vst v63  }
0x48: {  	p1 =	sne.s32 s12, $0x4D0;
	_ =	swait.ge [sflag:s24], $0x80  }
0x49: {  	[sflag:s24] =	ssyncset.done $0x0  }
0x4a: {  	s12 =	sadd.s32 s11, s19;
	s11 =	smov.u32 s14;
	[sflag:s24] =	ssyncadd.s32 $0xFFFFFF80  }
0x4b: {  	[tilespmem:s26], [sflag:$0x2] =	stream.linear.gather [hbm4b:s12+s3], $0x80, $0x38;
	[tilespmem:$0x1EAC0] =	vst v63  }
0x4c: {  	_ =	swait.ge [sflag:s24], $0x80  }
0x4d: {  	[sflag:s24] =	ssyncset.done $0x0  }
0x4e: {  	[sflag:s24] =	ssyncadd.s32 $0xFFFFFF80  }
0x4f: {  	[tilespmem:s29], [sflag:$0x1] =	stream.indirect.gather [hbm4b:s1+s28], $0x80, s25, s28, $0xb8;
	[tilespmem:$0x1EAC0] =	vst v63  }
0x50: {  	_ =	swait.ge [sflag:s30], $0x4000  }
.Ltmp0:
0x51: {  	[sflag:s30] =	ssyncset.done $0x0;
	(pc) =	sbr.rel @p1 .LBB2_2-.Ltmp0, $4  }
0x52: {  	[sflag:s30] =	ssyncadd.s32 $0xFFFFC000  }
0x53: {  	[spmem:s2] =	stream.indirect.scatter.add.f32 [tilespmem:s29], [sflag:$0x2], $0x80, s26, s28, $0xb8;
	[tilespmem:$0x1EAC0] =	vst v63  }
0x54: {  	_ =	swait.ge [sflag:s24], $0x4000  }
0x55: {  	s12 =	smov.u32 s15;
	[sflag:s24] =	ssyncset.done $0x0  }
0x56: {  	s12 =	sadd.s32 s11, s20;
	[sflag:s24] =	ssyncadd.s32 $0xFFFFC000  }
0x57: {  	[tilespmem:s25], [sflag:$0x2] =	stream.linear.gather [hbm4b:s12+s3], $0x80, $0x38;
	[tilespmem:$0x1EAC0] =	vst v63  }
0x58: {  	_ =	swait.ge [sflag:s24], $0x80  }
0x59: {  	[sflag:s24] =	ssyncset.done $0x0  }
0x5a: {  	s13 =	sadd.s32 s11, s19;
	[sflag:s24] =	ssyncadd.s32 $0xFFFFFF80  }
0x5b: {  	[tilespmem:s26], [sflag:$0x2] =	stream.linear.gather [hbm4b:s13+s3], $0x80, $0x38;
	[tilespmem:$0x1EAC0] =	vst v63  }
0x5c: {  	_ =	swait.ge [sflag:s24], $0x80  }
0x5d: {  	[sflag:s24] =	ssyncset.done $0x0  }
0x5e: {  	[sflag:s24] =	ssyncadd.s32 $0xFFFFFF80  }
0x5f: {  	[tilespmem:s29], [sflag:$0x1] =	stream.indirect.gather [hbm4b:s1+s28], $0x80, s25, s28, $0xb8;
	[tilespmem:$0x1EAC0] =	vst v63  }
0x60: {  	_ =	swait.ge [sflag:s30], $0x4000  }
0x61: {  	[sflag:s30] =	ssyncset.done $0x0  }
0x62: {  	[sflag:s30] =	ssyncadd.s32 $0xFFFFC000  }
0x63: {  	[spmem:s2] =	stream.indirect.scatter.add.f32 [tilespmem:s29], [sflag:$0x2], $0x80, s26, s28, $0xb8;
	[tilespmem:$0x1EAC0] =	vst v63  }
0x64: {  	_ =	swait.ge [sflag:s24], $0x4000  }
0x65: {  	[sflag:s24] =	ssyncset.done $0x0  }
0x66: {  	s14 =	rddreg [dreg:$0x6];
	[sflag:s24] =	ssyncadd.s32 $0xFFFFC000  }
0x67: {  	[tilespmem:s31], [sflag:$0x2] =	stream.linear.gather [hbm4b:s14+s3], $0x10, $0x38;
	[tilespmem:$0x1EAC0] =	vst v63  }
0x68: {  	_ =	swait.ge [sflag:s24], $0x10  }
0x69: {  	[sflag:s24] =	ssyncset.done $0x0  }
0x6a: {  	s15 =	rddreg [dreg:$0x7];
	[sflag:s24] =	ssyncadd.s32 $0xFFFFFFF0  }
0x6b: {  	[tilespmem:s0], [sflag:$0x2] =	stream.linear.gather [hbm4b:s15+s3], $0x10, $0x38;
	[tilespmem:$0x1EAC0] =	vst v63  }
0x6c: {  	_ =	swait.ge [sflag:s24], $0x10  }
0x6d: {  	[sflag:s24] =	ssyncset.done $0x0  }
0x6e: {  	[sflag:s24] =	ssyncadd.s32 $0xFFFFFFF0  }
0x6f: {  	[tilespmem:s5], [sflag:$0x1] =	stream.indirect.gather [hbm4b:s1+s4], $0x80, s31, s4, $0xb8;
	[tilespmem:$0x1EAC0] =	vst v63  }
0x70: {  	_ =	swait.ge [sflag:s30], $0x800  }
0x71: {  	[sflag:s30] =	ssyncset.done $0x0  }
0x72: {  	[sflag:s30] =	ssyncadd.s32 $0xFFFFF800  }
0x73: {  	[spmem:s2] =	stream.indirect.scatter.add.f32 [tilespmem:s5], [sflag:$0x2], $0x80, s0, s4, $0xb8;
	[tilespmem:$0x1EAC0] =	vst v63  }
0x74: {  	_ =	swait.ge [sflag:s24], $0x800  }
0x75: {  	[sflag:s24] =	ssyncset.done $0x0  }
0x76: {  	s16 =	stileid.u32;
	[sflag:s24] =	ssyncadd.s32 $0xFFFFF800  }
0x77: {  	s11 =	sshll.u32 s16, $0x6;
	[bflag:$0x0] =	sbarrier.arrive $0xFFFF  }
0x78: {  	s12 =	sshrl.u32 s6, $0x3;
	s11 =	sor.u32 $0x1C02, s11;
	s13 =	rddreg [dreg:$0x8]  }
0x79: {  	[hbm:s13], [sflag:s11] =	dma.local [spmem:s12], $0x2700  }
0x7a: {  	_ =	swait.ge [sflag:s24], $0x2700  }
0x7b: {  	[sflag:s24] =	ssyncset.done $0x0  }
0x7c: {  	s13 =	sshrl.u32 @!p0 s9, $0x3;
	s14 =	rddreg [dreg:$0x9];
	[sflag:s24] =	ssyncadd.s32 $0xFFFFD900  }
0x7d: {  	[hbm:s14], [sflag:s11] =	dma.local @!p0 [spmem:s13], $0x100  }
0x7e: {  	s14 =	simm.s32 @!p0 $0x2  }
0x7f: {  	_ =	swait.ge @!p0 [sflag:s14], $0x100  }
0x80: {  	[sflag:s14] =	ssyncset.done @!p0 $0x0  }
0x81: {  	[sflag:s14] =	ssyncadd.s32 @!p0 $0xFFFFFF00  }
0x82: {  	[spmem:s6] =	stream.linear.scatter [tilespmem:s23], [sflag:$0x2], $0x6800, $0x38;
	[tilespmem:$0x1EAC0] =	vst v63  }
0x83: {  	_ =	swait.ge [sflag:s24], $0x6800  }
0x84: {  	[sflag:s24] =	ssyncset.done $0x0  }
0x85: {  	[sflag:s24] =	ssyncadd.s32 $0xFFFF9800  }
0x86: {  	[spmem:s7] =	stream.linear.scatter [tilespmem:s23], [sflag:$0x2], $0x6800, $0x38;
	[tilespmem:$0x1EAC0] =	vst v63  }
0x87: {  	_ =	swait.ge [sflag:s24], $0x6800  }
0x88: {  	[sflag:s24] =	ssyncset.done $0x0  }
0x89: {  	[sflag:s24] =	ssyncadd.s32 $0xFFFF9800  }
0x8a: {  	[spmem:s8] =	stream.linear.scatter [tilespmem:s23], [sflag:$0x2], $0x6800, $0x38;
	[tilespmem:$0x1EAC0] =	vst v63  }
0x8b: {  	_ =	swait.ge [sflag:s24], $0x6800  }
0x8c: {  	[sflag:s24] =	ssyncset.done $0x0  }
0x8d: {  	s15 =	simm.s32 @!p0 $0x182C0;
	[sflag:s24] =	ssyncadd.s32 $0xFFFF9800  }
0x8e: {  	[spmem:s9] =	stream.linear.scatter @!p0 [tilespmem:s15], [sflag:$0x2], $0x800, $0x38;
	[tilespmem:$0x1EAC0] =	vst v63  }
0x8f: {  	_ =	swait.ge @!p0 [sflag:s14], $0x800  }
0x90: {  	[sflag:s14] =	ssyncset.done @!p0 $0x0  }
0x91: {  	[sflag:s14] =	ssyncadd.s32 @!p0 $0xFFFFF800  }
0x92: {  	s17 =	sadd.s32 $0x0, s22;
	[bflag:$0x0] =	sbarrier.arrive $0xFFFF  }
0x93: {  	[tilespmem:s25], [sflag:$0x2] =	stream.linear.gather [hbm4b:s17+s3], $0x80, $0x38;
	[tilespmem:$0x1EAC0] =	vst v63  }
0x94: {  	_ =	swait.ge [sflag:s24], $0x80  }
0x95: {  	[sflag:s24] =	ssyncset.done $0x0  }
0x96: {  	s18 =	sadd.s32 $0x0, s21;
	[sflag:s24] =	ssyncadd.s32 $0xFFFFFF80  }
0x97: {  	[tilespmem:s26], [sflag:$0x2] =	stream.linear.gather [hbm4b:s18+s3], $0x80, $0x38;
	[tilespmem:$0x1EAC0] =	vst v63  }
0x98: {  	_ =	swait.ge [sflag:s24], $0x80  }
0x99: {  	[sflag:s24] =	ssyncset.done $0x0  }
0x9a: {  	[sflag:s24] =	ssyncadd.s32 $0xFFFFFF80  }
0x9b: {  	[tilespmem:s29], [sflag:$0x1] =	stream.indirect.gather [hbm4b:s1+s28], $0x80, s25, s28, $0xb8;
	[tilespmem:$0x1EAC0] =	vst v63  }
0x9c: {  	_ =	swait.ge [sflag:s30], $0x4000  }
0x9d: {  	[sflag:s30] =	ssyncset.done $0x0  }
0x9e: {  	[sflag:s30] =	ssyncadd.s32 $0xFFFFC000  }
0x9f: {  	[spmem:s2] =	stream.indirect.scatter.add.f32 [tilespmem:s29], [sflag:$0x2], $0x80, s26, s28, $0xb8;
	[tilespmem:$0x1EAC0] =	vst v63  }
0xa0: {  	_ =	swait.ge [sflag:s24], $0x4000  }
0xa1: {  	s15 =	simm.s32 $0x20;
	s14 =	simm.s32 $0x10;
	[sflag:s24] =	ssyncset.done $0x0  }
.LBB2_4:
0xa2: {  	s16 =	sadd.s32 s14, s22  }
0xa3: {  	[sflag:s24] =	ssyncadd.s32 $0xFFFFC000;
	s17 =	smov.u32 s15;
	s18 =	sadd.s32 $0x10, s15  }
0xa4: {  	[tilespmem:s25], [sflag:$0x2] =	stream.linear.gather [hbm4b:s16+s3], $0x80, $0x38;
	[tilespmem:$0x1EAC0] =	vst v63  }
0xa5: {  	p1 =	sne.s32 s15, $0x4D0;
	_ =	swait.ge [sflag:s24], $0x80  }
0xa6: {  	[sflag:s24] =	ssyncset.done $0x0  }
0xa7: {  	s15 =	sadd.s32 s14, s21;
	s14 =	smov.u32 s17;
	[sflag:s24] =	ssyncadd.s32 $0xFFFFFF80  }
0xa8: {  	[tilespmem:s26], [sflag:$0x2] =	stream.linear.gather [hbm4b:s15+s3], $0x80, $0x38;
	[tilespmem:$0x1EAC0] =	vst v63  }
0xa9: {  	_ =	swait.ge [sflag:s24], $0x80  }
0xaa: {  	[sflag:s24] =	ssyncset.done $0x0  }
0xab: {  	[sflag:s24] =	ssyncadd.s32 $0xFFFFFF80  }
0xac: {  	[tilespmem:s29], [sflag:$0x1] =	stream.indirect.gather [hbm4b:s1+s28], $0x80, s25, s28, $0xb8;
	[tilespmem:$0x1EAC0] =	vst v63  }
0xad: {  	_ =	swait.ge [sflag:s30], $0x4000  }
.Ltmp1:
0xae: {  	[sflag:s30] =	ssyncset.done $0x0;
	(pc) =	sbr.rel @p1 .LBB2_4-.Ltmp1, $4  }
0xaf: {  	[sflag:s30] =	ssyncadd.s32 $0xFFFFC000  }
0xb0: {  	[spmem:s2] =	stream.indirect.scatter.add.f32 [tilespmem:s29], [sflag:$0x2], $0x80, s26, s28, $0xb8;
	[tilespmem:$0x1EAC0] =	vst v63  }
0xb1: {  	_ =	swait.ge [sflag:s24], $0x4000  }
0xb2: {  	s15 =	smov.u32 s18;
	[sflag:s24] =	ssyncset.done $0x0  }
0xb3: {  	s15 =	sadd.s32 s14, s22;
	[sflag:s24] =	ssyncadd.s32 $0xFFFFC000  }
0xb4: {  	[tilespmem:s25], [sflag:$0x2] =	stream.linear.gather [hbm4b:s15+s3], $0x80, $0x38;
	[tilespmem:$0x1EAC0] =	vst v63  }
0xb5: {  	_ =	swait.ge [sflag:s24], $0x80  }
0xb6: {  	[sflag:s24] =	ssyncset.done $0x0  }
0xb7: {  	s18 =	sadd.s32 s14, s21;
	[sflag:s24] =	ssyncadd.s32 $0xFFFFFF80  }
0xb8: {  	[tilespmem:s26], [sflag:$0x2] =	stream.linear.gather [hbm4b:s18+s3], $0x80, $0x38;
	[tilespmem:$0x1EAC0] =	vst v63  }
0xb9: {  	_ =	swait.ge [sflag:s24], $0x80  }
0xba: {  	[sflag:s24] =	ssyncset.done $0x0  }
0xbb: {  	[sflag:s24] =	ssyncadd.s32 $0xFFFFFF80  }
0xbc: {  	[tilespmem:s29], [sflag:$0x1] =	stream.indirect.gather [hbm4b:s1+s28], $0x80, s25, s28, $0xb8;
	[tilespmem:$0x1EAC0] =	vst v63  }
0xbd: {  	_ =	swait.ge [sflag:s30], $0x4000  }
0xbe: {  	[sflag:s30] =	ssyncset.done $0x0  }
0xbf: {  	[sflag:s30] =	ssyncadd.s32 $0xFFFFC000  }
0xc0: {  	[spmem:s2] =	stream.indirect.scatter.add.f32 [tilespmem:s29], [sflag:$0x2], $0x80, s26, s28, $0xb8;
	[tilespmem:$0x1EAC0] =	vst v63  }
0xc1: {  	_ =	swait.ge [sflag:s24], $0x4000  }
0xc2: {  	[sflag:s24] =	ssyncset.done $0x0  }
0xc3: {  	s15 =	rddreg [dreg:$0xa];
	[sflag:s24] =	ssyncadd.s32 $0xFFFFC000  }
0xc4: {  	[tilespmem:s31], [sflag:$0x2] =	stream.linear.gather [hbm4b:s15+s3], $0x10, $0x38;
	[tilespmem:$0x1EAC0] =	vst v63  }
0xc5: {  	_ =	swait.ge [sflag:s24], $0x10  }
0xc6: {  	[sflag:s24] =	ssyncset.done $0x0  }
0xc7: {  	s16 =	rddreg [dreg:$0xb];
	[sflag:s24] =	ssyncadd.s32 $0xFFFFFFF0  }
0xc8: {  	[tilespmem:s0], [sflag:$0x2] =	stream.linear.gather [hbm4b:s16+s3], $0x10, $0x38;
	[tilespmem:$0x1EAC0] =	vst v63  }
0xc9: {  	_ =	swait.ge [sflag:s24], $0x10  }
0xca: {  	[sflag:s24] =	ssyncset.done $0x0  }
0xcb: {  	[sflag:s24] =	ssyncadd.s32 $0xFFFFFFF0  }
0xcc: {  	[tilespmem:s5], [sflag:$0x1] =	stream.indirect.gather [hbm4b:s1+s4], $0x80, s31, s4, $0xb8;
	[tilespmem:$0x1EAC0] =	vst v63  }
0xcd: {  	_ =	swait.ge [sflag:s30], $0x800  }
0xce: {  	[sflag:s30] =	ssyncset.done $0x0  }
0xcf: {  	[sflag:s30] =	ssyncadd.s32 $0xFFFFF800  }
0xd0: {  	[spmem:s2] =	stream.indirect.scatter.add.f32 [tilespmem:s5], [sflag:$0x2], $0x80, s0, s4, $0xb8;
	[tilespmem:$0x1EAC0] =	vst v63  }
0xd1: {  	_ =	swait.ge [sflag:s24], $0x800  }
0xd2: {  	[sflag:s24] =	ssyncset.done $0x0  }
0xd3: {  	[sflag:s24] =	ssyncadd.s32 $0xFFFFF800  }
0xd4: {  	[bflag:$0x0] =	sbarrier.arrive $0xFFFF  }
0xd5: {  	s17 =	rddreg [dreg:$0xc]  }
0xd6: {  	[hbm:s17], [sflag:s11] =	dma.local [spmem:s12], $0x2700  }
0xd7: {  	_ =	swait.ge [sflag:s24], $0x2700  }
0xd8: {  	[sflag:s24] =	ssyncset.done $0x0  }
0xd9: {  	s12 =	rddreg [dreg:$0xd];
	[sflag:s24] =	ssyncadd.s32 $0xFFFFD900  }
0xda: {  	[hbm:s12], [sflag:s11] =	dma.local @!p0 [spmem:s13], $0x100  }
0xdb: {  	s11 =	simm.s32 @!p0 $0x2  }
0xdc: {  	_ =	swait.ge @!p0 [sflag:s11], $0x100  }
0xdd: {  	s10 =	sadd.s32 $0x1, s10;
	s18 =	rddreg [dreg:$0xe]  }
0xde: {  	p1 =	sne.s32 s10, s18  }
.Ltmp2:
0xdf: {  	_ = 	snop;
	(pc) =	sbr.rel @p1 .LBB2_1-.Ltmp2, $3  }
0xe0: {  	_ =	sdelay $0x1  }
0xe1: {  	[sflag:s11] =	ssyncset.done @!p0 $0x0  }
0xe2: {  	[sflag:s11] =	ssyncadd.s32 @!p0 $0xFFFFFF00  }
0xe3: {  	_ =	sfence.sel $0x180000  }
0xe4: {  	[bflag:$0x0] =	sbarrier.arrive $0xFFFF  }
0xe5: {  	_ =	strace $0x90000053  }
0xe6: {  	s0 =	stileid.u32;
	[bflag:$0x2] =	sbarrier.arrive $0xFFFF  }
0xe7: {  	p0 =	sne.s32 s0, $0x0;
	s0 =	rddreg [dreg:$0x4]  }
0xe8: {  	s0 =	sadd.s32 @!p0 $0x100000, s0  }
0xe9: {  	[sflag:s0] =	ssyncadd.tile.s32 @!p0 $0x1;
	_ =	shalt  }
.Lfunc_end2:
_tile_overlayer_lowered:
.L_overlay_start_2:
0xea: {  	(tag) =	ssettag $0x2  }
0xeb: {  	s0 =	rddreg [dreg:$0x0];
	s2 =	stileid.u32  }
0xec: {  	s1 =	rddreg [dreg:$0x1];
	p0 =	sne.s32 s2, $0x0  }
0xed: {  	s3 =	rddreg [dreg:$0x2];
	[bflag:$0x3] =	sbarrier.arrive $0xFFFF;
	s2 =	simm.s32 @!p0 $0x1C02  }
0xee: {  	[timem:s3], [sflag:s2] =	dma.local @!p0 [hbm:s0], s1  }
0xef: {  	s0 =	simm.s32 @!p0 $0x2  }
0xf0: {  	_ =	swait.ge @!p0 [sflag:s0], s1  }
0xf1: {  	s1 =	ssub.s32 @!p0 $0x0, s1;
	[sflag:s0] =	ssyncset.done @!p0 $0x0  }
0xf2: {  	[sflag:s0] =	ssyncadd.s32 @!p0 s1  }
0xf3: {  	[bflag:$0x3] =	sbarrier.arrive $0xFFFF  }
0xf4: {  	_ =	shalt  }

// kernel: kernel.17.cloned.1.call-start
scs
__scs_entry_jumppad:
0x0: {  	(pc) =	sbr.rel $0x88, $3  }
0x1: {  	(tag) =	ssettag $0x0;
	lr =	simm.s32 $0x1  }
0x2: {  	[smem:$0x3F83] =	sst lr;
	_ =	strace $0xD0000000  }
0x3: {  	_ = 	snop  }
0x4: {  	_ = 	snop  }
0x5: {  	_ = 	snop  }
0x6: {  	_ = 	snop  }
0x7: {  	_ = 	snop  }
__scs_overlays_trampoline_lowered:
0x8: {  	[smem:$0x3F92] =	sst s0  }
0x9: {  	[smem:$0x3F93] =	sst s1  }
0xa: {  	[smem:$0x3F94] =	sst s2  }
0xb: {  	[smem:$0x3F95] =	sst s3  }
0xc: {  	[smem:$0x3F96] =	sst s4  }
0xd: {  	[smem:$0x3F97] =	sst s5  }
0xe: {  	[smem:$0x3F98] =	sst s6  }
0xf: {  	[smem:$0x3F99] =	sst s7  }
0x10: {  	[smem:$0x3F9A] =	sst s8  }
0x11: {  	[smem:$0x3F9B] =	sst s9;
	s0 =	simm.s32 @!p0 $0x0  }
0x12: {  	s1 =	sld [smem:$0x3F81];
	s0 =	simm.s32 @p0 $0x1  }
0x13: {  	[smem:$0x3F9C] =	sst s0;
	s0 =	simm.s32 @!p1 $0x0  }
0x14: {  	s2 =	sld [smem:$0x3F80];
	s0 =	simm.s32 @p1 $0x1  }
0x15: {  	[smem:$0x3F9D] =	sst s0;
	s0 =	simm.s32 @!p2 $0x0  }
0x16: {  	s3 =	sld [smem:$0x3FDB];
	s0 =	simm.s32 @p2 $0x1  }
0x17: {  	s4 =	simm.s32 $0x1BF5;
	[smem:$0x3F9F] =	sst s0  }
0x18: {  	s0 =	sld [smem:$0x3F82];
	_ =	swait.ge [sflag:s4], $0x0  }
0x19: {  	s7 =	sld [smem:$0x3F83]  }
0x1a: {  	s8 =	sadd.s32 $0xFFFFE003, lr  }
0x1b: {  	s9 =	sadd.s32 $0xFFFFFEF7, lr;
	s5 =	simm.s32 $0xFFFFFFFF;
	p2 =	slt.u32 s8, $0xFFFFF086  }
0x1c: {  	p1 =	slt.u32 s9, $0xF7A;
	s5 =	simm.s32 @!p2 $0x0  }
0x1d: {  	s5 =	simm.s32 @p1 $0x1;
	p0 =	seq.s32 s7, s2  }
0x1e: {  	s7 =	smul.u32 @!p0 $0xF7A, s2;
	p2 =	seq.s32 @!p0 s5, $0x0  }
0x1f: {  	s9 =	smul.u32 $0xF7A, s1;
	s8 =	simm.s32 @!p0 $0x1BF5;
	p2 =	por !p2, p0  }
0x20: {  	[sflag:s8] =	ssyncset.s32 @!p0 $0xFFFFF086;
	s6 =	sadd.s32 @!p0 s3, s7;
	s7 =	simm.s32 @!p0 $0x108  }
0x21: {  	s3 =	sadd.s32 s3, s9;
	s6 =	sadd.s32 @!p0 $0x88, s6;
	s7 =	simm.s32 @p2 $0x1082  }
0x22: {  	[simem:s7], [sflag:s8] =	dma.local @!p0 [hbm:s6], $0xF7A  }
0x23: {  	s9 =	sor.u32 $0xD0000000, s2;
	s6 =	simm.s32 $0x108;
	_ =	swait.ge @!p0 [sflag:s8], $0x0  }
0x24: {  	s3 =	sadd.s32 $0x88, s3;
	s6 =	simm.s32 @!p1 $0x1082;
	[sflag:s4] =	ssyncset.s32 $0xFFFFF086  }
0x25: {  	[simem:s6], [sflag:s4] =	dma.local [hbm:s3], $0xF7A  }
0x26: {  	[smem:$0x3F83] =	sst s1;
	(tag) =	ssettag s2;
	_ =	strace s9  }
0x27: {  	s1 =	sld [smem:$0x3F93]  }
0x28: {  	s2 =	sld [smem:$0x3F94]  }
0x29: {  	s4 =	sld [smem:$0x3F96]  }
0x2a: {  	p0 =	seq.s32 s5, $0x0;
	s5 =	sld [smem:$0x3F97]  }
0x2b: {  	s6 =	sld [smem:$0x3F98]  }
0x2c: {  	s7 =	sld [smem:$0x3F99]  }
0x2d: {  	s3 =	simm.s32 $0x108;
	s8 =	sld [smem:$0x3F9A]  }
0x2e: {  	s3 =	simm.s32 @!p0 $0x1082;
	s9 =	sld [smem:$0x3F9B]  }
0x2f: {  	lr =	sadd.s32 s0, s3;
	s0 =	sld [smem:$0x3F92]  }
0x30: {  	s3 =	sld [smem:$0x3F95]  }
0x31: {  	[smem:$0x3F9E] =	sst s10  }
0x32: {  	s10 =	sld [smem:$0x3F9C];
	_ =	sdelay $0x3  }
0x33: {  	p0 =	seq.s32 s10, $0x1;
	s10 =	sld [smem:$0x3F9E];
	_ =	sdelay $0x3  }
0x34: {  	[smem:$0x3F9E] =	sst s10  }
0x35: {  	s10 =	sld [smem:$0x3F9D];
	_ =	sdelay $0x3  }
0x36: {  	p1 =	seq.s32 s10, $0x1;
	s10 =	sld [smem:$0x3F9E];
	_ =	sdelay $0x3  }
0x37: {  	[smem:$0x3F9E] =	sst s10  }
0x38: {  	s10 =	sld [smem:$0x3F9F]  }
0x39: {  	_ = 	snop;
	(pc) =	sbr.ind lr, $3  }
0x3a: {  	_ = 	snop  }
0x3b: {  	_ = 	snop  }
0x3c: {  	p2 =	seq.s32 s10, $0x1;
	s10 =	sld [smem:$0x3F9E]  }
0x3d: {  	_ =	shalt  }
0x3e: {  	_ =	shalt  }
0x3f: {  	_ =	shalt  }
0x40: {  	_ =	shalt  }
0x41: {  	_ =	shalt  }
0x42: {  	_ =	shalt  }
0x43: {  	_ =	shalt  }
0x44: {  	_ =	shalt  }
0x45: {  	_ =	shalt  }
0x46: {  	_ =	shalt  }
0x47: {  	_ =	shalt  }
0x48: {  	_ =	shalt  }
0x49: {  	_ =	shalt  }
0x4a: {  	_ =	shalt  }
0x4b: {  	_ =	shalt  }
0x4c: {  	_ =	shalt  }
0x4d: {  	_ =	shalt  }
0x4e: {  	_ =	shalt  }
0x4f: {  	_ =	shalt  }
0x50: {  	_ =	shalt  }
0x51: {  	_ =	shalt  }
0x52: {  	_ =	shalt  }
0x53: {  	_ =	shalt  }
0x54: {  	_ =	shalt  }
0x55: {  	_ =	shalt  }
0x56: {  	_ =	shalt  }
0x57: {  	_ =	shalt  }
0x58: {  	_ =	shalt  }
0x59: {  	_ =	shalt  }
0x5a: {  	_ =	shalt  }
0x5b: {  	_ =	shalt  }
0x5c: {  	_ =	shalt  }
0x5d: {  	_ =	shalt  }
0x5e: {  	_ =	shalt  }
0x5f: {  	_ =	shalt  }
0x60: {  	_ =	shalt  }
0x61: {  	_ =	shalt  }
0x62: {  	_ =	shalt  }
0x63: {  	_ =	shalt  }
0x64: {  	_ =	shalt  }
0x65: {  	_ =	shalt  }
0x66: {  	_ =	shalt  }
0x67: {  	_ =	shalt  }
0x68: {  	_ =	shalt  }
0x69: {  	_ =	shalt  }
0x6a: {  	_ =	shalt  }
0x6b: {  	_ =	shalt  }
0x6c: {  	_ =	shalt  }
0x6d: {  	_ =	shalt  }
0x6e: {  	_ =	shalt  }
0x6f: {  	_ =	shalt  }
0x70: {  	_ =	shalt  }
0x71: {  	_ =	shalt  }
0x72: {  	_ =	shalt  }
0x73: {  	_ =	shalt  }
0x74: {  	_ =	shalt  }
0x75: {  	_ =	shalt  }
0x76: {  	_ =	shalt  }
0x77: {  	_ =	shalt  }
0x78: {  	_ =	shalt  }
0x79: {  	_ =	shalt  }
0x7a: {  	_ =	shalt  }
0x7b: {  	_ =	shalt  }
0x7c: {  	_ =	shalt  }
0x7d: {  	_ =	shalt  }
0x7e: {  	_ =	shalt  }
0x7f: {  	_ =	shalt  }
0x80: {  	_ =	shalt  }
0x81: {  	_ =	shalt  }
0x82: {  	_ =	shalt  }
0x83: {  	_ =	shalt  }
0x84: {  	_ =	shalt  }
0x85: {  	_ =	shalt  }
0x86: {  	_ =	shalt  }
0x87: {  	_ =	shalt  }
.Lfunc_end0:
.L_simem_size_0:
called_computation.5_lowered:
.L_overlay_start_0:
0x88: {  	s2 =	sld [smem:$0x3FD9]  }
0x89: {  	s3 =	sld [smem:$0x3FFE];
	_ =	sdelay $0x1  }
0x8a: {  	s1 =	srdreg.scid  }
0x8b: {  	s0 =	sand.u32 $0x1, s1  }
0x8c: {  	s14 =	sshll.u32 s0, $0xA;
	s2 =	sadd.s32 s3, s2  }
0x8d: {  	s2 =	sadd.s32 s2, s14  }
0x8e: {  	[smem:$0x3FAA] =	sst s2  }
0x8f: {  	_ = 	snop  }
0x90: {  	s2 =	sld [smem:$0x3FD0];
	_ =	sdelay $0x2  }
0x91: {  	s15 =	simm.s32 $0xC;
	s4 =	simm.s32 $0x10  }
0x92: {  	[smem:s4], [sflag:s15] =	dma.local [hbm:s2], $0x1  }
0x93: {  	_ =	swait.eq [sflag:s15], $0x1  }
0x94: {  	[sflag:s15] =	ssyncset.done $0x0  }
0x95: {  	s16 =	sld [smem:$0x10];
	[sflag:s15] =	ssyncadd.s32 $0xFFFFFFFF  }
0x96: {  	s17 =	sld [smem:$0x11];
	(tm) =	ssettm $0x1  }
0x97: {  	s18 =	sld [smem:$0x3FFB];
	_ =	sdelay $0x3  }
0x98: {  	_ =	strace s18  }
0x99: {  	s4 =	sld [smem:$0x3FFC];
	_ =	sdelay $0x3  }
0x9a: {  	_ =	strace s4  }
0x9b: {  	s4 =	sld [smem:$0x3FFD];
	_ =	sdelay $0x3  }
0x9c: {  	_ =	strace s4  }
0x9d: {  	_ =	strace $0x8FFFFFFF  }
0x9e: {  	s19 =	sld [smem:$0x3FDB];
	_ =	sdelay $0x1  }
0x9f: {  	s5 =	simm.s32 $_scs_section_size  }
0xa0: {  	s6 =	simm.s32 $_size__tile_overlayer_lowered;
	s7 =	simm.s32 $_tile_overlayer_lowered  }
0xa1: {  	s22 =	simm.s32 $0x1BFF;
	s21 =	sshll.u32 s7, $0x1;
	s4 =	sadd.s32 s5, s19  }
0xa2: {  	s8 =	simm.s32 $0x0;
	s20 =	sshll.u32 s6, $0x1;
	s6 =	sadd.s32 s21, s4  }
0xa3: {  	[timem:s8], [sflag:s22] =	dma.local [hbm:s6], s20  }
0xa4: {  	_ =	swait.ge [sflag:s22], s20  }
0xa5: {  	s5 =	ssub.s32 $0x0, s20;
	[sflag:s22] =	ssyncset.done $0x0  }
0xa6: {  	[sflag:s22] =	ssyncadd.s32 s5;
	_ =	sdelay $0x1  }
0xa7: {  	s23 =	simm.s32 $0x1B8B  }
0xa8: {  	_ =	swait.ge [sflag:s23], $0x1  }
0xa9: {  	[sflag:s23] =	ssyncset.done $0x0  }
0xaa: {  	s25 =	simm.s32 $0x1B8E;
	s24 =	sld [smem:$0x3FFE];
	[sflag:s23] =	ssyncadd.s32 $0xFFFFFFFF  }
0xab: {  	s26 =	simm.s32 $execute0_lowered;
	[smem:$0x3FD2] =	sst s25  }
0xac: {  	s6 =	sshll.u32 s26, $0x1;
	_ =	strace $0x80000055;
	[dreg:$0x1] =	wrdreg $0xFFFFFFFF  }
0xad: {  	s28 =	simm.s32 $_size_execute0_lowered;
	s4 =	sadd.s32 s4, s6;
	[dreg:$0x0] =	wrdreg $0x0  }
0xae: {  	s6 =	sshll.u32 s28, $0x1;
	[dreg:$0x2] =	wrdreg s4  }
0xaf: {  	[dreg:$0x3] =	wrdreg s6  }
0xb0: {  	[dreg:$0x4] =	wrdreg $0xC0  }
0xb1: {  	_ =	task [dreg:s8], $0x5FFFF  }
0xb2: {  	[dreg:$0x1] =	wrdreg $0xFFFFFFFF  }
0xb3: {  	[dreg:$0x0] =	wrdreg $0x60  }
0xb4: {  	[dreg:$0x2] =	wrdreg s17  }
0xb5: {  	[dreg:$0x3] =	wrdreg s24  }
0xb6: {  	[dreg:$0x4] =	wrdreg s16  }
0xb7: {  	[dreg:$0x5] =	wrdreg $0x0  }
0xb8: {  	[dreg:$0x6] =	wrdreg $0x9  }
0xb9: {  	_ =	task.clear_ibuf [dreg:s8], $0x7FFFF;
	_ =	strace $0x90000055  }
0xba: {  	s29 =	simm.s32 $0x9;
	_ =	strace $0x80000057  }
0xbb: {  	_ =	swait.ge [sflag:s29], $0x1  }
0xbc: {  	[sflag:s29] =	ssyncadd.s32 $0xFFFFFFFF  }
0xbd: {  	_ =	strace $0x90000057  }
0xbe: {  	_ =	sfence  }
0xbf: {  	s30 =	sld [smem:$0x0];
	_ =	sdelay $0x2  }
0xc0: {  	s31 =	sshll.u32 s1, $0xD;
	s1 =	sshrl.u32 s1, $0x2  }
0xc1: {  	s3 =	sand.u32 $0x4000, s31;
	s1 =	sadd.s32 s1, s30  }
0xc2: {  	s0 =	sor.u32 s3, s0;
	s1 =	sshll.u32 s1, $0x11  }
0xc3: {  	s0 =	sor.u32 s1, s0  }
0xc4: {  	s0 =	sadd.s32 $0x8F2B, s0  }
0xc5: {  	[sflag:s0] =	ssyncadd.remote.s32 $0x1  }
0xc6: {  	_ =	sfence.sel $0xFFFF  }
0xc7: {  	[dreg:$0x0] =	wrdreg $0xFFFFFFFF;
	(pc) =	sbr.abs _section_cstart, $3  }
0xc8: {  	[dreg:$0x1] =	wrdreg $0xFFFFFFFF  }
0xc9: {  	_ =	task.clear_ibuf [dreg:s8], $0x2FFFF;
	_ =	strace $0x9FFFFFFF  }
0xca: {  	(tm) =	ssettm $0x7FFFFFFF  }
0xcb: {  	_ =	shalt  }
tec
execute0_lowered:
.L_overlay_start_1:
0x0: {  	(tag) =	ssettag $0x1  }
0x1: {  	s1 =	rddreg [dreg:$0x0]  }
0x2: {  	s0 =	rddreg [dreg:$0x1]  }
0x3: {  	s4 =	rddreg [dreg:$0x2]  }
0x4: {  	s2 =	rddreg [dreg:$0x3];
	s3 =	simm.s32 $0x0  }
0x5: {  	s6 =	srdreg.scid;
	s23 =	stileid.u32;
	s28 =	simm.s32 $0x80  }
0x6: {  	s29 =	simm.s32 $0x139C0;
	s30 =	simm.s32 $0x1;
	s19 =	smul.u32 $0x4E000, s23  }
0x7: {  	s31 =	simm.s32 $0x179C0;
	[smem:$0x7FF] =	sst s3;
	s12 =	smul.u32 $0x2710, s23  }
0x8: {  	s5 =	sadd.s32 $0x74600, s0;
	s11 =	sand.u32 $0x1, s6;
	s13 =	smul.u32 $0x270, s23  }
0x9: {  	s10 =	sadd.s32 $0x60C00, s0;
	s0 =	sadd.s32 $0x9600, s0;
	s8 =	smul.u32 $0x4E200, s11  }
0xa: {  	s9 =	sadd.s32 $0x138000, s2;
	p0 =	sne.s32 s23, $0xF;
	s15 =	smul.u32 $0x4E20, s11  }
0xb: {  	s20 =	ssub.s32 $0x2, s11;
	s16 =	smul.u32 $0x271000, s11;
	s11 =	sshllo.u32 s11, $0x1  }
0xc: {  	s23 =	simm.s32 $0x182C0;
	_ =	strace $0x80000056;
	s18 =	smul.u32 $0x27100, s11  }
0xd: {  	[dreg:$0x5] =	wrdreg s0;
	s7 =	sshrl.u32 s20, $0x1;
	s22 =	smul.u32 $0x2710, s11  }
0xe: {  	s6 =	sshrl.u32 s19, $0x2;
	s11 =	smul.u32 $0x138800, s11;
	s0 =	ssub.s32 s20, s7  }
0xf: {  	s6 =	sadd.s32 s6, s2;
	s14 =	sadd.s32 s12, s8;
	s15 =	sadd.s32 s13, s15  }
0x10: {  	s21 =	sshrl.u32 s16, $0x3;
	s7 =	sadd.s32 $0x6800, s6;
	s8 =	sadd.s32 $0xD000, s6  }
0x11: {  	s20 =	sshrl.u32 s14, $0x3;
	s15 =	sshll.u32 s15, $0x4;
	s12 =	sadd.s32 s12, s18  }
0x12: {  	s13 =	sadd.s32 s13, s22;
	s11 =	sshrl.u32 s11, $0x3;
	s0 =	smax.u32 s0, $0x1  }
0x13: {  	s26 =	sadd.s32 $0x27100, s14;
	s17 =	sadd.s32 $0x4E0, s20;
	s15 =	sadd.s32 s4, s15  }
0x14: {  	s12 =	sshrl.u32 s12, $0x3;
	s13 =	sshll.u32 s13, $0x4;
	[dreg:$0xe] =	wrdreg s0  }
0x15: {  	s0 =	sshrl.u32 s26, $0x3;
	s26 =	simm.s32 $0x13940;
	s19 =	sadd.s32 s5, s17  }
0x16: {  	s17 =	sadd.s32 s10, s17;
	[dreg:$0x8] =	wrdreg s15;
	s15 =	sadd.s32 s4, s21  }
0x17: {  	s12 =	sadd.s32 $0x4E0, s12;
	s25 =	sadd.s32 s4, s13;
	s4 =	sadd.s32 s4, s11  }
0x18: {  	s21 =	sadd.s32 s0, s10;
	s22 =	sadd.s32 s0, s5;
	[dreg:$0x6] =	wrdreg s19  }
0x19: {  	s0 =	simm.s32 $0x17A40;
	[dreg:$0x7] =	wrdreg s17;
	s15 =	sadd.s32 $0x27000, s15  }
0x1a: {  	s24 =	sadd.s32 s5, s12;
	s12 =	sadd.s32 s10, s12;
	[dreg:$0xc] =	wrdreg s25  }
0x1b: {  	s4 =	sadd.s32 $0x27000, s4;
	s19 =	sadd.s32 s20, s10;
	[dreg:$0x9] =	wrdreg s15  }
0x1c: {  	s20 =	sadd.s32 s20, s5;
	s25 =	simm.s32 $0x138C0;
	[dreg:$0xa] =	wrdreg s24  }
0x1d: {  	s5 =	simm.s32 $0x17AC0;
	s10 =	simm.s32 $0x0;
	[dreg:$0xb] =	wrdreg s12  }
0x1e: {  	[dreg:$0xd] =	wrdreg s4;
	s24 =	simm.s32 $0x2;
	s4 =	simm.s32 $0x10  }
.LBB2_1:
0x1f: {  	s11 =	rddreg [dreg:$0x5]  }
0x20: {  	[tilespmem:s23], [sflag:$0x2] =	stream.linear.gather [hbm4b:s11+s3], $0x6800, $0x38;
	[tilespmem:$0x1EAC0] =	vst v63  }
0x21: {  	_ =	swait.ge [sflag:s24], $0x6800  }
0x22: {  	[sflag:s24] =	ssyncset.done $0x0  }
0x23: {  	[sflag:s24] =	ssyncadd.s32 $0xFFFF9800  }
0x24: {  	[spmem:s6] =	stream.linear.scatter [tilespmem:s23], [sflag:$0x2], $0x6800, $0x38;
	[tilespmem:$0x1EAC0] =	vst v63  }
0x25: {  	_ =	swait.ge [sflag:s24], $0x6800  }
0x26: {  	[sflag:s24] =	ssyncset.done $0x0  }
0x27: {  	[sflag:s24] =	ssyncadd.s32 $0xFFFF9800  }
0x28: {  	[spmem:s7] =	stream.linear.scatter [tilespmem:s23], [sflag:$0x2], $0x6800, $0x38;
	[tilespmem:$0x1EAC0] =	vst v63  }
0x29: {  	_ =	swait.ge [sflag:s24], $0x6800  }
0x2a: {  	[sflag:s24] =	ssyncset.done $0x0  }
0x2b: {  	[sflag:s24] =	ssyncadd.s32 $0xFFFF9800  }
0x2c: {  	[spmem:s8] =	stream.linear.scatter [tilespmem:s23], [sflag:$0x2], $0x6800, $0x38;
	[tilespmem:$0x1EAC0] =	vst v63  }
0x2d: {  	_ =	swait.ge [sflag:s24], $0x6800  }
0x2e: {  	[sflag:s24] =	ssyncset.done $0x0  }
0x2f: {  	s11 =	simm.s32 @!p0 $0x182C0;
	[sflag:s24] =	ssyncadd.s32 $0xFFFF9800  }
0x30: {  	[spmem:s9] =	stream.linear.scatter @!p0 [tilespmem:s11], [sflag:$0x2], $0x800, $0x38;
	[tilespmem:$0x1EAC0] =	vst v63  }
0x31: {  	s11 =	simm.s32 @!p0 $0x2  }
0x32: {  	_ =	swait.ge @!p0 [sflag:s11], $0x800  }
0x33: {  	[sflag:s11] =	ssyncset.done @!p0 $0x0  }
0x34: {  	[sflag:s11] =	ssyncadd.s32 @!p0 $0xFFFFF800  }
0x35: {  	s17 =	sadd.s32 $0x0, s20;
	[bflag:$0x0] =	sbarrier.arrive $0xFFFF  }
0x36: {  	[tilespmem:s25], [sflag:$0x2] =	stream.linear.gather [hbm4b:s17+s3], $0x80, $0x38;
	[tilespmem:$0x1EAC0] =	vst v63  }
0x37: {  	_ =	swait.ge [sflag:s24], $0x80  }
0x38: {  	[sflag:s24] =	ssyncset.done $0x0  }
0x39: {  	s18 =	sadd.s32 $0x0, s19;
	[sflag:s24] =	ssyncadd.s32 $0xFFFFFF80  }
0x3a: {  	[tilespmem:s26], [sflag:$0x2] =	stream.linear.gather [hbm4b:s18+s3], $0x80, $0x38;
	[tilespmem:$0x1EAC0] =	vst v63  }
0x3b: {  	_ =	swait.ge [sflag:s24], $0x80  }
0x3c: {  	[sflag:s24] =	ssyncset.done $0x0  }
0x3d: {  	[sflag:s24] =	ssyncadd.s32 $0xFFFFFF80  }
0x3e: {  	[tilespmem:s29], [sflag:$0x1] =	stream.indirect.gather [hbm4b:s1+s28], $0x80, s25, s28, $0xb8;
	[tilespmem:$0x1EAC0] =	vst v63  }
0x3f: {  	_ =	swait.ge [sflag:s30], $0x4000  }
0x40: {  	[sflag:s30] =	ssyncset.done $0x0  }
0x41: {  	[sflag:s30] =	ssyncadd.s32 $0xFFFFC000  }
0x42: {  	[spmem:s2] =	stream.indirect.scatter.add.f32 [tilespmem:s29], [sflag:$0x2], $0x80, s26, s28, $0xb8;
	[tilespmem:$0x1EAC0] =	vst v63  }
0x43: {  	_ =	swait.ge [sflag:s24], $0x4000  }
0x44: {  	s12 =	simm.s32 $0x20;
	s11 =	simm.s32 $0x10;
	[sflag:s24] =	ssyncset.done $0x0  }
.LBB2_2:
0x45: {  	s13 =	sadd.s32 s11, s20  }
0x46: {  	[sflag:s24] =	ssyncadd.s32 $0xFFFFC000;
	s14 =	smov.u32 s12;
	s15 =	sadd.s32 $0x10, s12  }
0x47: {  	[tilespmem:s25], [sflag:$0x2] =	stream.linear.gather [hbm4b:s13+s3], $0x80, $0x38;
	[tilespmem:$0x1EAC0] =	vst v63  }
0x48: {  	p1 =	sne.s32 s12, $0x4D0;
	_ =	swait.ge [sflag:s24], $0x80  }
0x49: {  	[sflag:s24] =	ssyncset.done $0x0  }
0x4a: {  	s12 =	sadd.s32 s11, s19;
	s11 =	smov.u32 s14;
	[sflag:s24] =	ssyncadd.s32 $0xFFFFFF80  }
0x4b: {  	[tilespmem:s26], [sflag:$0x2] =	stream.linear.gather [hbm4b:s12+s3], $0x80, $0x38;
	[tilespmem:$0x1EAC0] =	vst v63  }
0x4c: {  	_ =	swait.ge [sflag:s24], $0x80  }
0x4d: {  	[sflag:s24] =	ssyncset.done $0x0  }
0x4e: {  	[sflag:s24] =	ssyncadd.s32 $0xFFFFFF80  }
0x4f: {  	[tilespmem:s29], [sflag:$0x1] =	stream.indirect.gather [hbm4b:s1+s28], $0x80, s25, s28, $0xb8;
	[tilespmem:$0x1EAC0] =	vst v63  }
0x50: {  	_ =	swait.ge [sflag:s30], $0x4000  }
.Ltmp0:
0x51: {  	[sflag:s30] =	ssyncset.done $0x0;
	(pc) =	sbr.rel @p1 .LBB2_2-.Ltmp0, $4  }
0x52: {  	[sflag:s30] =	ssyncadd.s32 $0xFFFFC000  }
0x53: {  	[spmem:s2] =	stream.indirect.scatter.add.f32 [tilespmem:s29], [sflag:$0x2], $0x80, s26, s28, $0xb8;
	[tilespmem:$0x1EAC0] =	vst v63  }
0x54: {  	_ =	swait.ge [sflag:s24], $0x4000  }
0x55: {  	s12 =	smov.u32 s15;
	[sflag:s24] =	ssyncset.done $0x0  }
0x56: {  	s12 =	sadd.s32 s11, s20;
	[sflag:s24] =	ssyncadd.s32 $0xFFFFC000  }
0x57: {  	[tilespmem:s25], [sflag:$0x2] =	stream.linear.gather [hbm4b:s12+s3], $0x80, $0x38;
	[tilespmem:$0x1EAC0] =	vst v63  }
0x58: {  	_ =	swait.ge [sflag:s24], $0x80  }
0x59: {  	[sflag:s24] =	ssyncset.done $0x0  }
0x5a: {  	s13 =	sadd.s32 s11, s19;
	[sflag:s24] =	ssyncadd.s32 $0xFFFFFF80  }
0x5b: {  	[tilespmem:s26], [sflag:$0x2] =	stream.linear.gather [hbm4b:s13+s3], $0x80, $0x38;
	[tilespmem:$0x1EAC0] =	vst v63  }
0x5c: {  	_ =	swait.ge [sflag:s24], $0x80  }
0x5d: {  	[sflag:s24] =	ssyncset.done $0x0  }
0x5e: {  	[sflag:s24] =	ssyncadd.s32 $0xFFFFFF80  }
0x5f: {  	[tilespmem:s29], [sflag:$0x1] =	stream.indirect.gather [hbm4b:s1+s28], $0x80, s25, s28, $0xb8;
	[tilespmem:$0x1EAC0] =	vst v63  }
0x60: {  	_ =	swait.ge [sflag:s30], $0x4000  }
0x61: {  	[sflag:s30] =	ssyncset.done $0x0  }
0x62: {  	[sflag:s30] =	ssyncadd.s32 $0xFFFFC000  }
0x63: {  	[spmem:s2] =	stream.indirect.scatter.add.f32 [tilespmem:s29], [sflag:$0x2], $0x80, s26, s28, $0xb8;
	[tilespmem:$0x1EAC0] =	vst v63  }
0x64: {  	_ =	swait.ge [sflag:s24], $0x4000  }
0x65: {  	[sflag:s24] =	ssyncset.done $0x0  }
0x66: {  	s14 =	rddreg [dreg:$0x6];
	[sflag:s24] =	ssyncadd.s32 $0xFFFFC000  }
0x67: {  	[tilespmem:s31], [sflag:$0x2] =	stream.linear.gather [hbm4b:s14+s3], $0x10, $0x38;
	[tilespmem:$0x1EAC0] =	vst v63  }
0x68: {  	_ =	swait.ge [sflag:s24], $0x10  }
0x69: {  	[sflag:s24] =	ssyncset.done $0x0  }
0x6a: {  	s15 =	rddreg [dreg:$0x7];
	[sflag:s24] =	ssyncadd.s32 $0xFFFFFFF0  }
0x6b: {  	[tilespmem:s0], [sflag:$0x2] =	stream.linear.gather [hbm4b:s15+s3], $0x10, $0x38;
	[tilespmem:$0x1EAC0] =	vst v63  }
0x6c: {  	_ =	swait.ge [sflag:s24], $0x10  }
0x6d: {  	[sflag:s24] =	ssyncset.done $0x0  }
0x6e: {  	[sflag:s24] =	ssyncadd.s32 $0xFFFFFFF0  }
0x6f: {  	[tilespmem:s5], [sflag:$0x1] =	stream.indirect.gather [hbm4b:s1+s4], $0x80, s31, s4, $0xb8;
	[tilespmem:$0x1EAC0] =	vst v63  }
0x70: {  	_ =	swait.ge [sflag:s30], $0x800  }
0x71: {  	[sflag:s30] =	ssyncset.done $0x0  }
0x72: {  	[sflag:s30] =	ssyncadd.s32 $0xFFFFF800  }
0x73: {  	[spmem:s2] =	stream.indirect.scatter.add.f32 [tilespmem:s5], [sflag:$0x2], $0x80, s0, s4, $0xb8;
	[tilespmem:$0x1EAC0] =	vst v63  }
0x74: {  	_ =	swait.ge [sflag:s24], $0x800  }
0x75: {  	[sflag:s24] =	ssyncset.done $0x0  }
0x76: {  	s16 =	stileid.u32;
	[sflag:s24] =	ssyncadd.s32 $0xFFFFF800  }
0x77: {  	s11 =	sshll.u32 s16, $0x6;
	[bflag:$0x0] =	sbarrier.arrive $0xFFFF  }
0x78: {  	s12 =	sshrl.u32 s6, $0x3;
	s11 =	sor.u32 $0x1C02, s11;
	s13 =	rddreg [dreg:$0x8]  }
0x79: {  	[hbm:s13], [sflag:s11] =	dma.local [spmem:s12], $0x2700  }
0x7a: {  	_ =	swait.ge [sflag:s24], $0x2700  }
0x7b: {  	[sflag:s24] =	ssyncset.done $0x0  }
0x7c: {  	s13 =	sshrl.u32 @!p0 s9, $0x3;
	s14 =	rddreg [dreg:$0x9];
	[sflag:s24] =	ssyncadd.s32 $0xFFFFD900  }
0x7d: {  	[hbm:s14], [sflag:s11] =	dma.local @!p0 [spmem:s13], $0x100  }
0x7e: {  	s14 =	simm.s32 @!p0 $0x2  }
0x7f: {  	_ =	swait.ge @!p0 [sflag:s14], $0x100  }
0x80: {  	[sflag:s14] =	ssyncset.done @!p0 $0x0  }
0x81: {  	[sflag:s14] =	ssyncadd.s32 @!p0 $0xFFFFFF00  }
0x82: {  	[spmem:s6] =	stream.linear.scatter [tilespmem:s23], [sflag:$0x2], $0x6800, $0x38;
	[tilespmem:$0x1EAC0] =	vst v63  }
0x83: {  	_ =	swait.ge [sflag:s24], $0x6800  }
0x84: {  	[sflag:s24] =	ssyncset.done $0x0  }
0x85: {  	[sflag:s24] =	ssyncadd.s32 $0xFFFF9800  }
0x86: {  	[spmem:s7] =	stream.linear.scatter [tilespmem:s23], [sflag:$0x2], $0x6800, $0x38;
	[tilespmem:$0x1EAC0] =	vst v63  }
0x87: {  	_ =	swait.ge [sflag:s24], $0x6800  }
0x88: {  	[sflag:s24] =	ssyncset.done $0x0  }
0x89: {  	[sflag:s24] =	ssyncadd.s32 $0xFFFF9800  }
0x8a: {  	[spmem:s8] =	stream.linear.scatter [tilespmem:s23], [sflag:$0x2], $0x6800, $0x38;
	[tilespmem:$0x1EAC0] =	vst v63  }
0x8b: {  	_ =	swait.ge [sflag:s24], $0x6800  }
0x8c: {  	[sflag:s24] =	ssyncset.done $0x0  }
0x8d: {  	s15 =	simm.s32 @!p0 $0x182C0;
	[sflag:s24] =	ssyncadd.s32 $0xFFFF9800  }
0x8e: {  	[spmem:s9] =	stream.linear.scatter @!p0 [tilespmem:s15], [sflag:$0x2], $0x800, $0x38;
	[tilespmem:$0x1EAC0] =	vst v63  }
0x8f: {  	_ =	swait.ge @!p0 [sflag:s14], $0x800  }
0x90: {  	[sflag:s14] =	ssyncset.done @!p0 $0x0  }
0x91: {  	[sflag:s14] =	ssyncadd.s32 @!p0 $0xFFFFF800  }
0x92: {  	s17 =	sadd.s32 $0x0, s22;
	[bflag:$0x0] =	sbarrier.arrive $0xFFFF  }
0x93: {  	[tilespmem:s25], [sflag:$0x2] =	stream.linear.gather [hbm4b:s17+s3], $0x80, $0x38;
	[tilespmem:$0x1EAC0] =	vst v63  }
0x94: {  	_ =	swait.ge [sflag:s24], $0x80  }
0x95: {  	[sflag:s24] =	ssyncset.done $0x0  }
0x96: {  	s18 =	sadd.s32 $0x0, s21;
	[sflag:s24] =	ssyncadd.s32 $0xFFFFFF80  }
0x97: {  	[tilespmem:s26], [sflag:$0x2] =	stream.linear.gather [hbm4b:s18+s3], $0x80, $0x38;
	[tilespmem:$0x1EAC0] =	vst v63  }
0x98: {  	_ =	swait.ge [sflag:s24], $0x80  }
0x99: {  	[sflag:s24] =	ssyncset.done $0x0  }
0x9a: {  	[sflag:s24] =	ssyncadd.s32 $0xFFFFFF80  }
0x9b: {  	[tilespmem:s29], [sflag:$0x1] =	stream.indirect.gather [hbm4b:s1+s28], $0x80, s25, s28, $0xb8;
	[tilespmem:$0x1EAC0] =	vst v63  }
0x9c: {  	_ =	swait.ge [sflag:s30], $0x4000  }
0x9d: {  	[sflag:s30] =	ssyncset.done $0x0  }
0x9e: {  	[sflag:s30] =	ssyncadd.s32 $0xFFFFC000  }
0x9f: {  	[spmem:s2] =	stream.indirect.scatter.add.f32 [tilespmem:s29], [sflag:$0x2], $0x80, s26, s28, $0xb8;
	[tilespmem:$0x1EAC0] =	vst v63  }
0xa0: {  	_ =	swait.ge [sflag:s24], $0x4000  }
0xa1: {  	s15 =	simm.s32 $0x20;
	s14 =	simm.s32 $0x10;
	[sflag:s24] =	ssyncset.done $0x0  }
.LBB2_4:
0xa2: {  	s16 =	sadd.s32 s14, s22  }
0xa3: {  	[sflag:s24] =	ssyncadd.s32 $0xFFFFC000;
	s17 =	smov.u32 s15;
	s18 =	sadd.s32 $0x10, s15  }
0xa4: {  	[tilespmem:s25], [sflag:$0x2] =	stream.linear.gather [hbm4b:s16+s3], $0x80, $0x38;
	[tilespmem:$0x1EAC0] =	vst v63  }
0xa5: {  	p1 =	sne.s32 s15, $0x4D0;
	_ =	swait.ge [sflag:s24], $0x80  }
0xa6: {  	[sflag:s24] =	ssyncset.done $0x0  }
0xa7: {  	s15 =	sadd.s32 s14, s21;
	s14 =	smov.u32 s17;
	[sflag:s24] =	ssyncadd.s32 $0xFFFFFF80  }
0xa8: {  	[tilespmem:s26], [sflag:$0x2] =	stream.linear.gather [hbm4b:s15+s3], $0x80, $0x38;
	[tilespmem:$0x1EAC0] =	vst v63  }
0xa9: {  	_ =	swait.ge [sflag:s24], $0x80  }
0xaa: {  	[sflag:s24] =	ssyncset.done $0x0  }
0xab: {  	[sflag:s24] =	ssyncadd.s32 $0xFFFFFF80  }
0xac: {  	[tilespmem:s29], [sflag:$0x1] =	stream.indirect.gather [hbm4b:s1+s28], $0x80, s25, s28, $0xb8;
	[tilespmem:$0x1EAC0] =	vst v63  }
0xad: {  	_ =	swait.ge [sflag:s30], $0x4000  }
.Ltmp1:
0xae: {  	[sflag:s30] =	ssyncset.done $0x0;
	(pc) =	sbr.rel @p1 .LBB2_4-.Ltmp1, $4  }
0xaf: {  	[sflag:s30] =	ssyncadd.s32 $0xFFFFC000  }
0xb0: {  	[spmem:s2] =	stream.indirect.scatter.add.f32 [tilespmem:s29], [sflag:$0x2], $0x80, s26, s28, $0xb8;
	[tilespmem:$0x1EAC0] =	vst v63  }
0xb1: {  	_ =	swait.ge [sflag:s24], $0x4000  }
0xb2: {  	s15 =	smov.u32 s18;
	[sflag:s24] =	ssyncset.done $0x0  }
0xb3: {  	s15 =	sadd.s32 s14, s22;
	[sflag:s24] =	ssyncadd.s32 $0xFFFFC000  }
0xb4: {  	[tilespmem:s25], [sflag:$0x2] =	stream.linear.gather [hbm4b:s15+s3], $0x80, $0x38;
	[tilespmem:$0x1EAC0] =	vst v63  }
0xb5: {  	_ =	swait.ge [sflag:s24], $0x80  }
0xb6: {  	[sflag:s24] =	ssyncset.done $0x0  }
0xb7: {  	s18 =	sadd.s32 s14, s21;
	[sflag:s24] =	ssyncadd.s32 $0xFFFFFF80  }
0xb8: {  	[tilespmem:s26], [sflag:$0x2] =	stream.linear.gather [hbm4b:s18+s3], $0x80, $0x38;
	[tilespmem:$0x1EAC0] =	vst v63  }
0xb9: {  	_ =	swait.ge [sflag:s24], $0x80  }
0xba: {  	[sflag:s24] =	ssyncset.done $0x0  }
0xbb: {  	[sflag:s24] =	ssyncadd.s32 $0xFFFFFF80  }
0xbc: {  	[tilespmem:s29], [sflag:$0x1] =	stream.indirect.gather [hbm4b:s1+s28], $0x80, s25, s28, $0xb8;
	[tilespmem:$0x1EAC0] =	vst v63  }
0xbd: {  	_ =	swait.ge [sflag:s30], $0x4000  }
0xbe: {  	[sflag:s30] =	ssyncset.done $0x0  }
0xbf: {  	[sflag:s30] =	ssyncadd.s32 $0xFFFFC000  }
0xc0: {  	[spmem:s2] =	stream.indirect.scatter.add.f32 [tilespmem:s29], [sflag:$0x2], $0x80, s26, s28, $0xb8;
	[tilespmem:$0x1EAC0] =	vst v63  }
0xc1: {  	_ =	swait.ge [sflag:s24], $0x4000  }
0xc2: {  	[sflag:s24] =	ssyncset.done $0x0  }
0xc3: {  	s15 =	rddreg [dreg:$0xa];
	[sflag:s24] =	ssyncadd.s32 $0xFFFFC000  }
0xc4: {  	[tilespmem:s31], [sflag:$0x2] =	stream.linear.gather [hbm4b:s15+s3], $0x10, $0x38;
	[tilespmem:$0x1EAC0] =	vst v63  }
0xc5: {  	_ =	swait.ge [sflag:s24], $0x10  }
0xc6: {  	[sflag:s24] =	ssyncset.done $0x0  }
0xc7: {  	s16 =	rddreg [dreg:$0xb];
	[sflag:s24] =	ssyncadd.s32 $0xFFFFFFF0  }
0xc8: {  	[tilespmem:s0], [sflag:$0x2] =	stream.linear.gather [hbm4b:s16+s3], $0x10, $0x38;
	[tilespmem:$0x1EAC0] =	vst v63  }
0xc9: {  	_ =	swait.ge [sflag:s24], $0x10  }
0xca: {  	[sflag:s24] =	ssyncset.done $0x0  }
0xcb: {  	[sflag:s24] =	ssyncadd.s32 $0xFFFFFFF0  }
0xcc: {  	[tilespmem:s5], [sflag:$0x1] =	stream.indirect.gather [hbm4b:s1+s4], $0x80, s31, s4, $0xb8;
	[tilespmem:$0x1EAC0] =	vst v63  }
0xcd: {  	_ =	swait.ge [sflag:s30], $0x800  }
0xce: {  	[sflag:s30] =	ssyncset.done $0x0  }
0xcf: {  	[sflag:s30] =	ssyncadd.s32 $0xFFFFF800  }
0xd0: {  	[spmem:s2] =	stream.indirect.scatter.add.f32 [tilespmem:s5], [sflag:$0x2], $0x80, s0, s4, $0xb8;
	[tilespmem:$0x1EAC0] =	vst v63  }
0xd1: {  	_ =	swait.ge [sflag:s24], $0x800  }
0xd2: {  	[sflag:s24] =	ssyncset.done $0x0  }
0xd3: {  	[sflag:s24] =	ssyncadd.s32 $0xFFFFF800  }
0xd4: {  	[bflag:$0x0] =	sbarrier.arrive $0xFFFF  }
0xd5: {  	s17 =	rddreg [dreg:$0xc]  }
0xd6: {  	[hbm:s17], [sflag:s11] =	dma.local [spmem:s12], $0x2700  }
0xd7: {  	_ =	swait.ge [sflag:s24], $0x2700  }
0xd8: {  	[sflag:s24] =	ssyncset.done $0x0  }
0xd9: {  	s12 =	rddreg [dreg:$0xd];
	[sflag:s24] =	ssyncadd.s32 $0xFFFFD900  }
0xda: {  	[hbm:s12], [sflag:s11] =	dma.local @!p0 [spmem:s13], $0x100  }
0xdb: {  	s11 =	simm.s32 @!p0 $0x2  }
0xdc: {  	_ =	swait.ge @!p0 [sflag:s11], $0x100  }
0xdd: {  	s10 =	sadd.s32 $0x1, s10;
	s18 =	rddreg [dreg:$0xe]  }
0xde: {  	p1 =	sne.s32 s10, s18  }
.Ltmp2:
0xdf: {  	_ = 	snop;
	(pc) =	sbr.rel @p1 .LBB2_1-.Ltmp2, $3  }
0xe0: {  	_ =	sdelay $0x1  }
0xe1: {  	[sflag:s11] =	ssyncset.done @!p0 $0x0  }
0xe2: {  	[sflag:s11] =	ssyncadd.s32 @!p0 $0xFFFFFF00  }
0xe3: {  	_ =	sfence.sel $0x180000  }
0xe4: {  	[bflag:$0x0] =	sbarrier.arrive $0xFFFF  }
0xe5: {  	_ =	strace $0x90000056  }
0xe6: {  	s0 =	stileid.u32;
	[bflag:$0x2] =	sbarrier.arrive $0xFFFF  }
0xe7: {  	p0 =	sne.s32 s0, $0x0;
	s0 =	rddreg [dreg:$0x4]  }
0xe8: {  	s0 =	sadd.s32 @!p0 $0x100000, s0  }
0xe9: {  	[sflag:s0] =	ssyncadd.tile.s32 @!p0 $0x1;
	_ =	shalt  }
.Lfunc_end2:
_tile_overlayer_lowered:
.L_overlay_start_2:
0xea: {  	(tag) =	ssettag $0x2  }
0xeb: {  	s0 =	rddreg [dreg:$0x0];
	s2 =	stileid.u32  }
0xec: {  	s1 =	rddreg [dreg:$0x1];
	p0 =	sne.s32 s2, $0x0  }
0xed: {  	s3 =	rddreg [dreg:$0x2];
	[bflag:$0x3] =	sbarrier.arrive $0xFFFF;
	s2 =	simm.s32 @!p0 $0x1C02  }
0xee: {  	[timem:s3], [sflag:s2] =	dma.local @!p0 [hbm:s0], s1  }
0xef: {  	s0 =	simm.s32 @!p0 $0x2  }
0xf0: {  	_ =	swait.ge @!p0 [sflag:s0], s1  }
0xf1: {  	s1 =	ssub.s32 @!p0 $0x0, s1;
	[sflag:s0] =	ssyncset.done @!p0 $0x0  }
0xf2: {  	[sflag:s0] =	ssyncadd.s32 @!p0 s1  }
0xf3: {  	[bflag:$0x3] =	sbarrier.arrive $0xFFFF  }
0xf4: {  	_ =	shalt  }

// kernel: kernel.20.cloned.1.call-start
scs
__scs_entry_jumppad:
0x0: {  	(pc) =	sbr.rel $0x88, $3  }
0x1: {  	(tag) =	ssettag $0x0;
	lr =	simm.s32 $0x1  }
0x2: {  	[smem:$0x3F83] =	sst lr;
	_ =	strace $0xD0000000  }
0x3: {  	_ = 	snop  }
0x4: {  	_ = 	snop  }
0x5: {  	_ = 	snop  }
0x6: {  	_ = 	snop  }
0x7: {  	_ = 	snop  }
__scs_overlays_trampoline_lowered:
0x8: {  	[smem:$0x3F92] =	sst s0  }
0x9: {  	[smem:$0x3F93] =	sst s1  }
0xa: {  	[smem:$0x3F94] =	sst s2  }
0xb: {  	[smem:$0x3F95] =	sst s3  }
0xc: {  	[smem:$0x3F96] =	sst s4  }
0xd: {  	[smem:$0x3F97] =	sst s5  }
0xe: {  	[smem:$0x3F98] =	sst s6  }
0xf: {  	[smem:$0x3F99] =	sst s7  }
0x10: {  	[smem:$0x3F9A] =	sst s8  }
0x11: {  	[smem:$0x3F9B] =	sst s9;
	s0 =	simm.s32 @!p0 $0x0  }
0x12: {  	s1 =	sld [smem:$0x3F81];
	s0 =	simm.s32 @p0 $0x1  }
0x13: {  	[smem:$0x3F9C] =	sst s0;
	s0 =	simm.s32 @!p1 $0x0  }
0x14: {  	s2 =	sld [smem:$0x3F80];
	s0 =	simm.s32 @p1 $0x1  }
0x15: {  	[smem:$0x3F9D] =	sst s0;
	s0 =	simm.s32 @!p2 $0x0  }
0x16: {  	s3 =	sld [smem:$0x3FDB];
	s0 =	simm.s32 @p2 $0x1  }
0x17: {  	s4 =	simm.s32 $0x1BF5;
	[smem:$0x3F9F] =	sst s0  }
0x18: {  	s0 =	sld [smem:$0x3F82];
	_ =	swait.ge [sflag:s4], $0x0  }
0x19: {  	s7 =	sld [smem:$0x3F83]  }
0x1a: {  	s8 =	sadd.s32 $0xFFFFE003, lr  }
0x1b: {  	s9 =	sadd.s32 $0xFFFFFEF7, lr;
	s5 =	simm.s32 $0xFFFFFFFF;
	p2 =	slt.u32 s8, $0xFFFFF086  }
0x1c: {  	p1 =	slt.u32 s9, $0xF7A;
	s5 =	simm.s32 @!p2 $0x0  }
0x1d: {  	s5 =	simm.s32 @p1 $0x1;
	p0 =	seq.s32 s7, s2  }
0x1e: {  	s7 =	smul.u32 @!p0 $0xF7A, s2;
	p2 =	seq.s32 @!p0 s5, $0x0  }
0x1f: {  	s9 =	smul.u32 $0xF7A, s1;
	s8 =	simm.s32 @!p0 $0x1BF5;
	p2 =	por !p2, p0  }
0x20: {  	[sflag:s8] =	ssyncset.s32 @!p0 $0xFFFFF086;
	s6 =	sadd.s32 @!p0 s3, s7;
	s7 =	simm.s32 @!p0 $0x108  }
0x21: {  	s3 =	sadd.s32 s3, s9;
	s6 =	sadd.s32 @!p0 $0x88, s6;
	s7 =	simm.s32 @p2 $0x1082  }
0x22: {  	[simem:s7], [sflag:s8] =	dma.local @!p0 [hbm:s6], $0xF7A  }
0x23: {  	s9 =	sor.u32 $0xD0000000, s2;
	s6 =	simm.s32 $0x108;
	_ =	swait.ge @!p0 [sflag:s8], $0x0  }
0x24: {  	s3 =	sadd.s32 $0x88, s3;
	s6 =	simm.s32 @!p1 $0x1082;
	[sflag:s4] =	ssyncset.s32 $0xFFFFF086  }
0x25: {  	[simem:s6], [sflag:s4] =	dma.local [hbm:s3], $0xF7A  }
0x26: {  	[smem:$0x3F83] =	sst s1;
	(tag) =	ssettag s2;
	_ =	strace s9  }
0x27: {  	s1 =	sld [smem:$0x3F93]  }
0x28: {  	s2 =	sld [smem:$0x3F94]  }
0x29: {  	s4 =	sld [smem:$0x3F96]  }
0x2a: {  	p0 =	seq.s32 s5, $0x0;
	s5 =	sld [smem:$0x3F97]  }
0x2b: {  	s6 =	sld [smem:$0x3F98]  }
0x2c: {  	s7 =	sld [smem:$0x3F99]  }
0x2d: {  	s3 =	simm.s32 $0x108;
	s8 =	sld [smem:$0x3F9A]  }
0x2e: {  	s3 =	simm.s32 @!p0 $0x1082;
	s9 =	sld [smem:$0x3F9B]  }
0x2f: {  	lr =	sadd.s32 s0, s3;
	s0 =	sld [smem:$0x3F92]  }
0x30: {  	s3 =	sld [smem:$0x3F95]  }
0x31: {  	[smem:$0x3F9E] =	sst s10  }
0x32: {  	s10 =	sld [smem:$0x3F9C];
	_ =	sdelay $0x3  }
0x33: {  	p0 =	seq.s32 s10, $0x1;
	s10 =	sld [smem:$0x3F9E];
	_ =	sdelay $0x3  }
0x34: {  	[smem:$0x3F9E] =	sst s10  }
0x35: {  	s10 =	sld [smem:$0x3F9D];
	_ =	sdelay $0x3  }
0x36: {  	p1 =	seq.s32 s10, $0x1;
	s10 =	sld [smem:$0x3F9E];
	_ =	sdelay $0x3  }
0x37: {  	[smem:$0x3F9E] =	sst s10  }
0x38: {  	s10 =	sld [smem:$0x3F9F]  }
0x39: {  	_ = 	snop;
	(pc) =	sbr.ind lr, $3  }
0x3a: {  	_ = 	snop  }
0x3b: {  	_ = 	snop  }
0x3c: {  	p2 =	seq.s32 s10, $0x1;
	s10 =	sld [smem:$0x3F9E]  }
0x3d: {  	_ =	shalt  }
0x3e: {  	_ =	shalt  }
0x3f: {  	_ =	shalt  }
0x40: {  	_ =	shalt  }
0x41: {  	_ =	shalt  }
0x42: {  	_ =	shalt  }
0x43: {  	_ =	shalt  }
0x44: {  	_ =	shalt  }
0x45: {  	_ =	shalt  }
0x46: {  	_ =	shalt  }
0x47: {  	_ =	shalt  }
0x48: {  	_ =	shalt  }
0x49: {  	_ =	shalt  }
0x4a: {  	_ =	shalt  }
0x4b: {  	_ =	shalt  }
0x4c: {  	_ =	shalt  }
0x4d: {  	_ =	shalt  }
0x4e: {  	_ =	shalt  }
0x4f: {  	_ =	shalt  }
0x50: {  	_ =	shalt  }
0x51: {  	_ =	shalt  }
0x52: {  	_ =	shalt  }
0x53: {  	_ =	shalt  }
0x54: {  	_ =	shalt  }
0x55: {  	_ =	shalt  }
0x56: {  	_ =	shalt  }
0x57: {  	_ =	shalt  }
0x58: {  	_ =	shalt  }
0x59: {  	_ =	shalt  }
0x5a: {  	_ =	shalt  }
0x5b: {  	_ =	shalt  }
0x5c: {  	_ =	shalt  }
0x5d: {  	_ =	shalt  }
0x5e: {  	_ =	shalt  }
0x5f: {  	_ =	shalt  }
0x60: {  	_ =	shalt  }
0x61: {  	_ =	shalt  }
0x62: {  	_ =	shalt  }
0x63: {  	_ =	shalt  }
0x64: {  	_ =	shalt  }
0x65: {  	_ =	shalt  }
0x66: {  	_ =	shalt  }
0x67: {  	_ =	shalt  }
0x68: {  	_ =	shalt  }
0x69: {  	_ =	shalt  }
0x6a: {  	_ =	shalt  }
0x6b: {  	_ =	shalt  }
0x6c: {  	_ =	shalt  }
0x6d: {  	_ =	shalt  }
0x6e: {  	_ =	shalt  }
0x6f: {  	_ =	shalt  }
0x70: {  	_ =	shalt  }
0x71: {  	_ =	shalt  }
0x72: {  	_ =	shalt  }
0x73: {  	_ =	shalt  }
0x74: {  	_ =	shalt  }
0x75: {  	_ =	shalt  }
0x76: {  	_ =	shalt  }
0x77: {  	_ =	shalt  }
0x78: {  	_ =	shalt  }
0x79: {  	_ =	shalt  }
0x7a: {  	_ =	shalt  }
0x7b: {  	_ =	shalt  }
0x7c: {  	_ =	shalt  }
0x7d: {  	_ =	shalt  }
0x7e: {  	_ =	shalt  }
0x7f: {  	_ =	shalt  }
0x80: {  	_ =	shalt  }
0x81: {  	_ =	shalt  }
0x82: {  	_ =	shalt  }
0x83: {  	_ =	shalt  }
0x84: {  	_ =	shalt  }
0x85: {  	_ =	shalt  }
0x86: {  	_ =	shalt  }
0x87: {  	_ =	shalt  }
.Lfunc_end0:
.L_simem_size_0:
called_computation.6_lowered:
.L_overlay_start_0:
0x88: {  	s2 =	sld [smem:$0x3FD9]  }
0x89: {  	s3 =	sld [smem:$0x3FFE];
	_ =	sdelay $0x1  }
0x8a: {  	s1 =	srdreg.scid  }
0x8b: {  	s0 =	sand.u32 $0x1, s1  }
0x8c: {  	s14 =	sshll.u32 s0, $0xA;
	s2 =	sadd.s32 s3, s2  }
0x8d: {  	s2 =	sadd.s32 s2, s14  }
0x8e: {  	[smem:$0x3FAA] =	sst s2  }
0x8f: {  	_ = 	snop  }
0x90: {  	s2 =	sld [smem:$0x3FD0];
	_ =	sdelay $0x2  }
0x91: {  	s15 =	simm.s32 $0xC;
	s4 =	simm.s32 $0x10  }
0x92: {  	[smem:s4], [sflag:s15] =	dma.local [hbm:s2], $0x1  }
0x93: {  	_ =	swait.eq [sflag:s15], $0x1  }
0x94: {  	[sflag:s15] =	ssyncset.done $0x0  }
0x95: {  	s16 =	sld [smem:$0x10];
	[sflag:s15] =	ssyncadd.s32 $0xFFFFFFFF  }
0x96: {  	s17 =	sld [smem:$0x11];
	(tm) =	ssettm $0x1  }
0x97: {  	s18 =	sld [smem:$0x3FFB];
	_ =	sdelay $0x3  }
0x98: {  	_ =	strace s18  }
0x99: {  	s4 =	sld [smem:$0x3FFC];
	_ =	sdelay $0x3  }
0x9a: {  	_ =	strace s4  }
0x9b: {  	s4 =	sld [smem:$0x3FFD];
	_ =	sdelay $0x3  }
0x9c: {  	_ =	strace s4  }
0x9d: {  	_ =	strace $0x8FFFFFFF  }
0x9e: {  	s19 =	sld [smem:$0x3FDB];
	_ =	sdelay $0x1  }
0x9f: {  	s5 =	simm.s32 $_scs_section_size  }
0xa0: {  	s6 =	simm.s32 $_size__tile_overlayer_lowered;
	s7 =	simm.s32 $_tile_overlayer_lowered  }
0xa1: {  	s22 =	simm.s32 $0x1BFF;
	s21 =	sshll.u32 s7, $0x1;
	s4 =	sadd.s32 s5, s19  }
0xa2: {  	s8 =	simm.s32 $0x0;
	s20 =	sshll.u32 s6, $0x1;
	s6 =	sadd.s32 s21, s4  }
0xa3: {  	[timem:s8], [sflag:s22] =	dma.local [hbm:s6], s20  }
0xa4: {  	_ =	swait.ge [sflag:s22], s20  }
0xa5: {  	s5 =	ssub.s32 $0x0, s20;
	[sflag:s22] =	ssyncset.done $0x0  }
0xa6: {  	[sflag:s22] =	ssyncadd.s32 s5;
	_ =	sdelay $0x1  }
0xa7: {  	s23 =	simm.s32 $0x1B8B  }
0xa8: {  	_ =	swait.ge [sflag:s23], $0x1  }
0xa9: {  	[sflag:s23] =	ssyncset.done $0x0  }
0xaa: {  	s25 =	simm.s32 $0x1B8E;
	s24 =	sld [smem:$0x3FFE];
	[sflag:s23] =	ssyncadd.s32 $0xFFFFFFFF  }
0xab: {  	s26 =	simm.s32 $execute0_lowered;
	[smem:$0x3FD2] =	sst s25  }
0xac: {  	s6 =	sshll.u32 s26, $0x1;
	_ =	strace $0x80000058;
	[dreg:$0x1] =	wrdreg $0xFFFFFFFF  }
0xad: {  	s28 =	simm.s32 $_size_execute0_lowered;
	s4 =	sadd.s32 s4, s6;
	[dreg:$0x0] =	wrdreg $0x0  }
0xae: {  	s6 =	sshll.u32 s28, $0x1;
	[dreg:$0x2] =	wrdreg s4  }
0xaf: {  	[dreg:$0x3] =	wrdreg s6  }
0xb0: {  	[dreg:$0x4] =	wrdreg $0xC0  }
0xb1: {  	_ =	task [dreg:s8], $0x5FFFF  }
0xb2: {  	[dreg:$0x1] =	wrdreg $0xFFFFFFFF  }
0xb3: {  	[dreg:$0x0] =	wrdreg $0x60  }
0xb4: {  	[dreg:$0x2] =	wrdreg s17  }
0xb5: {  	[dreg:$0x3] =	wrdreg s24  }
0xb6: {  	[dreg:$0x4] =	wrdreg s16  }
0xb7: {  	[dreg:$0x5] =	wrdreg $0x0  }
0xb8: {  	[dreg:$0x6] =	wrdreg $0x9  }
0xb9: {  	_ =	task.clear_ibuf [dreg:s8], $0x7FFFF;
	_ =	strace $0x90000058  }
0xba: {  	s29 =	simm.s32 $0x9;
	_ =	strace $0x8000005A  }
0xbb: {  	_ =	swait.ge [sflag:s29], $0x1  }
0xbc: {  	[sflag:s29] =	ssyncadd.s32 $0xFFFFFFFF  }
0xbd: {  	_ =	strace $0x9000005A  }
0xbe: {  	_ =	sfence  }
0xbf: {  	s30 =	sld [smem:$0x0];
	_ =	sdelay $0x2  }
0xc0: {  	s31 =	sshll.u32 s1, $0xD;
	s1 =	sshrl.u32 s1, $0x2  }
0xc1: {  	s3 =	sand.u32 $0x4000, s31;
	s1 =	sadd.s32 s1, s30  }
0xc2: {  	s0 =	sor.u32 s3, s0;
	s1 =	sshll.u32 s1, $0x11  }
0xc3: {  	s0 =	sor.u32 s1, s0  }
0xc4: {  	s0 =	sadd.s32 $0x8F2B, s0  }
0xc5: {  	[sflag:s0] =	ssyncadd.remote.s32 $0x1  }
0xc6: {  	_ =	sfence.sel $0xFFFF  }
0xc7: {  	[dreg:$0x0] =	wrdreg $0xFFFFFFFF;
	(pc) =	sbr.abs _section_cstart, $3  }
0xc8: {  	[dreg:$0x1] =	wrdreg $0xFFFFFFFF  }
0xc9: {  	_ =	task.clear_ibuf [dreg:s8], $0x2FFFF;
	_ =	strace $0x9FFFFFFF  }
0xca: {  	(tm) =	ssettm $0x7FFFFFFF  }
0xcb: {  	_ =	shalt  }
tec
execute0_lowered:
.L_overlay_start_1:
0x0: {  	(tag) =	ssettag $0x1  }
0x1: {  	s1 =	rddreg [dreg:$0x0]  }
0x2: {  	s0 =	rddreg [dreg:$0x1]  }
0x3: {  	s4 =	rddreg [dreg:$0x2]  }
0x4: {  	s2 =	rddreg [dreg:$0x3];
	s3 =	simm.s32 $0x0  }
0x5: {  	s6 =	srdreg.scid;
	s23 =	stileid.u32;
	s28 =	simm.s32 $0x80  }
0x6: {  	s29 =	simm.s32 $0x139C0;
	s30 =	simm.s32 $0x1;
	s19 =	smul.u32 $0x4E000, s23  }
0x7: {  	s31 =	simm.s32 $0x179C0;
	[smem:$0x7FF] =	sst s3;
	s12 =	smul.u32 $0x2710, s23  }
0x8: {  	s5 =	sadd.s32 $0x74600, s0;
	s11 =	sand.u32 $0x1, s6;
	s13 =	smul.u32 $0x270, s23  }
0x9: {  	s10 =	sadd.s32 $0x60C00, s0;
	s0 =	sadd.s32 $0x9600, s0;
	s8 =	smul.u32 $0x4E200, s11  }
0xa: {  	s9 =	sadd.s32 $0x138000, s2;
	p0 =	sne.s32 s23, $0xF;
	s15 =	smul.u32 $0x4E20, s11  }
0xb: {  	s20 =	ssub.s32 $0x2, s11;
	s16 =	smul.u32 $0x271000, s11;
	s11 =	sshllo.u32 s11, $0x1  }
0xc: {  	s23 =	simm.s32 $0x182C0;
	_ =	strace $0x80000059;
	s18 =	smul.u32 $0x27100, s11  }
0xd: {  	[dreg:$0x5] =	wrdreg s0;
	s7 =	sshrl.u32 s20, $0x1;
	s22 =	smul.u32 $0x2710, s11  }
0xe: {  	s6 =	sshrl.u32 s19, $0x2;
	s11 =	smul.u32 $0x138800, s11;
	s0 =	ssub.s32 s20, s7  }
0xf: {  	s6 =	sadd.s32 s6, s2;
	s14 =	sadd.s32 s12, s8;
	s15 =	sadd.s32 s13, s15  }
0x10: {  	s21 =	sshrl.u32 s16, $0x3;
	s7 =	sadd.s32 $0x6800, s6;
	s8 =	sadd.s32 $0xD000, s6  }
0x11: {  	s20 =	sshrl.u32 s14, $0x3;
	s15 =	sshll.u32 s15, $0x4;
	s12 =	sadd.s32 s12, s18  }
0x12: {  	s13 =	sadd.s32 s13, s22;
	s11 =	sshrl.u32 s11, $0x3;
	s0 =	smax.u32 s0, $0x1  }
0x13: {  	s26 =	sadd.s32 $0x27100, s14;
	s17 =	sadd.s32 $0x4E0, s20;
	s15 =	sadd.s32 s4, s15  }
0x14: {  	s12 =	sshrl.u32 s12, $0x3;
	s13 =	sshll.u32 s13, $0x4;
	[dreg:$0xe] =	wrdreg s0  }
0x15: {  	s0 =	sshrl.u32 s26, $0x3;
	s26 =	simm.s32 $0x13940;
	s19 =	sadd.s32 s5, s17  }
0x16: {  	s17 =	sadd.s32 s10, s17;
	[dreg:$0x8] =	wrdreg s15;
	s15 =	sadd.s32 s4, s21  }
0x17: {  	s12 =	sadd.s32 $0x4E0, s12;
	s25 =	sadd.s32 s4, s13;
	s4 =	sadd.s32 s4, s11  }
0x18: {  	s21 =	sadd.s32 s0, s10;
	s22 =	sadd.s32 s0, s5;
	[dreg:$0x6] =	wrdreg s19  }
0x19: {  	s0 =	simm.s32 $0x17A40;
	[dreg:$0x7] =	wrdreg s17;
	s15 =	sadd.s32 $0x27000, s15  }
0x1a: {  	s24 =	sadd.s32 s5, s12;
	s12 =	sadd.s32 s10, s12;
	[dreg:$0xc] =	wrdreg s25  }
0x1b: {  	s4 =	sadd.s32 $0x27000, s4;
	s19 =	sadd.s32 s20, s10;
	[dreg:$0x9] =	wrdreg s15  }
0x1c: {  	s20 =	sadd.s32 s20, s5;
	s25 =	simm.s32 $0x138C0;
	[dreg:$0xa] =	wrdreg s24  }
0x1d: {  	s5 =	simm.s32 $0x17AC0;
	s10 =	simm.s32 $0x0;
	[dreg:$0xb] =	wrdreg s12  }
0x1e: {  	[dreg:$0xd] =	wrdreg s4;
	s24 =	simm.s32 $0x2;
	s4 =	simm.s32 $0x10  }
.LBB2_1:
0x1f: {  	s11 =	rddreg [dreg:$0x5]  }
0x20: {  	[tilespmem:s23], [sflag:$0x2] =	stream.linear.gather [hbm4b:s11+s3], $0x6800, $0x38;
	[tilespmem:$0x1EAC0] =	vst v63  }
0x21: {  	_ =	swait.ge [sflag:s24], $0x6800  }
0x22: {  	[sflag:s24] =	ssyncset.done $0x0  }
0x23: {  	[sflag:s24] =	ssyncadd.s32 $0xFFFF9800  }
0x24: {  	[spmem:s6] =	stream.linear.scatter [tilespmem:s23], [sflag:$0x2], $0x6800, $0x38;
	[tilespmem:$0x1EAC0] =	vst v63  }
0x25: {  	_ =	swait.ge [sflag:s24], $0x6800  }
0x26: {  	[sflag:s24] =	ssyncset.done $0x0  }
0x27: {  	[sflag:s24] =	ssyncadd.s32 $0xFFFF9800  }
0x28: {  	[spmem:s7] =	stream.linear.scatter [tilespmem:s23], [sflag:$0x2], $0x6800, $0x38;
	[tilespmem:$0x1EAC0] =	vst v63  }
0x29: {  	_ =	swait.ge [sflag:s24], $0x6800  }
0x2a: {  	[sflag:s24] =	ssyncset.done $0x0  }
0x2b: {  	[sflag:s24] =	ssyncadd.s32 $0xFFFF9800  }
0x2c: {  	[spmem:s8] =	stream.linear.scatter [tilespmem:s23], [sflag:$0x2], $0x6800, $0x38;
	[tilespmem:$0x1EAC0] =	vst v63  }
0x2d: {  	_ =	swait.ge [sflag:s24], $0x6800  }
0x2e: {  	[sflag:s24] =	ssyncset.done $0x0  }
0x2f: {  	s11 =	simm.s32 @!p0 $0x182C0;
	[sflag:s24] =	ssyncadd.s32 $0xFFFF9800  }
0x30: {  	[spmem:s9] =	stream.linear.scatter @!p0 [tilespmem:s11], [sflag:$0x2], $0x800, $0x38;
	[tilespmem:$0x1EAC0] =	vst v63  }
0x31: {  	s11 =	simm.s32 @!p0 $0x2  }
0x32: {  	_ =	swait.ge @!p0 [sflag:s11], $0x800  }
0x33: {  	[sflag:s11] =	ssyncset.done @!p0 $0x0  }
0x34: {  	[sflag:s11] =	ssyncadd.s32 @!p0 $0xFFFFF800  }
0x35: {  	s17 =	sadd.s32 $0x0, s20;
	[bflag:$0x0] =	sbarrier.arrive $0xFFFF  }
0x36: {  	[tilespmem:s25], [sflag:$0x2] =	stream.linear.gather [hbm4b:s17+s3], $0x80, $0x38;
	[tilespmem:$0x1EAC0] =	vst v63  }
0x37: {  	_ =	swait.ge [sflag:s24], $0x80  }
0x38: {  	[sflag:s24] =	ssyncset.done $0x0  }
0x39: {  	s18 =	sadd.s32 $0x0, s19;
	[sflag:s24] =	ssyncadd.s32 $0xFFFFFF80  }
0x3a: {  	[tilespmem:s26], [sflag:$0x2] =	stream.linear.gather [hbm4b:s18+s3], $0x80, $0x38;
	[tilespmem:$0x1EAC0] =	vst v63  }
0x3b: {  	_ =	swait.ge [sflag:s24], $0x80  }
0x3c: {  	[sflag:s24] =	ssyncset.done $0x0  }
0x3d: {  	[sflag:s24] =	ssyncadd.s32 $0xFFFFFF80  }
0x3e: {  	[tilespmem:s29], [sflag:$0x1] =	stream.indirect.gather [hbm4b:s1+s28], $0x80, s25, s28, $0xb8;
	[tilespmem:$0x1EAC0] =	vst v63  }
0x3f: {  	_ =	swait.ge [sflag:s30], $0x4000  }
0x40: {  	[sflag:s30] =	ssyncset.done $0x0  }
0x41: {  	[sflag:s30] =	ssyncadd.s32 $0xFFFFC000  }
0x42: {  	[spmem:s2] =	stream.indirect.scatter.add.f32 [tilespmem:s29], [sflag:$0x2], $0x80, s26, s28, $0xb8;
	[tilespmem:$0x1EAC0] =	vst v63  }
0x43: {  	_ =	swait.ge [sflag:s24], $0x4000  }
0x44: {  	s12 =	simm.s32 $0x20;
	s11 =	simm.s32 $0x10;
	[sflag:s24] =	ssyncset.done $0x0  }
.LBB2_2:
0x45: {  	s13 =	sadd.s32 s11, s20  }
0x46: {  	[sflag:s24] =	ssyncadd.s32 $0xFFFFC000;
	s14 =	smov.u32 s12;
	s15 =	sadd.s32 $0x10, s12  }
0x47: {  	[tilespmem:s25], [sflag:$0x2] =	stream.linear.gather [hbm4b:s13+s3], $0x80, $0x38;
	[tilespmem:$0x1EAC0] =	vst v63  }
0x48: {  	p1 =	sne.s32 s12, $0x4D0;
	_ =	swait.ge [sflag:s24], $0x80  }
0x49: {  	[sflag:s24] =	ssyncset.done $0x0  }
0x4a: {  	s12 =	sadd.s32 s11, s19;
	s11 =	smov.u32 s14;
	[sflag:s24] =	ssyncadd.s32 $0xFFFFFF80  }
0x4b: {  	[tilespmem:s26], [sflag:$0x2] =	stream.linear.gather [hbm4b:s12+s3], $0x80, $0x38;
	[tilespmem:$0x1EAC0] =	vst v63  }
0x4c: {  	_ =	swait.ge [sflag:s24], $0x80  }
0x4d: {  	[sflag:s24] =	ssyncset.done $0x0  }
0x4e: {  	[sflag:s24] =	ssyncadd.s32 $0xFFFFFF80  }
0x4f: {  	[tilespmem:s29], [sflag:$0x1] =	stream.indirect.gather [hbm4b:s1+s28], $0x80, s25, s28, $0xb8;
	[tilespmem:$0x1EAC0] =	vst v63  }
0x50: {  	_ =	swait.ge [sflag:s30], $0x4000  }
.Ltmp0:
0x51: {  	[sflag:s30] =	ssyncset.done $0x0;
	(pc) =	sbr.rel @p1 .LBB2_2-.Ltmp0, $4  }
0x52: {  	[sflag:s30] =	ssyncadd.s32 $0xFFFFC000  }
0x53: {  	[spmem:s2] =	stream.indirect.scatter.add.f32 [tilespmem:s29], [sflag:$0x2], $0x80, s26, s28, $0xb8;
	[tilespmem:$0x1EAC0] =	vst v63  }
0x54: {  	_ =	swait.ge [sflag:s24], $0x4000  }
0x55: {  	s12 =	smov.u32 s15;
	[sflag:s24] =	ssyncset.done $0x0  }
0x56: {  	s12 =	sadd.s32 s11, s20;
	[sflag:s24] =	ssyncadd.s32 $0xFFFFC000  }
0x57: {  	[tilespmem:s25], [sflag:$0x2] =	stream.linear.gather [hbm4b:s12+s3], $0x80, $0x38;
	[tilespmem:$0x1EAC0] =	vst v63  }
0x58: {  	_ =	swait.ge [sflag:s24], $0x80  }
0x59: {  	[sflag:s24] =	ssyncset.done $0x0  }
0x5a: {  	s13 =	sadd.s32 s11, s19;
	[sflag:s24] =	ssyncadd.s32 $0xFFFFFF80  }
0x5b: {  	[tilespmem:s26], [sflag:$0x2] =	stream.linear.gather [hbm4b:s13+s3], $0x80, $0x38;
	[tilespmem:$0x1EAC0] =	vst v63  }
0x5c: {  	_ =	swait.ge [sflag:s24], $0x80  }
0x5d: {  	[sflag:s24] =	ssyncset.done $0x0  }
0x5e: {  	[sflag:s24] =	ssyncadd.s32 $0xFFFFFF80  }
0x5f: {  	[tilespmem:s29], [sflag:$0x1] =	stream.indirect.gather [hbm4b:s1+s28], $0x80, s25, s28, $0xb8;
	[tilespmem:$0x1EAC0] =	vst v63  }
0x60: {  	_ =	swait.ge [sflag:s30], $0x4000  }
0x61: {  	[sflag:s30] =	ssyncset.done $0x0  }
0x62: {  	[sflag:s30] =	ssyncadd.s32 $0xFFFFC000  }
0x63: {  	[spmem:s2] =	stream.indirect.scatter.add.f32 [tilespmem:s29], [sflag:$0x2], $0x80, s26, s28, $0xb8;
	[tilespmem:$0x1EAC0] =	vst v63  }
0x64: {  	_ =	swait.ge [sflag:s24], $0x4000  }
0x65: {  	[sflag:s24] =	ssyncset.done $0x0  }
0x66: {  	s14 =	rddreg [dreg:$0x6];
	[sflag:s24] =	ssyncadd.s32 $0xFFFFC000  }
0x67: {  	[tilespmem:s31], [sflag:$0x2] =	stream.linear.gather [hbm4b:s14+s3], $0x10, $0x38;
	[tilespmem:$0x1EAC0] =	vst v63  }
0x68: {  	_ =	swait.ge [sflag:s24], $0x10  }
0x69: {  	[sflag:s24] =	ssyncset.done $0x0  }
0x6a: {  	s15 =	rddreg [dreg:$0x7];
	[sflag:s24] =	ssyncadd.s32 $0xFFFFFFF0  }
0x6b: {  	[tilespmem:s0], [sflag:$0x2] =	stream.linear.gather [hbm4b:s15+s3], $0x10, $0x38;
	[tilespmem:$0x1EAC0] =	vst v63  }
0x6c: {  	_ =	swait.ge [sflag:s24], $0x10  }
0x6d: {  	[sflag:s24] =	ssyncset.done $0x0  }
0x6e: {  	[sflag:s24] =	ssyncadd.s32 $0xFFFFFFF0  }
0x6f: {  	[tilespmem:s5], [sflag:$0x1] =	stream.indirect.gather [hbm4b:s1+s4], $0x80, s31, s4, $0xb8;
	[tilespmem:$0x1EAC0] =	vst v63  }
0x70: {  	_ =	swait.ge [sflag:s30], $0x800  }
0x71: {  	[sflag:s30] =	ssyncset.done $0x0  }
0x72: {  	[sflag:s30] =	ssyncadd.s32 $0xFFFFF800  }
0x73: {  	[spmem:s2] =	stream.indirect.scatter.add.f32 [tilespmem:s5], [sflag:$0x2], $0x80, s0, s4, $0xb8;
	[tilespmem:$0x1EAC0] =	vst v63  }
0x74: {  	_ =	swait.ge [sflag:s24], $0x800  }
0x75: {  	[sflag:s24] =	ssyncset.done $0x0  }
0x76: {  	s16 =	stileid.u32;
	[sflag:s24] =	ssyncadd.s32 $0xFFFFF800  }
0x77: {  	s11 =	sshll.u32 s16, $0x6;
	[bflag:$0x0] =	sbarrier.arrive $0xFFFF  }
0x78: {  	s12 =	sshrl.u32 s6, $0x3;
	s11 =	sor.u32 $0x1C02, s11;
	s13 =	rddreg [dreg:$0x8]  }
0x79: {  	[hbm:s13], [sflag:s11] =	dma.local [spmem:s12], $0x2700  }
0x7a: {  	_ =	swait.ge [sflag:s24], $0x2700  }
0x7b: {  	[sflag:s24] =	ssyncset.done $0x0  }
0x7c: {  	s13 =	sshrl.u32 @!p0 s9, $0x3;
	s14 =	rddreg [dreg:$0x9];
	[sflag:s24] =	ssyncadd.s32 $0xFFFFD900  }
0x7d: {  	[hbm:s14], [sflag:s11] =	dma.local @!p0 [spmem:s13], $0x100  }
0x7e: {  	s14 =	simm.s32 @!p0 $0x2  }
0x7f: {  	_ =	swait.ge @!p0 [sflag:s14], $0x100  }
0x80: {  	[sflag:s14] =	ssyncset.done @!p0 $0x0  }
0x81: {  	[sflag:s14] =	ssyncadd.s32 @!p0 $0xFFFFFF00  }
0x82: {  	[spmem:s6] =	stream.linear.scatter [tilespmem:s23], [sflag:$0x2], $0x6800, $0x38;
	[tilespmem:$0x1EAC0] =	vst v63  }
0x83: {  	_ =	swait.ge [sflag:s24], $0x6800  }
0x84: {  	[sflag:s24] =	ssyncset.done $0x0  }
0x85: {  	[sflag:s24] =	ssyncadd.s32 $0xFFFF9800  }
0x86: {  	[spmem:s7] =	stream.linear.scatter [tilespmem:s23], [sflag:$0x2], $0x6800, $0x38;
	[tilespmem:$0x1EAC0] =	vst v63  }
0x87: {  	_ =	swait.ge [sflag:s24], $0x6800  }
0x88: {  	[sflag:s24] =	ssyncset.done $0x0  }
0x89: {  	[sflag:s24] =	ssyncadd.s32 $0xFFFF9800  }
0x8a: {  	[spmem:s8] =	stream.linear.scatter [tilespmem:s23], [sflag:$0x2], $0x6800, $0x38;
	[tilespmem:$0x1EAC0] =	vst v63  }
0x8b: {  	_ =	swait.ge [sflag:s24], $0x6800  }
0x8c: {  	[sflag:s24] =	ssyncset.done $0x0  }
0x8d: {  	s15 =	simm.s32 @!p0 $0x182C0;
	[sflag:s24] =	ssyncadd.s32 $0xFFFF9800  }
0x8e: {  	[spmem:s9] =	stream.linear.scatter @!p0 [tilespmem:s15], [sflag:$0x2], $0x800, $0x38;
	[tilespmem:$0x1EAC0] =	vst v63  }
0x8f: {  	_ =	swait.ge @!p0 [sflag:s14], $0x800  }
0x90: {  	[sflag:s14] =	ssyncset.done @!p0 $0x0  }
0x91: {  	[sflag:s14] =	ssyncadd.s32 @!p0 $0xFFFFF800  }
0x92: {  	s17 =	sadd.s32 $0x0, s22;
	[bflag:$0x0] =	sbarrier.arrive $0xFFFF  }
0x93: {  	[tilespmem:s25], [sflag:$0x2] =	stream.linear.gather [hbm4b:s17+s3], $0x80, $0x38;
	[tilespmem:$0x1EAC0] =	vst v63  }
0x94: {  	_ =	swait.ge [sflag:s24], $0x80  }
0x95: {  	[sflag:s24] =	ssyncset.done $0x0  }
0x96: {  	s18 =	sadd.s32 $0x0, s21;
	[sflag:s24] =	ssyncadd.s32 $0xFFFFFF80  }
0x97: {  	[tilespmem:s26], [sflag:$0x2] =	stream.linear.gather [hbm4b:s18+s3], $0x80, $0x38;
	[tilespmem:$0x1EAC0] =	vst v63  }
0x98: {  	_ =	swait.ge [sflag:s24], $0x80  }
0x99: {  	[sflag:s24] =	ssyncset.done $0x0  }
0x9a: {  	[sflag:s24] =	ssyncadd.s32 $0xFFFFFF80  }
0x9b: {  	[tilespmem:s29], [sflag:$0x1] =	stream.indirect.gather [hbm4b:s1+s28], $0x80, s25, s28, $0xb8;
	[tilespmem:$0x1EAC0] =	vst v63  }
0x9c: {  	_ =	swait.ge [sflag:s30], $0x4000  }
0x9d: {  	[sflag:s30] =	ssyncset.done $0x0  }
0x9e: {  	[sflag:s30] =	ssyncadd.s32 $0xFFFFC000  }
0x9f: {  	[spmem:s2] =	stream.indirect.scatter.add.f32 [tilespmem:s29], [sflag:$0x2], $0x80, s26, s28, $0xb8;
	[tilespmem:$0x1EAC0] =	vst v63  }
0xa0: {  	_ =	swait.ge [sflag:s24], $0x4000  }
0xa1: {  	s15 =	simm.s32 $0x20;
	s14 =	simm.s32 $0x10;
	[sflag:s24] =	ssyncset.done $0x0  }
.LBB2_4:
0xa2: {  	s16 =	sadd.s32 s14, s22  }
0xa3: {  	[sflag:s24] =	ssyncadd.s32 $0xFFFFC000;
	s17 =	smov.u32 s15;
	s18 =	sadd.s32 $0x10, s15  }
0xa4: {  	[tilespmem:s25], [sflag:$0x2] =	stream.linear.gather [hbm4b:s16+s3], $0x80, $0x38;
	[tilespmem:$0x1EAC0] =	vst v63  }
0xa5: {  	p1 =	sne.s32 s15, $0x4D0;
	_ =	swait.ge [sflag:s24], $0x80  }
0xa6: {  	[sflag:s24] =	ssyncset.done $0x0  }
0xa7: {  	s15 =	sadd.s32 s14, s21;
	s14 =	smov.u32 s17;
	[sflag:s24] =	ssyncadd.s32 $0xFFFFFF80  }
0xa8: {  	[tilespmem:s26], [sflag:$0x2] =	stream.linear.gather [hbm4b:s15+s3], $0x80, $0x38;
	[tilespmem:$0x1EAC0] =	vst v63  }
0xa9: {  	_ =	swait.ge [sflag:s24], $0x80  }
0xaa: {  	[sflag:s24] =	ssyncset.done $0x0  }
0xab: {  	[sflag:s24] =	ssyncadd.s32 $0xFFFFFF80  }
0xac: {  	[tilespmem:s29], [sflag:$0x1] =	stream.indirect.gather [hbm4b:s1+s28], $0x80, s25, s28, $0xb8;
	[tilespmem:$0x1EAC0] =	vst v63  }
0xad: {  	_ =	swait.ge [sflag:s30], $0x4000  }
.Ltmp1:
0xae: {  	[sflag:s30] =	ssyncset.done $0x0;
	(pc) =	sbr.rel @p1 .LBB2_4-.Ltmp1, $4  }
0xaf: {  	[sflag:s30] =	ssyncadd.s32 $0xFFFFC000  }
0xb0: {  	[spmem:s2] =	stream.indirect.scatter.add.f32 [tilespmem:s29], [sflag:$0x2], $0x80, s26, s28, $0xb8;
	[tilespmem:$0x1EAC0] =	vst v63  }
0xb1: {  	_ =	swait.ge [sflag:s24], $0x4000  }
0xb2: {  	s15 =	smov.u32 s18;
	[sflag:s24] =	ssyncset.done $0x0  }
0xb3: {  	s15 =	sadd.s32 s14, s22;
	[sflag:s24] =	ssyncadd.s32 $0xFFFFC000  }
0xb4: {  	[tilespmem:s25], [sflag:$0x2] =	stream.linear.gather [hbm4b:s15+s3], $0x80, $0x38;
	[tilespmem:$0x1EAC0] =	vst v63  }
0xb5: {  	_ =	swait.ge [sflag:s24], $0x80  }
0xb6: {  	[sflag:s24] =	ssyncset.done $0x0  }
0xb7: {  	s18 =	sadd.s32 s14, s21;
	[sflag:s24] =	ssyncadd.s32 $0xFFFFFF80  }
0xb8: {  	[tilespmem:s26], [sflag:$0x2] =	stream.linear.gather [hbm4b:s18+s3], $0x80, $0x38;
	[tilespmem:$0x1EAC0] =	vst v63  }
0xb9: {  	_ =	swait.ge [sflag:s24], $0x80  }
0xba: {  	[sflag:s24] =	ssyncset.done $0x0  }
0xbb: {  	[sflag:s24] =	ssyncadd.s32 $0xFFFFFF80  }
0xbc: {  	[tilespmem:s29], [sflag:$0x1] =	stream.indirect.gather [hbm4b:s1+s28], $0x80, s25, s28, $0xb8;
	[tilespmem:$0x1EAC0] =	vst v63  }
0xbd: {  	_ =	swait.ge [sflag:s30], $0x4000  }
0xbe: {  	[sflag:s30] =	ssyncset.done $0x0  }
0xbf: {  	[sflag:s30] =	ssyncadd.s32 $0xFFFFC000  }
0xc0: {  	[spmem:s2] =	stream.indirect.scatter.add.f32 [tilespmem:s29], [sflag:$0x2], $0x80, s26, s28, $0xb8;
	[tilespmem:$0x1EAC0] =	vst v63  }
0xc1: {  	_ =	swait.ge [sflag:s24], $0x4000  }
0xc2: {  	[sflag:s24] =	ssyncset.done $0x0  }
0xc3: {  	s15 =	rddreg [dreg:$0xa];
	[sflag:s24] =	ssyncadd.s32 $0xFFFFC000  }
0xc4: {  	[tilespmem:s31], [sflag:$0x2] =	stream.linear.gather [hbm4b:s15+s3], $0x10, $0x38;
	[tilespmem:$0x1EAC0] =	vst v63  }
0xc5: {  	_ =	swait.ge [sflag:s24], $0x10  }
0xc6: {  	[sflag:s24] =	ssyncset.done $0x0  }
0xc7: {  	s16 =	rddreg [dreg:$0xb];
	[sflag:s24] =	ssyncadd.s32 $0xFFFFFFF0  }
0xc8: {  	[tilespmem:s0], [sflag:$0x2] =	stream.linear.gather [hbm4b:s16+s3], $0x10, $0x38;
	[tilespmem:$0x1EAC0] =	vst v63  }
0xc9: {  	_ =	swait.ge [sflag:s24], $0x10  }
0xca: {  	[sflag:s24] =	ssyncset.done $0x0  }
0xcb: {  	[sflag:s24] =	ssyncadd.s32 $0xFFFFFFF0  }
0xcc: {  	[tilespmem:s5], [sflag:$0x1] =	stream.indirect.gather [hbm4b:s1+s4], $0x80, s31, s4, $0xb8;
	[tilespmem:$0x1EAC0] =	vst v63  }
0xcd: {  	_ =	swait.ge [sflag:s30], $0x800  }
0xce: {  	[sflag:s30] =	ssyncset.done $0x0  }
0xcf: {  	[sflag:s30] =	ssyncadd.s32 $0xFFFFF800  }
0xd0: {  	[spmem:s2] =	stream.indirect.scatter.add.f32 [tilespmem:s5], [sflag:$0x2], $0x80, s0, s4, $0xb8;
	[tilespmem:$0x1EAC0] =	vst v63  }
0xd1: {  	_ =	swait.ge [sflag:s24], $0x800  }
0xd2: {  	[sflag:s24] =	ssyncset.done $0x0  }
0xd3: {  	[sflag:s24] =	ssyncadd.s32 $0xFFFFF800  }
0xd4: {  	[bflag:$0x0] =	sbarrier.arrive $0xFFFF  }
0xd5: {  	s17 =	rddreg [dreg:$0xc]  }
0xd6: {  	[hbm:s17], [sflag:s11] =	dma.local [spmem:s12], $0x2700  }
0xd7: {  	_ =	swait.ge [sflag:s24], $0x2700  }
0xd8: {  	[sflag:s24] =	ssyncset.done $0x0  }
0xd9: {  	s12 =	rddreg [dreg:$0xd];
	[sflag:s24] =	ssyncadd.s32 $0xFFFFD900  }
0xda: {  	[hbm:s12], [sflag:s11] =	dma.local @!p0 [spmem:s13], $0x100  }
0xdb: {  	s11 =	simm.s32 @!p0 $0x2  }
0xdc: {  	_ =	swait.ge @!p0 [sflag:s11], $0x100  }
0xdd: {  	s10 =	sadd.s32 $0x1, s10;
	s18 =	rddreg [dreg:$0xe]  }
0xde: {  	p1 =	sne.s32 s10, s18  }
.Ltmp2:
0xdf: {  	_ = 	snop;
	(pc) =	sbr.rel @p1 .LBB2_1-.Ltmp2, $3  }
0xe0: {  	_ =	sdelay $0x1  }
0xe1: {  	[sflag:s11] =	ssyncset.done @!p0 $0x0  }
0xe2: {  	[sflag:s11] =	ssyncadd.s32 @!p0 $0xFFFFFF00  }
0xe3: {  	_ =	sfence.sel $0x180000  }
0xe4: {  	[bflag:$0x0] =	sbarrier.arrive $0xFFFF  }
0xe5: {  	_ =	strace $0x90000059  }
0xe6: {  	s0 =	stileid.u32;
	[bflag:$0x2] =	sbarrier.arrive $0xFFFF  }
0xe7: {  	p0 =	sne.s32 s0, $0x0;
	s0 =	rddreg [dreg:$0x4]  }
0xe8: {  	s0 =	sadd.s32 @!p0 $0x100000, s0  }
0xe9: {  	[sflag:s0] =	ssyncadd.tile.s32 @!p0 $0x1;
	_ =	shalt  }
.Lfunc_end2:
_tile_overlayer_lowered:
.L_overlay_start_2:
0xea: {  	(tag) =	ssettag $0x2  }
0xeb: {  	s0 =	rddreg [dreg:$0x0];
	s2 =	stileid.u32  }
0xec: {  	s1 =	rddreg [dreg:$0x1];
	p0 =	sne.s32 s2, $0x0  }
0xed: {  	s3 =	rddreg [dreg:$0x2];
	[bflag:$0x3] =	sbarrier.arrive $0xFFFF;
	s2 =	simm.s32 @!p0 $0x1C02  }
0xee: {  	[timem:s3], [sflag:s2] =	dma.local @!p0 [hbm:s0], s1  }
0xef: {  	s0 =	simm.s32 @!p0 $0x2  }
0xf0: {  	_ =	swait.ge @!p0 [sflag:s0], s1  }
0xf1: {  	s1 =	ssub.s32 @!p0 $0x0, s1;
	[sflag:s0] =	ssyncset.done @!p0 $0x0  }
0xf2: {  	[sflag:s0] =	ssyncadd.s32 @!p0 s1  }
0xf3: {  	[bflag:$0x3] =	sbarrier.arrive $0xFFFF  }
0xf4: {  	_ =	shalt  }

// kernel: kernel.23.cloned.1.call-start
scs
__scs_entry_jumppad:
0x0: {  	(pc) =	sbr.rel $0x88, $3  }
0x1: {  	(tag) =	ssettag $0x0;
	lr =	simm.s32 $0x1  }
0x2: {  	[smem:$0x3F83] =	sst lr;
	_ =	strace $0xD0000000  }
0x3: {  	_ = 	snop  }
0x4: {  	_ = 	snop  }
0x5: {  	_ = 	snop  }
0x6: {  	_ = 	snop  }
0x7: {  	_ = 	snop  }
__scs_overlays_trampoline_lowered:
0x8: {  	[smem:$0x3F92] =	sst s0  }
0x9: {  	[smem:$0x3F93] =	sst s1  }
0xa: {  	[smem:$0x3F94] =	sst s2  }
0xb: {  	[smem:$0x3F95] =	sst s3  }
0xc: {  	[smem:$0x3F96] =	sst s4  }
0xd: {  	[smem:$0x3F97] =	sst s5  }
0xe: {  	[smem:$0x3F98] =	sst s6  }
0xf: {  	[smem:$0x3F99] =	sst s7  }
0x10: {  	[smem:$0x3F9A] =	sst s8  }
0x11: {  	[smem:$0x3F9B] =	sst s9;
	s0 =	simm.s32 @!p0 $0x0  }
0x12: {  	s1 =	sld [smem:$0x3F81];
	s0 =	simm.s32 @p0 $0x1  }
0x13: {  	[smem:$0x3F9C] =	sst s0;
	s0 =	simm.s32 @!p1 $0x0  }
0x14: {  	s2 =	sld [smem:$0x3F80];
	s0 =	simm.s32 @p1 $0x1  }
0x15: {  	[smem:$0x3F9D] =	sst s0;
	s0 =	simm.s32 @!p2 $0x0  }
0x16: {  	s3 =	sld [smem:$0x3FDB];
	s0 =	simm.s32 @p2 $0x1  }
0x17: {  	s4 =	simm.s32 $0x1BF5;
	[smem:$0x3F9F] =	sst s0  }
0x18: {  	s0 =	sld [smem:$0x3F82];
	_ =	swait.ge [sflag:s4], $0x0  }
0x19: {  	s7 =	sld [smem:$0x3F83]  }
0x1a: {  	s8 =	sadd.s32 $0xFFFFE003, lr  }
0x1b: {  	s9 =	sadd.s32 $0xFFFFFEF7, lr;
	s5 =	simm.s32 $0xFFFFFFFF;
	p2 =	slt.u32 s8, $0xFFFFF086  }
0x1c: {  	p1 =	slt.u32 s9, $0xF7A;
	s5 =	simm.s32 @!p2 $0x0  }
0x1d: {  	s5 =	simm.s32 @p1 $0x1;
	p0 =	seq.s32 s7, s2  }
0x1e: {  	s7 =	smul.u32 @!p0 $0xF7A, s2;
	p2 =	seq.s32 @!p0 s5, $0x0  }
0x1f: {  	s9 =	smul.u32 $0xF7A, s1;
	s8 =	simm.s32 @!p0 $0x1BF5;
	p2 =	por !p2, p0  }
0x20: {  	[sflag:s8] =	ssyncset.s32 @!p0 $0xFFFFF086;
	s6 =	sadd.s32 @!p0 s3, s7;
	s7 =	simm.s32 @!p0 $0x108  }
0x21: {  	s3 =	sadd.s32 s3, s9;
	s6 =	sadd.s32 @!p0 $0x88, s6;
	s7 =	simm.s32 @p2 $0x1082  }
0x22: {  	[simem:s7], [sflag:s8] =	dma.local @!p0 [hbm:s6], $0xF7A  }
0x23: {  	s9 =	sor.u32 $0xD0000000, s2;
	s6 =	simm.s32 $0x108;
	_ =	swait.ge @!p0 [sflag:s8], $0x0  }
0x24: {  	s3 =	sadd.s32 $0x88, s3;
	s6 =	simm.s32 @!p1 $0x1082;
	[sflag:s4] =	ssyncset.s32 $0xFFFFF086  }
0x25: {  	[simem:s6], [sflag:s4] =	dma.local [hbm:s3], $0xF7A  }
0x26: {  	[smem:$0x3F83] =	sst s1;
	(tag) =	ssettag s2;
	_ =	strace s9  }
0x27: {  	s1 =	sld [smem:$0x3F93]  }
0x28: {  	s2 =	sld [smem:$0x3F94]  }
0x29: {  	s4 =	sld [smem:$0x3F96]  }
0x2a: {  	p0 =	seq.s32 s5, $0x0;
	s5 =	sld [smem:$0x3F97]  }
0x2b: {  	s6 =	sld [smem:$0x3F98]  }
0x2c: {  	s7 =	sld [smem:$0x3F99]  }
0x2d: {  	s3 =	simm.s32 $0x108;
	s8 =	sld [smem:$0x3F9A]  }
0x2e: {  	s3 =	simm.s32 @!p0 $0x1082;
	s9 =	sld [smem:$0x3F9B]  }
0x2f: {  	lr =	sadd.s32 s0, s3;
	s0 =	sld [smem:$0x3F92]  }
0x30: {  	s3 =	sld [smem:$0x3F95]  }
0x31: {  	[smem:$0x3F9E] =	sst s10  }
0x32: {  	s10 =	sld [smem:$0x3F9C];
	_ =	sdelay $0x3  }
0x33: {  	p0 =	seq.s32 s10, $0x1;
	s10 =	sld [smem:$0x3F9E];
	_ =	sdelay $0x3  }
0x34: {  	[smem:$0x3F9E] =	sst s10  }
0x35: {  	s10 =	sld [smem:$0x3F9D];
	_ =	sdelay $0x3  }
0x36: {  	p1 =	seq.s32 s10, $0x1;
	s10 =	sld [smem:$0x3F9E];
	_ =	sdelay $0x3  }
0x37: {  	[smem:$0x3F9E] =	sst s10  }
0x38: {  	s10 =	sld [smem:$0x3F9F]  }
0x39: {  	_ = 	snop;
	(pc) =	sbr.ind lr, $3  }
0x3a: {  	_ = 	snop  }
0x3b: {  	_ = 	snop  }
0x3c: {  	p2 =	seq.s32 s10, $0x1;
	s10 =	sld [smem:$0x3F9E]  }
0x3d: {  	_ =	shalt  }
0x3e: {  	_ =	shalt  }
0x3f: {  	_ =	shalt  }
0x40: {  	_ =	shalt  }
0x41: {  	_ =	shalt  }
0x42: {  	_ =	shalt  }
0x43: {  	_ =	shalt  }
0x44: {  	_ =	shalt  }
0x45: {  	_ =	shalt  }
0x46: {  	_ =	shalt  }
0x47: {  	_ =	shalt  }
0x48: {  	_ =	shalt  }
0x49: {  	_ =	shalt  }
0x4a: {  	_ =	shalt  }
0x4b: {  	_ =	shalt  }
0x4c: {  	_ =	shalt  }
0x4d: {  	_ =	shalt  }
0x4e: {  	_ =	shalt  }
0x4f: {  	_ =	shalt  }
0x50: {  	_ =	shalt  }
0x51: {  	_ =	shalt  }
0x52: {  	_ =	shalt  }
0x53: {  	_ =	shalt  }
0x54: {  	_ =	shalt  }
0x55: {  	_ =	shalt  }
0x56: {  	_ =	shalt  }
0x57: {  	_ =	shalt  }
0x58: {  	_ =	shalt  }
0x59: {  	_ =	shalt  }
0x5a: {  	_ =	shalt  }
0x5b: {  	_ =	shalt  }
0x5c: {  	_ =	shalt  }
0x5d: {  	_ =	shalt  }
0x5e: {  	_ =	shalt  }
0x5f: {  	_ =	shalt  }
0x60: {  	_ =	shalt  }
0x61: {  	_ =	shalt  }
0x62: {  	_ =	shalt  }
0x63: {  	_ =	shalt  }
0x64: {  	_ =	shalt  }
0x65: {  	_ =	shalt  }
0x66: {  	_ =	shalt  }
0x67: {  	_ =	shalt  }
0x68: {  	_ =	shalt  }
0x69: {  	_ =	shalt  }
0x6a: {  	_ =	shalt  }
0x6b: {  	_ =	shalt  }
0x6c: {  	_ =	shalt  }
0x6d: {  	_ =	shalt  }
0x6e: {  	_ =	shalt  }
0x6f: {  	_ =	shalt  }
0x70: {  	_ =	shalt  }
0x71: {  	_ =	shalt  }
0x72: {  	_ =	shalt  }
0x73: {  	_ =	shalt  }
0x74: {  	_ =	shalt  }
0x75: {  	_ =	shalt  }
0x76: {  	_ =	shalt  }
0x77: {  	_ =	shalt  }
0x78: {  	_ =	shalt  }
0x79: {  	_ =	shalt  }
0x7a: {  	_ =	shalt  }
0x7b: {  	_ =	shalt  }
0x7c: {  	_ =	shalt  }
0x7d: {  	_ =	shalt  }
0x7e: {  	_ =	shalt  }
0x7f: {  	_ =	shalt  }
0x80: {  	_ =	shalt  }
0x81: {  	_ =	shalt  }
0x82: {  	_ =	shalt  }
0x83: {  	_ =	shalt  }
0x84: {  	_ =	shalt  }
0x85: {  	_ =	shalt  }
0x86: {  	_ =	shalt  }
0x87: {  	_ =	shalt  }
.Lfunc_end0:
.L_simem_size_0:
called_computation.7_lowered:
.L_overlay_start_0:
0x88: {  	s2 =	sld [smem:$0x3FD9]  }
0x89: {  	s3 =	sld [smem:$0x3FFE];
	_ =	sdelay $0x1  }
0x8a: {  	s1 =	srdreg.scid  }
0x8b: {  	s0 =	sand.u32 $0x1, s1  }
0x8c: {  	s16 =	sshll.u32 s0, $0xA;
	s2 =	sadd.s32 s3, s2  }
0x8d: {  	s2 =	sadd.s32 s2, s16  }
0x8e: {  	[smem:$0x3FAA] =	sst s2  }
0x8f: {  	_ = 	snop  }
0x90: {  	(tm) =	ssettm $0x1  }
0x91: {  	s17 =	sld [smem:$0x3FFB];
	_ =	sdelay $0x3  }
0x92: {  	_ =	strace s17  }
0x93: {  	s2 =	sld [smem:$0x3FFC];
	_ =	sdelay $0x3  }
0x94: {  	_ =	strace s2  }
0x95: {  	s2 =	sld [smem:$0x3FFD];
	_ =	sdelay $0x3  }
0x96: {  	_ =	strace s2  }
0x97: {  	_ =	strace $0x8FFFFFFF  }
0x98: {  	s18 =	sld [smem:$0x3FDB];
	_ =	sdelay $0x1  }
0x99: {  	s19 =	simm.s32 $_scs_section_size  }
0x9a: {  	s4 =	simm.s32 $_size__tile_overlayer_lowered;
	s5 =	simm.s32 $_tile_overlayer_lowered  }
0x9b: {  	s22 =	simm.s32 $0x1BFF;
	s21 =	sshll.u32 s5, $0x1;
	s2 =	sadd.s32 s19, s18  }
0x9c: {  	s6 =	simm.s32 $0x0;
	s20 =	sshll.u32 s4, $0x1;
	s4 =	sadd.s32 s21, s2  }
0x9d: {  	[timem:s6], [sflag:s22] =	dma.local [hbm:s4], s20  }
0x9e: {  	_ =	swait.ge [sflag:s22], s20  }
0x9f: {  	s3 =	ssub.s32 $0x0, s20;
	[sflag:s22] =	ssyncset.done $0x0  }
0xa0: {  	[sflag:s22] =	ssyncadd.s32 s3;
	_ =	sdelay $0x1  }
0xa1: {  	s23 =	simm.s32 $0x1B8B  }
0xa2: {  	_ =	swait.ge [sflag:s23], $0x1  }
0xa3: {  	[sflag:s23] =	ssyncset.done $0x0  }
0xa4: {  	s25 =	simm.s32 $0x1B8E;
	s24 =	sld [smem:$0x3FFE];
	[sflag:s23] =	ssyncadd.s32 $0xFFFFFFFF  }
0xa5: {  	s26 =	simm.s32 $execute0_lowered;
	[smem:$0x3FD2] =	sst s25  }
0xa6: {  	s4 =	sshll.u32 s26, $0x1;
	_ =	strace $0x8000005B;
	[dreg:$0x1] =	wrdreg $0xFFFFFFFF  }
0xa7: {  	s28 =	simm.s32 $_size_execute0_lowered;
	s2 =	sadd.s32 s2, s4;
	[dreg:$0x0] =	wrdreg $0x0  }
0xa8: {  	s4 =	sshll.u32 s28, $0x1;
	[dreg:$0x2] =	wrdreg s2  }
0xa9: {  	[dreg:$0x3] =	wrdreg s4  }
0xaa: {  	[dreg:$0x4] =	wrdreg $0xC0  }
0xab: {  	_ =	task [dreg:s6], $0x5FFFF  }
0xac: {  	[dreg:$0x1] =	wrdreg $0xFFFFFFFF  }
0xad: {  	[dreg:$0x0] =	wrdreg $0x60  }
0xae: {  	[dreg:$0x2] =	wrdreg s24  }
0xaf: {  	[dreg:$0x3] =	wrdreg $0x0  }
0xb0: {  	[dreg:$0x4] =	wrdreg $0x9  }
0xb1: {  	_ =	task.clear_ibuf [dreg:s6], $0x5FFFF;
	_ =	strace $0x9000005B  }
0xb2: {  	s29 =	simm.s32 $0x9;
	_ =	strace $0x8000005D  }
0xb3: {  	_ =	swait.ge [sflag:s29], $0x1  }
0xb4: {  	[sflag:s29] =	ssyncadd.s32 $0xFFFFFFFF  }
0xb5: {  	_ =	strace $0x9000005D  }
0xb6: {  	_ =	sfence  }
0xb7: {  	s30 =	sld [smem:$0x0];
	_ =	sdelay $0x2  }
0xb8: {  	s31 =	sshll.u32 s1, $0xD;
	s1 =	sshrl.u32 s1, $0x2  }
0xb9: {  	s3 =	sand.u32 $0x4000, s31;
	s1 =	sadd.s32 s1, s30  }
0xba: {  	s0 =	sor.u32 s3, s0;
	s1 =	sshll.u32 s1, $0x11  }
0xbb: {  	s0 =	sor.u32 s1, s0  }
0xbc: {  	s0 =	sadd.s32 $0x8F2B, s0  }
0xbd: {  	[sflag:s0] =	ssyncadd.remote.s32 $0x1  }
0xbe: {  	_ =	sfence.sel $0xFFFF  }
0xbf: {  	[dreg:$0x0] =	wrdreg $0xFFFFFFFF;
	(pc) =	sbr.abs _section_cstart, $3  }
0xc0: {  	[dreg:$0x1] =	wrdreg $0xFFFFFFFF  }
0xc1: {  	_ =	task.clear_ibuf [dreg:s6], $0x2FFFF;
	_ =	strace $0x9FFFFFFF  }
0xc2: {  	(tm) =	ssettm $0x7FFFFFFF  }
0xc3: {  	_ =	shalt  }
tec
execute0_lowered:
.L_overlay_start_1:
0x0: {  	(tag) =	ssettag $0x1  }
0x1: {  	s0 =	rddreg [dreg:$0x0]  }
0x2: {  	s1 =	rddreg [dreg:$0x1]  }
0x3: {  	s2 =	simm.s32 $0x0;
	s6 =	srdreg.scid;
	s23 =	stileid.u32  }
0x4: {  	s28 =	simm.s32 $0x80;
	s29 =	simm.s32 $0x139C0;
	s30 =	simm.s32 $0x1  }
0x5: {  	s31 =	simm.s32 $0x179C0;
	[smem:$0x7FF] =	sst s2;
	s4 =	sadd.s32 $0x88000, s0  }
0x6: {  	s3 =	sadd.s32 $0x74600, s0;
	s5 =	sadd.s32 $0x60C00, s0;
	s17 =	smul.u32 $0x4E000, s23  }
0x7: {  	s7 =	sadd.s32 $0x9600, s0;
	s10 =	sand.u32 $0x1, s6;
	s11 =	smul.u32 $0x2710, s23  }
0x8: {  	s0 =	sadd.s32 $0x124400, s0;
	s13 =	smul.u32 $0x270, s23;
	p0 =	sne.s32 s23, $0xF  }
0x9: {  	s23 =	simm.s32 $0x182C0;
	_ =	strace $0x8000005C;
	s8 =	smul.u32 $0x4E200, s10  }
0xa: {  	[dreg:$0x3] =	wrdreg s7;
	s18 =	ssub.s32 $0x2, s10;
	s15 =	smul.u32 $0x4E20, s10  }
0xb: {  	s16 =	smul.u32 $0x271000, s10;
	s10 =	sshllo.u32 s10, $0x1;
	s9 =	sshrl.u32 s18, $0x1  }
0xc: {  	s6 =	sshrl.u32 s17, $0x2;
	s21 =	smul.u32 $0x2710, s10;
	s12 =	ssub.s32 s18, s9  }
0xd: {  	s6 =	sadd.s32 s6, s1;
	s14 =	sadd.s32 s11, s8;
	s18 =	smul.u32 $0x27100, s10  }
0xe: {  	s9 =	sadd.s32 $0x138000, s1;
	s15 =	sadd.s32 s13, s15;
	s10 =	smul.u32 $0x138800, s10  }
0xf: {  	s7 =	sadd.s32 $0x6800, s6;
	s8 =	sadd.s32 $0xD000, s6;
	s20 =	sshrl.u32 s14, $0x3  }
0x10: {  	s15 =	sshll.u32 s15, $0x4;
	s13 =	sadd.s32 s13, s21;
	s25 =	smax.u32 s12, $0x1  }
0x11: {  	s26 =	sadd.s32 $0x27100, s14;
	s17 =	sadd.s32 $0x4E0, s20;
	s15 =	sadd.s32 s0, s15  }
0x12: {  	s11 =	sadd.s32 s11, s18;
	s13 =	sshll.u32 s13, $0x4;
	[dreg:$0xc] =	wrdreg s25  }
0x13: {  	s10 =	sshrl.u32 s10, $0x3;
	s19 =	sadd.s32 s3, s17;
	[dreg:$0x6] =	wrdreg s15  }
0x14: {  	s25 =	simm.s32 $0x138C0;
	s17 =	sadd.s32 s5, s17;
	[dreg:$0x4] =	wrdreg s19  }
0x15: {  	s11 =	sshrl.u32 s11, $0x3;
	s24 =	sadd.s32 s0, s13;
	[dreg:$0x5] =	wrdreg s17  }
0x16: {  	s19 =	sshrl.u32 s16, $0x3;
	s11 =	sadd.s32 $0x4E0, s11;
	[dreg:$0xa] =	wrdreg s24  }
0x17: {  	s24 =	simm.s32 $0x2;
	s15 =	sadd.s32 s0, s19;
	s22 =	sadd.s32 s3, s11  }
0x18: {  	s11 =	sadd.s32 s5, s11;
	s0 =	sadd.s32 s0, s10;
	[dreg:$0x8] =	wrdreg s22  }
0x19: {  	s19 =	sadd.s32 s20, s5;
	s15 =	sadd.s32 $0x27000, s15;
	[dreg:$0x9] =	wrdreg s11  }
0x1a: {  	s20 =	sadd.s32 s20, s3;
	s0 =	sadd.s32 $0x27000, s0;
	[dreg:$0x7] =	wrdreg s15  }
0x1b: {  	s10 =	simm.s32 $0x0;
	[dreg:$0xb] =	wrdreg s0;
	s0 =	sshrl.u32 s26, $0x3  }
0x1c: {  	s26 =	simm.s32 $0x13940;
	s21 =	sadd.s32 s0, s5;
	s22 =	sadd.s32 s0, s3  }
0x1d: {  	s0 =	simm.s32 $0x17A40;
	s3 =	simm.s32 $0x10;
	s5 =	simm.s32 $0x17AC0  }
.LBB2_1:
0x1e: {  	s11 =	rddreg [dreg:$0x3]  }
0x1f: {  	[tilespmem:s23], [sflag:$0x2] =	stream.linear.gather [hbm4b:s11+s2], $0x6800, $0x38;
	[tilespmem:$0x1EAC0] =	vst v63  }
0x20: {  	_ =	swait.ge [sflag:s24], $0x6800  }
0x21: {  	[sflag:s24] =	ssyncset.done $0x0  }
0x22: {  	[sflag:s24] =	ssyncadd.s32 $0xFFFF9800  }
0x23: {  	[spmem:s6] =	stream.linear.scatter [tilespmem:s23], [sflag:$0x2], $0x6800, $0x38;
	[tilespmem:$0x1EAC0] =	vst v63  }
0x24: {  	_ =	swait.ge [sflag:s24], $0x6800  }
0x25: {  	[sflag:s24] =	ssyncset.done $0x0  }
0x26: {  	[sflag:s24] =	ssyncadd.s32 $0xFFFF9800  }
0x27: {  	[spmem:s7] =	stream.linear.scatter [tilespmem:s23], [sflag:$0x2], $0x6800, $0x38;
	[tilespmem:$0x1EAC0] =	vst v63  }
0x28: {  	_ =	swait.ge [sflag:s24], $0x6800  }
0x29: {  	[sflag:s24] =	ssyncset.done $0x0  }
0x2a: {  	[sflag:s24] =	ssyncadd.s32 $0xFFFF9800  }
0x2b: {  	[spmem:s8] =	stream.linear.scatter [tilespmem:s23], [sflag:$0x2], $0x6800, $0x38;
	[tilespmem:$0x1EAC0] =	vst v63  }
0x2c: {  	_ =	swait.ge [sflag:s24], $0x6800  }
0x2d: {  	[sflag:s24] =	ssyncset.done $0x0  }
0x2e: {  	s11 =	simm.s32 @!p0 $0x182C0;
	[sflag:s24] =	ssyncadd.s32 $0xFFFF9800  }
0x2f: {  	[spmem:s9] =	stream.linear.scatter @!p0 [tilespmem:s11], [sflag:$0x2], $0x800, $0x38;
	[tilespmem:$0x1EAC0] =	vst v63  }
0x30: {  	s11 =	simm.s32 @!p0 $0x2  }
0x31: {  	_ =	swait.ge @!p0 [sflag:s11], $0x800  }
0x32: {  	[sflag:s11] =	ssyncset.done @!p0 $0x0  }
0x33: {  	[sflag:s11] =	ssyncadd.s32 @!p0 $0xFFFFF800  }
0x34: {  	s17 =	sadd.s32 $0x0, s20;
	[bflag:$0x0] =	sbarrier.arrive $0xFFFF  }
0x35: {  	[tilespmem:s25], [sflag:$0x2] =	stream.linear.gather [hbm4b:s17+s2], $0x80, $0x38;
	[tilespmem:$0x1EAC0] =	vst v63  }
0x36: {  	_ =	swait.ge [sflag:s24], $0x80  }
0x37: {  	[sflag:s24] =	ssyncset.done $0x0  }
0x38: {  	s18 =	sadd.s32 $0x0, s19;
	[sflag:s24] =	ssyncadd.s32 $0xFFFFFF80  }
0x39: {  	[tilespmem:s26], [sflag:$0x2] =	stream.linear.gather [hbm4b:s18+s2], $0x80, $0x38;
	[tilespmem:$0x1EAC0] =	vst v63  }
0x3a: {  	_ =	swait.ge [sflag:s24], $0x80  }
0x3b: {  	[sflag:s24] =	ssyncset.done $0x0  }
0x3c: {  	[sflag:s24] =	ssyncadd.s32 $0xFFFFFF80  }
0x3d: {  	[tilespmem:s29], [sflag:$0x1] =	stream.indirect.gather [hbm4b:s4+s28], $0x80, s25, s28, $0xb8;
	[tilespmem:$0x1EAC0] =	vst v63  }
0x3e: {  	_ =	swait.ge [sflag:s30], $0x4000  }
0x3f: {  	[sflag:s30] =	ssyncset.done $0x0  }
0x40: {  	[sflag:s30] =	ssyncadd.s32 $0xFFFFC000  }
0x41: {  	[spmem:s1] =	stream.indirect.scatter.add.f32 [tilespmem:s29], [sflag:$0x2], $0x80, s26, s28, $0xb8;
	[tilespmem:$0x1EAC0] =	vst v63  }
0x42: {  	_ =	swait.ge [sflag:s24], $0x4000  }
0x43: {  	s12 =	simm.s32 $0x20;
	s11 =	simm.s32 $0x10;
	[sflag:s24] =	ssyncset.done $0x0  }
.LBB2_2:
0x44: {  	s13 =	sadd.s32 s11, s20  }
0x45: {  	[sflag:s24] =	ssyncadd.s32 $0xFFFFC000;
	s14 =	smov.u32 s12;
	s15 =	sadd.s32 $0x10, s12  }
0x46: {  	[tilespmem:s25], [sflag:$0x2] =	stream.linear.gather [hbm4b:s13+s2], $0x80, $0x38;
	[tilespmem:$0x1EAC0] =	vst v63  }
0x47: {  	p1 =	sne.s32 s12, $0x4D0;
	_ =	swait.ge [sflag:s24], $0x80  }
0x48: {  	[sflag:s24] =	ssyncset.done $0x0  }
0x49: {  	s12 =	sadd.s32 s11, s19;
	s11 =	smov.u32 s14;
	[sflag:s24] =	ssyncadd.s32 $0xFFFFFF80  }
0x4a: {  	[tilespmem:s26], [sflag:$0x2] =	stream.linear.gather [hbm4b:s12+s2], $0x80, $0x38;
	[tilespmem:$0x1EAC0] =	vst v63  }
0x4b: {  	_ =	swait.ge [sflag:s24], $0x80  }
0x4c: {  	[sflag:s24] =	ssyncset.done $0x0  }
0x4d: {  	[sflag:s24] =	ssyncadd.s32 $0xFFFFFF80  }
0x4e: {  	[tilespmem:s29], [sflag:$0x1] =	stream.indirect.gather [hbm4b:s4+s28], $0x80, s25, s28, $0xb8;
	[tilespmem:$0x1EAC0] =	vst v63  }
0x4f: {  	_ =	swait.ge [sflag:s30], $0x4000  }
.Ltmp0:
0x50: {  	[sflag:s30] =	ssyncset.done $0x0;
	(pc) =	sbr.rel @p1 .LBB2_2-.Ltmp0, $4  }
0x51: {  	[sflag:s30] =	ssyncadd.s32 $0xFFFFC000  }
0x52: {  	[spmem:s1] =	stream.indirect.scatter.add.f32 [tilespmem:s29], [sflag:$0x2], $0x80, s26, s28, $0xb8;
	[tilespmem:$0x1EAC0] =	vst v63  }
0x53: {  	_ =	swait.ge [sflag:s24], $0x4000  }
0x54: {  	s12 =	smov.u32 s15;
	[sflag:s24] =	ssyncset.done $0x0  }
0x55: {  	s12 =	sadd.s32 s11, s20;
	[sflag:s24] =	ssyncadd.s32 $0xFFFFC000  }
0x56: {  	[tilespmem:s25], [sflag:$0x2] =	stream.linear.gather [hbm4b:s12+s2], $0x80, $0x38;
	[tilespmem:$0x1EAC0] =	vst v63  }
0x57: {  	_ =	swait.ge [sflag:s24], $0x80  }
0x58: {  	[sflag:s24] =	ssyncset.done $0x0  }
0x59: {  	s13 =	sadd.s32 s11, s19;
	[sflag:s24] =	ssyncadd.s32 $0xFFFFFF80  }
0x5a: {  	[tilespmem:s26], [sflag:$0x2] =	stream.linear.gather [hbm4b:s13+s2], $0x80, $0x38;
	[tilespmem:$0x1EAC0] =	vst v63  }
0x5b: {  	_ =	swait.ge [sflag:s24], $0x80  }
0x5c: {  	[sflag:s24] =	ssyncset.done $0x0  }
0x5d: {  	[sflag:s24] =	ssyncadd.s32 $0xFFFFFF80  }
0x5e: {  	[tilespmem:s29], [sflag:$0x1] =	stream.indirect.gather [hbm4b:s4+s28], $0x80, s25, s28, $0xb8;
	[tilespmem:$0x1EAC0] =	vst v63  }
0x5f: {  	_ =	swait.ge [sflag:s30], $0x4000  }
0x60: {  	[sflag:s30] =	ssyncset.done $0x0  }
0x61: {  	[sflag:s30] =	ssyncadd.s32 $0xFFFFC000  }
0x62: {  	[spmem:s1] =	stream.indirect.scatter.add.f32 [tilespmem:s29], [sflag:$0x2], $0x80, s26, s28, $0xb8;
	[tilespmem:$0x1EAC0] =	vst v63  }
0x63: {  	_ =	swait.ge [sflag:s24], $0x4000  }
0x64: {  	[sflag:s24] =	ssyncset.done $0x0  }
0x65: {  	s14 =	rddreg [dreg:$0x4];
	[sflag:s24] =	ssyncadd.s32 $0xFFFFC000  }
0x66: {  	[tilespmem:s31], [sflag:$0x2] =	stream.linear.gather [hbm4b:s14+s2], $0x10, $0x38;
	[tilespmem:$0x1EAC0] =	vst v63  }
0x67: {  	_ =	swait.ge [sflag:s24], $0x10  }
0x68: {  	[sflag:s24] =	ssyncset.done $0x0  }
0x69: {  	s15 =	rddreg [dreg:$0x5];
	[sflag:s24] =	ssyncadd.s32 $0xFFFFFFF0  }
0x6a: {  	[tilespmem:s0], [sflag:$0x2] =	stream.linear.gather [hbm4b:s15+s2], $0x10, $0x38;
	[tilespmem:$0x1EAC0] =	vst v63  }
0x6b: {  	_ =	swait.ge [sflag:s24], $0x10  }
0x6c: {  	[sflag:s24] =	ssyncset.done $0x0  }
0x6d: {  	[sflag:s24] =	ssyncadd.s32 $0xFFFFFFF0  }
0x6e: {  	[tilespmem:s5], [sflag:$0x1] =	stream.indirect.gather [hbm4b:s4+s3], $0x80, s31, s3, $0xb8;
	[tilespmem:$0x1EAC0] =	vst v63  }
0x6f: {  	_ =	swait.ge [sflag:s30], $0x800  }
0x70: {  	[sflag:s30] =	ssyncset.done $0x0  }
0x71: {  	[sflag:s30] =	ssyncadd.s32 $0xFFFFF800  }
0x72: {  	[spmem:s1] =	stream.indirect.scatter.add.f32 [tilespmem:s5], [sflag:$0x2], $0x80, s0, s3, $0xb8;
	[tilespmem:$0x1EAC0] =	vst v63  }
0x73: {  	_ =	swait.ge [sflag:s24], $0x800  }
0x74: {  	[sflag:s24] =	ssyncset.done $0x0  }
0x75: {  	s16 =	stileid.u32;
	[sflag:s24] =	ssyncadd.s32 $0xFFFFF800  }
0x76: {  	s11 =	sshll.u32 s16, $0x6;
	[bflag:$0x0] =	sbarrier.arrive $0xFFFF  }
0x77: {  	s12 =	sshrl.u32 s6, $0x3;
	s11 =	sor.u32 $0x1C02, s11;
	s13 =	rddreg [dreg:$0x6]  }
0x78: {  	[hbm:s13], [sflag:s11] =	dma.local [spmem:s12], $0x2700  }
0x79: {  	_ =	swait.ge [sflag:s24], $0x2700  }
0x7a: {  	[sflag:s24] =	ssyncset.done $0x0  }
0x7b: {  	s13 =	sshrl.u32 @!p0 s9, $0x3;
	s14 =	rddreg [dreg:$0x7];
	[sflag:s24] =	ssyncadd.s32 $0xFFFFD900  }
0x7c: {  	[hbm:s14], [sflag:s11] =	dma.local @!p0 [spmem:s13], $0x100  }
0x7d: {  	s14 =	simm.s32 @!p0 $0x2  }
0x7e: {  	_ =	swait.ge @!p0 [sflag:s14], $0x100  }
0x7f: {  	[sflag:s14] =	ssyncset.done @!p0 $0x0  }
0x80: {  	[sflag:s14] =	ssyncadd.s32 @!p0 $0xFFFFFF00  }
0x81: {  	[spmem:s6] =	stream.linear.scatter [tilespmem:s23], [sflag:$0x2], $0x6800, $0x38;
	[tilespmem:$0x1EAC0] =	vst v63  }
0x82: {  	_ =	swait.ge [sflag:s24], $0x6800  }
0x83: {  	[sflag:s24] =	ssyncset.done $0x0  }
0x84: {  	[sflag:s24] =	ssyncadd.s32 $0xFFFF9800  }
0x85: {  	[spmem:s7] =	stream.linear.scatter [tilespmem:s23], [sflag:$0x2], $0x6800, $0x38;
	[tilespmem:$0x1EAC0] =	vst v63  }
0x86: {  	_ =	swait.ge [sflag:s24], $0x6800  }
0x87: {  	[sflag:s24] =	ssyncset.done $0x0  }
0x88: {  	[sflag:s24] =	ssyncadd.s32 $0xFFFF9800  }
0x89: {  	[spmem:s8] =	stream.linear.scatter [tilespmem:s23], [sflag:$0x2], $0x6800, $0x38;
	[tilespmem:$0x1EAC0] =	vst v63  }
0x8a: {  	_ =	swait.ge [sflag:s24], $0x6800  }
0x8b: {  	[sflag:s24] =	ssyncset.done $0x0  }
0x8c: {  	s15 =	simm.s32 @!p0 $0x182C0;
	[sflag:s24] =	ssyncadd.s32 $0xFFFF9800  }
0x8d: {  	[spmem:s9] =	stream.linear.scatter @!p0 [tilespmem:s15], [sflag:$0x2], $0x800, $0x38;
	[tilespmem:$0x1EAC0] =	vst v63  }
0x8e: {  	_ =	swait.ge @!p0 [sflag:s14], $0x800  }
0x8f: {  	[sflag:s14] =	ssyncset.done @!p0 $0x0  }
0x90: {  	[sflag:s14] =	ssyncadd.s32 @!p0 $0xFFFFF800  }
0x91: {  	s17 =	sadd.s32 $0x0, s22;
	[bflag:$0x0] =	sbarrier.arrive $0xFFFF  }
0x92: {  	[tilespmem:s25], [sflag:$0x2] =	stream.linear.gather [hbm4b:s17+s2], $0x80, $0x38;
	[tilespmem:$0x1EAC0] =	vst v63  }
0x93: {  	_ =	swait.ge [sflag:s24], $0x80  }
0x94: {  	[sflag:s24] =	ssyncset.done $0x0  }
0x95: {  	s18 =	sadd.s32 $0x0, s21;
	[sflag:s24] =	ssyncadd.s32 $0xFFFFFF80  }
0x96: {  	[tilespmem:s26], [sflag:$0x2] =	stream.linear.gather [hbm4b:s18+s2], $0x80, $0x38;
	[tilespmem:$0x1EAC0] =	vst v63  }
0x97: {  	_ =	swait.ge [sflag:s24], $0x80  }
0x98: {  	[sflag:s24] =	ssyncset.done $0x0  }
0x99: {  	[sflag:s24] =	ssyncadd.s32 $0xFFFFFF80  }
0x9a: {  	[tilespmem:s29], [sflag:$0x1] =	stream.indirect.gather [hbm4b:s4+s28], $0x80, s25, s28, $0xb8;
	[tilespmem:$0x1EAC0] =	vst v63  }
0x9b: {  	_ =	swait.ge [sflag:s30], $0x4000  }
0x9c: {  	[sflag:s30] =	ssyncset.done $0x0  }
0x9d: {  	[sflag:s30] =	ssyncadd.s32 $0xFFFFC000  }
0x9e: {  	[spmem:s1] =	stream.indirect.scatter.add.f32 [tilespmem:s29], [sflag:$0x2], $0x80, s26, s28, $0xb8;
	[tilespmem:$0x1EAC0] =	vst v63  }
0x9f: {  	_ =	swait.ge [sflag:s24], $0x4000  }
0xa0: {  	s15 =	simm.s32 $0x20;
	s14 =	simm.s32 $0x10;
	[sflag:s24] =	ssyncset.done $0x0  }
.LBB2_4:
0xa1: {  	s16 =	sadd.s32 s14, s22  }
0xa2: {  	[sflag:s24] =	ssyncadd.s32 $0xFFFFC000;
	s17 =	smov.u32 s15;
	s18 =	sadd.s32 $0x10, s15  }
0xa3: {  	[tilespmem:s25], [sflag:$0x2] =	stream.linear.gather [hbm4b:s16+s2], $0x80, $0x38;
	[tilespmem:$0x1EAC0] =	vst v63  }
0xa4: {  	p1 =	sne.s32 s15, $0x4D0;
	_ =	swait.ge [sflag:s24], $0x80  }
0xa5: {  	[sflag:s24] =	ssyncset.done $0x0  }
0xa6: {  	s15 =	sadd.s32 s14, s21;
	s14 =	smov.u32 s17;
	[sflag:s24] =	ssyncadd.s32 $0xFFFFFF80  }
0xa7: {  	[tilespmem:s26], [sflag:$0x2] =	stream.linear.gather [hbm4b:s15+s2], $0x80, $0x38;
	[tilespmem:$0x1EAC0] =	vst v63  }
0xa8: {  	_ =	swait.ge [sflag:s24], $0x80  }
0xa9: {  	[sflag:s24] =	ssyncset.done $0x0  }
0xaa: {  	[sflag:s24] =	ssyncadd.s32 $0xFFFFFF80  }
0xab: {  	[tilespmem:s29], [sflag:$0x1] =	stream.indirect.gather [hbm4b:s4+s28], $0x80, s25, s28, $0xb8;
	[tilespmem:$0x1EAC0] =	vst v63  }
0xac: {  	_ =	swait.ge [sflag:s30], $0x4000  }
.Ltmp1:
0xad: {  	[sflag:s30] =	ssyncset.done $0x0;
	(pc) =	sbr.rel @p1 .LBB2_4-.Ltmp1, $4  }
0xae: {  	[sflag:s30] =	ssyncadd.s32 $0xFFFFC000  }
0xaf: {  	[spmem:s1] =	stream.indirect.scatter.add.f32 [tilespmem:s29], [sflag:$0x2], $0x80, s26, s28, $0xb8;
	[tilespmem:$0x1EAC0] =	vst v63  }
0xb0: {  	_ =	swait.ge [sflag:s24], $0x4000  }
0xb1: {  	s15 =	smov.u32 s18;
	[sflag:s24] =	ssyncset.done $0x0  }
0xb2: {  	s15 =	sadd.s32 s14, s22;
	[sflag:s24] =	ssyncadd.s32 $0xFFFFC000  }
0xb3: {  	[tilespmem:s25], [sflag:$0x2] =	stream.linear.gather [hbm4b:s15+s2], $0x80, $0x38;
	[tilespmem:$0x1EAC0] =	vst v63  }
0xb4: {  	_ =	swait.ge [sflag:s24], $0x80  }
0xb5: {  	[sflag:s24] =	ssyncset.done $0x0  }
0xb6: {  	s18 =	sadd.s32 s14, s21;
	[sflag:s24] =	ssyncadd.s32 $0xFFFFFF80  }
0xb7: {  	[tilespmem:s26], [sflag:$0x2] =	stream.linear.gather [hbm4b:s18+s2], $0x80, $0x38;
	[tilespmem:$0x1EAC0] =	vst v63  }
0xb8: {  	_ =	swait.ge [sflag:s24], $0x80  }
0xb9: {  	[sflag:s24] =	ssyncset.done $0x0  }
0xba: {  	[sflag:s24] =	ssyncadd.s32 $0xFFFFFF80  }
0xbb: {  	[tilespmem:s29], [sflag:$0x1] =	stream.indirect.gather [hbm4b:s4+s28], $0x80, s25, s28, $0xb8;
	[tilespmem:$0x1EAC0] =	vst v63  }
0xbc: {  	_ =	swait.ge [sflag:s30], $0x4000  }
0xbd: {  	[sflag:s30] =	ssyncset.done $0x0  }
0xbe: {  	[sflag:s30] =	ssyncadd.s32 $0xFFFFC000  }
0xbf: {  	[spmem:s1] =	stream.indirect.scatter.add.f32 [tilespmem:s29], [sflag:$0x2], $0x80, s26, s28, $0xb8;
	[tilespmem:$0x1EAC0] =	vst v63  }
0xc0: {  	_ =	swait.ge [sflag:s24], $0x4000  }
0xc1: {  	[sflag:s24] =	ssyncset.done $0x0  }
0xc2: {  	s15 =	rddreg [dreg:$0x8];
	[sflag:s24] =	ssyncadd.s32 $0xFFFFC000  }
0xc3: {  	[tilespmem:s31], [sflag:$0x2] =	stream.linear.gather [hbm4b:s15+s2], $0x10, $0x38;
	[tilespmem:$0x1EAC0] =	vst v63  }
0xc4: {  	_ =	swait.ge [sflag:s24], $0x10  }
0xc5: {  	[sflag:s24] =	ssyncset.done $0x0  }
0xc6: {  	s16 =	rddreg [dreg:$0x9];
	[sflag:s24] =	ssyncadd.s32 $0xFFFFFFF0  }
0xc7: {  	[tilespmem:s0], [sflag:$0x2] =	stream.linear.gather [hbm4b:s16+s2], $0x10, $0x38;
	[tilespmem:$0x1EAC0] =	vst v63  }
0xc8: {  	_ =	swait.ge [sflag:s24], $0x10  }
0xc9: {  	[sflag:s24] =	ssyncset.done $0x0  }
0xca: {  	[sflag:s24] =	ssyncadd.s32 $0xFFFFFFF0  }
0xcb: {  	[tilespmem:s5], [sflag:$0x1] =	stream.indirect.gather [hbm4b:s4+s3], $0x80, s31, s3, $0xb8;
	[tilespmem:$0x1EAC0] =	vst v63  }
0xcc: {  	_ =	swait.ge [sflag:s30], $0x800  }
0xcd: {  	[sflag:s30] =	ssyncset.done $0x0  }
0xce: {  	[sflag:s30] =	ssyncadd.s32 $0xFFFFF800  }
0xcf: {  	[spmem:s1] =	stream.indirect.scatter.add.f32 [tilespmem:s5], [sflag:$0x2], $0x80, s0, s3, $0xb8;
	[tilespmem:$0x1EAC0] =	vst v63  }
0xd0: {  	_ =	swait.ge [sflag:s24], $0x800  }
0xd1: {  	[sflag:s24] =	ssyncset.done $0x0  }
0xd2: {  	[sflag:s24] =	ssyncadd.s32 $0xFFFFF800  }
0xd3: {  	[bflag:$0x0] =	sbarrier.arrive $0xFFFF  }
0xd4: {  	s17 =	rddreg [dreg:$0xa]  }
0xd5: {  	[hbm:s17], [sflag:s11] =	dma.local [spmem:s12], $0x2700  }
0xd6: {  	_ =	swait.ge [sflag:s24], $0x2700  }
0xd7: {  	[sflag:s24] =	ssyncset.done $0x0  }
0xd8: {  	s12 =	rddreg [dreg:$0xb];
	[sflag:s24] =	ssyncadd.s32 $0xFFFFD900  }
0xd9: {  	[hbm:s12], [sflag:s11] =	dma.local @!p0 [spmem:s13], $0x100  }
0xda: {  	s11 =	simm.s32 @!p0 $0x2  }
0xdb: {  	_ =	swait.ge @!p0 [sflag:s11], $0x100  }
0xdc: {  	s10 =	sadd.s32 $0x1, s10;
	s18 =	rddreg [dreg:$0xc]  }
0xdd: {  	p1 =	sne.s32 s10, s18  }
.Ltmp2:
0xde: {  	_ = 	snop;
	(pc) =	sbr.rel @p1 .LBB2_1-.Ltmp2, $3  }
0xdf: {  	_ =	sdelay $0x1  }
0xe0: {  	[sflag:s11] =	ssyncset.done @!p0 $0x0  }
0xe1: {  	[sflag:s11] =	ssyncadd.s32 @!p0 $0xFFFFFF00  }
0xe2: {  	_ =	sfence.sel $0x180000  }
0xe3: {  	[bflag:$0x0] =	sbarrier.arrive $0xFFFF  }
0xe4: {  	_ =	strace $0x9000005C  }
0xe5: {  	s0 =	stileid.u32;
	[bflag:$0x2] =	sbarrier.arrive $0xFFFF  }
0xe6: {  	p0 =	sne.s32 s0, $0x0;
	s0 =	rddreg [dreg:$0x2]  }
0xe7: {  	s0 =	sadd.s32 @!p0 $0x100000, s0  }
0xe8: {  	[sflag:s0] =	ssyncadd.tile.s32 @!p0 $0x1;
	_ =	shalt  }
.Lfunc_end2:
_tile_overlayer_lowered:
.L_overlay_start_2:
0xe9: {  	(tag) =	ssettag $0x2  }
0xea: {  	s0 =	rddreg [dreg:$0x0];
	s2 =	stileid.u32  }
0xeb: {  	s1 =	rddreg [dreg:$0x1];
	p0 =	sne.s32 s2, $0x0  }
0xec: {  	s3 =	rddreg [dreg:$0x2];
	[bflag:$0x3] =	sbarrier.arrive $0xFFFF;
	s2 =	simm.s32 @!p0 $0x1C02  }
0xed: {  	[timem:s3], [sflag:s2] =	dma.local @!p0 [hbm:s0], s1  }
0xee: {  	s0 =	simm.s32 @!p0 $0x2  }
0xef: {  	_ =	swait.ge @!p0 [sflag:s0], s1  }
0xf0: {  	s1 =	ssub.s32 @!p0 $0x0, s1;
	[sflag:s0] =	ssyncset.done @!p0 $0x0  }
0xf1: {  	[sflag:s0] =	ssyncadd.s32 @!p0 s1  }
0xf2: {  	[bflag:$0x3] =	sbarrier.arrive $0xFFFF  }
0xf3: {  	_ =	shalt  }

</sc_bundles>
